<compile_context>
chip_gen: v7x
topology: tpu7x:2x2x1
jax: 0.10.2.dev20260603
libtpu: 0.0.44.dev20260713+nightly
codegen_flags: <defaults>
</compile_context>

<pallas_src>
import functools

import jax
import jax.numpy as jnp
from jax import lax
from jax.experimental import pallas as pl
from jax.experimental.pallas import tpu as pltpu
from jax.experimental.pallas import tpu_sc as plsc

N_ROWS = 1_000_000
N_CLASSES = 5
N_BINS = 15

NC = 2
NS = 16
NW = NC * NS

CHUNK = 3968
N_CHUNKS = 252
TAIL = N_ROWS - N_CHUNKS * CHUNK
TAIL_WORKER = 31
MAX_K = (N_CHUNKS + NW - 1) // NW
FULL_ROUND_WORKERS = N_CHUNKS - NW * (MAX_K - 1)

HIST = N_BINS * 16


def _sc_body(lt_ref, labels_ref, out_ref,
             fbuf0, fbuf1, lbuf0, lbuf1, tfbuf, tlbuf, hist,
             fsem0, fsem1, lsem0, lsem1):
    cid = lax.axis_index("c")
    sid = lax.axis_index("s")
    wid = sid * NC + cid

    fbufs = (fbuf0, fbuf1)
    lbufs = (lbuf0, lbuf1)
    fsems = (fsem0, fsem1)
    lsems = (lsem0, lsem1)

    z16 = jnp.zeros(16, jnp.float32)
    for b in range(2 * N_BINS):
        hist[pl.ds(b * 16, 16)] = z16

    def f_copy(k, buf):
        chunk = wid + NW * k
        return pltpu.make_async_copy(
            lt_ref.at[:, pl.ds(chunk * CHUNK, CHUNK)], fbufs[buf], fsems[buf])

    def l_copy(k, buf):
        chunk = wid + NW * k
        return pltpu.make_async_copy(
            labels_ref.at[pl.ds(chunk * CHUNK, CHUNK)], lbufs[buf], lsems[buf])

    def start_dma(k):
        buf = k % 2
        f_copy(k, buf).start()
        l_copy(k, buf).start()

    def wait_dma(k):
        buf = k % 2
        f_copy(k, buf).wait()
        l_copy(k, buf).wait()

    iota = lax.iota(jnp.int32, 16)

    def make_group(fb, lb):
        def group(g):
            off = pl.ds(g * 16, 16)
            l0 = fb[0, off]
            l1 = fb[1, off]
            l2 = fb[2, off]
            l3 = fb[3, off]
            l4 = fb[4, off]
            labs = lb[off]

            m2 = l0
            pred = jnp.zeros(16, jnp.int32)
            for ci, lc in ((2, l2), (3, l3), (4, l4)):
                gt = lc > m2
                pred = jnp.where(gt, ci, pred)
                m2 = jnp.maximum(m2, lc)
            m = jnp.maximum(m2, l1)

            e0 = jnp.exp(l0 - m)
            e1 = jnp.exp(l1 - m)
            e2 = jnp.exp(l2 - m)
            e3 = jnp.exp(l3 - m)
            e4 = jnp.exp(l4 - m)
            ssum = (e0 + e1) + (e2 + e3) + e4
            num = jnp.maximum(jnp.maximum(e0, e2), jnp.maximum(e3, e4))
            conf = num / ssum
            valid = conf > 0.0
            accv = jnp.where(pred == labs, 1.0, 0.0).astype(jnp.float32)

            t = (conf * jnp.float32(N_BINS)).astype(jnp.int32)
            bt = t.astype(jnp.float32) * jnp.float32(1.0 / 15.0)
            bin2 = t - jnp.where(conf <= bt, 1, 0)

            cidx = bin2 * 16 + iota
            plsc.addupdate_scatter(hist, [cidx], conf, mask=valid)
            plsc.addupdate_scatter(hist, [cidx + HIST], accv, mask=valid)
        return group

    start_dma(0)
    for k in range(MAX_K):
        def round_k(k=k):
            wait_dma(k)
            if k + 1 < MAX_K:
                if k + 1 == MAX_K - 1:
                    @pl.when(wid < FULL_ROUND_WORKERS)
                    def _():
                        start_dma(k + 1)
                else:
                    start_dma(k + 1)
            buf = k % 2
            plsc.parallel_loop(0, CHUNK // 16, unroll=4)(
                make_group(fbufs[buf], lbufs[buf]))

        if k == MAX_K - 1:
            @pl.when(wid < FULL_ROUND_WORKERS)
            def _():
                round_k()
        else:
            round_k()

    @pl.when(wid == TAIL_WORKER)
    def _():
        pltpu.sync_copy(lt_ref.at[:, pl.ds(N_CHUNKS * CHUNK, TAIL)], tfbuf)
        pltpu.sync_copy(labels_ref.at[pl.ds(N_CHUNKS * CHUNK, TAIL)], tlbuf)
        tg = make_group(tfbuf, tlbuf)
        for g in range(TAIL // 16):
            tg(g)

    pltpu.sync_copy(hist, out_ref.at[wid])


@functools.partial(
    pl.kernel,
    out_type=jax.ShapeDtypeStruct((NW, 2 * HIST), jnp.float32),
    mesh=plsc.VectorSubcoreMesh(
        core_axis_name="c", subcore_axis_name="s",
        num_cores=NC, num_subcores=NS),
    compiler_params=pltpu.CompilerParams(needs_layout_passes=False),
    scratch_types=[
        pltpu.VMEM((N_CLASSES, CHUNK), jnp.float32),
        pltpu.VMEM((N_CLASSES, CHUNK), jnp.float32),
        pltpu.VMEM((CHUNK,), jnp.int32),
        pltpu.VMEM((CHUNK,), jnp.int32),
        pltpu.VMEM((N_CLASSES, TAIL), jnp.float32),
        pltpu.VMEM((TAIL,), jnp.int32),
        pltpu.VMEM((2 * HIST,), jnp.float32),
        pltpu.SemaphoreType.DMA,
        pltpu.SemaphoreType.DMA,
        pltpu.SemaphoreType.DMA,
        pltpu.SemaphoreType.DMA,
    ],
)
def _sc_hist(lt_ref, labels_ref, out_ref, *scratch):
    _sc_body(lt_ref, labels_ref, out_ref, *scratch)


def kernel(logits, labels):
    partials = _sc_hist(logits.T, labels)
    sums = partials.reshape(NW, 2, N_BINS, 16).sum(axis=(0, 3))
    ece = jnp.abs(sums[0] - sums[1]).sum() / jnp.float32(N_ROWS)
    return ece.reshape(1).astype(logits.dtype)

# --- scband reference (transcript-rebuilt; emitter-appended) ---
"""Pipeline reference for scband-eceloss-sst-49443663511582 (READ-ONLY COPY).

The authoritative reference and input builder live on the scoring server;
editing this copy changes nothing except your own understanding.
"""

import jax, jax.numpy as jnp
import numpy as np

N = 1000000
C = 5
N_BINS = 15


def setup_inputs(seed: int = 0) -> dict:
    key = jax.random.key(seed)
    k1, k2 = jax.random.split(key)
    logits = jax.random.normal(k1, (N, C), dtype=jnp.float32)
    labels = jax.random.randint(k2, (N,), 0, C, dtype=jnp.int32)
    return {"logits": logits, "labels": labels}


def reference(logits, labels):
    softmaxes = jax.nn.softmax(logits, axis=1)
    # in-place overwrite of class-1 column (torch: softmaxes[:, 1] = -9999)
    softmaxes = softmaxes.at[:, 1].set(-9999.0)
    confidences = jnp.max(softmaxes, axis=1)
    predictions = jnp.argmax(softmaxes, axis=1)
    accuracies = (predictions == labels).astype(jnp.float32)

    bin_boundaries = jnp.linspace(0.0, 1.0, N_BINS + 1)
    bin_lowers = bin_boundaries[:-1]
    bin_uppers = bin_boundaries[1:]

    n = confidences.shape[0]
    ece = jnp.zeros(1, dtype=logits.dtype)
    for i in range(N_BINS):
        in_bin = (confidences > bin_lowers[i]) & (confidences <= bin_uppers[i])
        in_bin_f = in_bin.astype(jnp.float32)
        count = jnp.sum(in_bin_f)
        prop_in_bin = count / n
        denom = jnp.maximum(count, 1.0)
        accuracy_in_bin = jnp.sum(accuracies * in_bin_f) / denom
        avg_confidence_in_bin = jnp.sum(confidences * in_bin_f) / denom
        term = jnp.where(count > 0, jnp.abs(avg_confidence_in_bin - accuracy_in_bin) * prop_in_bin, 0.0)
        ece = ece + term
    return ece

if __name__ == "__main__":
    import jax
    _d = setup_inputs()
    print(jax.jit(kernel)(*tuple(_d.values())))

</pallas_src>

<mosaic_0001>
#map = affine_map<(d0, d1) -> (0, 0)>
#map1 = affine_map<(d0, d1) -> (0)>
module attributes {stable_mosaic.version = 14 : i64} {
  func.func @_sc_hist(%arg0: i32, %arg1: i32, %arg2: memref<5x1000000xf32, #tpu.memory_space<hbm>>, %arg3: memref<1000000xi32, #tpu.memory_space<hbm>>, %arg4: memref<32x480xf32, #tpu.memory_space<hbm>>, %arg5: memref<5x3968xf32, #tpu.memory_space<vmem>>, %arg6: memref<5x3968xf32, #tpu.memory_space<vmem>>, %arg7: memref<3968xi32, #tpu.memory_space<vmem>>, %arg8: memref<3968xi32, #tpu.memory_space<vmem>>, %arg9: memref<5x64xf32, #tpu.memory_space<vmem>>, %arg10: memref<64xi32, #tpu.memory_space<vmem>>, %arg11: memref<480xf32, #tpu.memory_space<vmem>>, %arg12: memref<!tpu.dma_semaphore, #tpu.memory_space<semaphore_mem>>, %arg13: memref<!tpu.dma_semaphore, #tpu.memory_space<semaphore_mem>>, %arg14: memref<!tpu.dma_semaphore, #tpu.memory_space<semaphore_mem>>, %arg15: memref<!tpu.dma_semaphore, #tpu.memory_space<semaphore_mem>>) attributes {dimension_semantics = [#tpu.dimension_semantics<core_parallel>, #tpu.dimension_semantics<subcore_parallel>], iteration_bounds = array<i64: 2, 16>, scalar_prefetch = 0 : i64, scratch_operands = 11 : i64, tpu.core_type = #tpu.core_type<sc_vector_subcore>, window_params = [{transform_indices = #map}, {transform_indices = #map1}, {transform_indices = #map}]} {
    %mul3A = arith.constant 2 : i32
    %mul3A_0 = arith.muli %arg1, %mul3A : i32
    %add3A = arith.addi %mul3A_0, %arg0 : i32
    %broadcast_in_dim3A = arith.constant 0.000000e+00 : f32
    %broadcast_in_dim3A_1 = vector.broadcast %broadcast_in_dim3A : f32 to vector<16xf32>
    %swap3A = arith.constant 0 : index
    %swap3A_2 = tpu.vector_load %arg11[%swap3A] {strides = array<i32>} : memref<480xf32, #tpu.memory_space<vmem>>, vector<16xf32>,
    tpu.vector_store %arg11[%swap3A], %broadcast_in_dim3A_1 {strides = array<i32>} : memref<480xf32, #tpu.memory_space<vmem>>, vector<16xf32>,
    %swap3A_3 = arith.constant 16 : index
    %swap3A_4 = tpu.vector_load %arg11[%swap3A_3] {strides = array<i32>} : memref<480xf32, #tpu.memory_space<vmem>>, vector<16xf32>,
    tpu.vector_store %arg11[%swap3A_3], %broadcast_in_dim3A_1 {strides = array<i32>} : memref<480xf32, #tpu.memory_space<vmem>>, vector<16xf32>,
    %swap3A_5 = arith.constant 32 : index
    %swap3A_6 = tpu.vector_load %arg11[%swap3A_5] {strides = array<i32>} : memref<480xf32, #tpu.memory_space<vmem>>, vector<16xf32>,
    tpu.vector_store %arg11[%swap3A_5], %broadcast_in_dim3A_1 {strides = array<i32>} : memref<480xf32, #tpu.memory_space<vmem>>, vector<16xf32>,
    %swap3A_7 = arith.constant 48 : index
    %swap3A_8 = tpu.vector_load %arg11[%swap3A_7] {strides = array<i32>} : memref<480xf32, #tpu.memory_space<vmem>>, vector<16xf32>,
    tpu.vector_store %arg11[%swap3A_7], %broadcast_in_dim3A_1 {strides = array<i32>} : memref<480xf32, #tpu.memory_space<vmem>>, vector<16xf32>,
    %swap3A_9 = arith.constant 64 : index
    %swap3A_10 = tpu.vector_load %arg11[%swap3A_9] {strides = array<i32>} : memref<480xf32, #tpu.memory_space<vmem>>, vector<16xf32>,
    tpu.vector_store %arg11[%swap3A_9], %broadcast_in_dim3A_1 {strides = array<i32>} : memref<480xf32, #tpu.memory_space<vmem>>, vector<16xf32>,
    %swap3A_11 = arith.constant 80 : index
    %swap3A_12 = tpu.vector_load %arg11[%swap3A_11] {strides = array<i32>} : memref<480xf32, #tpu.memory_space<vmem>>, vector<16xf32>,
    tpu.vector_store %arg11[%swap3A_11], %broadcast_in_dim3A_1 {strides = array<i32>} : memref<480xf32, #tpu.memory_space<vmem>>, vector<16xf32>,
    %swap3A_13 = arith.constant 96 : index
    %swap3A_14 = tpu.vector_load %arg11[%swap3A_13] {strides = array<i32>} : memref<480xf32, #tpu.memory_space<vmem>>, vector<16xf32>,
    tpu.vector_store %arg11[%swap3A_13], %broadcast_in_dim3A_1 {strides = array<i32>} : memref<480xf32, #tpu.memory_space<vmem>>, vector<16xf32>,
    %swap3A_15 = arith.constant 112 : index
    %swap3A_16 = tpu.vector_load %arg11[%swap3A_15] {strides = array<i32>} : memref<480xf32, #tpu.memory_space<vmem>>, vector<16xf32>,
    tpu.vector_store %arg11[%swap3A_15], %broadcast_in_dim3A_1 {strides = array<i32>} : memref<480xf32, #tpu.memory_space<vmem>>, vector<16xf32>,
    %swap3A_17 = arith.constant 128 : index
    %swap3A_18 = tpu.vector_load %arg11[%swap3A_17] {strides = array<i32>} : memref<480xf32, #tpu.memory_space<vmem>>, vector<16xf32>,
    tpu.vector_store %arg11[%swap3A_17], %broadcast_in_dim3A_1 {strides = array<i32>} : memref<480xf32, #tpu.memory_space<vmem>>, vector<16xf32>,
    %swap3A_19 = arith.constant 144 : index
    %swap3A_20 = tpu.vector_load %arg11[%swap3A_19] {strides = array<i32>} : memref<480xf32, #tpu.memory_space<vmem>>, vector<16xf32>,
    tpu.vector_store %arg11[%swap3A_19], %broadcast_in_dim3A_1 {strides = array<i32>} : memref<480xf32, #tpu.memory_space<vmem>>, vector<16xf32>,
    %swap3A_21 = arith.constant 160 : index
    %swap3A_22 = tpu.vector_load %arg11[%swap3A_21] {strides = array<i32>} : memref<480xf32, #tpu.memory_space<vmem>>, vector<16xf32>,
    tpu.vector_store %arg11[%swap3A_21], %broadcast_in_dim3A_1 {strides = array<i32>} : memref<480xf32, #tpu.memory_space<vmem>>, vector<16xf32>,
    %swap3A_23 = arith.constant 176 : index
    %swap3A_24 = tpu.vector_load %arg11[%swap3A_23] {strides = array<i32>} : memref<480xf32, #tpu.memory_space<vmem>>, vector<16xf32>,
    tpu.vector_store %arg11[%swap3A_23], %broadcast_in_dim3A_1 {strides = array<i32>} : memref<480xf32, #tpu.memory_space<vmem>>, vector<16xf32>,
    %swap3A_25 = arith.constant 192 : index
    %swap3A_26 = tpu.vector_load %arg11[%swap3A_25] {strides = array<i32>} : memref<480xf32, #tpu.memory_space<vmem>>, vector<16xf32>,
    tpu.vector_store %arg11[%swap3A_25], %broadcast_in_dim3A_1 {strides = array<i32>} : memref<480xf32, #tpu.memory_space<vmem>>, vector<16xf32>,
    %swap3A_27 = arith.constant 208 : index
    %swap3A_28 = tpu.vector_load %arg11[%swap3A_27] {strides = array<i32>} : memref<480xf32, #tpu.memory_space<vmem>>, vector<16xf32>,
    tpu.vector_store %arg11[%swap3A_27], %broadcast_in_dim3A_1 {strides = array<i32>} : memref<480xf32, #tpu.memory_space<vmem>>, vector<16xf32>,
    %swap3A_29 = arith.constant 224 : index
    %swap3A_30 = tpu.vector_load %arg11[%swap3A_29] {strides = array<i32>} : memref<480xf32, #tpu.memory_space<vmem>>, vector<16xf32>,
    tpu.vector_store %arg11[%swap3A_29], %broadcast_in_dim3A_1 {strides = array<i32>} : memref<480xf32, #tpu.memory_space<vmem>>, vector<16xf32>,
    %swap3A_31 = arith.constant 240 : index
    %swap3A_32 = tpu.vector_load %arg11[%swap3A_31] {strides = array<i32>} : memref<480xf32, #tpu.memory_space<vmem>>, vector<16xf32>,
    tpu.vector_store %arg11[%swap3A_31], %broadcast_in_dim3A_1 {strides = array<i32>} : memref<480xf32, #tpu.memory_space<vmem>>, vector<16xf32>,
    %swap3A_33 = arith.constant 256 : index
    %swap3A_34 = tpu.vector_load %arg11[%swap3A_33] {strides = array<i32>} : memref<480xf32, #tpu.memory_space<vmem>>, vector<16xf32>,
    tpu.vector_store %arg11[%swap3A_33], %broadcast_in_dim3A_1 {strides = array<i32>} : memref<480xf32, #tpu.memory_space<vmem>>, vector<16xf32>,
    %swap3A_35 = arith.constant 272 : index
    %swap3A_36 = tpu.vector_load %arg11[%swap3A_35] {strides = array<i32>} : memref<480xf32, #tpu.memory_space<vmem>>, vector<16xf32>,
    tpu.vector_store %arg11[%swap3A_35], %broadcast_in_dim3A_1 {strides = array<i32>} : memref<480xf32, #tpu.memory_space<vmem>>, vector<16xf32>,
    %swap3A_37 = arith.constant 288 : index
    %swap3A_38 = tpu.vector_load %arg11[%swap3A_37] {strides = array<i32>} : memref<480xf32, #tpu.memory_space<vmem>>, vector<16xf32>,
    tpu.vector_store %arg11[%swap3A_37], %broadcast_in_dim3A_1 {strides = array<i32>} : memref<480xf32, #tpu.memory_space<vmem>>, vector<16xf32>,
    %swap3A_39 = arith.constant 304 : index
    %swap3A_40 = tpu.vector_load %arg11[%swap3A_39] {strides = array<i32>} : memref<480xf32, #tpu.memory_space<vmem>>, vector<16xf32>,
    tpu.vector_store %arg11[%swap3A_39], %broadcast_in_dim3A_1 {strides = array<i32>} : memref<480xf32, #tpu.memory_space<vmem>>, vector<16xf32>,
    %swap3A_41 = arith.constant 320 : index
    %swap3A_42 = tpu.vector_load %arg11[%swap3A_41] {strides = array<i32>} : memref<480xf32, #tpu.memory_space<vmem>>, vector<16xf32>,
    tpu.vector_store %arg11[%swap3A_41], %broadcast_in_dim3A_1 {strides = array<i32>} : memref<480xf32, #tpu.memory_space<vmem>>, vector<16xf32>,
    %swap3A_43 = arith.constant 336 : index
    %swap3A_44 = tpu.vector_load %arg11[%swap3A_43] {strides = array<i32>} : memref<480xf32, #tpu.memory_space<vmem>>, vector<16xf32>,
    tpu.vector_store %arg11[%swap3A_43], %broadcast_in_dim3A_1 {strides = array<i32>} : memref<480xf32, #tpu.memory_space<vmem>>, vector<16xf32>,
    %swap3A_45 = arith.constant 352 : index
    %swap3A_46 = tpu.vector_load %arg11[%swap3A_45] {strides = array<i32>} : memref<480xf32, #tpu.memory_space<vmem>>, vector<16xf32>,
    tpu.vector_store %arg11[%swap3A_45], %broadcast_in_dim3A_1 {strides = array<i32>} : memref<480xf32, #tpu.memory_space<vmem>>, vector<16xf32>,
    %swap3A_47 = arith.constant 368 : index
    %swap3A_48 = tpu.vector_load %arg11[%swap3A_47] {strides = array<i32>} : memref<480xf32, #tpu.memory_space<vmem>>, vector<16xf32>,
    tpu.vector_store %arg11[%swap3A_47], %broadcast_in_dim3A_1 {strides = array<i32>} : memref<480xf32, #tpu.memory_space<vmem>>, vector<16xf32>,
    %swap3A_49 = arith.constant 384 : index
    %swap3A_50 = tpu.vector_load %arg11[%swap3A_49] {strides = array<i32>} : memref<480xf32, #tpu.memory_space<vmem>>, vector<16xf32>,
    tpu.vector_store %arg11[%swap3A_49], %broadcast_in_dim3A_1 {strides = array<i32>} : memref<480xf32, #tpu.memory_space<vmem>>, vector<16xf32>,
    %swap3A_51 = arith.constant 400 : index
    %swap3A_52 = tpu.vector_load %arg11[%swap3A_51] {strides = array<i32>} : memref<480xf32, #tpu.memory_space<vmem>>, vector<16xf32>,
    tpu.vector_store %arg11[%swap3A_51], %broadcast_in_dim3A_1 {strides = array<i32>} : memref<480xf32, #tpu.memory_space<vmem>>, vector<16xf32>,
    %swap3A_53 = arith.constant 416 : index
    %swap3A_54 = tpu.vector_load %arg11[%swap3A_53] {strides = array<i32>} : memref<480xf32, #tpu.memory_space<vmem>>, vector<16xf32>,
    tpu.vector_store %arg11[%swap3A_53], %broadcast_in_dim3A_1 {strides = array<i32>} : memref<480xf32, #tpu.memory_space<vmem>>, vector<16xf32>,
    %swap3A_55 = arith.constant 432 : index
    %swap3A_56 = tpu.vector_load %arg11[%swap3A_55] {strides = array<i32>} : memref<480xf32, #tpu.memory_space<vmem>>, vector<16xf32>,
    tpu.vector_store %arg11[%swap3A_55], %broadcast_in_dim3A_1 {strides = array<i32>} : memref<480xf32, #tpu.memory_space<vmem>>, vector<16xf32>,
    %swap3A_57 = arith.constant 448 : index
    %swap3A_58 = tpu.vector_load %arg11[%swap3A_57] {strides = array<i32>} : memref<480xf32, #tpu.memory_space<vmem>>, vector<16xf32>,
    tpu.vector_store %arg11[%swap3A_57], %broadcast_in_dim3A_1 {strides = array<i32>} : memref<480xf32, #tpu.memory_space<vmem>>, vector<16xf32>,
    %swap3A_59 = arith.constant 464 : index
    %swap3A_60 = tpu.vector_load %arg11[%swap3A_59] {strides = array<i32>} : memref<480xf32, #tpu.memory_space<vmem>>, vector<16xf32>,
    tpu.vector_store %arg11[%swap3A_59], %broadcast_in_dim3A_1 {strides = array<i32>} : memref<480xf32, #tpu.memory_space<vmem>>, vector<16xf32>,
    %iota3A = tpu.iota {dimensions = array<i32: 0>} : vector<16xi32>
    %add3A_61 = arith.constant 0 : i32
    %add3A_62 = arith.addi %add3A, %add3A_61 : i32
    %mul3A_63 = arith.constant 3968 : i32
    %mul3A_64 = arith.muli %add3A_62, %mul3A_63 : i32
    %dma_start3A = arith.constant 0 : i32
    %dma_start3A_65 = tpu.memref_slice %arg2[%dma_start3A, %mul3A_64] : memref<5x1000000xf32, #tpu.memory_space<hbm>> -> memref<5x3968xf32, #tpu.memory_space<hbm>>
    %dma_start3A_66 = arith.constant 0 : i32
    %dma_start3A_67 = tpu.memref_slice %arg2[%dma_start3A_66, %mul3A_64] : memref<5x1000000xf32, #tpu.memory_space<hbm>> -> memref<5x3968xf32, #tpu.memory_space<hbm>>
    tpu.enqueue_dma source(%dma_start3A_67 : memref<5x3968xf32, #tpu.memory_space<hbm>>) target(%arg5 : memref<5x3968xf32, #tpu.memory_space<vmem>>) target_semaphore(%arg12 : memref<!tpu.dma_semaphore, #tpu.memory_space<semaphore_mem>>)
    %add3A_68 = arith.constant 0 : i32
    %add3A_69 = arith.addi %add3A, %add3A_68 : i32
    %mul3A_70 = arith.constant 3968 : i32
    %mul3A_71 = arith.muli %add3A_69, %mul3A_70 : i32
    %dma_start3A_72 = tpu.memref_slice %arg3[%mul3A_71] : memref<1000000xi32, #tpu.memory_space<hbm>> -> memref<3968xi32, #tpu.memory_space<hbm>>
    %dma_start3A_73 = tpu.memref_slice %arg3[%mul3A_71] : memref<1000000xi32, #tpu.memory_space<hbm>> -> memref<3968xi32, #tpu.memory_space<hbm>>
    tpu.enqueue_dma source(%dma_start3A_73 : memref<3968xi32, #tpu.memory_space<hbm>>) target(%arg7 : memref<3968xi32, #tpu.memory_space<vmem>>) target_semaphore(%arg14 : memref<!tpu.dma_semaphore, #tpu.memory_space<semaphore_mem>>)
    %add3A_74 = arith.constant 0 : i32
    %add3A_75 = arith.addi %add3A, %add3A_74 : i32
    %mul3A_76 = arith.constant 3968 : i32
    %mul3A_77 = arith.muli %add3A_75, %mul3A_76 : i32
    %dma_wait3A = arith.constant 0 : i32
    %dma_wait3A_78 = tpu.memref_slice %arg2[%dma_wait3A, %mul3A_77] : memref<5x1000000xf32, #tpu.memory_space<hbm>> -> memref<5x3968xf32, #tpu.memory_space<hbm>>
    %dma_wait3A_79 = arith.constant 0 : i32
    %dma_wait3A_80 = tpu.memref_slice %arg2[%dma_wait3A_79, %mul3A_77] : memref<5x1000000xf32, #tpu.memory_space<hbm>> -> memref<5x3968xf32, #tpu.memory_space<hbm>>
    tpu.wait_dma2 semaphore(%arg12 : memref<!tpu.dma_semaphore, #tpu.memory_space<semaphore_mem>>) src(%dma_wait3A_80 : memref<5x3968xf32, #tpu.memory_space<hbm>>) dst(%arg5 : memref<5x3968xf32, #tpu.memory_space<vmem>>)
    %add3A_81 = arith.constant 0 : i32
    %add3A_82 = arith.addi %add3A, %add3A_81 : i32
    %mul3A_83 = arith.constant 3968 : i32
    %mul3A_84 = arith.muli %add3A_82, %mul3A_83 : i32
    %dma_wait3A_85 = tpu.memref_slice %arg3[%mul3A_84] : memref<1000000xi32, #tpu.memory_space<hbm>> -> memref<3968xi32, #tpu.memory_space<hbm>>
    %dma_wait3A_86 = tpu.memref_slice %arg3[%mul3A_84] : memref<1000000xi32, #tpu.memory_space<hbm>> -> memref<3968xi32, #tpu.memory_space<hbm>>
    tpu.wait_dma2 semaphore(%arg14 : memref<!tpu.dma_semaphore, #tpu.memory_space<semaphore_mem>>) src(%dma_wait3A_86 : memref<3968xi32, #tpu.memory_space<hbm>>) dst(%arg7 : memref<3968xi32, #tpu.memory_space<vmem>>)
    %add3A_87 = arith.constant 32 : i32
    %add3A_88 = arith.addi %add3A, %add3A_87 : i32
    %mul3A_89 = arith.constant 3968 : i32
    %mul3A_90 = arith.muli %add3A_88, %mul3A_89 : i32
    %dma_start3A_91 = arith.constant 0 : i32
    %dma_start3A_92 = tpu.memref_slice %arg2[%dma_start3A_91, %mul3A_90] : memref<5x1000000xf32, #tpu.memory_space<hbm>> -> memref<5x3968xf32, #tpu.memory_space<hbm>>
    %dma_start3A_93 = arith.constant 0 : i32
    %dma_start3A_94 = tpu.memref_slice %arg2[%dma_start3A_93, %mul3A_90] : memref<5x1000000xf32, #tpu.memory_space<hbm>> -> memref<5x3968xf32, #tpu.memory_space<hbm>>
    tpu.enqueue_dma source(%dma_start3A_94 : memref<5x3968xf32, #tpu.memory_space<hbm>>) target(%arg6 : memref<5x3968xf32, #tpu.memory_space<vmem>>) target_semaphore(%arg13 : memref<!tpu.dma_semaphore, #tpu.memory_space<semaphore_mem>>)
    %add3A_95 = arith.constant 32 : i32
    %add3A_96 = arith.addi %add3A, %add3A_95 : i32
    %mul3A_97 = arith.constant 3968 : i32
    %mul3A_98 = arith.muli %add3A_96, %mul3A_97 : i32
    %dma_start3A_99 = tpu.memref_slice %arg3[%mul3A_98] : memref<1000000xi32, #tpu.memory_space<hbm>> -> memref<3968xi32, #tpu.memory_space<hbm>>
    %dma_start3A_100 = tpu.memref_slice %arg3[%mul3A_98] : memref<1000000xi32, #tpu.memory_space<hbm>> -> memref<3968xi32, #tpu.memory_space<hbm>>
    tpu.enqueue_dma source(%dma_start3A_100 : memref<3968xi32, #tpu.memory_space<hbm>>) target(%arg8 : memref<3968xi32, #tpu.memory_space<vmem>>) target_semaphore(%arg15 : memref<!tpu.dma_semaphore, #tpu.memory_space<semaphore_mem>>)
    %parallel_loop3A = arith.constant 0 : i32
    %parallel_loop3A_101 = arith.constant 248 : i32
    %parallel_loop3A_102 = arith.constant 1 : i32
    scf.for %parallel_loop3A_286 = %parallel_loop3A to %parallel_loop3A_101 step %parallel_loop3A_102  : i32 {
      %parallel_loop3A_287 = arith.constant 16 : i32
      %parallel_loop3A_288 = arith.muli %parallel_loop3A_286, %parallel_loop3A_287 : i32
      %parallel_loop3A_289 = arith.constant 0 : i32
      %parallel_loop3A_290 = arith.index_cast %parallel_loop3A_289 : i32 to index
      %parallel_loop3A_291 = arith.index_cast %parallel_loop3A_288 : i32 to index
      %parallel_loop3A_292 = tpu.vector_load %arg5[%parallel_loop3A_290, %parallel_loop3A_291] {strides = array<i32>} : memref<5x3968xf32, #tpu.memory_space<vmem>>, vector<16xf32>,
      %parallel_loop3A_293 = arith.constant 1 : i32
      %parallel_loop3A_294 = arith.index_cast %parallel_loop3A_293 : i32 to index
      %parallel_loop3A_295 = arith.index_cast %parallel_loop3A_288 : i32 to index
      %parallel_loop3A_296 = tpu.vector_load %arg5[%parallel_loop3A_294, %parallel_loop3A_295] {strides = array<i32>} : memref<5x3968xf32, #tpu.memory_space<vmem>>, vector<16xf32>,
      %parallel_loop3A_297 = arith.constant 2 : i32
      %parallel_loop3A_298 = arith.index_cast %parallel_loop3A_297 : i32 to index
      %parallel_loop3A_299 = arith.index_cast %parallel_loop3A_288 : i32 to index
      %parallel_loop3A_300 = tpu.vector_load %arg5[%parallel_loop3A_298, %parallel_loop3A_299] {strides = array<i32>} : memref<5x3968xf32, #tpu.memory_space<vmem>>, vector<16xf32>,
      %parallel_loop3A_301 = arith.constant 3 : i32
      %parallel_loop3A_302 = arith.index_cast %parallel_loop3A_301 : i32 to index
      %parallel_loop3A_303 = arith.index_cast %parallel_loop3A_288 : i32 to index
      %parallel_loop3A_304 = tpu.vector_load %arg5[%parallel_loop3A_302, %parallel_loop3A_303] {strides = array<i32>} : memref<5x3968xf32, #tpu.memory_space<vmem>>, vector<16xf32>,
      %parallel_loop3A_305 = arith.constant 4 : i32
      %parallel_loop3A_306 = arith.index_cast %parallel_loop3A_305 : i32 to index
      %parallel_loop3A_307 = arith.index_cast %parallel_loop3A_288 : i32 to index
      %parallel_loop3A_308 = tpu.vector_load %arg5[%parallel_loop3A_306, %parallel_loop3A_307] {strides = array<i32>} : memref<5x3968xf32, #tpu.memory_space<vmem>>, vector<16xf32>,
      %parallel_loop3A_309 = arith.index_cast %parallel_loop3A_288 : i32 to index
      %parallel_loop3A_310 = tpu.vector_load %arg7[%parallel_loop3A_309] {strides = array<i32>} : memref<3968xi32, #tpu.memory_space<vmem>>, vector<16xi32>,
      %parallel_loop3A_311 = arith.constant 0 : i32
      %parallel_loop3A_312 = vector.broadcast %parallel_loop3A_311 : i32 to vector<16xi32>
      %parallel_loop3A_313 = arith.cmpf ogt, %parallel_loop3A_300, %parallel_loop3A_292 : vector<16xf32>
      %parallel_loop3A_314 = arith.constant 2 : i32
      %parallel_loop3A_315 = vector.broadcast %parallel_loop3A_314 : i32 to vector<16xi32>
      %parallel_loop3A_316 = arith.select %parallel_loop3A_313, %parallel_loop3A_315, %parallel_loop3A_312 : vector<16xi1>, vector<16xi32>
      %parallel_loop3A_317 = arith.maximumf %parallel_loop3A_292, %parallel_loop3A_300 : vector<16xf32>
      %parallel_loop3A_318 = arith.cmpf ogt, %parallel_loop3A_304, %parallel_loop3A_317 : vector<16xf32>
      %parallel_loop3A_319 = arith.constant 3 : i32
      %parallel_loop3A_320 = vector.broadcast %parallel_loop3A_319 : i32 to vector<16xi32>
      %parallel_loop3A_321 = arith.select %parallel_loop3A_318, %parallel_loop3A_320, %parallel_loop3A_316 : vector<16xi1>, vector<16xi32>
      %parallel_loop3A_322 = arith.maximumf %parallel_loop3A_317, %parallel_loop3A_304 : vector<16xf32>
      %parallel_loop3A_323 = arith.cmpf ogt, %parallel_loop3A_308, %parallel_loop3A_322 : vector<16xf32>
      %parallel_loop3A_324 = arith.constant 4 : i32
      %parallel_loop3A_325 = vector.broadcast %parallel_loop3A_324 : i32 to vector<16xi32>
      %parallel_loop3A_326 = arith.select %parallel_loop3A_323, %parallel_loop3A_325, %parallel_loop3A_321 : vector<16xi1>, vector<16xi32>
      %parallel_loop3A_327 = arith.maximumf %parallel_loop3A_322, %parallel_loop3A_308 : vector<16xf32>
      %parallel_loop3A_328 = arith.maximumf %parallel_loop3A_327, %parallel_loop3A_296 : vector<16xf32>
      %parallel_loop3A_329 = arith.subf %parallel_loop3A_292, %parallel_loop3A_328 : vector<16xf32>
      %parallel_loop3A_330 = math.exp %parallel_loop3A_329 : vector<16xf32>
      %parallel_loop3A_331 = arith.subf %parallel_loop3A_296, %parallel_loop3A_328 : vector<16xf32>
      %parallel_loop3A_332 = math.exp %parallel_loop3A_331 : vector<16xf32>
      %parallel_loop3A_333 = arith.subf %parallel_loop3A_300, %parallel_loop3A_328 : vector<16xf32>
      %parallel_loop3A_334 = math.exp %parallel_loop3A_333 : vector<16xf32>
      %parallel_loop3A_335 = arith.subf %parallel_loop3A_304, %parallel_loop3A_328 : vector<16xf32>
      %parallel_loop3A_336 = math.exp %parallel_loop3A_335 : vector<16xf32>
      %parallel_loop3A_337 = arith.subf %parallel_loop3A_308, %parallel_loop3A_328 : vector<16xf32>
      %parallel_loop3A_338 = math.exp %parallel_loop3A_337 : vector<16xf32>
      %parallel_loop3A_339 = arith.addf %parallel_loop3A_330, %parallel_loop3A_332 : vector<16xf32>
      %parallel_loop3A_340 = arith.addf %parallel_loop3A_334, %parallel_loop3A_336 : vector<16xf32>
      %parallel_loop3A_341 = arith.addf %parallel_loop3A_339, %parallel_loop3A_340 : vector<16xf32>
      %parallel_loop3A_342 = arith.addf %parallel_loop3A_341, %parallel_loop3A_338 : vector<16xf32>
      %parallel_loop3A_343 = arith.maximumf %parallel_loop3A_330, %parallel_loop3A_334 : vector<16xf32>
      %parallel_loop3A_344 = arith.maximumf %parallel_loop3A_336, %parallel_loop3A_338 : vector<16xf32>
      %parallel_loop3A_345 = arith.maximumf %parallel_loop3A_343, %parallel_loop3A_344 : vector<16xf32>
      %parallel_loop3A_346 = arith.divf %parallel_loop3A_345, %parallel_loop3A_342 : vector<16xf32>
      %parallel_loop3A_347 = arith.constant 0.000000e+00 : f32
      %parallel_loop3A_348 = vector.broadcast %parallel_loop3A_347 : f32 to vector<16xf32>
      %parallel_loop3A_349 = arith.cmpf ogt, %parallel_loop3A_346, %parallel_loop3A_348 : vector<16xf32>
      %parallel_loop3A_350 = arith.cmpi eq, %parallel_loop3A_326, %parallel_loop3A_310 : vector<16xi32>
      %parallel_loop3A_351 = arith.constant 1.000000e+00 : f32
      %parallel_loop3A_352 = arith.constant 0.000000e+00 : f32
      %parallel_loop3A_353 = vector.broadcast %parallel_loop3A_351 : f32 to vector<16xf32>
      %parallel_loop3A_354 = vector.broadcast %parallel_loop3A_352 : f32 to vector<16xf32>
      %parallel_loop3A_355 = arith.select %parallel_loop3A_350, %parallel_loop3A_353, %parallel_loop3A_354 : vector<16xi1>, vector<16xf32>
      %parallel_loop3A_356 = arith.constant 1.500000e+01 : f32
      %parallel_loop3A_357 = vector.broadcast %parallel_loop3A_356 : f32 to vector<16xf32>
      %parallel_loop3A_358 = arith.mulf %parallel_loop3A_346, %parallel_loop3A_357 : vector<16xf32>
      %parallel_loop3A_359 = arith.fptosi %parallel_loop3A_358 : vector<16xf32> to vector<16xi32>
      %parallel_loop3A_360 = arith.sitofp %parallel_loop3A_359 : vector<16xi32> to vector<16xf32>
      %parallel_loop3A_361 = arith.constant 0.0666666701 : f32
      %parallel_loop3A_362 = vector.broadcast %parallel_loop3A_361 : f32 to vector<16xf32>
      %parallel_loop3A_363 = arith.mulf %parallel_loop3A_360, %parallel_loop3A_362 : vector<16xf32>
      %parallel_loop3A_364 = arith.cmpf ole, %parallel_loop3A_346, %parallel_loop3A_363 : vector<16xf32>
      %parallel_loop3A_365 = arith.constant 1 : i32
      %parallel_loop3A_366 = arith.constant 0 : i32
      %parallel_loop3A_367 = vector.broadcast %parallel_loop3A_365 : i32 to vector<16xi32>
      %parallel_loop3A_368 = vector.broadcast %parallel_loop3A_366 : i32 to vector<16xi32>
      %parallel_loop3A_369 = arith.select %parallel_loop3A_364, %parallel_loop3A_367, %parallel_loop3A_368 : vector<16xi1>, vector<16xi32>
      %parallel_loop3A_370 = arith.subi %parallel_loop3A_359, %parallel_loop3A_369 : vector<16xi32>
      %parallel_loop3A_371 = arith.constant 16 : i32
      %parallel_loop3A_372 = vector.broadcast %parallel_loop3A_371 : i32 to vector<16xi32>
      %parallel_loop3A_373 = arith.muli %parallel_loop3A_370, %parallel_loop3A_372 : vector<16xi32>
      %parallel_loop3A_374 = arith.addi %parallel_loop3A_373, %iota3A : vector<16xi32>
      tpu.vector_store_idx %arg11[%parallel_loop3A_374], %parallel_loop3A_346 masked %parallel_loop3A_349 {add = true} : memref<480xf32, #tpu.memory_space<vmem>>[vector<16xi32>], vector<16xf32>, vector<16xi1>
      %parallel_loop3A_375 = arith.constant 240 : i32
      %parallel_loop3A_376 = vector.broadcast %parallel_loop3A_375 : i32 to vector<16xi32>
      %parallel_loop3A_377 = arith.addi %parallel_loop3A_374, %parallel_loop3A_376 : vector<16xi32>
      tpu.vector_store_idx %arg11[%parallel_loop3A_377], %parallel_loop3A_355 masked %parallel_loop3A_349 {add = true} : memref<480xf32, #tpu.memory_space<vmem>>[vector<16xi32>], vector<16xf32>, vector<16xi1>
    } {sc.loop_unroll_factor = 4 : i64, sc.parallel_access}
    %add3A_103 = arith.constant 32 : i32
    %add3A_104 = arith.addi %add3A, %add3A_103 : i32
    %mul3A_105 = arith.constant 3968 : i32
    %mul3A_106 = arith.muli %add3A_104, %mul3A_105 : i32
    %dma_wait3A_107 = arith.constant 0 : i32
    %dma_wait3A_108 = tpu.memref_slice %arg2[%dma_wait3A_107, %mul3A_106] : memref<5x1000000xf32, #tpu.memory_space<hbm>> -> memref<5x3968xf32, #tpu.memory_space<hbm>>
    %dma_wait3A_109 = arith.constant 0 : i32
    %dma_wait3A_110 = tpu.memref_slice %arg2[%dma_wait3A_109, %mul3A_106] : memref<5x1000000xf32, #tpu.memory_space<hbm>> -> memref<5x3968xf32, #tpu.memory_space<hbm>>
    tpu.wait_dma2 semaphore(%arg13 : memref<!tpu.dma_semaphore, #tpu.memory_space<semaphore_mem>>) src(%dma_wait3A_110 : memref<5x3968xf32, #tpu.memory_space<hbm>>) dst(%arg6 : memref<5x3968xf32, #tpu.memory_space<vmem>>)
    %add3A_111 = arith.constant 32 : i32
    %add3A_112 = arith.addi %add3A, %add3A_111 : i32
    %mul3A_113 = arith.constant 3968 : i32
    %mul3A_114 = arith.muli %add3A_112, %mul3A_113 : i32
    %dma_wait3A_115 = tpu.memref_slice %arg3[%mul3A_114] : memref<1000000xi32, #tpu.memory_space<hbm>> -> memref<3968xi32, #tpu.memory_space<hbm>>
    %dma_wait3A_116 = tpu.memref_slice %arg3[%mul3A_114] : memref<1000000xi32, #tpu.memory_space<hbm>> -> memref<3968xi32, #tpu.memory_space<hbm>>
    tpu.wait_dma2 semaphore(%arg15 : memref<!tpu.dma_semaphore, #tpu.memory_space<semaphore_mem>>) src(%dma_wait3A_116 : memref<3968xi32, #tpu.memory_space<hbm>>) dst(%arg8 : memref<3968xi32, #tpu.memory_space<vmem>>)
    %add3A_117 = arith.constant 64 : i32
    %add3A_118 = arith.addi %add3A, %add3A_117 : i32
    %mul3A_119 = arith.constant 3968 : i32
    %mul3A_120 = arith.muli %add3A_118, %mul3A_119 : i32
    %dma_start3A_121 = arith.constant 0 : i32
    %dma_start3A_122 = tpu.memref_slice %arg2[%dma_start3A_121, %mul3A_120] : memref<5x1000000xf32, #tpu.memory_space<hbm>> -> memref<5x3968xf32, #tpu.memory_space<hbm>>
    %dma_start3A_123 = arith.constant 0 : i32
    %dma_start3A_124 = tpu.memref_slice %arg2[%dma_start3A_123, %mul3A_120] : memref<5x1000000xf32, #tpu.memory_space<hbm>> -> memref<5x3968xf32, #tpu.memory_space<hbm>>
    tpu.enqueue_dma source(%dma_start3A_124 : memref<5x3968xf32, #tpu.memory_space<hbm>>) target(%arg5 : memref<5x3968xf32, #tpu.memory_space<vmem>>) target_semaphore(%arg12 : memref<!tpu.dma_semaphore, #tpu.memory_space<semaphore_mem>>)
    %add3A_125 = arith.constant 64 : i32
    %add3A_126 = arith.addi %add3A, %add3A_125 : i32
    %mul3A_127 = arith.constant 3968 : i32
    %mul3A_128 = arith.muli %add3A_126, %mul3A_127 : i32
    %dma_start3A_129 = tpu.memref_slice %arg3[%mul3A_128] : memref<1000000xi32, #tpu.memory_space<hbm>> -> memref<3968xi32, #tpu.memory_space<hbm>>
    %dma_start3A_130 = tpu.memref_slice %arg3[%mul3A_128] : memref<1000000xi32, #tpu.memory_space<hbm>> -> memref<3968xi32, #tpu.memory_space<hbm>>
    tpu.enqueue_dma source(%dma_start3A_130 : memref<3968xi32, #tpu.memory_space<hbm>>) target(%arg7 : memref<3968xi32, #tpu.memory_space<vmem>>) target_semaphore(%arg14 : memref<!tpu.dma_semaphore, #tpu.memory_space<semaphore_mem>>)
    %parallel_loop3A_131 = arith.constant 0 : i32
    %parallel_loop3A_132 = arith.constant 248 : i32
    %parallel_loop3A_133 = arith.constant 1 : i32
    scf.for %parallel_loop3A_286 = %parallel_loop3A_131 to %parallel_loop3A_132 step %parallel_loop3A_133  : i32 {
      %parallel_loop3A_287 = arith.constant 16 : i32
      %parallel_loop3A_288 = arith.muli %parallel_loop3A_286, %parallel_loop3A_287 : i32
      %parallel_loop3A_289 = arith.constant 0 : i32
      %parallel_loop3A_290 = arith.index_cast %parallel_loop3A_289 : i32 to index
      %parallel_loop3A_291 = arith.index_cast %parallel_loop3A_288 : i32 to index
      %parallel_loop3A_292 = tpu.vector_load %arg6[%parallel_loop3A_290, %parallel_loop3A_291] {strides = array<i32>} : memref<5x3968xf32, #tpu.memory_space<vmem>>, vector<16xf32>,
      %parallel_loop3A_293 = arith.constant 1 : i32
      %parallel_loop3A_294 = arith.index_cast %parallel_loop3A_293 : i32 to index
      %parallel_loop3A_295 = arith.index_cast %parallel_loop3A_288 : i32 to index
      %parallel_loop3A_296 = tpu.vector_load %arg6[%parallel_loop3A_294, %parallel_loop3A_295] {strides = array<i32>} : memref<5x3968xf32, #tpu.memory_space<vmem>>, vector<16xf32>,
      %parallel_loop3A_297 = arith.constant 2 : i32
      %parallel_loop3A_298 = arith.index_cast %parallel_loop3A_297 : i32 to index
      %parallel_loop3A_299 = arith.index_cast %parallel_loop3A_288 : i32 to index
      %parallel_loop3A_300 = tpu.vector_load %arg6[%parallel_loop3A_298, %parallel_loop3A_299] {strides = array<i32>} : memref<5x3968xf32, #tpu.memory_space<vmem>>, vector<16xf32>,
      %parallel_loop3A_301 = arith.constant 3 : i32
      %parallel_loop3A_302 = arith.index_cast %parallel_loop3A_301 : i32 to index
      %parallel_loop3A_303 = arith.index_cast %parallel_loop3A_288 : i32 to index
      %parallel_loop3A_304 = tpu.vector_load %arg6[%parallel_loop3A_302, %parallel_loop3A_303] {strides = array<i32>} : memref<5x3968xf32, #tpu.memory_space<vmem>>, vector<16xf32>,
      %parallel_loop3A_305 = arith.constant 4 : i32
      %parallel_loop3A_306 = arith.index_cast %parallel_loop3A_305 : i32 to index
      %parallel_loop3A_307 = arith.index_cast %parallel_loop3A_288 : i32 to index
      %parallel_loop3A_308 = tpu.vector_load %arg6[%parallel_loop3A_306, %parallel_loop3A_307] {strides = array<i32>} : memref<5x3968xf32, #tpu.memory_space<vmem>>, vector<16xf32>,
      %parallel_loop3A_309 = arith.index_cast %parallel_loop3A_288 : i32 to index
      %parallel_loop3A_310 = tpu.vector_load %arg8[%parallel_loop3A_309] {strides = array<i32>} : memref<3968xi32, #tpu.memory_space<vmem>>, vector<16xi32>,
      %parallel_loop3A_311 = arith.constant 0 : i32
      %parallel_loop3A_312 = vector.broadcast %parallel_loop3A_311 : i32 to vector<16xi32>
      %parallel_loop3A_313 = arith.cmpf ogt, %parallel_loop3A_300, %parallel_loop3A_292 : vector<16xf32>
      %parallel_loop3A_314 = arith.constant 2 : i32
      %parallel_loop3A_315 = vector.broadcast %parallel_loop3A_314 : i32 to vector<16xi32>
      %parallel_loop3A_316 = arith.select %parallel_loop3A_313, %parallel_loop3A_315, %parallel_loop3A_312 : vector<16xi1>, vector<16xi32>
      %parallel_loop3A_317 = arith.maximumf %parallel_loop3A_292, %parallel_loop3A_300 : vector<16xf32>
      %parallel_loop3A_318 = arith.cmpf ogt, %parallel_loop3A_304, %parallel_loop3A_317 : vector<16xf32>
      %parallel_loop3A_319 = arith.constant 3 : i32
      %parallel_loop3A_320 = vector.broadcast %parallel_loop3A_319 : i32 to vector<16xi32>
      %parallel_loop3A_321 = arith.select %parallel_loop3A_318, %parallel_loop3A_320, %parallel_loop3A_316 : vector<16xi1>, vector<16xi32>
      %parallel_loop3A_322 = arith.maximumf %parallel_loop3A_317, %parallel_loop3A_304 : vector<16xf32>
      %parallel_loop3A_323 = arith.cmpf ogt, %parallel_loop3A_308, %parallel_loop3A_322 : vector<16xf32>
      %parallel_loop3A_324 = arith.constant 4 : i32
      %parallel_loop3A_325 = vector.broadcast %parallel_loop3A_324 : i32 to vector<16xi32>
      %parallel_loop3A_326 = arith.select %parallel_loop3A_323, %parallel_loop3A_325, %parallel_loop3A_321 : vector<16xi1>, vector<16xi32>
      %parallel_loop3A_327 = arith.maximumf %parallel_loop3A_322, %parallel_loop3A_308 : vector<16xf32>
      %parallel_loop3A_328 = arith.maximumf %parallel_loop3A_327, %parallel_loop3A_296 : vector<16xf32>
      %parallel_loop3A_329 = arith.subf %parallel_loop3A_292, %parallel_loop3A_328 : vector<16xf32>
      %parallel_loop3A_330 = math.exp %parallel_loop3A_329 : vector<16xf32>
      %parallel_loop3A_331 = arith.subf %parallel_loop3A_296, %parallel_loop3A_328 : vector<16xf32>
      %parallel_loop3A_332 = math.exp %parallel_loop3A_331 : vector<16xf32>
      %parallel_loop3A_333 = arith.subf %parallel_loop3A_300, %parallel_loop3A_328 : vector<16xf32>
      %parallel_loop3A_334 = math.exp %parallel_loop3A_333 : vector<16xf32>
      %parallel_loop3A_335 = arith.subf %parallel_loop3A_304, %parallel_loop3A_328 : vector<16xf32>
      %parallel_loop3A_336 = math.exp %parallel_loop3A_335 : vector<16xf32>
      %parallel_loop3A_337 = arith.subf %parallel_loop3A_308, %parallel_loop3A_328 : vector<16xf32>
      %parallel_loop3A_338 = math.exp %parallel_loop3A_337 : vector<16xf32>
      %parallel_loop3A_339 = arith.addf %parallel_loop3A_330, %parallel_loop3A_332 : vector<16xf32>
      %parallel_loop3A_340 = arith.addf %parallel_loop3A_334, %parallel_loop3A_336 : vector<16xf32>
      %parallel_loop3A_341 = arith.addf %parallel_loop3A_339, %parallel_loop3A_340 : vector<16xf32>
      %parallel_loop3A_342 = arith.addf %parallel_loop3A_341, %parallel_loop3A_338 : vector<16xf32>
      %parallel_loop3A_343 = arith.maximumf %parallel_loop3A_330, %parallel_loop3A_334 : vector<16xf32>
      %parallel_loop3A_344 = arith.maximumf %parallel_loop3A_336, %parallel_loop3A_338 : vector<16xf32>
      %parallel_loop3A_345 = arith.maximumf %parallel_loop3A_343, %parallel_loop3A_344 : vector<16xf32>
      %parallel_loop3A_346 = arith.divf %parallel_loop3A_345, %parallel_loop3A_342 : vector<16xf32>
      %parallel_loop3A_347 = arith.constant 0.000000e+00 : f32
      %parallel_loop3A_348 = vector.broadcast %parallel_loop3A_347 : f32 to vector<16xf32>
      %parallel_loop3A_349 = arith.cmpf ogt, %parallel_loop3A_346, %parallel_loop3A_348 : vector<16xf32>
      %parallel_loop3A_350 = arith.cmpi eq, %parallel_loop3A_326, %parallel_loop3A_310 : vector<16xi32>
      %parallel_loop3A_351 = arith.constant 1.000000e+00 : f32
      %parallel_loop3A_352 = arith.constant 0.000000e+00 : f32
      %parallel_loop3A_353 = vector.broadcast %parallel_loop3A_351 : f32 to vector<16xf32>
      %parallel_loop3A_354 = vector.broadcast %parallel_loop3A_352 : f32 to vector<16xf32>
      %parallel_loop3A_355 = arith.select %parallel_loop3A_350, %parallel_loop3A_353, %parallel_loop3A_354 : vector<16xi1>, vector<16xf32>
      %parallel_loop3A_356 = arith.constant 1.500000e+01 : f32
      %parallel_loop3A_357 = vector.broadcast %parallel_loop3A_356 : f32 to vector<16xf32>
      %parallel_loop3A_358 = arith.mulf %parallel_loop3A_346, %parallel_loop3A_357 : vector<16xf32>
      %parallel_loop3A_359 = arith.fptosi %parallel_loop3A_358 : vector<16xf32> to vector<16xi32>
      %parallel_loop3A_360 = arith.sitofp %parallel_loop3A_359 : vector<16xi32> to vector<16xf32>
      %parallel_loop3A_361 = arith.constant 0.0666666701 : f32
      %parallel_loop3A_362 = vector.broadcast %parallel_loop3A_361 : f32 to vector<16xf32>
      %parallel_loop3A_363 = arith.mulf %parallel_loop3A_360, %parallel_loop3A_362 : vector<16xf32>
      %parallel_loop3A_364 = arith.cmpf ole, %parallel_loop3A_346, %parallel_loop3A_363 : vector<16xf32>
      %parallel_loop3A_365 = arith.constant 1 : i32
      %parallel_loop3A_366 = arith.constant 0 : i32
      %parallel_loop3A_367 = vector.broadcast %parallel_loop3A_365 : i32 to vector<16xi32>
      %parallel_loop3A_368 = vector.broadcast %parallel_loop3A_366 : i32 to vector<16xi32>
      %parallel_loop3A_369 = arith.select %parallel_loop3A_364, %parallel_loop3A_367, %parallel_loop3A_368 : vector<16xi1>, vector<16xi32>
      %parallel_loop3A_370 = arith.subi %parallel_loop3A_359, %parallel_loop3A_369 : vector<16xi32>
      %parallel_loop3A_371 = arith.constant 16 : i32
      %parallel_loop3A_372 = vector.broadcast %parallel_loop3A_371 : i32 to vector<16xi32>
      %parallel_loop3A_373 = arith.muli %parallel_loop3A_370, %parallel_loop3A_372 : vector<16xi32>
      %parallel_loop3A_374 = arith.addi %parallel_loop3A_373, %iota3A : vector<16xi32>
      tpu.vector_store_idx %arg11[%parallel_loop3A_374], %parallel_loop3A_346 masked %parallel_loop3A_349 {add = true} : memref<480xf32, #tpu.memory_space<vmem>>[vector<16xi32>], vector<16xf32>, vector<16xi1>
      %parallel_loop3A_375 = arith.constant 240 : i32
      %parallel_loop3A_376 = vector.broadcast %parallel_loop3A_375 : i32 to vector<16xi32>
      %parallel_loop3A_377 = arith.addi %parallel_loop3A_374, %parallel_loop3A_376 : vector<16xi32>
      tpu.vector_store_idx %arg11[%parallel_loop3A_377], %parallel_loop3A_355 masked %parallel_loop3A_349 {add = true} : memref<480xf32, #tpu.memory_space<vmem>>[vector<16xi32>], vector<16xf32>, vector<16xi1>
    } {sc.loop_unroll_factor = 4 : i64, sc.parallel_access}
    %add3A_134 = arith.constant 64 : i32
    %add3A_135 = arith.addi %add3A, %add3A_134 : i32
    %mul3A_136 = arith.constant 3968 : i32
    %mul3A_137 = arith.muli %add3A_135, %mul3A_136 : i32
    %dma_wait3A_138 = arith.constant 0 : i32
    %dma_wait3A_139 = tpu.memref_slice %arg2[%dma_wait3A_138, %mul3A_137] : memref<5x1000000xf32, #tpu.memory_space<hbm>> -> memref<5x3968xf32, #tpu.memory_space<hbm>>
    %dma_wait3A_140 = arith.constant 0 : i32
    %dma_wait3A_141 = tpu.memref_slice %arg2[%dma_wait3A_140, %mul3A_137] : memref<5x1000000xf32, #tpu.memory_space<hbm>> -> memref<5x3968xf32, #tpu.memory_space<hbm>>
    tpu.wait_dma2 semaphore(%arg12 : memref<!tpu.dma_semaphore, #tpu.memory_space<semaphore_mem>>) src(%dma_wait3A_141 : memref<5x3968xf32, #tpu.memory_space<hbm>>) dst(%arg5 : memref<5x3968xf32, #tpu.memory_space<vmem>>)
    %add3A_142 = arith.constant 64 : i32
    %add3A_143 = arith.addi %add3A, %add3A_142 : i32
    %mul3A_144 = arith.constant 3968 : i32
    %mul3A_145 = arith.muli %add3A_143, %mul3A_144 : i32
    %dma_wait3A_146 = tpu.memref_slice %arg3[%mul3A_145] : memref<1000000xi32, #tpu.memory_space<hbm>> -> memref<3968xi32, #tpu.memory_space<hbm>>
    %dma_wait3A_147 = tpu.memref_slice %arg3[%mul3A_145] : memref<1000000xi32, #tpu.memory_space<hbm>> -> memref<3968xi32, #tpu.memory_space<hbm>>
    tpu.wait_dma2 semaphore(%arg14 : memref<!tpu.dma_semaphore, #tpu.memory_space<semaphore_mem>>) src(%dma_wait3A_147 : memref<3968xi32, #tpu.memory_space<hbm>>) dst(%arg7 : memref<3968xi32, #tpu.memory_space<vmem>>)
    %add3A_148 = arith.constant 96 : i32
    %add3A_149 = arith.addi %add3A, %add3A_148 : i32
    %mul3A_150 = arith.constant 3968 : i32
    %mul3A_151 = arith.muli %add3A_149, %mul3A_150 : i32
    %dma_start3A_152 = arith.constant 0 : i32
    %dma_start3A_153 = tpu.memref_slice %arg2[%dma_start3A_152, %mul3A_151] : memref<5x1000000xf32, #tpu.memory_space<hbm>> -> memref<5x3968xf32, #tpu.memory_space<hbm>>
    %dma_start3A_154 = arith.constant 0 : i32
    %dma_start3A_155 = tpu.memref_slice %arg2[%dma_start3A_154, %mul3A_151] : memref<5x1000000xf32, #tpu.memory_space<hbm>> -> memref<5x3968xf32, #tpu.memory_space<hbm>>
    tpu.enqueue_dma source(%dma_start3A_155 : memref<5x3968xf32, #tpu.memory_space<hbm>>) target(%arg6 : memref<5x3968xf32, #tpu.memory_space<vmem>>) target_semaphore(%arg13 : memref<!tpu.dma_semaphore, #tpu.memory_space<semaphore_mem>>)
    %add3A_156 = arith.constant 96 : i32
    %add3A_157 = arith.addi %add3A, %add3A_156 : i32
    %mul3A_158 = arith.constant 3968 : i32
    %mul3A_159 = arith.muli %add3A_157, %mul3A_158 : i32
    %dma_start3A_160 = tpu.memref_slice %arg3[%mul3A_159] : memref<1000000xi32, #tpu.memory_space<hbm>> -> memref<3968xi32, #tpu.memory_space<hbm>>
    %dma_start3A_161 = tpu.memref_slice %arg3[%mul3A_159] : memref<1000000xi32, #tpu.memory_space<hbm>> -> memref<3968xi32, #tpu.memory_space<hbm>>
    tpu.enqueue_dma source(%dma_start3A_161 : memref<3968xi32, #tpu.memory_space<hbm>>) target(%arg8 : memref<3968xi32, #tpu.memory_space<vmem>>) target_semaphore(%arg15 : memref<!tpu.dma_semaphore, #tpu.memory_space<semaphore_mem>>)
    %parallel_loop3A_162 = arith.constant 0 : i32
    %parallel_loop3A_163 = arith.constant 248 : i32
    %parallel_loop3A_164 = arith.constant 1 : i32
    scf.for %parallel_loop3A_286 = %parallel_loop3A_162 to %parallel_loop3A_163 step %parallel_loop3A_164  : i32 {
      %parallel_loop3A_287 = arith.constant 16 : i32
      %parallel_loop3A_288 = arith.muli %parallel_loop3A_286, %parallel_loop3A_287 : i32
      %parallel_loop3A_289 = arith.constant 0 : i32
      %parallel_loop3A_290 = arith.index_cast %parallel_loop3A_289 : i32 to index
      %parallel_loop3A_291 = arith.index_cast %parallel_loop3A_288 : i32 to index
      %parallel_loop3A_292 = tpu.vector_load %arg5[%parallel_loop3A_290, %parallel_loop3A_291] {strides = array<i32>} : memref<5x3968xf32, #tpu.memory_space<vmem>>, vector<16xf32>,
      %parallel_loop3A_293 = arith.constant 1 : i32
      %parallel_loop3A_294 = arith.index_cast %parallel_loop3A_293 : i32 to index
      %parallel_loop3A_295 = arith.index_cast %parallel_loop3A_288 : i32 to index
      %parallel_loop3A_296 = tpu.vector_load %arg5[%parallel_loop3A_294, %parallel_loop3A_295] {strides = array<i32>} : memref<5x3968xf32, #tpu.memory_space<vmem>>, vector<16xf32>,
      %parallel_loop3A_297 = arith.constant 2 : i32
      %parallel_loop3A_298 = arith.index_cast %parallel_loop3A_297 : i32 to index
      %parallel_loop3A_299 = arith.index_cast %parallel_loop3A_288 : i32 to index
      %parallel_loop3A_300 = tpu.vector_load %arg5[%parallel_loop3A_298, %parallel_loop3A_299] {strides = array<i32>} : memref<5x3968xf32, #tpu.memory_space<vmem>>, vector<16xf32>,
      %parallel_loop3A_301 = arith.constant 3 : i32
      %parallel_loop3A_302 = arith.index_cast %parallel_loop3A_301 : i32 to index
      %parallel_loop3A_303 = arith.index_cast %parallel_loop3A_288 : i32 to index
      %parallel_loop3A_304 = tpu.vector_load %arg5[%parallel_loop3A_302, %parallel_loop3A_303] {strides = array<i32>} : memref<5x3968xf32, #tpu.memory_space<vmem>>, vector<16xf32>,
      %parallel_loop3A_305 = arith.constant 4 : i32
      %parallel_loop3A_306 = arith.index_cast %parallel_loop3A_305 : i32 to index
      %parallel_loop3A_307 = arith.index_cast %parallel_loop3A_288 : i32 to index
      %parallel_loop3A_308 = tpu.vector_load %arg5[%parallel_loop3A_306, %parallel_loop3A_307] {strides = array<i32>} : memref<5x3968xf32, #tpu.memory_space<vmem>>, vector<16xf32>,
      %parallel_loop3A_309 = arith.index_cast %parallel_loop3A_288 : i32 to index
      %parallel_loop3A_310 = tpu.vector_load %arg7[%parallel_loop3A_309] {strides = array<i32>} : memref<3968xi32, #tpu.memory_space<vmem>>, vector<16xi32>,
      %parallel_loop3A_311 = arith.constant 0 : i32
      %parallel_loop3A_312 = vector.broadcast %parallel_loop3A_311 : i32 to vector<16xi32>
      %parallel_loop3A_313 = arith.cmpf ogt, %parallel_loop3A_300, %parallel_loop3A_292 : vector<16xf32>
      %parallel_loop3A_314 = arith.constant 2 : i32
      %parallel_loop3A_315 = vector.broadcast %parallel_loop3A_314 : i32 to vector<16xi32>
      %parallel_loop3A_316 = arith.select %parallel_loop3A_313, %parallel_loop3A_315, %parallel_loop3A_312 : vector<16xi1>, vector<16xi32>
      %parallel_loop3A_317 = arith.maximumf %parallel_loop3A_292, %parallel_loop3A_300 : vector<16xf32>
      %parallel_loop3A_318 = arith.cmpf ogt, %parallel_loop3A_304, %parallel_loop3A_317 : vector<16xf32>
      %parallel_loop3A_319 = arith.constant 3 : i32
      %parallel_loop3A_320 = vector.broadcast %parallel_loop3A_319 : i32 to vector<16xi32>
      %parallel_loop3A_321 = arith.select %parallel_loop3A_318, %parallel_loop3A_320, %parallel_loop3A_316 : vector<16xi1>, vector<16xi32>
      %parallel_loop3A_322 = arith.maximumf %parallel_loop3A_317, %parallel_loop3A_304 : vector<16xf32>
      %parallel_loop3A_323 = arith.cmpf ogt, %parallel_loop3A_308, %parallel_loop3A_322 : vector<16xf32>
      %parallel_loop3A_324 = arith.constant 4 : i32
      %parallel_loop3A_325 = vector.broadcast %parallel_loop3A_324 : i32 to vector<16xi32>
      %parallel_loop3A_326 = arith.select %parallel_loop3A_323, %parallel_loop3A_325, %parallel_loop3A_321 : vector<16xi1>, vector<16xi32>
      %parallel_loop3A_327 = arith.maximumf %parallel_loop3A_322, %parallel_loop3A_308 : vector<16xf32>
      %parallel_loop3A_328 = arith.maximumf %parallel_loop3A_327, %parallel_loop3A_296 : vector<16xf32>
      %parallel_loop3A_329 = arith.subf %parallel_loop3A_292, %parallel_loop3A_328 : vector<16xf32>
      %parallel_loop3A_330 = math.exp %parallel_loop3A_329 : vector<16xf32>
      %parallel_loop3A_331 = arith.subf %parallel_loop3A_296, %parallel_loop3A_328 : vector<16xf32>
      %parallel_loop3A_332 = math.exp %parallel_loop3A_331 : vector<16xf32>
      %parallel_loop3A_333 = arith.subf %parallel_loop3A_300, %parallel_loop3A_328 : vector<16xf32>
      %parallel_loop3A_334 = math.exp %parallel_loop3A_333 : vector<16xf32>
      %parallel_loop3A_335 = arith.subf %parallel_loop3A_304, %parallel_loop3A_328 : vector<16xf32>
      %parallel_loop3A_336 = math.exp %parallel_loop3A_335 : vector<16xf32>
      %parallel_loop3A_337 = arith.subf %parallel_loop3A_308, %parallel_loop3A_328 : vector<16xf32>
      %parallel_loop3A_338 = math.exp %parallel_loop3A_337 : vector<16xf32>
      %parallel_loop3A_339 = arith.addf %parallel_loop3A_330, %parallel_loop3A_332 : vector<16xf32>
      %parallel_loop3A_340 = arith.addf %parallel_loop3A_334, %parallel_loop3A_336 : vector<16xf32>
      %parallel_loop3A_341 = arith.addf %parallel_loop3A_339, %parallel_loop3A_340 : vector<16xf32>
      %parallel_loop3A_342 = arith.addf %parallel_loop3A_341, %parallel_loop3A_338 : vector<16xf32>
      %parallel_loop3A_343 = arith.maximumf %parallel_loop3A_330, %parallel_loop3A_334 : vector<16xf32>
      %parallel_loop3A_344 = arith.maximumf %parallel_loop3A_336, %parallel_loop3A_338 : vector<16xf32>
      %parallel_loop3A_345 = arith.maximumf %parallel_loop3A_343, %parallel_loop3A_344 : vector<16xf32>
      %parallel_loop3A_346 = arith.divf %parallel_loop3A_345, %parallel_loop3A_342 : vector<16xf32>
      %parallel_loop3A_347 = arith.constant 0.000000e+00 : f32
      %parallel_loop3A_348 = vector.broadcast %parallel_loop3A_347 : f32 to vector<16xf32>
      %parallel_loop3A_349 = arith.cmpf ogt, %parallel_loop3A_346, %parallel_loop3A_348 : vector<16xf32>
      %parallel_loop3A_350 = arith.cmpi eq, %parallel_loop3A_326, %parallel_loop3A_310 : vector<16xi32>
      %parallel_loop3A_351 = arith.constant 1.000000e+00 : f32
      %parallel_loop3A_352 = arith.constant 0.000000e+00 : f32
      %parallel_loop3A_353 = vector.broadcast %parallel_loop3A_351 : f32 to vector<16xf32>
      %parallel_loop3A_354 = vector.broadcast %parallel_loop3A_352 : f32 to vector<16xf32>
      %parallel_loop3A_355 = arith.select %parallel_loop3A_350, %parallel_loop3A_353, %parallel_loop3A_354 : vector<16xi1>, vector<16xf32>
      %parallel_loop3A_356 = arith.constant 1.500000e+01 : f32
      %parallel_loop3A_357 = vector.broadcast %parallel_loop3A_356 : f32 to vector<16xf32>
      %parallel_loop3A_358 = arith.mulf %parallel_loop3A_346, %parallel_loop3A_357 : vector<16xf32>
      %parallel_loop3A_359 = arith.fptosi %parallel_loop3A_358 : vector<16xf32> to vector<16xi32>
      %parallel_loop3A_360 = arith.sitofp %parallel_loop3A_359 : vector<16xi32> to vector<16xf32>
      %parallel_loop3A_361 = arith.constant 0.0666666701 : f32
      %parallel_loop3A_362 = vector.broadcast %parallel_loop3A_361 : f32 to vector<16xf32>
      %parallel_loop3A_363 = arith.mulf %parallel_loop3A_360, %parallel_loop3A_362 : vector<16xf32>
      %parallel_loop3A_364 = arith.cmpf ole, %parallel_loop3A_346, %parallel_loop3A_363 : vector<16xf32>
      %parallel_loop3A_365 = arith.constant 1 : i32
      %parallel_loop3A_366 = arith.constant 0 : i32
      %parallel_loop3A_367 = vector.broadcast %parallel_loop3A_365 : i32 to vector<16xi32>
      %parallel_loop3A_368 = vector.broadcast %parallel_loop3A_366 : i32 to vector<16xi32>
      %parallel_loop3A_369 = arith.select %parallel_loop3A_364, %parallel_loop3A_367, %parallel_loop3A_368 : vector<16xi1>, vector<16xi32>
      %parallel_loop3A_370 = arith.subi %parallel_loop3A_359, %parallel_loop3A_369 : vector<16xi32>
      %parallel_loop3A_371 = arith.constant 16 : i32
      %parallel_loop3A_372 = vector.broadcast %parallel_loop3A_371 : i32 to vector<16xi32>
      %parallel_loop3A_373 = arith.muli %parallel_loop3A_370, %parallel_loop3A_372 : vector<16xi32>
      %parallel_loop3A_374 = arith.addi %parallel_loop3A_373, %iota3A : vector<16xi32>
      tpu.vector_store_idx %arg11[%parallel_loop3A_374], %parallel_loop3A_346 masked %parallel_loop3A_349 {add = true} : memref<480xf32, #tpu.memory_space<vmem>>[vector<16xi32>], vector<16xf32>, vector<16xi1>
      %parallel_loop3A_375 = arith.constant 240 : i32
      %parallel_loop3A_376 = vector.broadcast %parallel_loop3A_375 : i32 to vector<16xi32>
      %parallel_loop3A_377 = arith.addi %parallel_loop3A_374, %parallel_loop3A_376 : vector<16xi32>
      tpu.vector_store_idx %arg11[%parallel_loop3A_377], %parallel_loop3A_355 masked %parallel_loop3A_349 {add = true} : memref<480xf32, #tpu.memory_space<vmem>>[vector<16xi32>], vector<16xf32>, vector<16xi1>
    } {sc.loop_unroll_factor = 4 : i64, sc.parallel_access}
    %add3A_165 = arith.constant 96 : i32
    %add3A_166 = arith.addi %add3A, %add3A_165 : i32
    %mul3A_167 = arith.constant 3968 : i32
    %mul3A_168 = arith.muli %add3A_166, %mul3A_167 : i32
    %dma_wait3A_169 = arith.constant 0 : i32
    %dma_wait3A_170 = tpu.memref_slice %arg2[%dma_wait3A_169, %mul3A_168] : memref<5x1000000xf32, #tpu.memory_space<hbm>> -> memref<5x3968xf32, #tpu.memory_space<hbm>>
    %dma_wait3A_171 = arith.constant 0 : i32
    %dma_wait3A_172 = tpu.memref_slice %arg2[%dma_wait3A_171, %mul3A_168] : memref<5x1000000xf32, #tpu.memory_space<hbm>> -> memref<5x3968xf32, #tpu.memory_space<hbm>>
    tpu.wait_dma2 semaphore(%arg13 : memref<!tpu.dma_semaphore, #tpu.memory_space<semaphore_mem>>) src(%dma_wait3A_172 : memref<5x3968xf32, #tpu.memory_space<hbm>>) dst(%arg6 : memref<5x3968xf32, #tpu.memory_space<vmem>>)
    %add3A_173 = arith.constant 96 : i32
    %add3A_174 = arith.addi %add3A, %add3A_173 : i32
    %mul3A_175 = arith.constant 3968 : i32
    %mul3A_176 = arith.muli %add3A_174, %mul3A_175 : i32
    %dma_wait3A_177 = tpu.memref_slice %arg3[%mul3A_176] : memref<1000000xi32, #tpu.memory_space<hbm>> -> memref<3968xi32, #tpu.memory_space<hbm>>
    %dma_wait3A_178 = tpu.memref_slice %arg3[%mul3A_176] : memref<1000000xi32, #tpu.memory_space<hbm>> -> memref<3968xi32, #tpu.memory_space<hbm>>
    tpu.wait_dma2 semaphore(%arg15 : memref<!tpu.dma_semaphore, #tpu.memory_space<semaphore_mem>>) src(%dma_wait3A_178 : memref<3968xi32, #tpu.memory_space<hbm>>) dst(%arg8 : memref<3968xi32, #tpu.memory_space<vmem>>)
    %add3A_179 = arith.constant 128 : i32
    %add3A_180 = arith.addi %add3A, %add3A_179 : i32
    %mul3A_181 = arith.constant 3968 : i32
    %mul3A_182 = arith.muli %add3A_180, %mul3A_181 : i32
    %dma_start3A_183 = arith.constant 0 : i32
    %dma_start3A_184 = tpu.memref_slice %arg2[%dma_start3A_183, %mul3A_182] : memref<5x1000000xf32, #tpu.memory_space<hbm>> -> memref<5x3968xf32, #tpu.memory_space<hbm>>
    %dma_start3A_185 = arith.constant 0 : i32
    %dma_start3A_186 = tpu.memref_slice %arg2[%dma_start3A_185, %mul3A_182] : memref<5x1000000xf32, #tpu.memory_space<hbm>> -> memref<5x3968xf32, #tpu.memory_space<hbm>>
    tpu.enqueue_dma source(%dma_start3A_186 : memref<5x3968xf32, #tpu.memory_space<hbm>>) target(%arg5 : memref<5x3968xf32, #tpu.memory_space<vmem>>) target_semaphore(%arg12 : memref<!tpu.dma_semaphore, #tpu.memory_space<semaphore_mem>>)
    %add3A_187 = arith.constant 128 : i32
    %add3A_188 = arith.addi %add3A, %add3A_187 : i32
    %mul3A_189 = arith.constant 3968 : i32
    %mul3A_190 = arith.muli %add3A_188, %mul3A_189 : i32
    %dma_start3A_191 = tpu.memref_slice %arg3[%mul3A_190] : memref<1000000xi32, #tpu.memory_space<hbm>> -> memref<3968xi32, #tpu.memory_space<hbm>>
    %dma_start3A_192 = tpu.memref_slice %arg3[%mul3A_190] : memref<1000000xi32, #tpu.memory_space<hbm>> -> memref<3968xi32, #tpu.memory_space<hbm>>
    tpu.enqueue_dma source(%dma_start3A_192 : memref<3968xi32, #tpu.memory_space<hbm>>) target(%arg7 : memref<3968xi32, #tpu.memory_space<vmem>>) target_semaphore(%arg14 : memref<!tpu.dma_semaphore, #tpu.memory_space<semaphore_mem>>)
    %parallel_loop3A_193 = arith.constant 0 : i32
    %parallel_loop3A_194 = arith.constant 248 : i32
    %parallel_loop3A_195 = arith.constant 1 : i32
    scf.for %parallel_loop3A_286 = %parallel_loop3A_193 to %parallel_loop3A_194 step %parallel_loop3A_195  : i32 {
      %parallel_loop3A_287 = arith.constant 16 : i32
      %parallel_loop3A_288 = arith.muli %parallel_loop3A_286, %parallel_loop3A_287 : i32
      %parallel_loop3A_289 = arith.constant 0 : i32
      %parallel_loop3A_290 = arith.index_cast %parallel_loop3A_289 : i32 to index
      %parallel_loop3A_291 = arith.index_cast %parallel_loop3A_288 : i32 to index
      %parallel_loop3A_292 = tpu.vector_load %arg6[%parallel_loop3A_290, %parallel_loop3A_291] {strides = array<i32>} : memref<5x3968xf32, #tpu.memory_space<vmem>>, vector<16xf32>,
      %parallel_loop3A_293 = arith.constant 1 : i32
      %parallel_loop3A_294 = arith.index_cast %parallel_loop3A_293 : i32 to index
      %parallel_loop3A_295 = arith.index_cast %parallel_loop3A_288 : i32 to index
      %parallel_loop3A_296 = tpu.vector_load %arg6[%parallel_loop3A_294, %parallel_loop3A_295] {strides = array<i32>} : memref<5x3968xf32, #tpu.memory_space<vmem>>, vector<16xf32>,
      %parallel_loop3A_297 = arith.constant 2 : i32
      %parallel_loop3A_298 = arith.index_cast %parallel_loop3A_297 : i32 to index
      %parallel_loop3A_299 = arith.index_cast %parallel_loop3A_288 : i32 to index
      %parallel_loop3A_300 = tpu.vector_load %arg6[%parallel_loop3A_298, %parallel_loop3A_299] {strides = array<i32>} : memref<5x3968xf32, #tpu.memory_space<vmem>>, vector<16xf32>,
      %parallel_loop3A_301 = arith.constant 3 : i32
      %parallel_loop3A_302 = arith.index_cast %parallel_loop3A_301 : i32 to index
      %parallel_loop3A_303 = arith.index_cast %parallel_loop3A_288 : i32 to index
      %parallel_loop3A_304 = tpu.vector_load %arg6[%parallel_loop3A_302, %parallel_loop3A_303] {strides = array<i32>} : memref<5x3968xf32, #tpu.memory_space<vmem>>, vector<16xf32>,
      %parallel_loop3A_305 = arith.constant 4 : i32
      %parallel_loop3A_306 = arith.index_cast %parallel_loop3A_305 : i32 to index
      %parallel_loop3A_307 = arith.index_cast %parallel_loop3A_288 : i32 to index
      %parallel_loop3A_308 = tpu.vector_load %arg6[%parallel_loop3A_306, %parallel_loop3A_307] {strides = array<i32>} : memref<5x3968xf32, #tpu.memory_space<vmem>>, vector<16xf32>,
      %parallel_loop3A_309 = arith.index_cast %parallel_loop3A_288 : i32 to index
      %parallel_loop3A_310 = tpu.vector_load %arg8[%parallel_loop3A_309] {strides = array<i32>} : memref<3968xi32, #tpu.memory_space<vmem>>, vector<16xi32>,
      %parallel_loop3A_311 = arith.constant 0 : i32
      %parallel_loop3A_312 = vector.broadcast %parallel_loop3A_311 : i32 to vector<16xi32>
      %parallel_loop3A_313 = arith.cmpf ogt, %parallel_loop3A_300, %parallel_loop3A_292 : vector<16xf32>
      %parallel_loop3A_314 = arith.constant 2 : i32
      %parallel_loop3A_315 = vector.broadcast %parallel_loop3A_314 : i32 to vector<16xi32>
      %parallel_loop3A_316 = arith.select %parallel_loop3A_313, %parallel_loop3A_315, %parallel_loop3A_312 : vector<16xi1>, vector<16xi32>
      %parallel_loop3A_317 = arith.maximumf %parallel_loop3A_292, %parallel_loop3A_300 : vector<16xf32>
      %parallel_loop3A_318 = arith.cmpf ogt, %parallel_loop3A_304, %parallel_loop3A_317 : vector<16xf32>
      %parallel_loop3A_319 = arith.constant 3 : i32
      %parallel_loop3A_320 = vector.broadcast %parallel_loop3A_319 : i32 to vector<16xi32>
      %parallel_loop3A_321 = arith.select %parallel_loop3A_318, %parallel_loop3A_320, %parallel_loop3A_316 : vector<16xi1>, vector<16xi32>
      %parallel_loop3A_322 = arith.maximumf %parallel_loop3A_317, %parallel_loop3A_304 : vector<16xf32>
      %parallel_loop3A_323 = arith.cmpf ogt, %parallel_loop3A_308, %parallel_loop3A_322 : vector<16xf32>
      %parallel_loop3A_324 = arith.constant 4 : i32
      %parallel_loop3A_325 = vector.broadcast %parallel_loop3A_324 : i32 to vector<16xi32>
      %parallel_loop3A_326 = arith.select %parallel_loop3A_323, %parallel_loop3A_325, %parallel_loop3A_321 : vector<16xi1>, vector<16xi32>
      %parallel_loop3A_327 = arith.maximumf %parallel_loop3A_322, %parallel_loop3A_308 : vector<16xf32>
      %parallel_loop3A_328 = arith.maximumf %parallel_loop3A_327, %parallel_loop3A_296 : vector<16xf32>
      %parallel_loop3A_329 = arith.subf %parallel_loop3A_292, %parallel_loop3A_328 : vector<16xf32>
      %parallel_loop3A_330 = math.exp %parallel_loop3A_329 : vector<16xf32>
      %parallel_loop3A_331 = arith.subf %parallel_loop3A_296, %parallel_loop3A_328 : vector<16xf32>
      %parallel_loop3A_332 = math.exp %parallel_loop3A_331 : vector<16xf32>
      %parallel_loop3A_333 = arith.subf %parallel_loop3A_300, %parallel_loop3A_328 : vector<16xf32>
      %parallel_loop3A_334 = math.exp %parallel_loop3A_333 : vector<16xf32>
      %parallel_loop3A_335 = arith.subf %parallel_loop3A_304, %parallel_loop3A_328 : vector<16xf32>
      %parallel_loop3A_336 = math.exp %parallel_loop3A_335 : vector<16xf32>
      %parallel_loop3A_337 = arith.subf %parallel_loop3A_308, %parallel_loop3A_328 : vector<16xf32>
      %parallel_loop3A_338 = math.exp %parallel_loop3A_337 : vector<16xf32>
      %parallel_loop3A_339 = arith.addf %parallel_loop3A_330, %parallel_loop3A_332 : vector<16xf32>
      %parallel_loop3A_340 = arith.addf %parallel_loop3A_334, %parallel_loop3A_336 : vector<16xf32>
      %parallel_loop3A_341 = arith.addf %parallel_loop3A_339, %parallel_loop3A_340 : vector<16xf32>
      %parallel_loop3A_342 = arith.addf %parallel_loop3A_341, %parallel_loop3A_338 : vector<16xf32>
      %parallel_loop3A_343 = arith.maximumf %parallel_loop3A_330, %parallel_loop3A_334 : vector<16xf32>
      %parallel_loop3A_344 = arith.maximumf %parallel_loop3A_336, %parallel_loop3A_338 : vector<16xf32>
      %parallel_loop3A_345 = arith.maximumf %parallel_loop3A_343, %parallel_loop3A_344 : vector<16xf32>
      %parallel_loop3A_346 = arith.divf %parallel_loop3A_345, %parallel_loop3A_342 : vector<16xf32>
      %parallel_loop3A_347 = arith.constant 0.000000e+00 : f32
      %parallel_loop3A_348 = vector.broadcast %parallel_loop3A_347 : f32 to vector<16xf32>
      %parallel_loop3A_349 = arith.cmpf ogt, %parallel_loop3A_346, %parallel_loop3A_348 : vector<16xf32>
      %parallel_loop3A_350 = arith.cmpi eq, %parallel_loop3A_326, %parallel_loop3A_310 : vector<16xi32>
      %parallel_loop3A_351 = arith.constant 1.000000e+00 : f32
      %parallel_loop3A_352 = arith.constant 0.000000e+00 : f32
      %parallel_loop3A_353 = vector.broadcast %parallel_loop3A_351 : f32 to vector<16xf32>
      %parallel_loop3A_354 = vector.broadcast %parallel_loop3A_352 : f32 to vector<16xf32>
      %parallel_loop3A_355 = arith.select %parallel_loop3A_350, %parallel_loop3A_353, %parallel_loop3A_354 : vector<16xi1>, vector<16xf32>
      %parallel_loop3A_356 = arith.constant 1.500000e+01 : f32
      %parallel_loop3A_357 = vector.broadcast %parallel_loop3A_356 : f32 to vector<16xf32>
      %parallel_loop3A_358 = arith.mulf %parallel_loop3A_346, %parallel_loop3A_357 : vector<16xf32>
      %parallel_loop3A_359 = arith.fptosi %parallel_loop3A_358 : vector<16xf32> to vector<16xi32>
      %parallel_loop3A_360 = arith.sitofp %parallel_loop3A_359 : vector<16xi32> to vector<16xf32>
      %parallel_loop3A_361 = arith.constant 0.0666666701 : f32
      %parallel_loop3A_362 = vector.broadcast %parallel_loop3A_361 : f32 to vector<16xf32>
      %parallel_loop3A_363 = arith.mulf %parallel_loop3A_360, %parallel_loop3A_362 : vector<16xf32>
      %parallel_loop3A_364 = arith.cmpf ole, %parallel_loop3A_346, %parallel_loop3A_363 : vector<16xf32>
      %parallel_loop3A_365 = arith.constant 1 : i32
      %parallel_loop3A_366 = arith.constant 0 : i32
      %parallel_loop3A_367 = vector.broadcast %parallel_loop3A_365 : i32 to vector<16xi32>
      %parallel_loop3A_368 = vector.broadcast %parallel_loop3A_366 : i32 to vector<16xi32>
      %parallel_loop3A_369 = arith.select %parallel_loop3A_364, %parallel_loop3A_367, %parallel_loop3A_368 : vector<16xi1>, vector<16xi32>
      %parallel_loop3A_370 = arith.subi %parallel_loop3A_359, %parallel_loop3A_369 : vector<16xi32>
      %parallel_loop3A_371 = arith.constant 16 : i32
      %parallel_loop3A_372 = vector.broadcast %parallel_loop3A_371 : i32 to vector<16xi32>
      %parallel_loop3A_373 = arith.muli %parallel_loop3A_370, %parallel_loop3A_372 : vector<16xi32>
      %parallel_loop3A_374 = arith.addi %parallel_loop3A_373, %iota3A : vector<16xi32>
      tpu.vector_store_idx %arg11[%parallel_loop3A_374], %parallel_loop3A_346 masked %parallel_loop3A_349 {add = true} : memref<480xf32, #tpu.memory_space<vmem>>[vector<16xi32>], vector<16xf32>, vector<16xi1>
      %parallel_loop3A_375 = arith.constant 240 : i32
      %parallel_loop3A_376 = vector.broadcast %parallel_loop3A_375 : i32 to vector<16xi32>
      %parallel_loop3A_377 = arith.addi %parallel_loop3A_374, %parallel_loop3A_376 : vector<16xi32>
      tpu.vector_store_idx %arg11[%parallel_loop3A_377], %parallel_loop3A_355 masked %parallel_loop3A_349 {add = true} : memref<480xf32, #tpu.memory_space<vmem>>[vector<16xi32>], vector<16xf32>, vector<16xi1>
    } {sc.loop_unroll_factor = 4 : i64, sc.parallel_access}
    %add3A_196 = arith.constant 128 : i32
    %add3A_197 = arith.addi %add3A, %add3A_196 : i32
    %mul3A_198 = arith.constant 3968 : i32
    %mul3A_199 = arith.muli %add3A_197, %mul3A_198 : i32
    %dma_wait3A_200 = arith.constant 0 : i32
    %dma_wait3A_201 = tpu.memref_slice %arg2[%dma_wait3A_200, %mul3A_199] : memref<5x1000000xf32, #tpu.memory_space<hbm>> -> memref<5x3968xf32, #tpu.memory_space<hbm>>
    %dma_wait3A_202 = arith.constant 0 : i32
    %dma_wait3A_203 = tpu.memref_slice %arg2[%dma_wait3A_202, %mul3A_199] : memref<5x1000000xf32, #tpu.memory_space<hbm>> -> memref<5x3968xf32, #tpu.memory_space<hbm>>
    tpu.wait_dma2 semaphore(%arg12 : memref<!tpu.dma_semaphore, #tpu.memory_space<semaphore_mem>>) src(%dma_wait3A_203 : memref<5x3968xf32, #tpu.memory_space<hbm>>) dst(%arg5 : memref<5x3968xf32, #tpu.memory_space<vmem>>)
    %add3A_204 = arith.constant 128 : i32
    %add3A_205 = arith.addi %add3A, %add3A_204 : i32
    %mul3A_206 = arith.constant 3968 : i32
    %mul3A_207 = arith.muli %add3A_205, %mul3A_206 : i32
    %dma_wait3A_208 = tpu.memref_slice %arg3[%mul3A_207] : memref<1000000xi32, #tpu.memory_space<hbm>> -> memref<3968xi32, #tpu.memory_space<hbm>>
    %dma_wait3A_209 = tpu.memref_slice %arg3[%mul3A_207] : memref<1000000xi32, #tpu.memory_space<hbm>> -> memref<3968xi32, #tpu.memory_space<hbm>>
    tpu.wait_dma2 semaphore(%arg14 : memref<!tpu.dma_semaphore, #tpu.memory_space<semaphore_mem>>) src(%dma_wait3A_209 : memref<3968xi32, #tpu.memory_space<hbm>>) dst(%arg7 : memref<3968xi32, #tpu.memory_space<vmem>>)
    %add3A_210 = arith.constant 160 : i32
    %add3A_211 = arith.addi %add3A, %add3A_210 : i32
    %mul3A_212 = arith.constant 3968 : i32
    %mul3A_213 = arith.muli %add3A_211, %mul3A_212 : i32
    %dma_start3A_214 = arith.constant 0 : i32
    %dma_start3A_215 = tpu.memref_slice %arg2[%dma_start3A_214, %mul3A_213] : memref<5x1000000xf32, #tpu.memory_space<hbm>> -> memref<5x3968xf32, #tpu.memory_space<hbm>>
    %dma_start3A_216 = arith.constant 0 : i32
    %dma_start3A_217 = tpu.memref_slice %arg2[%dma_start3A_216, %mul3A_213] : memref<5x1000000xf32, #tpu.memory_space<hbm>> -> memref<5x3968xf32, #tpu.memory_space<hbm>>
    tpu.enqueue_dma source(%dma_start3A_217 : memref<5x3968xf32, #tpu.memory_space<hbm>>) target(%arg6 : memref<5x3968xf32, #tpu.memory_space<vmem>>) target_semaphore(%arg13 : memref<!tpu.dma_semaphore, #tpu.memory_space<semaphore_mem>>)
    %add3A_218 = arith.constant 160 : i32
    %add3A_219 = arith.addi %add3A, %add3A_218 : i32
    %mul3A_220 = arith.constant 3968 : i32
    %mul3A_221 = arith.muli %add3A_219, %mul3A_220 : i32
    %dma_start3A_222 = tpu.memref_slice %arg3[%mul3A_221] : memref<1000000xi32, #tpu.memory_space<hbm>> -> memref<3968xi32, #tpu.memory_space<hbm>>
    %dma_start3A_223 = tpu.memref_slice %arg3[%mul3A_221] : memref<1000000xi32, #tpu.memory_space<hbm>> -> memref<3968xi32, #tpu.memory_space<hbm>>
    tpu.enqueue_dma source(%dma_start3A_223 : memref<3968xi32, #tpu.memory_space<hbm>>) target(%arg8 : memref<3968xi32, #tpu.memory_space<vmem>>) target_semaphore(%arg15 : memref<!tpu.dma_semaphore, #tpu.memory_space<semaphore_mem>>)
    %parallel_loop3A_224 = arith.constant 0 : i32
    %parallel_loop3A_225 = arith.constant 248 : i32
    %parallel_loop3A_226 = arith.constant 1 : i32
    scf.for %parallel_loop3A_286 = %parallel_loop3A_224 to %parallel_loop3A_225 step %parallel_loop3A_226  : i32 {
      %parallel_loop3A_287 = arith.constant 16 : i32
      %parallel_loop3A_288 = arith.muli %parallel_loop3A_286, %parallel_loop3A_287 : i32
      %parallel_loop3A_289 = arith.constant 0 : i32
      %parallel_loop3A_290 = arith.index_cast %parallel_loop3A_289 : i32 to index
      %parallel_loop3A_291 = arith.index_cast %parallel_loop3A_288 : i32 to index
      %parallel_loop3A_292 = tpu.vector_load %arg5[%parallel_loop3A_290, %parallel_loop3A_291] {strides = array<i32>} : memref<5x3968xf32, #tpu.memory_space<vmem>>, vector<16xf32>,
      %parallel_loop3A_293 = arith.constant 1 : i32
      %parallel_loop3A_294 = arith.index_cast %parallel_loop3A_293 : i32 to index
      %parallel_loop3A_295 = arith.index_cast %parallel_loop3A_288 : i32 to index
      %parallel_loop3A_296 = tpu.vector_load %arg5[%parallel_loop3A_294, %parallel_loop3A_295] {strides = array<i32>} : memref<5x3968xf32, #tpu.memory_space<vmem>>, vector<16xf32>,
      %parallel_loop3A_297 = arith.constant 2 : i32
      %parallel_loop3A_298 = arith.index_cast %parallel_loop3A_297 : i32 to index
      %parallel_loop3A_299 = arith.index_cast %parallel_loop3A_288 : i32 to index
      %parallel_loop3A_300 = tpu.vector_load %arg5[%parallel_loop3A_298, %parallel_loop3A_299] {strides = array<i32>} : memref<5x3968xf32, #tpu.memory_space<vmem>>, vector<16xf32>,
      %parallel_loop3A_301 = arith.constant 3 : i32
      %parallel_loop3A_302 = arith.index_cast %parallel_loop3A_301 : i32 to index
      %parallel_loop3A_303 = arith.index_cast %parallel_loop3A_288 : i32 to index
      %parallel_loop3A_304 = tpu.vector_load %arg5[%parallel_loop3A_302, %parallel_loop3A_303] {strides = array<i32>} : memref<5x3968xf32, #tpu.memory_space<vmem>>, vector<16xf32>,
      %parallel_loop3A_305 = arith.constant 4 : i32
      %parallel_loop3A_306 = arith.index_cast %parallel_loop3A_305 : i32 to index
      %parallel_loop3A_307 = arith.index_cast %parallel_loop3A_288 : i32 to index
      %parallel_loop3A_308 = tpu.vector_load %arg5[%parallel_loop3A_306, %parallel_loop3A_307] {strides = array<i32>} : memref<5x3968xf32, #tpu.memory_space<vmem>>, vector<16xf32>,
      %parallel_loop3A_309 = arith.index_cast %parallel_loop3A_288 : i32 to index
      %parallel_loop3A_310 = tpu.vector_load %arg7[%parallel_loop3A_309] {strides = array<i32>} : memref<3968xi32, #tpu.memory_space<vmem>>, vector<16xi32>,
      %parallel_loop3A_311 = arith.constant 0 : i32
      %parallel_loop3A_312 = vector.broadcast %parallel_loop3A_311 : i32 to vector<16xi32>
      %parallel_loop3A_313 = arith.cmpf ogt, %parallel_loop3A_300, %parallel_loop3A_292 : vector<16xf32>
      %parallel_loop3A_314 = arith.constant 2 : i32
      %parallel_loop3A_315 = vector.broadcast %parallel_loop3A_314 : i32 to vector<16xi32>
      %parallel_loop3A_316 = arith.select %parallel_loop3A_313, %parallel_loop3A_315, %parallel_loop3A_312 : vector<16xi1>, vector<16xi32>
      %parallel_loop3A_317 = arith.maximumf %parallel_loop3A_292, %parallel_loop3A_300 : vector<16xf32>
      %parallel_loop3A_318 = arith.cmpf ogt, %parallel_loop3A_304, %parallel_loop3A_317 : vector<16xf32>
      %parallel_loop3A_319 = arith.constant 3 : i32
      %parallel_loop3A_320 = vector.broadcast %parallel_loop3A_319 : i32 to vector<16xi32>
      %parallel_loop3A_321 = arith.select %parallel_loop3A_318, %parallel_loop3A_320, %parallel_loop3A_316 : vector<16xi1>, vector<16xi32>
      %parallel_loop3A_322 = arith.maximumf %parallel_loop3A_317, %parallel_loop3A_304 : vector<16xf32>
      %parallel_loop3A_323 = arith.cmpf ogt, %parallel_loop3A_308, %parallel_loop3A_322 : vector<16xf32>
      %parallel_loop3A_324 = arith.constant 4 : i32
      %parallel_loop3A_325 = vector.broadcast %parallel_loop3A_324 : i32 to vector<16xi32>
      %parallel_loop3A_326 = arith.select %parallel_loop3A_323, %parallel_loop3A_325, %parallel_loop3A_321 : vector<16xi1>, vector<16xi32>
      %parallel_loop3A_327 = arith.maximumf %parallel_loop3A_322, %parallel_loop3A_308 : vector<16xf32>
      %parallel_loop3A_328 = arith.maximumf %parallel_loop3A_327, %parallel_loop3A_296 : vector<16xf32>
      %parallel_loop3A_329 = arith.subf %parallel_loop3A_292, %parallel_loop3A_328 : vector<16xf32>
      %parallel_loop3A_330 = math.exp %parallel_loop3A_329 : vector<16xf32>
      %parallel_loop3A_331 = arith.subf %parallel_loop3A_296, %parallel_loop3A_328 : vector<16xf32>
      %parallel_loop3A_332 = math.exp %parallel_loop3A_331 : vector<16xf32>
      %parallel_loop3A_333 = arith.subf %parallel_loop3A_300, %parallel_loop3A_328 : vector<16xf32>
      %parallel_loop3A_334 = math.exp %parallel_loop3A_333 : vector<16xf32>
      %parallel_loop3A_335 = arith.subf %parallel_loop3A_304, %parallel_loop3A_328 : vector<16xf32>
      %parallel_loop3A_336 = math.exp %parallel_loop3A_335 : vector<16xf32>
      %parallel_loop3A_337 = arith.subf %parallel_loop3A_308, %parallel_loop3A_328 : vector<16xf32>
      %parallel_loop3A_338 = math.exp %parallel_loop3A_337 : vector<16xf32>
      %parallel_loop3A_339 = arith.addf %parallel_loop3A_330, %parallel_loop3A_332 : vector<16xf32>
      %parallel_loop3A_340 = arith.addf %parallel_loop3A_334, %parallel_loop3A_336 : vector<16xf32>
      %parallel_loop3A_341 = arith.addf %parallel_loop3A_339, %parallel_loop3A_340 : vector<16xf32>
      %parallel_loop3A_342 = arith.addf %parallel_loop3A_341, %parallel_loop3A_338 : vector<16xf32>
      %parallel_loop3A_343 = arith.maximumf %parallel_loop3A_330, %parallel_loop3A_334 : vector<16xf32>
      %parallel_loop3A_344 = arith.maximumf %parallel_loop3A_336, %parallel_loop3A_338 : vector<16xf32>
      %parallel_loop3A_345 = arith.maximumf %parallel_loop3A_343, %parallel_loop3A_344 : vector<16xf32>
      %parallel_loop3A_346 = arith.divf %parallel_loop3A_345, %parallel_loop3A_342 : vector<16xf32>
      %parallel_loop3A_347 = arith.constant 0.000000e+00 : f32
      %parallel_loop3A_348 = vector.broadcast %parallel_loop3A_347 : f32 to vector<16xf32>
      %parallel_loop3A_349 = arith.cmpf ogt, %parallel_loop3A_346, %parallel_loop3A_348 : vector<16xf32>
      %parallel_loop3A_350 = arith.cmpi eq, %parallel_loop3A_326, %parallel_loop3A_310 : vector<16xi32>
      %parallel_loop3A_351 = arith.constant 1.000000e+00 : f32
      %parallel_loop3A_352 = arith.constant 0.000000e+00 : f32
      %parallel_loop3A_353 = vector.broadcast %parallel_loop3A_351 : f32 to vector<16xf32>
      %parallel_loop3A_354 = vector.broadcast %parallel_loop3A_352 : f32 to vector<16xf32>
      %parallel_loop3A_355 = arith.select %parallel_loop3A_350, %parallel_loop3A_353, %parallel_loop3A_354 : vector<16xi1>, vector<16xf32>
      %parallel_loop3A_356 = arith.constant 1.500000e+01 : f32
      %parallel_loop3A_357 = vector.broadcast %parallel_loop3A_356 : f32 to vector<16xf32>
      %parallel_loop3A_358 = arith.mulf %parallel_loop3A_346, %parallel_loop3A_357 : vector<16xf32>
      %parallel_loop3A_359 = arith.fptosi %parallel_loop3A_358 : vector<16xf32> to vector<16xi32>
      %parallel_loop3A_360 = arith.sitofp %parallel_loop3A_359 : vector<16xi32> to vector<16xf32>
      %parallel_loop3A_361 = arith.constant 0.0666666701 : f32
      %parallel_loop3A_362 = vector.broadcast %parallel_loop3A_361 : f32 to vector<16xf32>
      %parallel_loop3A_363 = arith.mulf %parallel_loop3A_360, %parallel_loop3A_362 : vector<16xf32>
      %parallel_loop3A_364 = arith.cmpf ole, %parallel_loop3A_346, %parallel_loop3A_363 : vector<16xf32>
      %parallel_loop3A_365 = arith.constant 1 : i32
      %parallel_loop3A_366 = arith.constant 0 : i32
      %parallel_loop3A_367 = vector.broadcast %parallel_loop3A_365 : i32 to vector<16xi32>
      %parallel_loop3A_368 = vector.broadcast %parallel_loop3A_366 : i32 to vector<16xi32>
      %parallel_loop3A_369 = arith.select %parallel_loop3A_364, %parallel_loop3A_367, %parallel_loop3A_368 : vector<16xi1>, vector<16xi32>
      %parallel_loop3A_370 = arith.subi %parallel_loop3A_359, %parallel_loop3A_369 : vector<16xi32>
      %parallel_loop3A_371 = arith.constant 16 : i32
      %parallel_loop3A_372 = vector.broadcast %parallel_loop3A_371 : i32 to vector<16xi32>
      %parallel_loop3A_373 = arith.muli %parallel_loop3A_370, %parallel_loop3A_372 : vector<16xi32>
      %parallel_loop3A_374 = arith.addi %parallel_loop3A_373, %iota3A : vector<16xi32>
      tpu.vector_store_idx %arg11[%parallel_loop3A_374], %parallel_loop3A_346 masked %parallel_loop3A_349 {add = true} : memref<480xf32, #tpu.memory_space<vmem>>[vector<16xi32>], vector<16xf32>, vector<16xi1>
      %parallel_loop3A_375 = arith.constant 240 : i32
      %parallel_loop3A_376 = vector.broadcast %parallel_loop3A_375 : i32 to vector<16xi32>
      %parallel_loop3A_377 = arith.addi %parallel_loop3A_374, %parallel_loop3A_376 : vector<16xi32>
      tpu.vector_store_idx %arg11[%parallel_loop3A_377], %parallel_loop3A_355 masked %parallel_loop3A_349 {add = true} : memref<480xf32, #tpu.memory_space<vmem>>[vector<16xi32>], vector<16xf32>, vector<16xi1>
    } {sc.loop_unroll_factor = 4 : i64, sc.parallel_access}
    %add3A_227 = arith.constant 160 : i32
    %add3A_228 = arith.addi %add3A, %add3A_227 : i32
    %mul3A_229 = arith.constant 3968 : i32
    %mul3A_230 = arith.muli %add3A_228, %mul3A_229 : i32
    %dma_wait3A_231 = arith.constant 0 : i32
    %dma_wait3A_232 = tpu.memref_slice %arg2[%dma_wait3A_231, %mul3A_230] : memref<5x1000000xf32, #tpu.memory_space<hbm>> -> memref<5x3968xf32, #tpu.memory_space<hbm>>
    %dma_wait3A_233 = arith.constant 0 : i32
    %dma_wait3A_234 = tpu.memref_slice %arg2[%dma_wait3A_233, %mul3A_230] : memref<5x1000000xf32, #tpu.memory_space<hbm>> -> memref<5x3968xf32, #tpu.memory_space<hbm>>
    tpu.wait_dma2 semaphore(%arg13 : memref<!tpu.dma_semaphore, #tpu.memory_space<semaphore_mem>>) src(%dma_wait3A_234 : memref<5x3968xf32, #tpu.memory_space<hbm>>) dst(%arg6 : memref<5x3968xf32, #tpu.memory_space<vmem>>)
    %add3A_235 = arith.constant 160 : i32
    %add3A_236 = arith.addi %add3A, %add3A_235 : i32
    %mul3A_237 = arith.constant 3968 : i32
    %mul3A_238 = arith.muli %add3A_236, %mul3A_237 : i32
    %dma_wait3A_239 = tpu.memref_slice %arg3[%mul3A_238] : memref<1000000xi32, #tpu.memory_space<hbm>> -> memref<3968xi32, #tpu.memory_space<hbm>>
    %dma_wait3A_240 = tpu.memref_slice %arg3[%mul3A_238] : memref<1000000xi32, #tpu.memory_space<hbm>> -> memref<3968xi32, #tpu.memory_space<hbm>>
    tpu.wait_dma2 semaphore(%arg15 : memref<!tpu.dma_semaphore, #tpu.memory_space<semaphore_mem>>) src(%dma_wait3A_240 : memref<3968xi32, #tpu.memory_space<hbm>>) dst(%arg8 : memref<3968xi32, #tpu.memory_space<vmem>>)
    %add3A_241 = arith.constant 192 : i32
    %add3A_242 = arith.addi %add3A, %add3A_241 : i32
    %mul3A_243 = arith.constant 3968 : i32
    %mul3A_244 = arith.muli %add3A_242, %mul3A_243 : i32
    %dma_start3A_245 = arith.constant 0 : i32
    %dma_start3A_246 = tpu.memref_slice %arg2[%dma_start3A_245, %mul3A_244] : memref<5x1000000xf32, #tpu.memory_space<hbm>> -> memref<5x3968xf32, #tpu.memory_space<hbm>>
    %dma_start3A_247 = arith.constant 0 : i32
    %dma_start3A_248 = tpu.memref_slice %arg2[%dma_start3A_247, %mul3A_244] : memref<5x1000000xf32, #tpu.memory_space<hbm>> -> memref<5x3968xf32, #tpu.memory_space<hbm>>
    tpu.enqueue_dma source(%dma_start3A_248 : memref<5x3968xf32, #tpu.memory_space<hbm>>) target(%arg5 : memref<5x3968xf32, #tpu.memory_space<vmem>>) target_semaphore(%arg12 : memref<!tpu.dma_semaphore, #tpu.memory_space<semaphore_mem>>)
    %add3A_249 = arith.constant 192 : i32
    %add3A_250 = arith.addi %add3A, %add3A_249 : i32
    %mul3A_251 = arith.constant 3968 : i32
    %mul3A_252 = arith.muli %add3A_250, %mul3A_251 : i32
    %dma_start3A_253 = tpu.memref_slice %arg3[%mul3A_252] : memref<1000000xi32, #tpu.memory_space<hbm>> -> memref<3968xi32, #tpu.memory_space<hbm>>
    %dma_start3A_254 = tpu.memref_slice %arg3[%mul3A_252] : memref<1000000xi32, #tpu.memory_space<hbm>> -> memref<3968xi32, #tpu.memory_space<hbm>>
    tpu.enqueue_dma source(%dma_start3A_254 : memref<3968xi32, #tpu.memory_space<hbm>>) target(%arg7 : memref<3968xi32, #tpu.memory_space<vmem>>) target_semaphore(%arg14 : memref<!tpu.dma_semaphore, #tpu.memory_space<semaphore_mem>>)
    %parallel_loop3A_255 = arith.constant 0 : i32
    %parallel_loop3A_256 = arith.constant 248 : i32
    %parallel_loop3A_257 = arith.constant 1 : i32
    scf.for %parallel_loop3A_286 = %parallel_loop3A_255 to %parallel_loop3A_256 step %parallel_loop3A_257  : i32 {
      %parallel_loop3A_287 = arith.constant 16 : i32
      %parallel_loop3A_288 = arith.muli %parallel_loop3A_286, %parallel_loop3A_287 : i32
      %parallel_loop3A_289 = arith.constant 0 : i32
      %parallel_loop3A_290 = arith.index_cast %parallel_loop3A_289 : i32 to index
      %parallel_loop3A_291 = arith.index_cast %parallel_loop3A_288 : i32 to index
      %parallel_loop3A_292 = tpu.vector_load %arg6[%parallel_loop3A_290, %parallel_loop3A_291] {strides = array<i32>} : memref<5x3968xf32, #tpu.memory_space<vmem>>, vector<16xf32>,
      %parallel_loop3A_293 = arith.constant 1 : i32
      %parallel_loop3A_294 = arith.index_cast %parallel_loop3A_293 : i32 to index
      %parallel_loop3A_295 = arith.index_cast %parallel_loop3A_288 : i32 to index
      %parallel_loop3A_296 = tpu.vector_load %arg6[%parallel_loop3A_294, %parallel_loop3A_295] {strides = array<i32>} : memref<5x3968xf32, #tpu.memory_space<vmem>>, vector<16xf32>,
      %parallel_loop3A_297 = arith.constant 2 : i32
      %parallel_loop3A_298 = arith.index_cast %parallel_loop3A_297 : i32 to index
      %parallel_loop3A_299 = arith.index_cast %parallel_loop3A_288 : i32 to index
      %parallel_loop3A_300 = tpu.vector_load %arg6[%parallel_loop3A_298, %parallel_loop3A_299] {strides = array<i32>} : memref<5x3968xf32, #tpu.memory_space<vmem>>, vector<16xf32>,
      %parallel_loop3A_301 = arith.constant 3 : i32
      %parallel_loop3A_302 = arith.index_cast %parallel_loop3A_301 : i32 to index
      %parallel_loop3A_303 = arith.index_cast %parallel_loop3A_288 : i32 to index
      %parallel_loop3A_304 = tpu.vector_load %arg6[%parallel_loop3A_302, %parallel_loop3A_303] {strides = array<i32>} : memref<5x3968xf32, #tpu.memory_space<vmem>>, vector<16xf32>,
      %parallel_loop3A_305 = arith.constant 4 : i32
      %parallel_loop3A_306 = arith.index_cast %parallel_loop3A_305 : i32 to index
      %parallel_loop3A_307 = arith.index_cast %parallel_loop3A_288 : i32 to index
      %parallel_loop3A_308 = tpu.vector_load %arg6[%parallel_loop3A_306, %parallel_loop3A_307] {strides = array<i32>} : memref<5x3968xf32, #tpu.memory_space<vmem>>, vector<16xf32>,
      %parallel_loop3A_309 = arith.index_cast %parallel_loop3A_288 : i32 to index
      %parallel_loop3A_310 = tpu.vector_load %arg8[%parallel_loop3A_309] {strides = array<i32>} : memref<3968xi32, #tpu.memory_space<vmem>>, vector<16xi32>,
      %parallel_loop3A_311 = arith.constant 0 : i32
      %parallel_loop3A_312 = vector.broadcast %parallel_loop3A_311 : i32 to vector<16xi32>
      %parallel_loop3A_313 = arith.cmpf ogt, %parallel_loop3A_300, %parallel_loop3A_292 : vector<16xf32>
      %parallel_loop3A_314 = arith.constant 2 : i32
      %parallel_loop3A_315 = vector.broadcast %parallel_loop3A_314 : i32 to vector<16xi32>
      %parallel_loop3A_316 = arith.select %parallel_loop3A_313, %parallel_loop3A_315, %parallel_loop3A_312 : vector<16xi1>, vector<16xi32>
      %parallel_loop3A_317 = arith.maximumf %parallel_loop3A_292, %parallel_loop3A_300 : vector<16xf32>
      %parallel_loop3A_318 = arith.cmpf ogt, %parallel_loop3A_304, %parallel_loop3A_317 : vector<16xf32>
      %parallel_loop3A_319 = arith.constant 3 : i32
      %parallel_loop3A_320 = vector.broadcast %parallel_loop3A_319 : i32 to vector<16xi32>
      %parallel_loop3A_321 = arith.select %parallel_loop3A_318, %parallel_loop3A_320, %parallel_loop3A_316 : vector<16xi1>, vector<16xi32>
      %parallel_loop3A_322 = arith.maximumf %parallel_loop3A_317, %parallel_loop3A_304 : vector<16xf32>
      %parallel_loop3A_323 = arith.cmpf ogt, %parallel_loop3A_308, %parallel_loop3A_322 : vector<16xf32>
      %parallel_loop3A_324 = arith.constant 4 : i32
      %parallel_loop3A_325 = vector.broadcast %parallel_loop3A_324 : i32 to vector<16xi32>
      %parallel_loop3A_326 = arith.select %parallel_loop3A_323, %parallel_loop3A_325, %parallel_loop3A_321 : vector<16xi1>, vector<16xi32>
      %parallel_loop3A_327 = arith.maximumf %parallel_loop3A_322, %parallel_loop3A_308 : vector<16xf32>
      %parallel_loop3A_328 = arith.maximumf %parallel_loop3A_327, %parallel_loop3A_296 : vector<16xf32>
      %parallel_loop3A_329 = arith.subf %parallel_loop3A_292, %parallel_loop3A_328 : vector<16xf32>
      %parallel_loop3A_330 = math.exp %parallel_loop3A_329 : vector<16xf32>
      %parallel_loop3A_331 = arith.subf %parallel_loop3A_296, %parallel_loop3A_328 : vector<16xf32>
      %parallel_loop3A_332 = math.exp %parallel_loop3A_331 : vector<16xf32>
      %parallel_loop3A_333 = arith.subf %parallel_loop3A_300, %parallel_loop3A_328 : vector<16xf32>
      %parallel_loop3A_334 = math.exp %parallel_loop3A_333 : vector<16xf32>
      %parallel_loop3A_335 = arith.subf %parallel_loop3A_304, %parallel_loop3A_328 : vector<16xf32>
      %parallel_loop3A_336 = math.exp %parallel_loop3A_335 : vector<16xf32>
      %parallel_loop3A_337 = arith.subf %parallel_loop3A_308, %parallel_loop3A_328 : vector<16xf32>
      %parallel_loop3A_338 = math.exp %parallel_loop3A_337 : vector<16xf32>
      %parallel_loop3A_339 = arith.addf %parallel_loop3A_330, %parallel_loop3A_332 : vector<16xf32>
      %parallel_loop3A_340 = arith.addf %parallel_loop3A_334, %parallel_loop3A_336 : vector<16xf32>
      %parallel_loop3A_341 = arith.addf %parallel_loop3A_339, %parallel_loop3A_340 : vector<16xf32>
      %parallel_loop3A_342 = arith.addf %parallel_loop3A_341, %parallel_loop3A_338 : vector<16xf32>
      %parallel_loop3A_343 = arith.maximumf %parallel_loop3A_330, %parallel_loop3A_334 : vector<16xf32>
      %parallel_loop3A_344 = arith.maximumf %parallel_loop3A_336, %parallel_loop3A_338 : vector<16xf32>
      %parallel_loop3A_345 = arith.maximumf %parallel_loop3A_343, %parallel_loop3A_344 : vector<16xf32>
      %parallel_loop3A_346 = arith.divf %parallel_loop3A_345, %parallel_loop3A_342 : vector<16xf32>
      %parallel_loop3A_347 = arith.constant 0.000000e+00 : f32
      %parallel_loop3A_348 = vector.broadcast %parallel_loop3A_347 : f32 to vector<16xf32>
      %parallel_loop3A_349 = arith.cmpf ogt, %parallel_loop3A_346, %parallel_loop3A_348 : vector<16xf32>
      %parallel_loop3A_350 = arith.cmpi eq, %parallel_loop3A_326, %parallel_loop3A_310 : vector<16xi32>
      %parallel_loop3A_351 = arith.constant 1.000000e+00 : f32
      %parallel_loop3A_352 = arith.constant 0.000000e+00 : f32
      %parallel_loop3A_353 = vector.broadcast %parallel_loop3A_351 : f32 to vector<16xf32>
      %parallel_loop3A_354 = vector.broadcast %parallel_loop3A_352 : f32 to vector<16xf32>
      %parallel_loop3A_355 = arith.select %parallel_loop3A_350, %parallel_loop3A_353, %parallel_loop3A_354 : vector<16xi1>, vector<16xf32>
      %parallel_loop3A_356 = arith.constant 1.500000e+01 : f32
      %parallel_loop3A_357 = vector.broadcast %parallel_loop3A_356 : f32 to vector<16xf32>
      %parallel_loop3A_358 = arith.mulf %parallel_loop3A_346, %parallel_loop3A_357 : vector<16xf32>
      %parallel_loop3A_359 = arith.fptosi %parallel_loop3A_358 : vector<16xf32> to vector<16xi32>
      %parallel_loop3A_360 = arith.sitofp %parallel_loop3A_359 : vector<16xi32> to vector<16xf32>
      %parallel_loop3A_361 = arith.constant 0.0666666701 : f32
      %parallel_loop3A_362 = vector.broadcast %parallel_loop3A_361 : f32 to vector<16xf32>
      %parallel_loop3A_363 = arith.mulf %parallel_loop3A_360, %parallel_loop3A_362 : vector<16xf32>
      %parallel_loop3A_364 = arith.cmpf ole, %parallel_loop3A_346, %parallel_loop3A_363 : vector<16xf32>
      %parallel_loop3A_365 = arith.constant 1 : i32
      %parallel_loop3A_366 = arith.constant 0 : i32
      %parallel_loop3A_367 = vector.broadcast %parallel_loop3A_365 : i32 to vector<16xi32>
      %parallel_loop3A_368 = vector.broadcast %parallel_loop3A_366 : i32 to vector<16xi32>
      %parallel_loop3A_369 = arith.select %parallel_loop3A_364, %parallel_loop3A_367, %parallel_loop3A_368 : vector<16xi1>, vector<16xi32>
      %parallel_loop3A_370 = arith.subi %parallel_loop3A_359, %parallel_loop3A_369 : vector<16xi32>
      %parallel_loop3A_371 = arith.constant 16 : i32
      %parallel_loop3A_372 = vector.broadcast %parallel_loop3A_371 : i32 to vector<16xi32>
      %parallel_loop3A_373 = arith.muli %parallel_loop3A_370, %parallel_loop3A_372 : vector<16xi32>
      %parallel_loop3A_374 = arith.addi %parallel_loop3A_373, %iota3A : vector<16xi32>
      tpu.vector_store_idx %arg11[%parallel_loop3A_374], %parallel_loop3A_346 masked %parallel_loop3A_349 {add = true} : memref<480xf32, #tpu.memory_space<vmem>>[vector<16xi32>], vector<16xf32>, vector<16xi1>
      %parallel_loop3A_375 = arith.constant 240 : i32
      %parallel_loop3A_376 = vector.broadcast %parallel_loop3A_375 : i32 to vector<16xi32>
      %parallel_loop3A_377 = arith.addi %parallel_loop3A_374, %parallel_loop3A_376 : vector<16xi32>
      tpu.vector_store_idx %arg11[%parallel_loop3A_377], %parallel_loop3A_355 masked %parallel_loop3A_349 {add = true} : memref<480xf32, #tpu.memory_space<vmem>>[vector<16xi32>], vector<16xf32>, vector<16xi1>
    } {sc.loop_unroll_factor = 4 : i64, sc.parallel_access}
    %add3A_258 = arith.constant 192 : i32
    %add3A_259 = arith.addi %add3A, %add3A_258 : i32
    %mul3A_260 = arith.constant 3968 : i32
    %mul3A_261 = arith.muli %add3A_259, %mul3A_260 : i32
    %dma_wait3A_262 = arith.constant 0 : i32
    %dma_wait3A_263 = tpu.memref_slice %arg2[%dma_wait3A_262, %mul3A_261] : memref<5x1000000xf32, #tpu.memory_space<hbm>> -> memref<5x3968xf32, #tpu.memory_space<hbm>>
    %dma_wait3A_264 = arith.constant 0 : i32
    %dma_wait3A_265 = tpu.memref_slice %arg2[%dma_wait3A_264, %mul3A_261] : memref<5x1000000xf32, #tpu.memory_space<hbm>> -> memref<5x3968xf32, #tpu.memory_space<hbm>>
    tpu.wait_dma2 semaphore(%arg12 : memref<!tpu.dma_semaphore, #tpu.memory_space<semaphore_mem>>) src(%dma_wait3A_265 : memref<5x3968xf32, #tpu.memory_space<hbm>>) dst(%arg5 : memref<5x3968xf32, #tpu.memory_space<vmem>>)
    %add3A_266 = arith.constant 192 : i32
    %add3A_267 = arith.addi %add3A, %add3A_266 : i32
    %mul3A_268 = arith.constant 3968 : i32
    %mul3A_269 = arith.muli %add3A_267, %mul3A_268 : i32
    %dma_wait3A_270 = tpu.memref_slice %arg3[%mul3A_269] : memref<1000000xi32, #tpu.memory_space<hbm>> -> memref<3968xi32, #tpu.memory_space<hbm>>
    %dma_wait3A_271 = tpu.memref_slice %arg3[%mul3A_269] : memref<1000000xi32, #tpu.memory_space<hbm>> -> memref<3968xi32, #tpu.memory_space<hbm>>
    tpu.wait_dma2 semaphore(%arg14 : memref<!tpu.dma_semaphore, #tpu.memory_space<semaphore_mem>>) src(%dma_wait3A_271 : memref<3968xi32, #tpu.memory_space<hbm>>) dst(%arg7 : memref<3968xi32, #tpu.memory_space<vmem>>)
    %lt3A = arith.constant 28 : i32
    %lt3A_272 = arith.cmpi slt, %add3A, %lt3A : i32
    %convert_element_type3A = arith.extui %lt3A_272 : i1 to i32
    %cond3A = arith.constant 0 : i32
    %cond3A_273 = arith.cmpi ne, %convert_element_type3A, %cond3A : i32
    scf.if %cond3A_273 {
      %add3A_286 = arith.constant 224 : i32
      %add3A_287 = arith.addi %add3A, %add3A_286 : i32
      %mul3A_288 = arith.constant 3968 : i32
      %mul3A_289 = arith.muli %add3A_287, %mul3A_288 : i32
      %dma_start3A_290 = arith.constant 0 : i32
      %dma_start3A_291 = tpu.memref_slice %arg2[%dma_start3A_290, %mul3A_289] : memref<5x1000000xf32, #tpu.memory_space<hbm>> -> memref<5x3968xf32, #tpu.memory_space<hbm>>
      %dma_start3A_292 = arith.constant 0 : i32
      %dma_start3A_293 = tpu.memref_slice %arg2[%dma_start3A_292, %mul3A_289] : memref<5x1000000xf32, #tpu.memory_space<hbm>> -> memref<5x3968xf32, #tpu.memory_space<hbm>>
      tpu.enqueue_dma source(%dma_start3A_293 : memref<5x3968xf32, #tpu.memory_space<hbm>>) target(%arg6 : memref<5x3968xf32, #tpu.memory_space<vmem>>) target_semaphore(%arg13 : memref<!tpu.dma_semaphore, #tpu.memory_space<semaphore_mem>>)
      %add3A_294 = arith.constant 224 : i32
      %add3A_295 = arith.addi %add3A, %add3A_294 : i32
      %mul3A_296 = arith.constant 3968 : i32
      %mul3A_297 = arith.muli %add3A_295, %mul3A_296 : i32
      %dma_start3A_298 = tpu.memref_slice %arg3[%mul3A_297] : memref<1000000xi32, #tpu.memory_space<hbm>> -> memref<3968xi32, #tpu.memory_space<hbm>>
      %dma_start3A_299 = tpu.memref_slice %arg3[%mul3A_297] : memref<1000000xi32, #tpu.memory_space<hbm>> -> memref<3968xi32, #tpu.memory_space<hbm>>
      tpu.enqueue_dma source(%dma_start3A_299 : memref<3968xi32, #tpu.memory_space<hbm>>) target(%arg8 : memref<3968xi32, #tpu.memory_space<vmem>>) target_semaphore(%arg15 : memref<!tpu.dma_semaphore, #tpu.memory_space<semaphore_mem>>)
    } else {
    }
    %parallel_loop3A_274 = arith.constant 0 : i32
    %parallel_loop3A_275 = arith.constant 248 : i32
    %parallel_loop3A_276 = arith.constant 1 : i32
    scf.for %parallel_loop3A_286 = %parallel_loop3A_274 to %parallel_loop3A_275 step %parallel_loop3A_276  : i32 {
      %parallel_loop3A_287 = arith.constant 16 : i32
      %parallel_loop3A_288 = arith.muli %parallel_loop3A_286, %parallel_loop3A_287 : i32
      %parallel_loop3A_289 = arith.constant 0 : i32
      %parallel_loop3A_290 = arith.index_cast %parallel_loop3A_289 : i32 to index
      %parallel_loop3A_291 = arith.index_cast %parallel_loop3A_288 : i32 to index
      %parallel_loop3A_292 = tpu.vector_load %arg5[%parallel_loop3A_290, %parallel_loop3A_291] {strides = array<i32>} : memref<5x3968xf32, #tpu.memory_space<vmem>>, vector<16xf32>,
      %parallel_loop3A_293 = arith.constant 1 : i32
      %parallel_loop3A_294 = arith.index_cast %parallel_loop3A_293 : i32 to index
      %parallel_loop3A_295 = arith.index_cast %parallel_loop3A_288 : i32 to index
      %parallel_loop3A_296 = tpu.vector_load %arg5[%parallel_loop3A_294, %parallel_loop3A_295] {strides = array<i32>} : memref<5x3968xf32, #tpu.memory_space<vmem>>, vector<16xf32>,
      %parallel_loop3A_297 = arith.constant 2 : i32
      %parallel_loop3A_298 = arith.index_cast %parallel_loop3A_297 : i32 to index
      %parallel_loop3A_299 = arith.index_cast %parallel_loop3A_288 : i32 to index
      %parallel_loop3A_300 = tpu.vector_load %arg5[%parallel_loop3A_298, %parallel_loop3A_299] {strides = array<i32>} : memref<5x3968xf32, #tpu.memory_space<vmem>>, vector<16xf32>,
      %parallel_loop3A_301 = arith.constant 3 : i32
      %parallel_loop3A_302 = arith.index_cast %parallel_loop3A_301 : i32 to index
      %parallel_loop3A_303 = arith.index_cast %parallel_loop3A_288 : i32 to index
      %parallel_loop3A_304 = tpu.vector_load %arg5[%parallel_loop3A_302, %parallel_loop3A_303] {strides = array<i32>} : memref<5x3968xf32, #tpu.memory_space<vmem>>, vector<16xf32>,
      %parallel_loop3A_305 = arith.constant 4 : i32
      %parallel_loop3A_306 = arith.index_cast %parallel_loop3A_305 : i32 to index
      %parallel_loop3A_307 = arith.index_cast %parallel_loop3A_288 : i32 to index
      %parallel_loop3A_308 = tpu.vector_load %arg5[%parallel_loop3A_306, %parallel_loop3A_307] {strides = array<i32>} : memref<5x3968xf32, #tpu.memory_space<vmem>>, vector<16xf32>,
      %parallel_loop3A_309 = arith.index_cast %parallel_loop3A_288 : i32 to index
      %parallel_loop3A_310 = tpu.vector_load %arg7[%parallel_loop3A_309] {strides = array<i32>} : memref<3968xi32, #tpu.memory_space<vmem>>, vector<16xi32>,
      %parallel_loop3A_311 = arith.constant 0 : i32
      %parallel_loop3A_312 = vector.broadcast %parallel_loop3A_311 : i32 to vector<16xi32>
      %parallel_loop3A_313 = arith.cmpf ogt, %parallel_loop3A_300, %parallel_loop3A_292 : vector<16xf32>
      %parallel_loop3A_314 = arith.constant 2 : i32
      %parallel_loop3A_315 = vector.broadcast %parallel_loop3A_314 : i32 to vector<16xi32>
      %parallel_loop3A_316 = arith.select %parallel_loop3A_313, %parallel_loop3A_315, %parallel_loop3A_312 : vector<16xi1>, vector<16xi32>
      %parallel_loop3A_317 = arith.maximumf %parallel_loop3A_292, %parallel_loop3A_300 : vector<16xf32>
      %parallel_loop3A_318 = arith.cmpf ogt, %parallel_loop3A_304, %parallel_loop3A_317 : vector<16xf32>
      %parallel_loop3A_319 = arith.constant 3 : i32
      %parallel_loop3A_320 = vector.broadcast %parallel_loop3A_319 : i32 to vector<16xi32>
      %parallel_loop3A_321 = arith.select %parallel_loop3A_318, %parallel_loop3A_320, %parallel_loop3A_316 : vector<16xi1>, vector<16xi32>
      %parallel_loop3A_322 = arith.maximumf %parallel_loop3A_317, %parallel_loop3A_304 : vector<16xf32>
      %parallel_loop3A_323 = arith.cmpf ogt, %parallel_loop3A_308, %parallel_loop3A_322 : vector<16xf32>
      %parallel_loop3A_324 = arith.constant 4 : i32
      %parallel_loop3A_325 = vector.broadcast %parallel_loop3A_324 : i32 to vector<16xi32>
      %parallel_loop3A_326 = arith.select %parallel_loop3A_323, %parallel_loop3A_325, %parallel_loop3A_321 : vector<16xi1>, vector<16xi32>
      %parallel_loop3A_327 = arith.maximumf %parallel_loop3A_322, %parallel_loop3A_308 : vector<16xf32>
      %parallel_loop3A_328 = arith.maximumf %parallel_loop3A_327, %parallel_loop3A_296 : vector<16xf32>
      %parallel_loop3A_329 = arith.subf %parallel_loop3A_292, %parallel_loop3A_328 : vector<16xf32>
      %parallel_loop3A_330 = math.exp %parallel_loop3A_329 : vector<16xf32>
      %parallel_loop3A_331 = arith.subf %parallel_loop3A_296, %parallel_loop3A_328 : vector<16xf32>
      %parallel_loop3A_332 = math.exp %parallel_loop3A_331 : vector<16xf32>
      %parallel_loop3A_333 = arith.subf %parallel_loop3A_300, %parallel_loop3A_328 : vector<16xf32>
      %parallel_loop3A_334 = math.exp %parallel_loop3A_333 : vector<16xf32>
      %parallel_loop3A_335 = arith.subf %parallel_loop3A_304, %parallel_loop3A_328 : vector<16xf32>
      %parallel_loop3A_336 = math.exp %parallel_loop3A_335 : vector<16xf32>
      %parallel_loop3A_337 = arith.subf %parallel_loop3A_308, %parallel_loop3A_328 : vector<16xf32>
      %parallel_loop3A_338 = math.exp %parallel_loop3A_337 : vector<16xf32>
      %parallel_loop3A_339 = arith.addf %parallel_loop3A_330, %parallel_loop3A_332 : vector<16xf32>
      %parallel_loop3A_340 = arith.addf %parallel_loop3A_334, %parallel_loop3A_336 : vector<16xf32>
      %parallel_loop3A_341 = arith.addf %parallel_loop3A_339, %parallel_loop3A_340 : vector<16xf32>
      %parallel_loop3A_342 = arith.addf %parallel_loop3A_341, %parallel_loop3A_338 : vector<16xf32>
      %parallel_loop3A_343 = arith.maximumf %parallel_loop3A_330, %parallel_loop3A_334 : vector<16xf32>
      %parallel_loop3A_344 = arith.maximumf %parallel_loop3A_336, %parallel_loop3A_338 : vector<16xf32>
      %parallel_loop3A_345 = arith.maximumf %parallel_loop3A_343, %parallel_loop3A_344 : vector<16xf32>
      %parallel_loop3A_346 = arith.divf %parallel_loop3A_345, %parallel_loop3A_342 : vector<16xf32>
      %parallel_loop3A_347 = arith.constant 0.000000e+00 : f32
      %parallel_loop3A_348 = vector.broadcast %parallel_loop3A_347 : f32 to vector<16xf32>
      %parallel_loop3A_349 = arith.cmpf ogt, %parallel_loop3A_346, %parallel_loop3A_348 : vector<16xf32>
      %parallel_loop3A_350 = arith.cmpi eq, %parallel_loop3A_326, %parallel_loop3A_310 : vector<16xi32>
      %parallel_loop3A_351 = arith.constant 1.000000e+00 : f32
      %parallel_loop3A_352 = arith.constant 0.000000e+00 : f32
      %parallel_loop3A_353 = vector.broadcast %parallel_loop3A_351 : f32 to vector<16xf32>
      %parallel_loop3A_354 = vector.broadcast %parallel_loop3A_352 : f32 to vector<16xf32>
      %parallel_loop3A_355 = arith.select %parallel_loop3A_350, %parallel_loop3A_353, %parallel_loop3A_354 : vector<16xi1>, vector<16xf32>
      %parallel_loop3A_356 = arith.constant 1.500000e+01 : f32
      %parallel_loop3A_357 = vector.broadcast %parallel_loop3A_356 : f32 to vector<16xf32>
      %parallel_loop3A_358 = arith.mulf %parallel_loop3A_346, %parallel_loop3A_357 : vector<16xf32>
      %parallel_loop3A_359 = arith.fptosi %parallel_loop3A_358 : vector<16xf32> to vector<16xi32>
      %parallel_loop3A_360 = arith.sitofp %parallel_loop3A_359 : vector<16xi32> to vector<16xf32>
      %parallel_loop3A_361 = arith.constant 0.0666666701 : f32
      %parallel_loop3A_362 = vector.broadcast %parallel_loop3A_361 : f32 to vector<16xf32>
      %parallel_loop3A_363 = arith.mulf %parallel_loop3A_360, %parallel_loop3A_362 : vector<16xf32>
      %parallel_loop3A_364 = arith.cmpf ole, %parallel_loop3A_346, %parallel_loop3A_363 : vector<16xf32>
      %parallel_loop3A_365 = arith.constant 1 : i32
      %parallel_loop3A_366 = arith.constant 0 : i32
      %parallel_loop3A_367 = vector.broadcast %parallel_loop3A_365 : i32 to vector<16xi32>
      %parallel_loop3A_368 = vector.broadcast %parallel_loop3A_366 : i32 to vector<16xi32>
      %parallel_loop3A_369 = arith.select %parallel_loop3A_364, %parallel_loop3A_367, %parallel_loop3A_368 : vector<16xi1>, vector<16xi32>
      %parallel_loop3A_370 = arith.subi %parallel_loop3A_359, %parallel_loop3A_369 : vector<16xi32>
      %parallel_loop3A_371 = arith.constant 16 : i32
      %parallel_loop3A_372 = vector.broadcast %parallel_loop3A_371 : i32 to vector<16xi32>
      %parallel_loop3A_373 = arith.muli %parallel_loop3A_370, %parallel_loop3A_372 : vector<16xi32>
      %parallel_loop3A_374 = arith.addi %parallel_loop3A_373, %iota3A : vector<16xi32>
      tpu.vector_store_idx %arg11[%parallel_loop3A_374], %parallel_loop3A_346 masked %parallel_loop3A_349 {add = true} : memref<480xf32, #tpu.memory_space<vmem>>[vector<16xi32>], vector<16xf32>, vector<16xi1>
      %parallel_loop3A_375 = arith.constant 240 : i32
      %parallel_loop3A_376 = vector.broadcast %parallel_loop3A_375 : i32 to vector<16xi32>
      %parallel_loop3A_377 = arith.addi %parallel_loop3A_374, %parallel_loop3A_376 : vector<16xi32>
      tpu.vector_store_idx %arg11[%parallel_loop3A_377], %parallel_loop3A_355 masked %parallel_loop3A_349 {add = true} : memref<480xf32, #tpu.memory_space<vmem>>[vector<16xi32>], vector<16xf32>, vector<16xi1>
    } {sc.loop_unroll_factor = 4 : i64, sc.parallel_access}
    %lt3A_277 = arith.constant 28 : i32
    %lt3A_278 = arith.cmpi slt, %add3A, %lt3A_277 : i32
    %convert_element_type3A_279 = arith.extui %lt3A_278 : i1 to i32
    %cond3A_280 = arith.constant 0 : i32
    %cond3A_281 = arith.cmpi ne, %convert_element_type3A_279, %cond3A_280 : i32
    scf.if %cond3A_281 {
      %add3A_286 = arith.constant 224 : i32
      %add3A_287 = arith.addi %add3A, %add3A_286 : i32
      %mul3A_288 = arith.constant 3968 : i32
      %mul3A_289 = arith.muli %add3A_287, %mul3A_288 : i32
      %dma_wait3A_290 = arith.constant 0 : i32
      %dma_wait3A_291 = tpu.memref_slice %arg2[%dma_wait3A_290, %mul3A_289] : memref<5x1000000xf32, #tpu.memory_space<hbm>> -> memref<5x3968xf32, #tpu.memory_space<hbm>>
      %dma_wait3A_292 = arith.constant 0 : i32
      %dma_wait3A_293 = tpu.memref_slice %arg2[%dma_wait3A_292, %mul3A_289] : memref<5x1000000xf32, #tpu.memory_space<hbm>> -> memref<5x3968xf32, #tpu.memory_space<hbm>>
      tpu.wait_dma2 semaphore(%arg13 : memref<!tpu.dma_semaphore, #tpu.memory_space<semaphore_mem>>) src(%dma_wait3A_293 : memref<5x3968xf32, #tpu.memory_space<hbm>>) dst(%arg6 : memref<5x3968xf32, #tpu.memory_space<vmem>>)
      %add3A_294 = arith.constant 224 : i32
      %add3A_295 = arith.addi %add3A, %add3A_294 : i32
      %mul3A_296 = arith.constant 3968 : i32
      %mul3A_297 = arith.muli %add3A_295, %mul3A_296 : i32
      %dma_wait3A_298 = tpu.memref_slice %arg3[%mul3A_297] : memref<1000000xi32, #tpu.memory_space<hbm>> -> memref<3968xi32, #tpu.memory_space<hbm>>
      %dma_wait3A_299 = tpu.memref_slice %arg3[%mul3A_297] : memref<1000000xi32, #tpu.memory_space<hbm>> -> memref<3968xi32, #tpu.memory_space<hbm>>
      tpu.wait_dma2 semaphore(%arg15 : memref<!tpu.dma_semaphore, #tpu.memory_space<semaphore_mem>>) src(%dma_wait3A_299 : memref<3968xi32, #tpu.memory_space<hbm>>) dst(%arg8 : memref<3968xi32, #tpu.memory_space<vmem>>)
      %parallel_loop3A_300 = arith.constant 0 : i32
      %parallel_loop3A_301 = arith.constant 248 : i32
      %parallel_loop3A_302 = arith.constant 1 : i32
      scf.for %parallel_loop3A_303 = %parallel_loop3A_300 to %parallel_loop3A_301 step %parallel_loop3A_302  : i32 {
        %parallel_loop3A_304 = arith.constant 16 : i32
        %parallel_loop3A_305 = arith.muli %parallel_loop3A_303, %parallel_loop3A_304 : i32
        %parallel_loop3A_306 = arith.constant 0 : i32
        %parallel_loop3A_307 = arith.index_cast %parallel_loop3A_306 : i32 to index
        %parallel_loop3A_308 = arith.index_cast %parallel_loop3A_305 : i32 to index
        %parallel_loop3A_309 = tpu.vector_load %arg6[%parallel_loop3A_307, %parallel_loop3A_308] {strides = array<i32>} : memref<5x3968xf32, #tpu.memory_space<vmem>>, vector<16xf32>,
        %parallel_loop3A_310 = arith.constant 1 : i32
        %parallel_loop3A_311 = arith.index_cast %parallel_loop3A_310 : i32 to index
        %parallel_loop3A_312 = arith.index_cast %parallel_loop3A_305 : i32 to index
        %parallel_loop3A_313 = tpu.vector_load %arg6[%parallel_loop3A_311, %parallel_loop3A_312] {strides = array<i32>} : memref<5x3968xf32, #tpu.memory_space<vmem>>, vector<16xf32>,
        %parallel_loop3A_314 = arith.constant 2 : i32
        %parallel_loop3A_315 = arith.index_cast %parallel_loop3A_314 : i32 to index
        %parallel_loop3A_316 = arith.index_cast %parallel_loop3A_305 : i32 to index
        %parallel_loop3A_317 = tpu.vector_load %arg6[%parallel_loop3A_315, %parallel_loop3A_316] {strides = array<i32>} : memref<5x3968xf32, #tpu.memory_space<vmem>>, vector<16xf32>,
        %parallel_loop3A_318 = arith.constant 3 : i32
        %parallel_loop3A_319 = arith.index_cast %parallel_loop3A_318 : i32 to index
        %parallel_loop3A_320 = arith.index_cast %parallel_loop3A_305 : i32 to index
        %parallel_loop3A_321 = tpu.vector_load %arg6[%parallel_loop3A_319, %parallel_loop3A_320] {strides = array<i32>} : memref<5x3968xf32, #tpu.memory_space<vmem>>, vector<16xf32>,
        %parallel_loop3A_322 = arith.constant 4 : i32
        %parallel_loop3A_323 = arith.index_cast %parallel_loop3A_322 : i32 to index
        %parallel_loop3A_324 = arith.index_cast %parallel_loop3A_305 : i32 to index
        %parallel_loop3A_325 = tpu.vector_load %arg6[%parallel_loop3A_323, %parallel_loop3A_324] {strides = array<i32>} : memref<5x3968xf32, #tpu.memory_space<vmem>>, vector<16xf32>,
        %parallel_loop3A_326 = arith.index_cast %parallel_loop3A_305 : i32 to index
        %parallel_loop3A_327 = tpu.vector_load %arg8[%parallel_loop3A_326] {strides = array<i32>} : memref<3968xi32, #tpu.memory_space<vmem>>, vector<16xi32>,
        %parallel_loop3A_328 = arith.constant 0 : i32
        %parallel_loop3A_329 = vector.broadcast %parallel_loop3A_328 : i32 to vector<16xi32>
        %parallel_loop3A_330 = arith.cmpf ogt, %parallel_loop3A_317, %parallel_loop3A_309 : vector<16xf32>
        %parallel_loop3A_331 = arith.constant 2 : i32
        %parallel_loop3A_332 = vector.broadcast %parallel_loop3A_331 : i32 to vector<16xi32>
        %parallel_loop3A_333 = arith.select %parallel_loop3A_330, %parallel_loop3A_332, %parallel_loop3A_329 : vector<16xi1>, vector<16xi32>
        %parallel_loop3A_334 = arith.maximumf %parallel_loop3A_309, %parallel_loop3A_317 : vector<16xf32>
        %parallel_loop3A_335 = arith.cmpf ogt, %parallel_loop3A_321, %parallel_loop3A_334 : vector<16xf32>
        %parallel_loop3A_336 = arith.constant 3 : i32
        %parallel_loop3A_337 = vector.broadcast %parallel_loop3A_336 : i32 to vector<16xi32>
        %parallel_loop3A_338 = arith.select %parallel_loop3A_335, %parallel_loop3A_337, %parallel_loop3A_333 : vector<16xi1>, vector<16xi32>
        %parallel_loop3A_339 = arith.maximumf %parallel_loop3A_334, %parallel_loop3A_321 : vector<16xf32>
        %parallel_loop3A_340 = arith.cmpf ogt, %parallel_loop3A_325, %parallel_loop3A_339 : vector<16xf32>
        %parallel_loop3A_341 = arith.constant 4 : i32
        %parallel_loop3A_342 = vector.broadcast %parallel_loop3A_341 : i32 to vector<16xi32>
        %parallel_loop3A_343 = arith.select %parallel_loop3A_340, %parallel_loop3A_342, %parallel_loop3A_338 : vector<16xi1>, vector<16xi32>
        %parallel_loop3A_344 = arith.maximumf %parallel_loop3A_339, %parallel_loop3A_325 : vector<16xf32>
        %parallel_loop3A_345 = arith.maximumf %parallel_loop3A_344, %parallel_loop3A_313 : vector<16xf32>
        %parallel_loop3A_346 = arith.subf %parallel_loop3A_309, %parallel_loop3A_345 : vector<16xf32>
        %parallel_loop3A_347 = math.exp %parallel_loop3A_346 : vector<16xf32>
        %parallel_loop3A_348 = arith.subf %parallel_loop3A_313, %parallel_loop3A_345 : vector<16xf32>
        %parallel_loop3A_349 = math.exp %parallel_loop3A_348 : vector<16xf32>
        %parallel_loop3A_350 = arith.subf %parallel_loop3A_317, %parallel_loop3A_345 : vector<16xf32>
        %parallel_loop3A_351 = math.exp %parallel_loop3A_350 : vector<16xf32>
        %parallel_loop3A_352 = arith.subf %parallel_loop3A_321, %parallel_loop3A_345 : vector<16xf32>
        %parallel_loop3A_353 = math.exp %parallel_loop3A_352 : vector<16xf32>
        %parallel_loop3A_354 = arith.subf %parallel_loop3A_325, %parallel_loop3A_345 : vector<16xf32>
        %parallel_loop3A_355 = math.exp %parallel_loop3A_354 : vector<16xf32>
        %parallel_loop3A_356 = arith.addf %parallel_loop3A_347, %parallel_loop3A_349 : vector<16xf32>
        %parallel_loop3A_357 = arith.addf %parallel_loop3A_351, %parallel_loop3A_353 : vector<16xf32>
        %parallel_loop3A_358 = arith.addf %parallel_loop3A_356, %parallel_loop3A_357 : vector<16xf32>
        %parallel_loop3A_359 = arith.addf %parallel_loop3A_358, %parallel_loop3A_355 : vector<16xf32>
        %parallel_loop3A_360 = arith.maximumf %parallel_loop3A_347, %parallel_loop3A_351 : vector<16xf32>
        %parallel_loop3A_361 = arith.maximumf %parallel_loop3A_353, %parallel_loop3A_355 : vector<16xf32>
        %parallel_loop3A_362 = arith.maximumf %parallel_loop3A_360, %parallel_loop3A_361 : vector<16xf32>
        %parallel_loop3A_363 = arith.divf %parallel_loop3A_362, %parallel_loop3A_359 : vector<16xf32>
        %parallel_loop3A_364 = arith.constant 0.000000e+00 : f32
        %parallel_loop3A_365 = vector.broadcast %parallel_loop3A_364 : f32 to vector<16xf32>
        %parallel_loop3A_366 = arith.cmpf ogt, %parallel_loop3A_363, %parallel_loop3A_365 : vector<16xf32>
        %parallel_loop3A_367 = arith.cmpi eq, %parallel_loop3A_343, %parallel_loop3A_327 : vector<16xi32>
        %parallel_loop3A_368 = arith.constant 1.000000e+00 : f32
        %parallel_loop3A_369 = arith.constant 0.000000e+00 : f32
        %parallel_loop3A_370 = vector.broadcast %parallel_loop3A_368 : f32 to vector<16xf32>
        %parallel_loop3A_371 = vector.broadcast %parallel_loop3A_369 : f32 to vector<16xf32>
        %parallel_loop3A_372 = arith.select %parallel_loop3A_367, %parallel_loop3A_370, %parallel_loop3A_371 : vector<16xi1>, vector<16xf32>
        %parallel_loop3A_373 = arith.constant 1.500000e+01 : f32
        %parallel_loop3A_374 = vector.broadcast %parallel_loop3A_373 : f32 to vector<16xf32>
        %parallel_loop3A_375 = arith.mulf %parallel_loop3A_363, %parallel_loop3A_374 : vector<16xf32>
        %parallel_loop3A_376 = arith.fptosi %parallel_loop3A_375 : vector<16xf32> to vector<16xi32>
        %parallel_loop3A_377 = arith.sitofp %parallel_loop3A_376 : vector<16xi32> to vector<16xf32>
        %parallel_loop3A_378 = arith.constant 0.0666666701 : f32
        %parallel_loop3A_379 = vector.broadcast %parallel_loop3A_378 : f32 to vector<16xf32>
        %parallel_loop3A_380 = arith.mulf %parallel_loop3A_377, %parallel_loop3A_379 : vector<16xf32>
        %parallel_loop3A_381 = arith.cmpf ole, %parallel_loop3A_363, %parallel_loop3A_380 : vector<16xf32>
        %parallel_loop3A_382 = arith.constant 1 : i32
        %parallel_loop3A_383 = arith.constant 0 : i32
        %parallel_loop3A_384 = vector.broadcast %parallel_loop3A_382 : i32 to vector<16xi32>
        %parallel_loop3A_385 = vector.broadcast %parallel_loop3A_383 : i32 to vector<16xi32>
        %parallel_loop3A_386 = arith.select %parallel_loop3A_381, %parallel_loop3A_384, %parallel_loop3A_385 : vector<16xi1>, vector<16xi32>
        %parallel_loop3A_387 = arith.subi %parallel_loop3A_376, %parallel_loop3A_386 : vector<16xi32>
        %parallel_loop3A_388 = arith.constant 16 : i32
        %parallel_loop3A_389 = vector.broadcast %parallel_loop3A_388 : i32 to vector<16xi32>
        %parallel_loop3A_390 = arith.muli %parallel_loop3A_387, %parallel_loop3A_389 : vector<16xi32>
        %parallel_loop3A_391 = arith.addi %parallel_loop3A_390, %iota3A : vector<16xi32>
        tpu.vector_store_idx %arg11[%parallel_loop3A_391], %parallel_loop3A_363 masked %parallel_loop3A_366 {add = true} : memref<480xf32, #tpu.memory_space<vmem>>[vector<16xi32>], vector<16xf32>, vector<16xi1>
        %parallel_loop3A_392 = arith.constant 240 : i32
        %parallel_loop3A_393 = vector.broadcast %parallel_loop3A_392 : i32 to vector<16xi32>
        %parallel_loop3A_394 = arith.addi %parallel_loop3A_391, %parallel_loop3A_393 : vector<16xi32>
        tpu.vector_store_idx %arg11[%parallel_loop3A_394], %parallel_loop3A_372 masked %parallel_loop3A_366 {add = true} : memref<480xf32, #tpu.memory_space<vmem>>[vector<16xi32>], vector<16xf32>, vector<16xi1>
      } {sc.loop_unroll_factor = 4 : i64, sc.parallel_access}
    } else {
    }
    %eq3A = arith.constant 31 : i32
    %eq3A_282 = arith.cmpi eq, %add3A, %eq3A : i32
    %convert_element_type3A_283 = arith.extui %eq3A_282 : i1 to i32
    %cond3A_284 = arith.constant 0 : i32
    %cond3A_285 = arith.cmpi ne, %convert_element_type3A_283, %cond3A_284 : i32
    scf.if %cond3A_285 {
      "tpu.region"() ({
        %run_scoped3A = tpu.sem_alloc : memref<!tpu.dma_semaphore, #tpu.memory_space<semaphore_mem>>
        %dma_start3A_633 = arith.constant 0 : i32
        %dma_start3A_634 = arith.constant 999936 : i32
        %dma_start3A_635 = tpu.memref_slice %arg2[%dma_start3A_633, %dma_start3A_634] : memref<5x1000000xf32, #tpu.memory_space<hbm>> -> memref<5x64xf32, #tpu.memory_space<hbm>>
        %dma_start3A_636 = arith.constant 0 : i32
        %dma_start3A_637 = arith.constant 999936 : i32
        %dma_start3A_638 = tpu.memref_slice %arg2[%dma_start3A_636, %dma_start3A_637] : memref<5x1000000xf32, #tpu.memory_space<hbm>> -> memref<5x64xf32, #tpu.memory_space<hbm>>
        tpu.enqueue_dma source(%dma_start3A_638 : memref<5x64xf32, #tpu.memory_space<hbm>>) target(%arg9 : memref<5x64xf32, #tpu.memory_space<vmem>>) target_semaphore(%run_scoped3A : memref<!tpu.dma_semaphore, #tpu.memory_space<semaphore_mem>>)
        %dma_wait3A_639 = arith.constant 0 : i32
        %dma_wait3A_640 = arith.constant 999936 : i32
        %dma_wait3A_641 = tpu.memref_slice %arg2[%dma_wait3A_639, %dma_wait3A_640] : memref<5x1000000xf32, #tpu.memory_space<hbm>> -> memref<5x64xf32, #tpu.memory_space<hbm>>
        %dma_wait3A_642 = arith.constant 0 : i32
        %dma_wait3A_643 = arith.constant 999936 : i32
        %dma_wait3A_644 = tpu.memref_slice %arg2[%dma_wait3A_642, %dma_wait3A_643] : memref<5x1000000xf32, #tpu.memory_space<hbm>> -> memref<5x64xf32, #tpu.memory_space<hbm>>
        tpu.wait_dma2 semaphore(%run_scoped3A : memref<!tpu.dma_semaphore, #tpu.memory_space<semaphore_mem>>) src(%dma_wait3A_644 : memref<5x64xf32, #tpu.memory_space<hbm>>) dst(%arg9 : memref<5x64xf32, #tpu.memory_space<vmem>>)
        tpu.yield
      }) : () -> ()
      "tpu.region"() ({
        %run_scoped3A = tpu.sem_alloc : memref<!tpu.dma_semaphore, #tpu.memory_space<semaphore_mem>>
        %dma_start3A_633 = arith.constant 999936 : i32
        %dma_start3A_634 = tpu.memref_slice %arg3[%dma_start3A_633] : memref<1000000xi32, #tpu.memory_space<hbm>> -> memref<64xi32, #tpu.memory_space<hbm>>
        %dma_start3A_635 = arith.constant 999936 : i32
        %dma_start3A_636 = tpu.memref_slice %arg3[%dma_start3A_635] : memref<1000000xi32, #tpu.memory_space<hbm>> -> memref<64xi32, #tpu.memory_space<hbm>>
        tpu.enqueue_dma source(%dma_start3A_636 : memref<64xi32, #tpu.memory_space<hbm>>) target(%arg10 : memref<64xi32, #tpu.memory_space<vmem>>) target_semaphore(%run_scoped3A : memref<!tpu.dma_semaphore, #tpu.memory_space<semaphore_mem>>)
        %dma_wait3A_637 = arith.constant 999936 : i32
        %dma_wait3A_638 = tpu.memref_slice %arg3[%dma_wait3A_637] : memref<1000000xi32, #tpu.memory_space<hbm>> -> memref<64xi32, #tpu.memory_space<hbm>>
        %dma_wait3A_639 = arith.constant 999936 : i32
        %dma_wait3A_640 = tpu.memref_slice %arg3[%dma_wait3A_639] : memref<1000000xi32, #tpu.memory_space<hbm>> -> memref<64xi32, #tpu.memory_space<hbm>>
        tpu.wait_dma2 semaphore(%run_scoped3A : memref<!tpu.dma_semaphore, #tpu.memory_space<semaphore_mem>>) src(%dma_wait3A_640 : memref<64xi32, #tpu.memory_space<hbm>>) dst(%arg10 : memref<64xi32, #tpu.memory_space<vmem>>)
        tpu.yield
      }) : () -> ()
      %get3A = arith.constant 0 : i32
      %get3A_286 = arith.index_cast %get3A : i32 to index
      %get3A_287 = arith.constant 0 : index
      %get3A_288 = tpu.vector_load %arg9[%get3A_286, %get3A_287] {strides = array<i32>} : memref<5x64xf32, #tpu.memory_space<vmem>>, vector<16xf32>,
      %get3A_289 = arith.constant 1 : i32
      %get3A_290 = arith.index_cast %get3A_289 : i32 to index
      %get3A_291 = arith.constant 0 : index
      %get3A_292 = tpu.vector_load %arg9[%get3A_290, %get3A_291] {strides = array<i32>} : memref<5x64xf32, #tpu.memory_space<vmem>>, vector<16xf32>,
      %get3A_293 = arith.constant 2 : i32
      %get3A_294 = arith.index_cast %get3A_293 : i32 to index
      %get3A_295 = arith.constant 0 : index
      %get3A_296 = tpu.vector_load %arg9[%get3A_294, %get3A_295] {strides = array<i32>} : memref<5x64xf32, #tpu.memory_space<vmem>>, vector<16xf32>,
      %get3A_297 = arith.constant 3 : i32
      %get3A_298 = arith.index_cast %get3A_297 : i32 to index
      %get3A_299 = arith.constant 0 : index
      %get3A_300 = tpu.vector_load %arg9[%get3A_298, %get3A_299] {strides = array<i32>} : memref<5x64xf32, #tpu.memory_space<vmem>>, vector<16xf32>,
      %get3A_301 = arith.constant 4 : i32
      %get3A_302 = arith.index_cast %get3A_301 : i32 to index
      %get3A_303 = arith.constant 0 : index
      %get3A_304 = tpu.vector_load %arg9[%get3A_302, %get3A_303] {strides = array<i32>} : memref<5x64xf32, #tpu.memory_space<vmem>>, vector<16xf32>,
      %get3A_305 = arith.constant 0 : index
      %get3A_306 = tpu.vector_load %arg10[%get3A_305] {strides = array<i32>} : memref<64xi32, #tpu.memory_space<vmem>>, vector<16xi32>,
      %broadcast_in_dim3A_307 = arith.constant 0 : i32
      %broadcast_in_dim3A_308 = vector.broadcast %broadcast_in_dim3A_307 : i32 to vector<16xi32>
      %gt3A = arith.cmpf ogt, %get3A_296, %get3A_288 : vector<16xf32>
      %jit3A = arith.constant 2 : i32
      %broadcast_in_dim3A_309 = vector.broadcast %jit3A : i32 to vector<16xi32>
      %select_n3A = arith.select %gt3A, %broadcast_in_dim3A_309, %broadcast_in_dim3A_308 : vector<16xi1>, vector<16xi32>
      %max3A = arith.maximumf %get3A_288, %get3A_296 : vector<16xf32>
      %gt3A_310 = arith.cmpf ogt, %get3A_300, %max3A : vector<16xf32>
      %jit3A_311 = arith.constant 3 : i32
      %broadcast_in_dim3A_312 = vector.broadcast %jit3A_311 : i32 to vector<16xi32>
      %select_n3A_313 = arith.select %gt3A_310, %broadcast_in_dim3A_312, %select_n3A : vector<16xi1>, vector<16xi32>
      %max3A_314 = arith.maximumf %max3A, %get3A_300 : vector<16xf32>
      %gt3A_315 = arith.cmpf ogt, %get3A_304, %max3A_314 : vector<16xf32>
      %jit3A_316 = arith.constant 4 : i32
      %broadcast_in_dim3A_317 = vector.broadcast %jit3A_316 : i32 to vector<16xi32>
      %select_n3A_318 = arith.select %gt3A_315, %broadcast_in_dim3A_317, %select_n3A_313 : vector<16xi1>, vector<16xi32>
      %max3A_319 = arith.maximumf %max3A_314, %get3A_304 : vector<16xf32>
      %max3A_320 = arith.maximumf %max3A_319, %get3A_292 : vector<16xf32>
      %sub3A = arith.subf %get3A_288, %max3A_320 : vector<16xf32>
      %exp3A = math.exp %sub3A : vector<16xf32>
      %sub3A_321 = arith.subf %get3A_292, %max3A_320 : vector<16xf32>
      %exp3A_322 = math.exp %sub3A_321 : vector<16xf32>
      %sub3A_323 = arith.subf %get3A_296, %max3A_320 : vector<16xf32>
      %exp3A_324 = math.exp %sub3A_323 : vector<16xf32>
      %sub3A_325 = arith.subf %get3A_300, %max3A_320 : vector<16xf32>
      %exp3A_326 = math.exp %sub3A_325 : vector<16xf32>
      %sub3A_327 = arith.subf %get3A_304, %max3A_320 : vector<16xf32>
      %exp3A_328 = math.exp %sub3A_327 : vector<16xf32>
      %add3A_329 = arith.addf %exp3A, %exp3A_322 : vector<16xf32>
      %add3A_330 = arith.addf %exp3A_324, %exp3A_326 : vector<16xf32>
      %add3A_331 = arith.addf %add3A_329, %add3A_330 : vector<16xf32>
      %add3A_332 = arith.addf %add3A_331, %exp3A_328 : vector<16xf32>
      %max3A_333 = arith.maximumf %exp3A, %exp3A_324 : vector<16xf32>
      %max3A_334 = arith.maximumf %exp3A_326, %exp3A_328 : vector<16xf32>
      %max3A_335 = arith.maximumf %max3A_333, %max3A_334 : vector<16xf32>
      %div3A = arith.divf %max3A_335, %add3A_332 : vector<16xf32>
      %gt3A_336 = arith.constant 0.000000e+00 : f32
      %gt3A_337 = vector.broadcast %gt3A_336 : f32 to vector<16xf32>
      %gt3A_338 = arith.cmpf ogt, %div3A, %gt3A_337 : vector<16xf32>
      %eq3A_339 = arith.cmpi eq, %select_n3A_318, %get3A_306 : vector<16xi32>
      %jit3A_340 = arith.constant 1.000000e+00 : f32
      %jit3A_341 = arith.constant 0.000000e+00 : f32
      %broadcast_in_dim3A_342 = vector.broadcast %jit3A_340 : f32 to vector<16xf32>
      %broadcast_in_dim3A_343 = vector.broadcast %jit3A_341 : f32 to vector<16xf32>
      %select_n3A_344 = arith.select %eq3A_339, %broadcast_in_dim3A_342, %broadcast_in_dim3A_343 : vector<16xi1>, vector<16xf32>
      %mul3A_345 = arith.constant 1.500000e+01 : f32
      %mul3A_346 = vector.broadcast %mul3A_345 : f32 to vector<16xf32>
      %mul3A_347 = arith.mulf %div3A, %mul3A_346 : vector<16xf32>
      %convert_element_type3A_348 = arith.fptosi %mul3A_347 : vector<16xf32> to vector<16xi32>
      %convert_element_type3A_349 = arith.sitofp %convert_element_type3A_348 : vector<16xi32> to vector<16xf32>
      %mul3A_350 = arith.constant 0.0666666701 : f32
      %mul3A_351 = vector.broadcast %mul3A_350 : f32 to vector<16xf32>
      %mul3A_352 = arith.mulf %convert_element_type3A_349, %mul3A_351 : vector<16xf32>
      %le3A = arith.cmpf ole, %div3A, %mul3A_352 : vector<16xf32>
      %jit3A_353 = arith.constant 1 : i32
      %jit3A_354 = arith.constant 0 : i32
      %broadcast_in_dim3A_355 = vector.broadcast %jit3A_353 : i32 to vector<16xi32>
      %broadcast_in_dim3A_356 = vector.broadcast %jit3A_354 : i32 to vector<16xi32>
      %select_n3A_357 = arith.select %le3A, %broadcast_in_dim3A_355, %broadcast_in_dim3A_356 : vector<16xi1>, vector<16xi32>
      %sub3A_358 = arith.subi %convert_element_type3A_348, %select_n3A_357 : vector<16xi32>
      %mul3A_359 = arith.constant 16 : i32
      %mul3A_360 = vector.broadcast %mul3A_359 : i32 to vector<16xi32>
      %mul3A_361 = arith.muli %sub3A_358, %mul3A_360 : vector<16xi32>
      %add3A_362 = arith.addi %mul3A_361, %iota3A : vector<16xi32>
      tpu.vector_store_idx %arg11[%add3A_362], %div3A masked %gt3A_338 {add = true} : memref<480xf32, #tpu.memory_space<vmem>>[vector<16xi32>], vector<16xf32>, vector<16xi1>
      %add3A_363 = arith.constant 240 : i32
      %add3A_364 = vector.broadcast %add3A_363 : i32 to vector<16xi32>
      %add3A_365 = arith.addi %add3A_362, %add3A_364 : vector<16xi32>
      tpu.vector_store_idx %arg11[%add3A_365], %select_n3A_344 masked %gt3A_338 {add = true} : memref<480xf32, #tpu.memory_space<vmem>>[vector<16xi32>], vector<16xf32>, vector<16xi1>
      %get3A_366 = arith.constant 0 : i32
      %get3A_367 = arith.index_cast %get3A_366 : i32 to index
      %get3A_368 = arith.constant 16 : index
      %get3A_369 = tpu.vector_load %arg9[%get3A_367, %get3A_368] {strides = array<i32>} : memref<5x64xf32, #tpu.memory_space<vmem>>, vector<16xf32>,
      %get3A_370 = arith.constant 1 : i32
      %get3A_371 = arith.index_cast %get3A_370 : i32 to index
      %get3A_372 = arith.constant 16 : index
      %get3A_373 = tpu.vector_load %arg9[%get3A_371, %get3A_372] {strides = array<i32>} : memref<5x64xf32, #tpu.memory_space<vmem>>, vector<16xf32>,
      %get3A_374 = arith.constant 2 : i32
      %get3A_375 = arith.index_cast %get3A_374 : i32 to index
      %get3A_376 = arith.constant 16 : index
      %get3A_377 = tpu.vector_load %arg9[%get3A_375, %get3A_376] {strides = array<i32>} : memref<5x64xf32, #tpu.memory_space<vmem>>, vector<16xf32>,
      %get3A_378 = arith.constant 3 : i32
      %get3A_379 = arith.index_cast %get3A_378 : i32 to index
      %get3A_380 = arith.constant 16 : index
      %get3A_381 = tpu.vector_load %arg9[%get3A_379, %get3A_380] {strides = array<i32>} : memref<5x64xf32, #tpu.memory_space<vmem>>, vector<16xf32>,
      %get3A_382 = arith.constant 4 : i32
      %get3A_383 = arith.index_cast %get3A_382 : i32 to index
      %get3A_384 = arith.constant 16 : index
      %get3A_385 = tpu.vector_load %arg9[%get3A_383, %get3A_384] {strides = array<i32>} : memref<5x64xf32, #tpu.memory_space<vmem>>, vector<16xf32>,
      %get3A_386 = arith.constant 16 : index
      %get3A_387 = tpu.vector_load %arg10[%get3A_386] {strides = array<i32>} : memref<64xi32, #tpu.memory_space<vmem>>, vector<16xi32>,
      %broadcast_in_dim3A_388 = arith.constant 0 : i32
      %broadcast_in_dim3A_389 = vector.broadcast %broadcast_in_dim3A_388 : i32 to vector<16xi32>
      %gt3A_390 = arith.cmpf ogt, %get3A_377, %get3A_369 : vector<16xf32>
      %jit3A_391 = arith.constant 2 : i32
      %broadcast_in_dim3A_392 = vector.broadcast %jit3A_391 : i32 to vector<16xi32>
      %select_n3A_393 = arith.select %gt3A_390, %broadcast_in_dim3A_392, %broadcast_in_dim3A_389 : vector<16xi1>, vector<16xi32>
      %max3A_394 = arith.maximumf %get3A_369, %get3A_377 : vector<16xf32>
      %gt3A_395 = arith.cmpf ogt, %get3A_381, %max3A_394 : vector<16xf32>
      %jit3A_396 = arith.constant 3 : i32
      %broadcast_in_dim3A_397 = vector.broadcast %jit3A_396 : i32 to vector<16xi32>
      %select_n3A_398 = arith.select %gt3A_395, %broadcast_in_dim3A_397, %select_n3A_393 : vector<16xi1>, vector<16xi32>
      %max3A_399 = arith.maximumf %max3A_394, %get3A_381 : vector<16xf32>
      %gt3A_400 = arith.cmpf ogt, %get3A_385, %max3A_399 : vector<16xf32>
      %jit3A_401 = arith.constant 4 : i32
      %broadcast_in_dim3A_402 = vector.broadcast %jit3A_401 : i32 to vector<16xi32>
      %select_n3A_403 = arith.select %gt3A_400, %broadcast_in_dim3A_402, %select_n3A_398 : vector<16xi1>, vector<16xi32>
      %max3A_404 = arith.maximumf %max3A_399, %get3A_385 : vector<16xf32>
      %max3A_405 = arith.maximumf %max3A_404, %get3A_373 : vector<16xf32>
      %sub3A_406 = arith.subf %get3A_369, %max3A_405 : vector<16xf32>
      %exp3A_407 = math.exp %sub3A_406 : vector<16xf32>
      %sub3A_408 = arith.subf %get3A_373, %max3A_405 : vector<16xf32>
      %exp3A_409 = math.exp %sub3A_408 : vector<16xf32>
      %sub3A_410 = arith.subf %get3A_377, %max3A_405 : vector<16xf32>
      %exp3A_411 = math.exp %sub3A_410 : vector<16xf32>
      %sub3A_412 = arith.subf %get3A_381, %max3A_405 : vector<16xf32>
      %exp3A_413 = math.exp %sub3A_412 : vector<16xf32>
      %sub3A_414 = arith.subf %get3A_385, %max3A_405 : vector<16xf32>
      %exp3A_415 = math.exp %sub3A_414 : vector<16xf32>
      %add3A_416 = arith.addf %exp3A_407, %exp3A_409 : vector<16xf32>
      %add3A_417 = arith.addf %exp3A_411, %exp3A_413 : vector<16xf32>
      %add3A_418 = arith.addf %add3A_416, %add3A_417 : vector<16xf32>
      %add3A_419 = arith.addf %add3A_418, %exp3A_415 : vector<16xf32>
      %max3A_420 = arith.maximumf %exp3A_407, %exp3A_411 : vector<16xf32>
      %max3A_421 = arith.maximumf %exp3A_413, %exp3A_415 : vector<16xf32>
      %max3A_422 = arith.maximumf %max3A_420, %max3A_421 : vector<16xf32>
      %div3A_423 = arith.divf %max3A_422, %add3A_419 : vector<16xf32>
      %gt3A_424 = arith.constant 0.000000e+00 : f32
      %gt3A_425 = vector.broadcast %gt3A_424 : f32 to vector<16xf32>
      %gt3A_426 = arith.cmpf ogt, %div3A_423, %gt3A_425 : vector<16xf32>
      %eq3A_427 = arith.cmpi eq, %select_n3A_403, %get3A_387 : vector<16xi32>
      %jit3A_428 = arith.constant 1.000000e+00 : f32
      %jit3A_429 = arith.constant 0.000000e+00 : f32
      %broadcast_in_dim3A_430 = vector.broadcast %jit3A_428 : f32 to vector<16xf32>
      %broadcast_in_dim3A_431 = vector.broadcast %jit3A_429 : f32 to vector<16xf32>
      %select_n3A_432 = arith.select %eq3A_427, %broadcast_in_dim3A_430, %broadcast_in_dim3A_431 : vector<16xi1>, vector<16xf32>
      %mul3A_433 = arith.constant 1.500000e+01 : f32
      %mul3A_434 = vector.broadcast %mul3A_433 : f32 to vector<16xf32>
      %mul3A_435 = arith.mulf %div3A_423, %mul3A_434 : vector<16xf32>
      %convert_element_type3A_436 = arith.fptosi %mul3A_435 : vector<16xf32> to vector<16xi32>
      %convert_element_type3A_437 = arith.sitofp %convert_element_type3A_436 : vector<16xi32> to vector<16xf32>
      %mul3A_438 = arith.constant 0.0666666701 : f32
      %mul3A_439 = vector.broadcast %mul3A_438 : f32 to vector<16xf32>
      %mul3A_440 = arith.mulf %convert_element_type3A_437, %mul3A_439 : vector<16xf32>
      %le3A_441 = arith.cmpf ole, %div3A_423, %mul3A_440 : vector<16xf32>
      %jit3A_442 = arith.constant 1 : i32
      %jit3A_443 = arith.constant 0 : i32
      %broadcast_in_dim3A_444 = vector.broadcast %jit3A_442 : i32 to vector<16xi32>
      %broadcast_in_dim3A_445 = vector.broadcast %jit3A_443 : i32 to vector<16xi32>
      %select_n3A_446 = arith.select %le3A_441, %broadcast_in_dim3A_444, %broadcast_in_dim3A_445 : vector<16xi1>, vector<16xi32>
      %sub3A_447 = arith.subi %convert_element_type3A_436, %select_n3A_446 : vector<16xi32>
      %mul3A_448 = arith.constant 16 : i32
      %mul3A_449 = vector.broadcast %mul3A_448 : i32 to vector<16xi32>
      %mul3A_450 = arith.muli %sub3A_447, %mul3A_449 : vector<16xi32>
      %add3A_451 = arith.addi %mul3A_450, %iota3A : vector<16xi32>
      tpu.vector_store_idx %arg11[%add3A_451], %div3A_423 masked %gt3A_426 {add = true} : memref<480xf32, #tpu.memory_space<vmem>>[vector<16xi32>], vector<16xf32>, vector<16xi1>
      %add3A_452 = arith.constant 240 : i32
      %add3A_453 = vector.broadcast %add3A_452 : i32 to vector<16xi32>
      %add3A_454 = arith.addi %add3A_451, %add3A_453 : vector<16xi32>
      tpu.vector_store_idx %arg11[%add3A_454], %select_n3A_432 masked %gt3A_426 {add = true} : memref<480xf32, #tpu.memory_space<vmem>>[vector<16xi32>], vector<16xf32>, vector<16xi1>
      %get3A_455 = arith.constant 0 : i32
      %get3A_456 = arith.index_cast %get3A_455 : i32 to index
      %get3A_457 = arith.constant 32 : index
      %get3A_458 = tpu.vector_load %arg9[%get3A_456, %get3A_457] {strides = array<i32>} : memref<5x64xf32, #tpu.memory_space<vmem>>, vector<16xf32>,
      %get3A_459 = arith.constant 1 : i32
      %get3A_460 = arith.index_cast %get3A_459 : i32 to index
      %get3A_461 = arith.constant 32 : index
      %get3A_462 = tpu.vector_load %arg9[%get3A_460, %get3A_461] {strides = array<i32>} : memref<5x64xf32, #tpu.memory_space<vmem>>, vector<16xf32>,
      %get3A_463 = arith.constant 2 : i32
      %get3A_464 = arith.index_cast %get3A_463 : i32 to index
      %get3A_465 = arith.constant 32 : index
      %get3A_466 = tpu.vector_load %arg9[%get3A_464, %get3A_465] {strides = array<i32>} : memref<5x64xf32, #tpu.memory_space<vmem>>, vector<16xf32>,
      %get3A_467 = arith.constant 3 : i32
      %get3A_468 = arith.index_cast %get3A_467 : i32 to index
      %get3A_469 = arith.constant 32 : index
      %get3A_470 = tpu.vector_load %arg9[%get3A_468, %get3A_469] {strides = array<i32>} : memref<5x64xf32, #tpu.memory_space<vmem>>, vector<16xf32>,
      %get3A_471 = arith.constant 4 : i32
      %get3A_472 = arith.index_cast %get3A_471 : i32 to index
      %get3A_473 = arith.constant 32 : index
      %get3A_474 = tpu.vector_load %arg9[%get3A_472, %get3A_473] {strides = array<i32>} : memref<5x64xf32, #tpu.memory_space<vmem>>, vector<16xf32>,
      %get3A_475 = arith.constant 32 : index
      %get3A_476 = tpu.vector_load %arg10[%get3A_475] {strides = array<i32>} : memref<64xi32, #tpu.memory_space<vmem>>, vector<16xi32>,
      %broadcast_in_dim3A_477 = arith.constant 0 : i32
      %broadcast_in_dim3A_478 = vector.broadcast %broadcast_in_dim3A_477 : i32 to vector<16xi32>
      %gt3A_479 = arith.cmpf ogt, %get3A_466, %get3A_458 : vector<16xf32>
      %jit3A_480 = arith.constant 2 : i32
      %broadcast_in_dim3A_481 = vector.broadcast %jit3A_480 : i32 to vector<16xi32>
      %select_n3A_482 = arith.select %gt3A_479, %broadcast_in_dim3A_481, %broadcast_in_dim3A_478 : vector<16xi1>, vector<16xi32>
      %max3A_483 = arith.maximumf %get3A_458, %get3A_466 : vector<16xf32>
      %gt3A_484 = arith.cmpf ogt, %get3A_470, %max3A_483 : vector<16xf32>
      %jit3A_485 = arith.constant 3 : i32
      %broadcast_in_dim3A_486 = vector.broadcast %jit3A_485 : i32 to vector<16xi32>
      %select_n3A_487 = arith.select %gt3A_484, %broadcast_in_dim3A_486, %select_n3A_482 : vector<16xi1>, vector<16xi32>
      %max3A_488 = arith.maximumf %max3A_483, %get3A_470 : vector<16xf32>
      %gt3A_489 = arith.cmpf ogt, %get3A_474, %max3A_488 : vector<16xf32>
      %jit3A_490 = arith.constant 4 : i32
      %broadcast_in_dim3A_491 = vector.broadcast %jit3A_490 : i32 to vector<16xi32>
      %select_n3A_492 = arith.select %gt3A_489, %broadcast_in_dim3A_491, %select_n3A_487 : vector<16xi1>, vector<16xi32>
      %max3A_493 = arith.maximumf %max3A_488, %get3A_474 : vector<16xf32>
      %max3A_494 = arith.maximumf %max3A_493, %get3A_462 : vector<16xf32>
      %sub3A_495 = arith.subf %get3A_458, %max3A_494 : vector<16xf32>
      %exp3A_496 = math.exp %sub3A_495 : vector<16xf32>
      %sub3A_497 = arith.subf %get3A_462, %max3A_494 : vector<16xf32>
      %exp3A_498 = math.exp %sub3A_497 : vector<16xf32>
      %sub3A_499 = arith.subf %get3A_466, %max3A_494 : vector<16xf32>
      %exp3A_500 = math.exp %sub3A_499 : vector<16xf32>
      %sub3A_501 = arith.subf %get3A_470, %max3A_494 : vector<16xf32>
      %exp3A_502 = math.exp %sub3A_501 : vector<16xf32>
      %sub3A_503 = arith.subf %get3A_474, %max3A_494 : vector<16xf32>
      %exp3A_504 = math.exp %sub3A_503 : vector<16xf32>
      %add3A_505 = arith.addf %exp3A_496, %exp3A_498 : vector<16xf32>
      %add3A_506 = arith.addf %exp3A_500, %exp3A_502 : vector<16xf32>
      %add3A_507 = arith.addf %add3A_505, %add3A_506 : vector<16xf32>
      %add3A_508 = arith.addf %add3A_507, %exp3A_504 : vector<16xf32>
      %max3A_509 = arith.maximumf %exp3A_496, %exp3A_500 : vector<16xf32>
      %max3A_510 = arith.maximumf %exp3A_502, %exp3A_504 : vector<16xf32>
      %max3A_511 = arith.maximumf %max3A_509, %max3A_510 : vector<16xf32>
      %div3A_512 = arith.divf %max3A_511, %add3A_508 : vector<16xf32>
      %gt3A_513 = arith.constant 0.000000e+00 : f32
      %gt3A_514 = vector.broadcast %gt3A_513 : f32 to vector<16xf32>
      %gt3A_515 = arith.cmpf ogt, %div3A_512, %gt3A_514 : vector<16xf32>
      %eq3A_516 = arith.cmpi eq, %select_n3A_492, %get3A_476 : vector<16xi32>
      %jit3A_517 = arith.constant 1.000000e+00 : f32
      %jit3A_518 = arith.constant 0.000000e+00 : f32
      %broadcast_in_dim3A_519 = vector.broadcast %jit3A_517 : f32 to vector<16xf32>
      %broadcast_in_dim3A_520 = vector.broadcast %jit3A_518 : f32 to vector<16xf32>
      %select_n3A_521 = arith.select %eq3A_516, %broadcast_in_dim3A_519, %broadcast_in_dim3A_520 : vector<16xi1>, vector<16xf32>
      %mul3A_522 = arith.constant 1.500000e+01 : f32
      %mul3A_523 = vector.broadcast %mul3A_522 : f32 to vector<16xf32>
      %mul3A_524 = arith.mulf %div3A_512, %mul3A_523 : vector<16xf32>
      %convert_element_type3A_525 = arith.fptosi %mul3A_524 : vector<16xf32> to vector<16xi32>
      %convert_element_type3A_526 = arith.sitofp %convert_element_type3A_525 : vector<16xi32> to vector<16xf32>
      %mul3A_527 = arith.constant 0.0666666701 : f32
      %mul3A_528 = vector.broadcast %mul3A_527 : f32 to vector<16xf32>
      %mul3A_529 = arith.mulf %convert_element_type3A_526, %mul3A_528 : vector<16xf32>
      %le3A_530 = arith.cmpf ole, %div3A_512, %mul3A_529 : vector<16xf32>
      %jit3A_531 = arith.constant 1 : i32
      %jit3A_532 = arith.constant 0 : i32
      %broadcast_in_dim3A_533 = vector.broadcast %jit3A_531 : i32 to vector<16xi32>
      %broadcast_in_dim3A_534 = vector.broadcast %jit3A_532 : i32 to vector<16xi32>
      %select_n3A_535 = arith.select %le3A_530, %broadcast_in_dim3A_533, %broadcast_in_dim3A_534 : vector<16xi1>, vector<16xi32>
      %sub3A_536 = arith.subi %convert_element_type3A_525, %select_n3A_535 : vector<16xi32>
      %mul3A_537 = arith.constant 16 : i32
      %mul3A_538 = vector.broadcast %mul3A_537 : i32 to vector<16xi32>
      %mul3A_539 = arith.muli %sub3A_536, %mul3A_538 : vector<16xi32>
      %add3A_540 = arith.addi %mul3A_539, %iota3A : vector<16xi32>
      tpu.vector_store_idx %arg11[%add3A_540], %div3A_512 masked %gt3A_515 {add = true} : memref<480xf32, #tpu.memory_space<vmem>>[vector<16xi32>], vector<16xf32>, vector<16xi1>
      %add3A_541 = arith.constant 240 : i32
      %add3A_542 = vector.broadcast %add3A_541 : i32 to vector<16xi32>
      %add3A_543 = arith.addi %add3A_540, %add3A_542 : vector<16xi32>
      tpu.vector_store_idx %arg11[%add3A_543], %select_n3A_521 masked %gt3A_515 {add = true} : memref<480xf32, #tpu.memory_space<vmem>>[vector<16xi32>], vector<16xf32>, vector<16xi1>
      %get3A_544 = arith.constant 0 : i32
      %get3A_545 = arith.index_cast %get3A_544 : i32 to index
      %get3A_546 = arith.constant 48 : index
      %get3A_547 = tpu.vector_load %arg9[%get3A_545, %get3A_546] {strides = array<i32>} : memref<5x64xf32, #tpu.memory_space<vmem>>, vector<16xf32>,
      %get3A_548 = arith.constant 1 : i32
      %get3A_549 = arith.index_cast %get3A_548 : i32 to index
      %get3A_550 = arith.constant 48 : index
      %get3A_551 = tpu.vector_load %arg9[%get3A_549, %get3A_550] {strides = array<i32>} : memref<5x64xf32, #tpu.memory_space<vmem>>, vector<16xf32>,
      %get3A_552 = arith.constant 2 : i32
      %get3A_553 = arith.index_cast %get3A_552 : i32 to index
      %get3A_554 = arith.constant 48 : index
      %get3A_555 = tpu.vector_load %arg9[%get3A_553, %get3A_554] {strides = array<i32>} : memref<5x64xf32, #tpu.memory_space<vmem>>, vector<16xf32>,
      %get3A_556 = arith.constant 3 : i32
      %get3A_557 = arith.index_cast %get3A_556 : i32 to index
      %get3A_558 = arith.constant 48 : index
      %get3A_559 = tpu.vector_load %arg9[%get3A_557, %get3A_558] {strides = array<i32>} : memref<5x64xf32, #tpu.memory_space<vmem>>, vector<16xf32>,
      %get3A_560 = arith.constant 4 : i32
      %get3A_561 = arith.index_cast %get3A_560 : i32 to index
      %get3A_562 = arith.constant 48 : index
      %get3A_563 = tpu.vector_load %arg9[%get3A_561, %get3A_562] {strides = array<i32>} : memref<5x64xf32, #tpu.memory_space<vmem>>, vector<16xf32>,
      %get3A_564 = arith.constant 48 : index
      %get3A_565 = tpu.vector_load %arg10[%get3A_564] {strides = array<i32>} : memref<64xi32, #tpu.memory_space<vmem>>, vector<16xi32>,
      %broadcast_in_dim3A_566 = arith.constant 0 : i32
      %broadcast_in_dim3A_567 = vector.broadcast %broadcast_in_dim3A_566 : i32 to vector<16xi32>
      %gt3A_568 = arith.cmpf ogt, %get3A_555, %get3A_547 : vector<16xf32>
      %jit3A_569 = arith.constant 2 : i32
      %broadcast_in_dim3A_570 = vector.broadcast %jit3A_569 : i32 to vector<16xi32>
      %select_n3A_571 = arith.select %gt3A_568, %broadcast_in_dim3A_570, %broadcast_in_dim3A_567 : vector<16xi1>, vector<16xi32>
      %max3A_572 = arith.maximumf %get3A_547, %get3A_555 : vector<16xf32>
      %gt3A_573 = arith.cmpf ogt, %get3A_559, %max3A_572 : vector<16xf32>
      %jit3A_574 = arith.constant 3 : i32
      %broadcast_in_dim3A_575 = vector.broadcast %jit3A_574 : i32 to vector<16xi32>
      %select_n3A_576 = arith.select %gt3A_573, %broadcast_in_dim3A_575, %select_n3A_571 : vector<16xi1>, vector<16xi32>
      %max3A_577 = arith.maximumf %max3A_572, %get3A_559 : vector<16xf32>
      %gt3A_578 = arith.cmpf ogt, %get3A_563, %max3A_577 : vector<16xf32>
      %jit3A_579 = arith.constant 4 : i32
      %broadcast_in_dim3A_580 = vector.broadcast %jit3A_579 : i32 to vector<16xi32>
      %select_n3A_581 = arith.select %gt3A_578, %broadcast_in_dim3A_580, %select_n3A_576 : vector<16xi1>, vector<16xi32>
      %max3A_582 = arith.maximumf %max3A_577, %get3A_563 : vector<16xf32>
      %max3A_583 = arith.maximumf %max3A_582, %get3A_551 : vector<16xf32>
      %sub3A_584 = arith.subf %get3A_547, %max3A_583 : vector<16xf32>
      %exp3A_585 = math.exp %sub3A_584 : vector<16xf32>
      %sub3A_586 = arith.subf %get3A_551, %max3A_583 : vector<16xf32>
      %exp3A_587 = math.exp %sub3A_586 : vector<16xf32>
      %sub3A_588 = arith.subf %get3A_555, %max3A_583 : vector<16xf32>
      %exp3A_589 = math.exp %sub3A_588 : vector<16xf32>
      %sub3A_590 = arith.subf %get3A_559, %max3A_583 : vector<16xf32>
      %exp3A_591 = math.exp %sub3A_590 : vector<16xf32>
      %sub3A_592 = arith.subf %get3A_563, %max3A_583 : vector<16xf32>
      %exp3A_593 = math.exp %sub3A_592 : vector<16xf32>
      %add3A_594 = arith.addf %exp3A_585, %exp3A_587 : vector<16xf32>
      %add3A_595 = arith.addf %exp3A_589, %exp3A_591 : vector<16xf32>
      %add3A_596 = arith.addf %add3A_594, %add3A_595 : vector<16xf32>
      %add3A_597 = arith.addf %add3A_596, %exp3A_593 : vector<16xf32>
      %max3A_598 = arith.maximumf %exp3A_585, %exp3A_589 : vector<16xf32>
      %max3A_599 = arith.maximumf %exp3A_591, %exp3A_593 : vector<16xf32>
      %max3A_600 = arith.maximumf %max3A_598, %max3A_599 : vector<16xf32>
      %div3A_601 = arith.divf %max3A_600, %add3A_597 : vector<16xf32>
      %gt3A_602 = arith.constant 0.000000e+00 : f32
      %gt3A_603 = vector.broadcast %gt3A_602 : f32 to vector<16xf32>
      %gt3A_604 = arith.cmpf ogt, %div3A_601, %gt3A_603 : vector<16xf32>
      %eq3A_605 = arith.cmpi eq, %select_n3A_581, %get3A_565 : vector<16xi32>
      %jit3A_606 = arith.constant 1.000000e+00 : f32
      %jit3A_607 = arith.constant 0.000000e+00 : f32
      %broadcast_in_dim3A_608 = vector.broadcast %jit3A_606 : f32 to vector<16xf32>
      %broadcast_in_dim3A_609 = vector.broadcast %jit3A_607 : f32 to vector<16xf32>
      %select_n3A_610 = arith.select %eq3A_605, %broadcast_in_dim3A_608, %broadcast_in_dim3A_609 : vector<16xi1>, vector<16xf32>
      %mul3A_611 = arith.constant 1.500000e+01 : f32
      %mul3A_612 = vector.broadcast %mul3A_611 : f32 to vector<16xf32>
      %mul3A_613 = arith.mulf %div3A_601, %mul3A_612 : vector<16xf32>
      %convert_element_type3A_614 = arith.fptosi %mul3A_613 : vector<16xf32> to vector<16xi32>
      %convert_element_type3A_615 = arith.sitofp %convert_element_type3A_614 : vector<16xi32> to vector<16xf32>
      %mul3A_616 = arith.constant 0.0666666701 : f32
      %mul3A_617 = vector.broadcast %mul3A_616 : f32 to vector<16xf32>
      %mul3A_618 = arith.mulf %convert_element_type3A_615, %mul3A_617 : vector<16xf32>
      %le3A_619 = arith.cmpf ole, %div3A_601, %mul3A_618 : vector<16xf32>
      %jit3A_620 = arith.constant 1 : i32
      %jit3A_621 = arith.constant 0 : i32
      %broadcast_in_dim3A_622 = vector.broadcast %jit3A_620 : i32 to vector<16xi32>
      %broadcast_in_dim3A_623 = vector.broadcast %jit3A_621 : i32 to vector<16xi32>
      %select_n3A_624 = arith.select %le3A_619, %broadcast_in_dim3A_622, %broadcast_in_dim3A_623 : vector<16xi1>, vector<16xi32>
      %sub3A_625 = arith.subi %convert_element_type3A_614, %select_n3A_624 : vector<16xi32>
      %mul3A_626 = arith.constant 16 : i32
      %mul3A_627 = vector.broadcast %mul3A_626 : i32 to vector<16xi32>
      %mul3A_628 = arith.muli %sub3A_625, %mul3A_627 : vector<16xi32>
      %add3A_629 = arith.addi %mul3A_628, %iota3A : vector<16xi32>
      tpu.vector_store_idx %arg11[%add3A_629], %div3A_601 masked %gt3A_604 {add = true} : memref<480xf32, #tpu.memory_space<vmem>>[vector<16xi32>], vector<16xf32>, vector<16xi1>
      %add3A_630 = arith.constant 240 : i32
      %add3A_631 = vector.broadcast %add3A_630 : i32 to vector<16xi32>
      %add3A_632 = arith.addi %add3A_629, %add3A_631 : vector<16xi32>
      tpu.vector_store_idx %arg11[%add3A_632], %select_n3A_610 masked %gt3A_604 {add = true} : memref<480xf32, #tpu.memory_space<vmem>>[vector<16xi32>], vector<16xf32>, vector<16xi1>
    } else {
    }
    "tpu.region"() ({
      %run_scoped3A = tpu.sem_alloc : memref<!tpu.dma_semaphore, #tpu.memory_space<semaphore_mem>>
      %dma_start3A_286 = arith.constant 0 : i32
      %dma_start3A_287 = tpu.memref_slice %arg4[%add3A, %dma_start3A_286] : memref<32x480xf32, #tpu.memory_space<hbm>> -> memref<1x480xf32, #tpu.memory_space<hbm>>
      %dma_start3A_288 = tpu.memref_squeeze %dma_start3A_287 : memref<1x480xf32, #tpu.memory_space<hbm>> -> memref<480xf32, #tpu.memory_space<hbm>>
      %dma_start3A_289 = arith.constant 0 : i32
      %dma_start3A_290 = tpu.memref_slice %arg4[%add3A, %dma_start3A_289] : memref<32x480xf32, #tpu.memory_space<hbm>> -> memref<1x480xf32, #tpu.memory_space<hbm>>
      %dma_start3A_291 = tpu.memref_squeeze %dma_start3A_290 : memref<1x480xf32, #tpu.memory_space<hbm>> -> memref<480xf32, #tpu.memory_space<hbm>>
      tpu.enqueue_dma source(%arg11 : memref<480xf32, #tpu.memory_space<vmem>>) target(%dma_start3A_291 : memref<480xf32, #tpu.memory_space<hbm>>) target_semaphore(%run_scoped3A : memref<!tpu.dma_semaphore, #tpu.memory_space<semaphore_mem>>)
      %dma_wait3A_292 = arith.constant 0 : i32
      %dma_wait3A_293 = tpu.memref_slice %arg4[%add3A, %dma_wait3A_292] : memref<32x480xf32, #tpu.memory_space<hbm>> -> memref<1x480xf32, #tpu.memory_space<hbm>>
      %dma_wait3A_294 = tpu.memref_squeeze %dma_wait3A_293 : memref<1x480xf32, #tpu.memory_space<hbm>> -> memref<480xf32, #tpu.memory_space<hbm>>
      %dma_wait3A_295 = arith.constant 0 : i32
      %dma_wait3A_296 = tpu.memref_slice %arg4[%add3A, %dma_wait3A_295] : memref<32x480xf32, #tpu.memory_space<hbm>> -> memref<1x480xf32, #tpu.memory_space<hbm>>
      %dma_wait3A_297 = tpu.memref_squeeze %dma_wait3A_296 : memref<1x480xf32, #tpu.memory_space<hbm>> -> memref<480xf32, #tpu.memory_space<hbm>>
      tpu.wait_dma2 semaphore(%run_scoped3A : memref<!tpu.dma_semaphore, #tpu.memory_space<semaphore_mem>>) src(%arg11 : memref<480xf32, #tpu.memory_space<vmem>>) dst(%dma_wait3A_297 : memref<480xf32, #tpu.memory_space<hbm>>)
      tpu.yield
    }) : () -> ()
    return
  }
}

</mosaic_0001>

<sc_bundles>
// kernel: kernel.3.cloned.1.call-start
scs
__scs_entry_jumppad:
0x0: {  	(pc) =	sbr.rel $0x88, $3  }
0x1: {  	(tag) =	ssettag $0x0;
	lr =	simm.s32 $0x1  }
0x2: {  	[smem:$0x3F9F] =	sst lr;
	_ =	strace $0xD0000000  }
0x3: {  	_ = 	snop  }
0x4: {  	_ = 	snop  }
0x5: {  	_ = 	snop  }
0x6: {  	_ = 	snop  }
0x7: {  	_ = 	snop  }
__scs_overlays_trampoline_lowered:
0x8: {  	[smem:$0x3FAE] =	sst s0  }
0x9: {  	[smem:$0x3FAF] =	sst s1  }
0xa: {  	[smem:$0x3FB0] =	sst s2  }
0xb: {  	[smem:$0x3FB1] =	sst s3  }
0xc: {  	[smem:$0x3FB2] =	sst s4  }
0xd: {  	[smem:$0x3FB3] =	sst s5  }
0xe: {  	[smem:$0x3FB4] =	sst s6  }
0xf: {  	[smem:$0x3FB5] =	sst s7  }
0x10: {  	[smem:$0x3FB6] =	sst s8  }
0x11: {  	[smem:$0x3FB7] =	sst s9;
	s0 =	simm.s32 @!p0 $0x0  }
0x12: {  	s1 =	sld [smem:$0x3F9D];
	s0 =	simm.s32 @p0 $0x1  }
0x13: {  	[smem:$0x3FB8] =	sst s0;
	s0 =	simm.s32 @!p1 $0x0  }
0x14: {  	s2 =	sld [smem:$0x3F9C];
	s0 =	simm.s32 @p1 $0x1  }
0x15: {  	[smem:$0x3FB9] =	sst s0;
	s0 =	simm.s32 @!p2 $0x0  }
0x16: {  	s3 =	sld [smem:$0x3FDB];
	s0 =	simm.s32 @p2 $0x1  }
0x17: {  	s4 =	simm.s32 $0x1BF5;
	[smem:$0x3FBB] =	sst s0  }
0x18: {  	s0 =	sld [smem:$0x3F9E];
	_ =	swait.ge [sflag:s4], $0x0  }
0x19: {  	s7 =	sld [smem:$0x3F9F]  }
0x1a: {  	s8 =	sadd.s32 $0xFFFFE003, lr  }
0x1b: {  	s9 =	sadd.s32 $0xFFFFFEF7, lr;
	s5 =	simm.s32 $0xFFFFFFFF;
	p2 =	slt.u32 s8, $0xFFFFF086  }
0x1c: {  	p1 =	slt.u32 s9, $0xF7A;
	s5 =	simm.s32 @!p2 $0x0  }
0x1d: {  	s5 =	simm.s32 @p1 $0x1;
	p0 =	seq.s32 s7, s2  }
0x1e: {  	s7 =	smul.u32 @!p0 $0xF7A, s2;
	p2 =	seq.s32 @!p0 s5, $0x0  }
0x1f: {  	s9 =	smul.u32 $0xF7A, s1;
	s8 =	simm.s32 @!p0 $0x1BF5;
	p2 =	por !p2, p0  }
0x20: {  	[sflag:s8] =	ssyncset.s32 @!p0 $0xFFFFF086;
	s6 =	sadd.s32 @!p0 s3, s7;
	s7 =	simm.s32 @!p0 $0x108  }
0x21: {  	s3 =	sadd.s32 s3, s9;
	s6 =	sadd.s32 @!p0 $0x88, s6;
	s7 =	simm.s32 @p2 $0x1082  }
0x22: {  	[simem:s7], [sflag:s8] =	dma.local @!p0 [hbm:s6], $0xF7A  }
0x23: {  	s9 =	sor.u32 $0xD0000000, s2;
	s6 =	simm.s32 $0x108;
	_ =	swait.ge @!p0 [sflag:s8], $0x0  }
0x24: {  	s3 =	sadd.s32 $0x88, s3;
	s6 =	simm.s32 @!p1 $0x1082;
	[sflag:s4] =	ssyncset.s32 $0xFFFFF086  }
0x25: {  	[simem:s6], [sflag:s4] =	dma.local [hbm:s3], $0xF7A  }
0x26: {  	[smem:$0x3F9F] =	sst s1;
	(tag) =	ssettag s2;
	_ =	strace s9  }
0x27: {  	s1 =	sld [smem:$0x3FAF]  }
0x28: {  	s2 =	sld [smem:$0x3FB0]  }
0x29: {  	s4 =	sld [smem:$0x3FB2]  }
0x2a: {  	p0 =	seq.s32 s5, $0x0;
	s5 =	sld [smem:$0x3FB3]  }
0x2b: {  	s6 =	sld [smem:$0x3FB4]  }
0x2c: {  	s7 =	sld [smem:$0x3FB5]  }
0x2d: {  	s3 =	simm.s32 $0x108;
	s8 =	sld [smem:$0x3FB6]  }
0x2e: {  	s3 =	simm.s32 @!p0 $0x1082;
	s9 =	sld [smem:$0x3FB7]  }
0x2f: {  	lr =	sadd.s32 s0, s3;
	s0 =	sld [smem:$0x3FAE]  }
0x30: {  	s3 =	sld [smem:$0x3FB1]  }
0x31: {  	[smem:$0x3FBA] =	sst s10  }
0x32: {  	s10 =	sld [smem:$0x3FB8];
	_ =	sdelay $0x3  }
0x33: {  	p0 =	seq.s32 s10, $0x1;
	s10 =	sld [smem:$0x3FBA];
	_ =	sdelay $0x3  }
0x34: {  	[smem:$0x3FBA] =	sst s10  }
0x35: {  	s10 =	sld [smem:$0x3FB9];
	_ =	sdelay $0x3  }
0x36: {  	p1 =	seq.s32 s10, $0x1;
	s10 =	sld [smem:$0x3FBA];
	_ =	sdelay $0x3  }
0x37: {  	[smem:$0x3FBA] =	sst s10  }
0x38: {  	s10 =	sld [smem:$0x3FBB]  }
0x39: {  	_ = 	snop;
	(pc) =	sbr.ind lr, $3  }
0x3a: {  	_ = 	snop  }
0x3b: {  	_ = 	snop  }
0x3c: {  	p2 =	seq.s32 s10, $0x1;
	s10 =	sld [smem:$0x3FBA]  }
0x3d: {  	_ =	shalt  }
0x3e: {  	_ =	shalt  }
0x3f: {  	_ =	shalt  }
0x40: {  	_ =	shalt  }
0x41: {  	_ =	shalt  }
0x42: {  	_ =	shalt  }
0x43: {  	_ =	shalt  }
0x44: {  	_ =	shalt  }
0x45: {  	_ =	shalt  }
0x46: {  	_ =	shalt  }
0x47: {  	_ =	shalt  }
0x48: {  	_ =	shalt  }
0x49: {  	_ =	shalt  }
0x4a: {  	_ =	shalt  }
0x4b: {  	_ =	shalt  }
0x4c: {  	_ =	shalt  }
0x4d: {  	_ =	shalt  }
0x4e: {  	_ =	shalt  }
0x4f: {  	_ =	shalt  }
0x50: {  	_ =	shalt  }
0x51: {  	_ =	shalt  }
0x52: {  	_ =	shalt  }
0x53: {  	_ =	shalt  }
0x54: {  	_ =	shalt  }
0x55: {  	_ =	shalt  }
0x56: {  	_ =	shalt  }
0x57: {  	_ =	shalt  }
0x58: {  	_ =	shalt  }
0x59: {  	_ =	shalt  }
0x5a: {  	_ =	shalt  }
0x5b: {  	_ =	shalt  }
0x5c: {  	_ =	shalt  }
0x5d: {  	_ =	shalt  }
0x5e: {  	_ =	shalt  }
0x5f: {  	_ =	shalt  }
0x60: {  	_ =	shalt  }
0x61: {  	_ =	shalt  }
0x62: {  	_ =	shalt  }
0x63: {  	_ =	shalt  }
0x64: {  	_ =	shalt  }
0x65: {  	_ =	shalt  }
0x66: {  	_ =	shalt  }
0x67: {  	_ =	shalt  }
0x68: {  	_ =	shalt  }
0x69: {  	_ =	shalt  }
0x6a: {  	_ =	shalt  }
0x6b: {  	_ =	shalt  }
0x6c: {  	_ =	shalt  }
0x6d: {  	_ =	shalt  }
0x6e: {  	_ =	shalt  }
0x6f: {  	_ =	shalt  }
0x70: {  	_ =	shalt  }
0x71: {  	_ =	shalt  }
0x72: {  	_ =	shalt  }
0x73: {  	_ =	shalt  }
0x74: {  	_ =	shalt  }
0x75: {  	_ =	shalt  }
0x76: {  	_ =	shalt  }
0x77: {  	_ =	shalt  }
0x78: {  	_ =	shalt  }
0x79: {  	_ =	shalt  }
0x7a: {  	_ =	shalt  }
0x7b: {  	_ =	shalt  }
0x7c: {  	_ =	shalt  }
0x7d: {  	_ =	shalt  }
0x7e: {  	_ =	shalt  }
0x7f: {  	_ =	shalt  }
0x80: {  	_ =	shalt  }
0x81: {  	_ =	shalt  }
0x82: {  	_ =	shalt  }
0x83: {  	_ =	shalt  }
0x84: {  	_ =	shalt  }
0x85: {  	_ =	shalt  }
0x86: {  	_ =	shalt  }
0x87: {  	_ =	shalt  }
.Lfunc_end0:
.L_simem_size_0:
called_computation_lowered:
.L_overlay_start_0:
0x88: {  	s2 =	sld [smem:$0x3FD9]  }
0x89: {  	s3 =	sld [smem:$0x3FFE];
	_ =	sdelay $0x1  }
0x8a: {  	s1 =	srdreg.scid  }
0x8b: {  	s0 =	sand.u32 $0x1, s1  }
0x8c: {  	s17 =	sshll.u32 s0, $0xA;
	s2 =	sadd.s32 s3, s2  }
0x8d: {  	s2 =	sadd.s32 s2, s17  }
0x8e: {  	[smem:$0x3FC6] =	sst s2  }
0x8f: {  	_ = 	snop  }
0x90: {  	s2 =	sld [smem:$0x3FC9]  }
0x91: {  	s18 =	sld [smem:$0x3FC8];
	(tm) =	ssettm $0x1  }
0x92: {  	s4 =	sld [smem:$0x3FFB];
	_ =	sdelay $0x3  }
0x93: {  	_ =	strace s4  }
0x94: {  	s4 =	sld [smem:$0x3FFC];
	_ =	sdelay $0x3  }
0x95: {  	_ =	strace s4  }
0x96: {  	s4 =	sld [smem:$0x3FFD];
	_ =	sdelay $0x3  }
0x97: {  	_ =	strace s4  }
0x98: {  	_ =	strace $0x8FFFFFFF  }
0x99: {  	s19 =	sld [smem:$0x3FDB];
	_ =	sdelay $0x1  }
0x9a: {  	s5 =	simm.s32 $_scs_section_size  }
0x9b: {  	s6 =	simm.s32 $_size__tile_overlayer_lowered;
	s7 =	simm.s32 $_tile_overlayer_lowered  }
0x9c: {  	s22 =	simm.s32 $0x1BFF;
	s21 =	sshll.u32 s7, $0x1;
	s4 =	sadd.s32 s5, s19  }
0x9d: {  	s8 =	simm.s32 $0x0;
	s20 =	sshll.u32 s6, $0x1;
	s6 =	sadd.s32 s21, s4  }
0x9e: {  	[timem:s8], [sflag:s22] =	dma.local [hbm:s6], s20  }
0x9f: {  	_ =	swait.ge [sflag:s22], s20  }
0xa0: {  	s5 =	ssub.s32 $0x0, s20;
	[sflag:s22] =	ssyncset.done $0x0  }
0xa1: {  	[sflag:s22] =	ssyncadd.s32 s5;
	_ =	sdelay $0x1  }
0xa2: {  	s23 =	simm.s32 $0x1B8B  }
0xa3: {  	_ =	swait.ge [sflag:s23], $0x1  }
0xa4: {  	[sflag:s23] =	ssyncset.done $0x0  }
0xa5: {  	s25 =	simm.s32 $0x1B8E;
	s24 =	sld [smem:$0x3FFE];
	[sflag:s23] =	ssyncadd.s32 $0xFFFFFFFF  }
0xa6: {  	s26 =	simm.s32 $execute0_lowered;
	[smem:$0x3FD2] =	sst s25  }
0xa7: {  	s6 =	sshll.u32 s26, $0x1;
	_ =	strace $0x80000046;
	[dreg:$0x1] =	wrdreg $0xFFFFFFFF  }
0xa8: {  	s28 =	simm.s32 $_size_execute0_lowered;
	s4 =	sadd.s32 s4, s6;
	[dreg:$0x0] =	wrdreg $0x0  }
0xa9: {  	s6 =	sshll.u32 s28, $0x1;
	[dreg:$0x2] =	wrdreg s4  }
0xaa: {  	[dreg:$0x3] =	wrdreg s6  }
0xab: {  	[dreg:$0x4] =	wrdreg $0xC0  }
0xac: {  	_ =	task [dreg:s8], $0x5FFFF  }
0xad: {  	[dreg:$0x1] =	wrdreg $0xFFFFFFFF  }
0xae: {  	[dreg:$0x0] =	wrdreg $0x60  }
0xaf: {  	[dreg:$0x2] =	wrdreg s2  }
0xb0: {  	[dreg:$0x3] =	wrdreg s18  }
0xb1: {  	[dreg:$0x4] =	wrdreg s24  }
0xb2: {  	[dreg:$0x5] =	wrdreg $0x9  }
0xb3: {  	_ =	task.clear_ibuf [dreg:s8], $0x6FFFF;
	_ =	strace $0x90000046  }
0xb4: {  	s29 =	simm.s32 $0x9;
	_ =	strace $0x80000048  }
0xb5: {  	_ =	swait.ge [sflag:s29], $0x1  }
0xb6: {  	[sflag:s29] =	ssyncadd.s32 $0xFFFFFFFF  }
0xb7: {  	_ =	strace $0x90000048  }
0xb8: {  	_ =	sfence  }
0xb9: {  	s30 =	sld [smem:$0x0];
	_ =	sdelay $0x2  }
0xba: {  	s31 =	sshll.u32 s1, $0xD;
	s1 =	sshrl.u32 s1, $0x2  }
0xbb: {  	s3 =	sand.u32 $0x4000, s31;
	s1 =	sadd.s32 s1, s30  }
0xbc: {  	s0 =	sor.u32 s3, s0;
	s1 =	sshll.u32 s1, $0x11  }
0xbd: {  	s0 =	sor.u32 s1, s0  }
0xbe: {  	s0 =	sadd.s32 $0x8F2B, s0  }
0xbf: {  	[sflag:s0] =	ssyncadd.remote.s32 $0x1  }
0xc0: {  	_ =	sfence.sel $0xFFFF  }
0xc1: {  	[dreg:$0x0] =	wrdreg $0xFFFFFFFF;
	(pc) =	sbr.abs _section_cstart, $3  }
0xc2: {  	[dreg:$0x1] =	wrdreg $0xFFFFFFFF  }
0xc3: {  	_ =	task.clear_ibuf [dreg:s8], $0x2FFFF;
	_ =	strace $0x9FFFFFFF  }
0xc4: {  	(tm) =	ssettm $0x7FFFFFFF  }
0xc5: {  	_ =	shalt  }
tec
execute0_lowered:
.L_overlay_start_1:
0x0: {  	(tag) =	ssettag $0x1  }
0x1: {  	s0 =	rddreg [dreg:$0x0]  }
0x2: {  	s1 =	rddreg [dreg:$0x1]  }
0x3: {  	s2 =	srdreg.scid;
	s10 =	stileid.u32  }
0x4: {  	s3 =	rddreg [dreg:$0x2];
	s28 =	simm.s32 $0x11B80;
	s29 =	simm.s32 $0x2  }
0x5: {  	s30 =	simm.s32 $0x4;
	s31 =	simm.s32 $0xF800;
	s4 =	sand.u32 $0x1, s2  }
0x6: {  	s5 =	sshll.u32 s10, $0x1;
	s2 =	simm.s32 $0x0;
	s23 =	sshll.u32 s10, $0x7  }
0x7: {  	s26 =	sadd.s32 $0x1E840, s1;
	p1 =	sgt.u32 s10, $0xD;
	s5 =	sor.u32 s4, s5  }
0x8: {  	[smem:$0x7FF] =	sst s2;
	s4 =	ssub.s32 $0x2, s4;
	s6 =	smul.u32 $0xF80, s5  }
0x9: {  	_ =	strace $0x80000047;
	s7 =	sshrl.u32 s4, $0x1;
	s8 =	smul.u32 $0x1F0, s5  }
0xa: {  	s24 =	sshll.u32 s5, $0x4;
	[dreg:$0xe] =	wrdreg s26;
	p0 =	sne.s32 s5, $0x1F  }
0xb: {  	s26 =	simm.s32 $0x10780;
	s4 =	ssub.s32 s4, s7;
	s25 =	sand.u32 $0x70, s24  }
0xc: {  	s24 =	simm.s32 $0x3;
	s9 =	sadd.s32 s0, s6;
	s11 =	sadd.s32 $0x1F000, s6  }
0xd: {  	s8 =	sadd.s32 s1, s8;
	s16 =	sadd.s32 $0x5D000, s6;
	s18 =	sadd.s32 $0x7C000, s6  }
0xe: {  	s20 =	sadd.s32 $0x9B000, s6;
	s22 =	sadd.s32 $0xBA000, s6;
	[dreg:$0x4] =	wrdreg s9  }
0xf: {  	[dreg:$0x5] =	wrdreg s8;
	s12 =	sshrl.u32 s11, $0x3;
	s9 =	sadd.s32 $0x3E000, s6  }
0x10: {  	s7 =	sadd.s32 s0, s11;
	s17 =	sadd.s32 s0, s16;
	s19 =	sshrl.u32 s18, $0x3  }
0x11: {  	s8 =	sadd.s32 s0, s18;
	s21 =	sshrl.u32 s20, $0x3;
	[dreg:$0x6] =	wrdreg s7  }
0x12: {  	s6 =	sadd.s32 $0xD9000, s6;
	s13 =	sadd.s32 s1, s12;
	[dreg:$0xa] =	wrdreg s17  }
0x13: {  	s14 =	sshrl.u32 s9, $0x3;
	s15 =	sadd.s32 s0, s9;
	[dreg:$0xc] =	wrdreg s8  }
0x14: {  	s17 =	sadd.s32 s0, s6;
	s6 =	sshrl.u32 s6, $0x3;
	[dreg:$0x7] =	wrdreg s13  }
0x15: {  	[dreg:$0x8] =	wrdreg s15;
	s7 =	sadd.s32 s1, s14;
	s13 =	sadd.s32 s0, s20  }
0x16: {  	s14 =	sadd.s32 s1, s21;
	[dreg:$0x9] =	wrdreg s7;
	s7 =	sshrl.u32 s16, $0x3  }
0x17: {  	s15 =	sadd.s32 s0, s22;
	s18 =	sadd.s32 s1, s6;
	s7 =	sadd.s32 s1, s7  }
.Ltmp0:
0x18: {  	[dreg:$0xb] =	wrdreg s7;
	s7 =	sadd.s32 s1, s19;
	(pc) =	sbr.rel .LBB2_1-.Ltmp0, $4  }
0x19: {  	s20 =	simm.s32 $0x0;
	[dreg:$0xd] =	wrdreg s7;
	s7 =	sshrl.u32 s22, $0x3  }
0x1a: {  	s19 =	sadd.s32 $0xF4200, s0;
	s16 =	sadd.s32 s1, s7;
	s7 =	sand.u32 $0x600, s23  }
0x1b: {  	v0 =	vlaneseq.u32;
	s0 =	simm.s32 $0x5;
	s22 =	smax.u32 s4, $0x1;
	s3 =	sadd.s32 s3, s7  }
0x1c: {  	v1 =	vimm.f32 $0.0e+00;
	v2 =	vimm.s32 $0x0;
	v3 =	vor.u32 $0xF0, v0;
	s23 =	simm.s32 $0x1;
	s21 =	sadd.s32 s25, s3;
	s25 =	simm.s32 $0x7C00  }
.LBB2_21:
0x1d: {  	s20 =	sadd.s32 $0x1, s20  }
0x1e: {  	p2 =	sne.s32 s20, s22  }
.Ltmp1:
0x1f: {  	s1 =	simm.s32 $0x400;
	s3 =	simm.s32 $0x80;
	(pc) =	sbr.rel @!p2 .LBB2_22-.Ltmp1, $4  }
0x20: {  	[hbm4b:s21+s3] =	stream.strided.scatter [tilespmem:s28], [sflag:$0x5], $0x200, s1, s3, $0x38;
	[tilespmem:$0x11D80] =	vst v63  }
0x21: {  	_ =	swait.ge [sflag:s0], $0x200  }
0x22: {  	[sflag:s0] =	ssyncset.done $0x0  }
0x23: {  	[sflag:s0] =	ssyncadd.s32 $0xFFFFFE00  }
.LBB2_1:
0x24: {  	[tilespmem:$0x11B80] =	vst v1  }
0x25: {  	[tilespmem:$0x11B90] =	vst v1  }
0x26: {  	[tilespmem:$0x11BA0] =	vst v1  }
0x27: {  	[tilespmem:$0x11BB0] =	vst v1  }
0x28: {  	[tilespmem:$0x11BC0] =	vst v1  }
0x29: {  	[tilespmem:$0x11BD0] =	vst v1  }
0x2a: {  	[tilespmem:$0x11BE0] =	vst v1  }
0x2b: {  	[tilespmem:$0x11BF0] =	vst v1  }
0x2c: {  	[tilespmem:$0x11C00] =	vst v1  }
0x2d: {  	[tilespmem:$0x11C10] =	vst v1  }
0x2e: {  	[tilespmem:$0x11C20] =	vst v1  }
0x2f: {  	[tilespmem:$0x11C30] =	vst v1  }
0x30: {  	[tilespmem:$0x11C40] =	vst v1  }
0x31: {  	[tilespmem:$0x11C50] =	vst v1  }
0x32: {  	[tilespmem:$0x11C60] =	vst v1  }
0x33: {  	[tilespmem:$0x11C70] =	vst v1  }
0x34: {  	[tilespmem:$0x11C80] =	vst v1  }
0x35: {  	[tilespmem:$0x11C90] =	vst v1  }
0x36: {  	[tilespmem:$0x11CA0] =	vst v1  }
0x37: {  	[tilespmem:$0x11CB0] =	vst v1  }
0x38: {  	[tilespmem:$0x11CC0] =	vst v1  }
0x39: {  	[tilespmem:$0x11CD0] =	vst v1  }
0x3a: {  	[tilespmem:$0x11CE0] =	vst v1  }
0x3b: {  	[tilespmem:$0x11CF0] =	vst v1  }
0x3c: {  	[tilespmem:$0x11D00] =	vst v1  }
0x3d: {  	[tilespmem:$0x11D10] =	vst v1  }
0x3e: {  	[tilespmem:$0x11D20] =	vst v1  }
0x3f: {  	[tilespmem:$0x11D30] =	vst v1  }
0x40: {  	[tilespmem:$0x11D40] =	vst v1  }
0x41: {  	[tilespmem:$0x11D50] =	vst v1;
	s1 =	rddreg [dreg:$0x4]  }
0x42: {  	[tilespmem:s2], [sflag:$0x1] =	stream.linear.gather [hbm4b:s1+s2], $0x7C00, $0x38;
	[tilespmem:$0x11D80] =	vst v63  }
0x43: {  	s8 =	rddreg [dreg:$0x5]  }
0x44: {  	[tilespmem:s31], [sflag:$0x3] =	stream.linear.gather [hbm4b:s8+s2], $0xF80, $0x38;
	[tilespmem:$0x11D80] =	vst v63  }
0x45: {  	_ =	swait.ge [sflag:s23], $0x7C00  }
0x46: {  	[sflag:s23] =	ssyncset.done $0x0  }
0x47: {  	[sflag:s23] =	ssyncadd.s32 $0xFFFF8400  }
0x48: {  	_ =	swait.ge [sflag:s24], $0xF80  }
0x49: {  	s11 =	sand.u32 $0x40, s2;
	s3 =	sand.u32 $0x7C00, s2;
	[sflag:s24] =	ssyncset.done $0x0  }
0x4a: {  	s7 =	sor.u32 $0x30, s11;
	s9 =	rddreg [dreg:$0x6];
	[sflag:s24] =	ssyncadd.s32 $0xFFFFF080  }
0x4b: {  	[tilespmem:s25], [sflag:$0x2] =	stream.linear.gather [hbm4b:s9+s2], $0x7C00, $0x38;
	[tilespmem:$0x11D80] =	vst v63  }
0x4c: {  	s4 =	sor.u32 s7, s3;
	s10 =	rddreg [dreg:$0x7]  }
0x4d: {  	[tilespmem:s26], [sflag:$0x4] =	stream.linear.gather [hbm4b:s10+s2], $0xF80, $0x38;
	[tilespmem:$0x11D80] =	vst v63  }
0x4e: {  	v8 =	vld [tilespmem:s4+$0x0]  }
0x4f: {  	v9 =	vld [tilespmem:s4+$0x100]  }
0x50: {  	v5 =	vld [tilespmem:s4+$0x180]  }
0x51: {  	v4 =	vld [tilespmem:s4+$0x200]  }
0x52: {  	v10 =	vld [tilespmem:s4+$0x80];
	_ =	sdelay $0x1  }
0x53: {  	v7 =	vmax.f32 v8, v9  }
0x54: {  	v6 =	vmax.f32 v7, v5  }
0x55: {  	s5 =	sor.u32 $0x10, s11;
	v11 =	vmax.f32 v6, v4  }
0x56: {  	s12 =	sor.u32 s5, s3;
	v11 =	vmax.f32 v11, v10  }
0x57: {  	s6 =	sor.u32 $0x20, s11;
	v12 =	vld [tilespmem:s12+$0x0];
	v13 =	vsub.f32 v8, v11  }
0x58: {  	s8 =	sor.u32 s6, s3;
	v14 =	vld [tilespmem:s12+$0x100];
	v10 =	vsub.f32 v10, v11  }
0x59: {  	v15 =	vld [tilespmem:s8+$0x0];
	v16 =	vsub.f32 v9, v11;
	v13 =	vmul.f32 $1.442695020e+00, v13  }
0x5a: {  	s1 =	sor.u32 s11, s3;
	v17 =	vld [tilespmem:s8+$0x100];
	v18 =	vsub.f32 v5, v11;
	v10 =	vmul.f32 $1.442695020e+00, v10  }
0x5b: {  	v19 =	vld [tilespmem:s1+$0x0];
	v16 =	vmul.f32 $1.442695020e+00, v16;
	(erf) = vpow2.f32 v13  }
0x5c: {  	v20 =	vld [tilespmem:s12+$0x200];
	v18 =	vmul.f32 $1.442695020e+00, v18;
	(erf) = vpow2.f32 v10  }
0x5d: {  	v21 =	vld [tilespmem:s12+$0x80];
	(erf) = vpow2.f32 v16  }
0x5e: {  	v22 =	vld [tilespmem:s8+$0x200];
	v11 =	vsub.f32 v4, v11;
	(erf) = vpow2.f32 v18  }
0x5f: {  	v13 =	vld [tilespmem:s1+$0x100]  }
0x60: {  	v11 =	vmul.f32 $1.442695020e+00, v11;
	v10 =	vld [tilespmem:s12+$0x180]  }
0x61: {  	v16 =	vld [tilespmem:s8+$0x180]  }
0x62: {  	v18 =	vld [tilespmem:s1+$0x180];
	(erf) = vpow2.f32 v11  }
0x63: {  	v27 =	vmax.f32 v15, v17  }
0x64: {  	v23 =	vld [tilespmem:s1+$0x200];
	vm0 =	vgt.f32 v14, v12;
	vm1 =	vgt.f32 v17, v15;
	v11 =	vmax.f32 v12, v14;
	v26 =	vpop (erf)  }
0x65: {  	v25 =	vld [tilespmem:s8+$0x80];
	vm4 =	vgt.f32 v9, v8;
	v31 =	vmax.f32 v19, v13;
	v24 =	vmax.f32 v11, v10;
	v30 =	vpop (erf)  }
0x66: {  	v28 =	vld [tilespmem:s1+$0x80];
	vm2 =	vgt.f32 v13, v19;
	v29 =	vmax.f32 v24, v20;
	v32 =	vmax.f32 v27, v16;
	v33 =	vpop (erf)  }
0x67: {  	v29 =	vmax.f32 v29, v21;
	v34 =	vmax.f32 v31, v18;
	v35 =	vmax.f32 v32, v22;
	v37 =	vpop (erf)  }
0x68: {  	vm3 =	vgt.f32 v18, v31;
	v30 =	vadd.f32 v30, v26;
	v39 =	vadd.f32 v37, v33  }
0x69: {  	v36 =	vsub.f32 v12, v29;
	v38 =	vmax.f32 v34, v23;
	v21 =	vsub.f32 v21, v29  }
0x6a: {  	v35 =	vmax.f32 v35, v25;
	v40 =	vsub.f32 v14, v29;
	v30 =	vadd.f32 v39, v30  }
0x6b: {  	v41 =	vsub.f32 v10, v29;
	v14 =	vsub.f32 v20, v29;
	v38 =	vmax.f32 v38, v28;
	v42 =	vpop (erf)  }
0x6c: {  	v56 =	vsub.f32 v15, v35;
	v36 =	vmul.f32 $1.442695020e+00, v36;
	v30 =	vadd.f32 v30, v42  }
0x6d: {  	v25 =	vsub.f32 v25, v35;
	v21 =	vmul.f32 $1.442695020e+00, v21;
	v40 =	vmul.f32 $1.442695020e+00, v40  }
0x6e: {  	v43 =	vsub.f32 v17, v35;
	v41 =	vmul.f32 $1.442695020e+00, v41;
	(erf) = vrcp.f32 v30  }
0x6f: {  	v44 =	vsub.f32 v19, v38;
	v59 =	vmul.f32 $1.442695020e+00, v14;
	(erf) = vpow2.f32 v36  }
0x70: {  	v28 =	vsub.f32 v28, v38;
	v25 =	vmul.f32 $1.442695020e+00, v25;
	(erf) = vpow2.f32 v21  }
0x71: {  	v58 =	vsub.f32 v18, v38;
	v39 =	vmul.f32 $1.442695020e+00, v56;
	(erf) = vpow2.f32 v40  }
0x72: {  	v43 =	vmul.f32 $1.442695020e+00, v43;
	v30 =	vsub.f32 v16, v35;
	(erf) = vpow2.f32 v41  }
0x73: {  	v57 =	vmul.f32 $1.442695020e+00, v44;
	v21 =	vsub.f32 v13, v38;
	(erf) = vpow2.f32 v39  }
0x74: {  	v14 =	vmax.f32 v26, v33;
	v30 =	vmul.f32 $1.442695020e+00, v30;
	(erf) = vpow2.f32 v25  }
0x75: {  	v15 =	vmax.f32 v37, v42;
	v12 =	vmul.f32 $1.442695020e+00, v21;
	(erf) = vpow2.f32 v43  }
0x76: {  	v28 =	vmul.f32 $1.442695020e+00, v28;
	v14 =	vmax.f32 v14, v15;
	(erf) = vpow2.f32 v30  }
0x77: {  	v21 =	vmul.f32 $1.442695020e+00, v58;
	v25 =	vsub.f32 v22, v35;
	(erf) = vpow2.f32 v57;
	v17 =	vpop (erf)  }
0x78: {  	v29 =	vsub.f32 v23, v38;
	(erf) = vpow2.f32 v28;
	v15 =	vpop (erf);
	v14 =	vmul.f32 v17, v14  }
0x79: {  	v25 =	vmul.f32 $1.442695020e+00, v25;
	v17 =	vsel vm0, $0x2, v2;
	(erf) = vpow2.f32 v12;
	v12 =	vpop (erf)  }
0x7a: {  	vm0 =	vgt.f32 v10, v11;
	(erf) = vpow2.f32 v21;
	v19 =	vpop (erf);
	v10 =	vmul.f32 $1.500000000e+01, v14  }
0x7b: {  	v13 =	vmul.f32 $1.442695020e+00, v29;
	v17 =	vsel vm0, $0x3, v17;
	v11 =	vpop (erf);
	(erf) = vpow2.f32 v59  }
0x7c: {  	vm0 =	vgt.f32 v22, v32;
	v21 =	vsel vm1, $0x2, v2;
	v26 =	vpop (erf);
	v10 =	vtrunc.f32 v10  }
0x7d: {  	vm1 =	vgt.f32 v16, v27;
	v18 =	vpop (erf);
	(erf) = vpow2.f32 v25;
	v10 =	vcvt.f32.s32 v10  }
0x7e: {  	v16 =	vsel vm2, $0x2, v2;
	v12 =	vadd.f32 v12, v15;
	v27 =	vadd.f32 v11, v19;
	v25 =	vpop (erf)  }
0x7f: {  	v19 =	vmax.f32 v15, v19;
	(erf) = vpow2.f32 v13;
	v28 =	vpop (erf);
	v15 =	vcvt.s32.f32 v10  }
0x80: {  	s11 =	sand.u32 $0xF80, s2;
	s3 =	simm.s32 $0x40;
	vm2 =	vgt.f32 v20, v24;
	v13 =	vadd.f32 v18, v26;
	v24 =	vmax.f32 v26, v25;
	v18 =	vpop (erf)  }
0x81: {  	s11 =	sadd.s32 $0xF800, s11;
	s4 =	sand.u32 $0x40, s3;
	s1 =	simm.s32 $0x200;
	v26 =	vsel vm1, $0x3, v21;
	v21 =	vadd.f32 v28, v25;
	v20 =	vpop (erf);
	v15 =	vmul.f32 $6.666667010e-02, v15  }
0x82: {  	s7 =	sor.u32 s7, s11;
	s12 =	sor.u32 $0x30, s4;
	s9 =	sand.u32 $0x7C00, s1;
	v12 =	vadd.f32 v27, v12;
	v25 =	vsel vm3, $0x3, v16;
	vm3 =	vgt.f32 v23, v34;
	v22 =	vpop (erf)  }
0x83: {  	s10 =	sor.u32 s12, s9;
	v31 =	vld [tilespmem:s7+$0x0];
	v20 =	vadd.f32 v20, v18;
	v13 =	vadd.f32 v21, v13;
	v23 =	vpop (erf);
	vm1 =	vle.f32 v14, v15  }
0x84: {  	v16 =	vld [tilespmem:s10+$0x100];
	v18 =	vmax.f32 v18, v22;
	v21 =	vadd.f32 v23, v22;
	v27 =	vpop (erf);
	v22 =	vsel vm1, $0xFFFFFFFF, v2  }
0x85: {  	v15 =	vld [tilespmem:s10+$0x0];
	vm1 =	vgt.f32 v14, $0.0e+00;
	v12 =	vadd.f32 v12, v27;
	v10 =	vadd.s32 v10, v22  }
0x86: {  	v27 =	vmax.f32 v11, v27;
	v11 =	vld [tilespmem:s10+$0x180];
	v22 =	vadd.f32 v21, v20;
	v29 =	vpop (erf);
	v21 =	vshll.u32 v10, $0x4  }
0x87: {  	v10 =	vld [tilespmem:s10+$0x200];
	v9 =	vadd.f32 v13, v29;
	v20 =	vor.u32 v0, v21;
	v13 =	vsel vm4, $0x2, v2  }
0x88: {  	s8 =	sor.u32 s4, s9;
	v30 =	vld [tilespmem:s10+$0x80];
	v8 =	vpop (erf);
	vm4 =	vgt.f32 v5, v7;
	v21 =	vadd.s32 v3, v21;
	(erf) = vrcp.f32 v12  }
0x89: {  	s5 =	sor.u32 s5, s11;
	v36 =	vld [tilespmem:s8+$0x200];
	v5 =	vadd.f32 v22, v8;
	v7 =	vsel vm4, $0x3, v13;
	vm4 =	vgt.f32 v4, v6  }
0x8a: {  	s6 =	sor.u32 s6, s11;
	v13 =	vmax.f32 v15, v16;
	v4 =	vmax.f32 v28, v29;
	v6 =	vld [tilespmem:s5+$0x0];
	s5 =	sor.u32 $0x10, s4;
	v8 =	vmax.f32 v23, v8  }
0x8b: {  	v28 =	vld [tilespmem:s6+$0x0];
	v7 =	vsel vm4, $0x4, v7;
	(erf) = vrcp.f32 v9;
	s10 =	sor.u32 s5, s9;
	v12 =	vmax.f32 v13, v11  }
0x8c: {  	v8 =	vmax.f32 v18, v8;
	(erf) = vrcp.f32 v5;
	v18 =	vld [tilespmem:s10+$0x0];
	v9 =	vmax.f32 v12, v10  }
0x8d: {  	s6 =	sor.u32 $0x20, s4;
	vm4 =	veq.s32 v7, v31;
	v7 =	vmax.f32 v19, v27;
	v27 =	vld [tilespmem:s10+$0x100];
	v5 =	vmax.f32 v9, v30  }
0x8e: {  	v17 =	vsel vm2, $0x4, v17;
	v25 =	vsel vm3, $0x4, v25;
	s11 =	sor.u32 s6, s9;
	v9 =	vld [tilespmem:s31+$0x0];
	v19 =	vsub.f32 v15, v5  }
0x8f: {  	v4 =	vmax.f32 v24, v4;
	v24 =	vld [tilespmem:s11+$0x0];
	v23 =	vsub.f32 v30, v5;
	v29 =	vsub.f32 v16, v5  }
0x90: {  	v22 =	vsel vm4, $0x3F800000, v1;
	[tilespmem:v20+s28+$0x0] =	vst.idx.add.f32.msk vm1, v14;
	v30 =	vsub.f32 v11, v5;
	v19 =	vmul.f32 $1.442695020e+00, v19  }
0x91: {  	[tilespmem:v21+s28+$0x0] =	vst.idx.add.f32.msk vm1, v22;
	vm1 =	vgt.f32 v16, v15;
	v23 =	vmul.f32 $1.442695020e+00, v23;
	v29 =	vmul.f32 $1.442695020e+00, v29  }
0x92: {  	v31 =	vld [tilespmem:s11+$0x100];
	v30 =	vmul.f32 $1.442695020e+00, v30;
	v33 =	vmax.f32 v18, v27;
	(erf) = vpow2.f32 v19  }
0x93: {  	v19 =	vsel vm0, $0x4, v26;
	v26 =	vld [tilespmem:s8+$0x0];
	vm0 =	veq.s32 v17, v6;
	vm2 =	veq.s32 v25, v9  }
0x94: {  	v9 =	vpop (erf);
	v17 =	vld [tilespmem:s8+$0x100];
	v25 =	vsub.f32 v10, v5;
	(erf) = vpow2.f32 v23;
	vm3 =	veq.s32 v19, v28  }
0x95: {  	v23 =	vld [tilespmem:s10+$0x180];
	v6 =	vsel vm0, $0x3F800000, v1;
	v7 =	vmul.f32 v9, v7;
	(erf) = vpow2.f32 v29  }
0x96: {  	v28 =	vld [tilespmem:s8+$0x180];
	v9 =	vsel vm3, $0x3F800000, v1;
	v25 =	vmul.f32 $1.442695020e+00, v25;
	v19 =	vpop (erf);
	(erf) = vpow2.f32 v30  }
0x97: {  	v32 =	vld [tilespmem:s10+$0x200];
	vm3 =	vgt.f32 v31, v24;
	v29 =	vmul.f32 $1.500000000e+01, v7;
	v5 =	vmul.f32 v19, v4;
	v4 =	vpop (erf)  }
0x98: {  	v61 =	vld [tilespmem:s10+$0x80];
	(erf) = vpow2.f32 v25;
	v8 =	vmul.f32 v4, v8;
	v4 =	vsel vm2, $0x3F800000, v1  }
0x99: {  	v47 =	vld [tilespmem:s8+$0x80];
	v25 =	vtrunc.f32 v29;
	v29 =	vmax.f32 v24, v31;
	vm2 =	vgt.f32 v27, v18  }
0x9a: {  	v19 =	vld [tilespmem:s11+$0x180];
	v37 =	vmax.f32 v26, v17;
	vm4 =	vgt.f32 v17, v26;
	v30 =	vmul.f32 $1.500000000e+01, v5  }
0x9b: {  	v38 =	vmax.f32 v33, v23;
	v42 =	vmax.f32 v37, v28;
	v25 =	vcvt.f32.s32 v25  }
0x9c: {  	v60 =	vmul.f32 $1.500000000e+01, v8;
	v45 =	vmax.f32 v38, v32;
	v51 =	vmax.f32 v42, v36  }
0x9d: {  	v30 =	vtrunc.f32 v30;
	v49 =	vcvt.s32.f32 v25;
	v45 =	vmax.f32 v45, v61;
	v40 =	vpop (erf)  }
0x9e: {  	v51 =	vmax.f32 v51, v47;
	v18 =	vsub.f32 v18, v45;
	v39 =	vsub.f32 v61, v45;
	v62 =	vpop (erf)  }
0x9f: {  	v35 =	vld [tilespmem:s11+$0x200];
	v41 =	vmax.f32 v29, v19;
	v27 =	vsub.f32 v27, v45;
	v55 =	vsub.f32 v23, v45;
	v46 =	vpop (erf)  }
0xa0: {  	v34 =	vtrunc.f32 v60;
	v47 =	vsub.f32 v47, v51;
	v45 =	vsub.f32 v32, v45;
	v50 =	vpop (erf)  }
0xa1: {  	v63 =	vld [tilespmem:s11+$0x80];
	v30 =	vcvt.f32.s32 v30;
	v43 =	vadd.f32 v62, v40;
	v52 =	vadd.f32 v50, v46  }
0xa2: {  	vm7 =	vgt.f32 v19, v29;
	v34 =	vcvt.f32.s32 v34;
	v49 =	vmul.f32 $6.666667010e-02, v49  }
0xa3: {  	v53 =	vcvt.s32.f32 v30;
	v18 =	vmul.f32 $1.442695020e+00, v18;
	v43 =	vadd.f32 v52, v43  }
0xa4: {  	v48 =	vmax.f32 v41, v35;
	v39 =	vmul.f32 $1.442695020e+00, v39;
	v27 =	vmul.f32 $1.442695020e+00, v27;
	v60 =	vpop (erf)  }
0xa5: {  	v55 =	vmul.f32 $1.442695020e+00, v55;
	v47 =	vmul.f32 $1.442695020e+00, v47;
	v43 =	vadd.f32 v43, v60  }
0xa6: {  	v48 =	vmax.f32 v48, v63;
	v45 =	vmul.f32 $1.442695020e+00, v45;
	v54 =	vcvt.s32.f32 v34  }
0xa7: {  	v56 =	vsub.f32 v24, v48;
	v44 =	vsub.f32 v63, v48;
	(erf) = vrcp.f32 v43  }
0xa8: {  	v24 =	vsub.f32 v17, v51;
	v17 =	vmul.f32 $6.666667010e-02, v53;
	(erf) = vpow2.f32 v18  }
0xa9: {  	v57 =	vsub.f32 v31, v48;
	v56 =	vmul.f32 $1.442695020e+00, v56;
	(erf) = vpow2.f32 v39  }
0xaa: {  	v44 =	vmul.f32 $1.442695020e+00, v44;
	v18 =	vsub.f32 v26, v51;
	(erf) = vpow2.f32 v27  }
0xab: {  	v61 =	vsub.f32 v19, v48;
	v31 =	vmul.f32 $1.442695020e+00, v57;
	(erf) = vpow2.f32 v55  }
0xac: {  	v62 =	vsub.f32 v28, v51;
	v18 =	vmul.f32 $1.442695020e+00, v18;
	(erf) = vpow2.f32 v56  }
0xad: {  	vm6 =	vle.f32 v5, v17;
	v43 =	vmul.f32 $1.442695020e+00, v61;
	(erf) = vpow2.f32 v44  }
0xae: {  	v17 =	vmax.f32 v40, v46;
	v27 =	vsel vm2, $0x2, v2;
	(erf) = vpow2.f32 v31  }
0xaf: {  	vm2 =	vgt.f32 v23, v33;
	v23 =	vmax.f32 v50, v60;
	(erf) = vpow2.f32 v43  }
0xb0: {  	v48 =	vsub.f32 v35, v48;
	v17 =	vmax.f32 v17, v23;
	(erf) = vpow2.f32 v18;
	v18 =	vpop (erf)  }
0xb1: {  	vm5 =	vle.f32 v7, v49;
	v24 =	vmul.f32 $1.442695020e+00, v24;
	v17 =	vmul.f32 v18, v17  }
0xb2: {  	v51 =	vsub.f32 v36, v51;
	v39 =	vmul.f32 $1.442695020e+00, v62;
	(erf) = vpow2.f32 v47  }
0xb3: {  	v53 =	vsel vm3, $0x2, v2;
	v18 =	vpop (erf);
	(erf) = vpow2.f32 v24;
	v24 =	vmul.f32 $1.500000000e+01, v17  }
0xb4: {  	v29 =	vsel vm5, $0xFFFFFFFF, v2;
	v63 =	vmul.f32 $6.666667010e-02, v54;
	v26 =	vmul.f32 $1.442695020e+00, v51;
	v19 =	vpop (erf)  }
0xb5: {  	vm5 =	vgt.f32 v28, v37;
	v48 =	vmul.f32 $1.442695020e+00, v48;
	(erf) = vpow2.f32 v39;
	v28 =	vpop (erf)  }
0xb6: {  	vm3 =	vle.f32 v8, v63;
	v19 =	vadd.f32 v19, v18;
	v54 =	vpop (erf);
	(erf) = vpow2.f32 v45  }
0xb7: {  	v23 =	vmax.f32 v18, v28;
	v18 =	vtrunc.f32 v24;
	(erf) = vpow2.f32 v48;
	v24 =	vpop (erf)  }
0xb8: {  	v28 =	vadd.f32 v54, v28;
	v56 =	vcvt.f32.s32 v18;
	(erf) = vpow2.f32 v26;
	v26 =	vpop (erf)  }
0xb9: {  	vm0 =	vgt.f32 v7, $0.0e+00;
	v57 =	vsel vm3, $0xFFFFFFFF, v2;
	v18 =	vsel vm2, $0x3, v27;
	v59 =	vpop (erf)  }
0xba: {  	v26 =	vadd.f32 v26, v24;
	v27 =	vmax.f32 v24, v59;
	v24 =	vcvt.s32.f32 v56  }
0xbb: {  	v25 =	vadd.s32 v25, v29;
	vm3 =	vgt.f32 v36, v42;
	v22 =	vadd.s32 v34, v57  }
0xbc: {  	v55 =	vsel vm6, $0xFFFFFFFF, v2;
	v31 =	vsel vm4, $0x2, v2;
	v58 =	vadd.f32 v28, v19;
	v28 =	vpop (erf)  }
0xbd: {  	vm4 =	vgt.f32 v32, v38;
	v60 =	vadd.f32 v28, v59;
	v61 =	vpop (erf);
	v14 =	vmul.f32 $6.666667010e-02, v24  }
0xbe: {  	v20 =	vsel vm5, $0x3, v31;
	vm2 =	vgt.f32 v35, v41;
	v19 =	vsel vm7, $0x3, v53;
	v24 =	vpop (erf)  }
0xbf: {  	s3 =	sand.u32 $0xF80, s3;
	v62 =	vadd.f32 v60, v26;
	vm5 =	vle.f32 v17, v14;
	v31 =	vadd.f32 v24, v61;
	v63 =	vpop (erf)  }
0xc0: {  	s3 =	sadd.s32 $0xF800, s3;
	v24 =	vadd.s32 v30, v55;
	v21 =	vsel vm5, $0xFFFFFFFF, v2;
	vm5 =	vgt.f32 v17, $0.0e+00;
	v29 =	vpop (erf)  }
0xc1: {  	s5 =	sor.u32 s5, s3;
	v26 =	vmax.f32 v61, v63;
	v21 =	vadd.s32 v56, v21;
	v14 =	vadd.f32 v29, v63;
	v30 =	vpop (erf)  }
0xc2: {  	s12 =	sor.u32 s12, s3;
	s4 =	simm.s32 $0x4;
	v37 =	vshll.u32 v21, $0x4;
	v21 =	vld [tilespmem:s5+$0x0];
	v32 =	vadd.f32 v58, v30;
	v30 =	vmax.f32 v54, v30;
	v33 =	vpop (erf)  }
0xc3: {  	s7 =	sor.u32 s6, s3;
	s3 =	simm.s32 $0xF800;
	s5 =	simm.s32 $0x80;
	v15 =	vor.u32 v0, v37;
	v36 =	vadd.f32 v14, v31;
	v31 =	vld [tilespmem:s12+$0x0];
	v34 =	vpop (erf);
	v35 =	vadd.f32 v62, v33  }
.LBB2_2:
0xc4: {  	v14 =	vsel vm1, $0x2, v2  }
0xc5: {  	s9 =	sand.u32 $0x40, s5;
	v16 =	vld [tilespmem:s7+$0x0];
	vm6 =	vgt.f32 v11, v13;
	v11 =	vadd.s32 v3, v37;
	s1 =	sadd.s32 $0x200, s1;
	s3 =	sadd.s32 $0x40, s3;
	vm1 =	vmmov vm0  }
0xc6: {  	v13 =	vadd.f32 v36, v34;
	vm0 =	vgt.f32 v10, v12;
	s11 =	sand.u32 $0x7C00, s1;
	s7 =	sor.u32 $0x10, s9;
	s6 =	sor.u32 $0x30, s9;
	v14 =	vsel vm6, $0x3, v14  }
0xc7: {  	v10 =	vmax.f32 v28, v33;
	s8 =	sor.u32 $0x20, s9;
	s10 =	sor.u32 s7, s11;
	s12 =	sor.u32 s6, s11;
	v12 =	vld [tilespmem:s3+$0x0];
	v28 =	vsel vm0, $0x4, v14;
	(erf) = vrcp.f32 v32  }
0xc8: {  	v29 =	vmax.f32 v29, v34;
	s9 =	sor.u32 s9, s11;
	s11 =	sor.u32 s8, s11;
	v14 =	vld [tilespmem:s12+$0x0];
	vm0 =	veq.s32 v28, v31;
	(erf) = vrcp.f32 v35  }
0xc9: {  	v28 =	vmax.f32 v23, v30;
	v23 =	vsel vm0, $0x3F800000, v1;
	[tilespmem:v15+s28+$0x0] =	vst.idx.add.f32.msk vm5, v17;
	(erf) = vrcp.f32 v13  }
0xca: {  	v17 =	vmax.f32 v26, v29;
	v13 =	vsel vm4, $0x4, v18;
	v18 =	vmax.f32 v27, v10;
	[tilespmem:v11+s28+$0x0] =	vst.idx.add.f32.msk vm5, v23  }
0xcb: {  	v20 =	vsel vm3, $0x4, v20;
	v19 =	vsel vm2, $0x4, v19;
	v23 =	vshll.u32 v25, $0x4;
	v15 =	vld [tilespmem:s12+$0x100]  }
0xcc: {  	s4 =	sadd.s32 $0x4, s4;
	vm0 =	veq.s32 v13, v21;
	v13 =	vshll.u32 v22, $0x4;
	v21 =	vshll.u32 v24, $0x4;
	v11 =	vld [tilespmem:s12+$0x180]  }
0xcd: {  	p2 =	slt.u32 s4, $0xF4;
	vm5 =	veq.s32 v19, v16;
	v35 =	vor.u32 v0, v23;
	vm2 =	veq.s32 v20, v12;
	v10 =	vld [tilespmem:s12+$0x200]  }
0xce: {  	v36 =	vadd.s32 v3, v23;
	v37 =	vor.u32 v0, v21;
	v38 =	vadd.s32 v3, v21;
	v16 =	vld [tilespmem:s12+$0x80]  }
0xcf: {  	vm4 =	vgt.f32 v5, $0.0e+00;
	v40 =	vor.u32 v0, v13;
	v41 =	vadd.s32 v3, v13;
	v39 =	vld [tilespmem:s10+$0x0]  }
0xd0: {  	vm3 =	vgt.f32 v8, $0.0e+00;
	v43 =	vsel vm0, $0x3F800000, v1;
	v42 =	vld [tilespmem:s10+$0x100];
	v13 =	vmax.f32 v14, v15;
	v19 =	vpop (erf)  }
0xd1: {  	v45 =	vsel vm5, $0x3F800000, v1;
	v23 =	vld [tilespmem:s11+$0x0];
	v12 =	vmax.f32 v13, v11;
	v44 =	vmul.f32 v19, v28;
	v19 =	vpop (erf)  }
0xd2: {  	v46 =	vsel vm2, $0x3F800000, v1;
	v31 =	vld [tilespmem:s11+$0x100];
	v20 =	vmax.f32 v12, v10;
	v47 =	vmul.f32 v19, v18;
	v18 =	vpop (erf)  }
0xd3: {  	v33 =	vld [tilespmem:s9+$0x0];
	v21 =	vmax.f32 v20, v16;
	v48 =	vmul.f32 v18, v17;
	v18 =	vmul.f32 $1.500000000e+01, v44  }
0xd4: {  	vm0 =	vgt.f32 v44, $0.0e+00;
	v34 =	vld [tilespmem:s9+$0x100];
	v19 =	vsub.f32 v14, v21;
	v22 =	vmul.f32 $1.500000000e+01, v47  }
0xd5: {  	v16 =	vsub.f32 v16, v21;
	v30 =	vld [tilespmem:s10+$0x180];
	v32 =	vmax.f32 v39, v42;
	v24 =	vmul.f32 $1.500000000e+01, v48  }
0xd6: {  	v25 =	vsub.f32 v15, v21;
	v49 =	vtrunc.f32 v18;
	v17 =	vld [tilespmem:s11+$0x180];
	v20 =	vmul.f32 $1.442695020e+00, v19  }
0xd7: {  	v26 =	vsub.f32 v11, v21;
	v16 =	vmul.f32 $1.442695020e+00, v16;
	v18 =	vld [tilespmem:s9+$0x180];
	v29 =	vmax.f32 v23, v31  }
0xd8: {  	vm2 =	vgt.f32 v42, v39;
	v25 =	vmul.f32 $1.442695020e+00, v25;
	v19 =	vld [tilespmem:s10+$0x200];
	(erf) = vpow2.f32 v20  }
0xd9: {  	v50 =	vmul.f32 $1.442695020e+00, v26;
	v28 =	vmax.f32 v33, v34;
	v20 =	vld [tilespmem:s11+$0x200];
	(erf) = vpow2.f32 v16  }
0xda: {  	v22 =	vtrunc.f32 v22;
	v16 =	vld [tilespmem:s9+$0x200];
	v27 =	vmax.f32 v32, v30;
	(erf) = vpow2.f32 v25  }
0xdb: {  	v21 =	vsub.f32 v10, v21;
	v51 =	vld [tilespmem:s10+$0x80];
	v26 =	vmax.f32 v29, v17;
	(erf) = vpow2.f32 v50  }
0xdc: {  	v52 =	vtrunc.f32 v24;
	v24 =	vcvt.f32.s32 v49;
	v25 =	vmax.f32 v28, v18;
	v50 =	vld [tilespmem:s11+$0x80]  }
0xdd: {  	v54 =	vmul.f32 $1.442695020e+00, v21;
	v22 =	vcvt.f32.s32 v22;
	v49 =	vld [tilespmem:s9+$0x80];
	v53 =	vmax.f32 v27, v19  }
0xde: {  	v21 =	vcvt.f32.s32 v52;
	v52 =	vcvt.s32.f32 v24;
	v55 =	vmax.f32 v26, v20;
	[tilespmem:v35+s28+$0x0] =	vst.idx.add.f32.msk vm1, v7;
	v7 =	vmovc v44  }
0xdf: {  	v44 =	vcvt.s32.f32 v22;
	v35 =	vmax.f32 v25, v16;
	(erf) = vpow2.f32 v54;
	[tilespmem:v36+s28+$0x0] =	vst.idx.add.f32.msk vm1, v6;
	v6 =	vmovc v43  }
0xe0: {  	v52 =	vmul.f32 $6.666667010e-02, v52;
	v43 =	vcvt.s32.f32 v21;
	v36 =	vmax.f32 v53, v51;
	[tilespmem:v37+s28+$0x0] =	vst.idx.add.f32.msk vm4, v5;
	v5 =	vmovc v47  }
0xe1: {  	v37 =	vsub.f32 v39, v36;
	v39 =	vsub.f32 v51, v36;
	v47 =	vmax.f32 v55, v50;
	v51 =	vpop (erf)  }
0xe2: {  	v42 =	vsub.f32 v42, v36;
	v53 =	vsub.f32 v30, v36;
	v35 =	vmax.f32 v35, v49;
	v54 =	vpop (erf)  }
0xe3: {  	v55 =	vsub.f32 v23, v47;
	v50 =	vsub.f32 v50, v47;
	v37 =	vmul.f32 $1.442695020e+00, v37;
	v56 =	vpop (erf);
	[tilespmem:v38+s28+$0x0] =	vst.idx.add.f32.msk vm4, v9  }
0xe4: {  	v57 =	vsub.f32 v17, v47;
	v38 =	vmul.f32 $1.442695020e+00, v39;
	v39 =	vsub.f32 v31, v47;
	v58 =	vpop (erf);
	[tilespmem:v40+s28+$0x0] =	vst.idx.add.f32.msk vm3, v8  }
0xe5: {  	v59 =	vadd.f32 v54, v51;
	v40 =	vmul.f32 $1.442695020e+00, v42;
	v42 =	vadd.f32 v58, v56;
	[tilespmem:v41+s28+$0x0] =	vst.idx.add.f32.msk vm3, v4  }
0xe6: {  	v49 =	vsub.f32 v49, v35;
	v53 =	vmul.f32 $1.442695020e+00, v53;
	v9 =	vmovc v45;
	v41 =	vsub.f32 v33, v35;
	v4 =	vmovc v46  }
0xe7: {  	v45 =	vsub.f32 v34, v35;
	v8 =	vmovc v48;
	v46 =	vmul.f32 $1.442695020e+00, v55;
	v42 =	vadd.f32 v42, v59  }
0xe8: {  	v48 =	vsub.f32 v18, v35;
	v50 =	vmul.f32 $1.442695020e+00, v50;
	v39 =	vmul.f32 $1.442695020e+00, v39;
	v54 =	vpop (erf)  }
0xe9: {  	v55 =	vmul.f32 $1.442695020e+00, v57;
	v41 =	vmul.f32 $1.442695020e+00, v41;
	v42 =	vadd.f32 v42, v54  }
0xea: {  	v36 =	vsub.f32 v19, v36;
	v49 =	vmul.f32 $1.442695020e+00, v49;
	v45 =	vmul.f32 $1.442695020e+00, v45  }
0xeb: {  	v47 =	vsub.f32 v20, v47;
	v48 =	vmul.f32 $1.442695020e+00, v48;
	(erf) = vrcp.f32 v42  }
0xec: {  	v36 =	vmul.f32 $1.442695020e+00, v36;
	v35 =	vsub.f32 v16, v35;
	(erf) = vpow2.f32 v37  }
0xed: {  	vm3 =	vgt.f32 v31, v23;
	v31 =	vmul.f32 $1.442695020e+00, v47;
	(erf) = vpow2.f32 v38  }
0xee: {  	vm6 =	vgt.f32 v34, v33;
	v33 =	vmul.f32 $1.442695020e+00, v35;
	(erf) = vpow2.f32 v40  }
0xef: {  	vm7 =	vle.f32 v7, v52;
	v23 =	vmul.f32 $6.666667010e-02, v44;
	(erf) = vpow2.f32 v53  }
0xf0: {  	v34 =	vsel vm2, $0x2, v2;
	v35 =	vmul.f32 $6.666667010e-02, v43;
	(erf) = vpow2.f32 v46  }
0xf1: {  	vm1 =	vgt.f32 v30, v32;
	vm5 =	vle.f32 v5, v23;
	(erf) = vpow2.f32 v50  }
0xf2: {  	v30 =	vsel vm3, $0x2, v2;
	vm4 =	vle.f32 v8, v35;
	(erf) = vpow2.f32 v39  }
0xf3: {  	v35 =	vmax.f32 v51, v56;
	v32 =	vmax.f32 v58, v54;
	(erf) = vpow2.f32 v55  }
0xf4: {  	vm2 =	vgt.f32 v17, v29;
	v17 =	vmax.f32 v35, v32;
	(erf) = vpow2.f32 v41;
	v23 =	vpop (erf)  }
0xf5: {  	v29 =	vsel vm6, $0x2, v2;
	v17 =	vmul.f32 v23, v17;
	(erf) = vpow2.f32 v49;
	v23 =	vpop (erf)  }
0xf6: {  	vm3 =	vgt.f32 v18, v28;
	v32 =	vsel vm7, $0xFFFFFFFF, v2;
	(erf) = vpow2.f32 v45;
	v18 =	vpop (erf)  }
0xf7: {  	v28 =	vadd.f32 v18, v23;
	v18 =	vmul.f32 $1.500000000e+01, v17;
	(erf) = vpow2.f32 v48;
	v35 =	vpop (erf)  }
0xf8: {  	v23 =	vmax.f32 v23, v35;
	v37 =	vpop (erf);
	(erf) = vpow2.f32 v36;
	v36 =	vsel vm5, $0xFFFFFFFF, v2  }
0xf9: {  	v40 =	vadd.f32 v37, v35;
	v18 =	vtrunc.f32 v18;
	v38 =	vpop (erf);
	(erf) = vpow2.f32 v31  }
0xfa: {  	v39 =	vsel vm4, $0xFFFFFFFF, v2;
	v31 =	vcvt.f32.s32 v18;
	(erf) = vpow2.f32 v33;
	v33 =	vpop (erf)  }
0xfb: {  	v18 =	vsel vm1, $0x3, v34;
	v34 =	vadd.f32 v40, v28;
	v33 =	vadd.f32 v33, v38;
	v35 =	vpop (erf)  }
0xfc: {  	vm4 =	vgt.f32 v19, v27;
	v27 =	vmax.f32 v38, v35;
	v38 =	vcvt.s32.f32 v31;
	v28 =	vpop (erf)  }
0xfd: {  	v19 =	vsel vm2, $0x3, v30;
	vm2 =	vgt.f32 v20, v26;
	v26 =	vadd.f32 v28, v35;
	v30 =	vpop (erf)  }
0xfe: {  	v20 =	vsel vm3, $0x3, v29;
	vm3 =	vgt.f32 v16, v25;
	v16 =	vmul.f32 $6.666667010e-02, v38;
	v25 =	vpop (erf)  }
0xff: {  	v35 =	vadd.f32 v25, v30;
	v38 =	vadd.f32 v26, v33;
	v33 =	vpop (erf);
	v25 =	vadd.s32 v24, v32  }
.Ltmp2:
0x100: {  	s9 =	sand.u32 $0xF80, s5;
	v24 =	vadd.s32 v22, v36;
	v26 =	vmax.f32 v30, v33;
	vm1 =	vle.f32 v17, v16;
	v29 =	vpop (erf);
	(pc) =	sbr.rel @p2 .LBB2_2-.Ltmp2, $4  }
0x101: {  	s9 =	sadd.s32 $0xF800, s9;
	v22 =	vadd.s32 v21, v39;
	v16 =	vadd.f32 v29, v33;
	v36 =	vsel vm1, $0xFFFFFFFF, v2;
	v30 =	vpop (erf)  }
0x102: {  	s10 =	sor.u32 s7, s9;
	s7 =	sor.u32 s8, s9;
	s6 =	sor.u32 s6, s9;
	v32 =	vadd.f32 v34, v30;
	v30 =	vmax.f32 v37, v30;
	v21 =	vadd.s32 v31, v36;
	v33 =	vpop (erf)  }
0x103: {  	vm5 =	vgt.f32 v17, $0.0e+00;
	v36 =	vadd.f32 v16, v35;
	v31 =	vld [tilespmem:s6+$0x0];
	v37 =	vshll.u32 v21, $0x4;
	v34 =	vpop (erf)  }
0x104: {  	s5 =	sadd.s32 $0x40, s5;
	vm1 =	vgt.f32 v15, v14;
	v35 =	vadd.f32 v38, v33;
	v21 =	vld [tilespmem:s10+$0x0];
	v15 =	vor.u32 v0, v37  }
0x105: {  	v14 =	vadd.f32 v36, v34;
	(erf) = vrcp.f32 v32  }
0x106: {  	(erf) = vrcp.f32 v35  }
0x107: {  	(erf) = vrcp.f32 v14;
	_ =	sdelay $0x3  }
0x108: {  	v14 =	vsel vm1, $0x2, v2  }
0x109: {  	vm1 =	vgt.f32 v11, v13  }
0x10a: {  	v16 =	vmax.f32 v29, v34;
	v13 =	vsel vm1, $0x3, v14  }
0x10b: {  	vm1 =	vgt.f32 v10, v12;
	v10 =	vmax.f32 v28, v33;
	v12 =	vmax.f32 v23, v30;
	v14 =	vpop (erf)  }
0x10c: {  	vm0 =	vmmov vm0;
	v10 =	vmax.f32 v27, v10;
	v12 =	vmul.f32 v14, v12;
	v14 =	vpop (erf)  }
0x10d: {  	v16 =	vmax.f32 v26, v16;
	v13 =	vsel vm1, $0x4, v13;
	v10 =	vmul.f32 v14, v10;
	v14 =	vpop (erf)  }
0x10e: {  	vm1 =	veq.s32 v13, v31;
	v13 =	vmul.f32 v14, v16;
	v14 =	vmul.f32 $1.500000000e+01, v12  }
0x10f: {  	v25 =	vshll.u32 v25, $0x4;
	v22 =	vshll.u32 v22, $0x4;
	v23 =	vmul.f32 $1.500000000e+01, v10  }
0x110: {  	v24 =	vshll.u32 v24, $0x4;
	v26 =	vmul.f32 $1.500000000e+01, v13;
	v14 =	vtrunc.f32 v14  }
0x111: {  	v29 =	vor.u32 v0, v24;
	v23 =	vtrunc.f32 v23;
	v14 =	vcvt.f32.s32 v14  }
0x112: {  	v24 =	vadd.s32 v3, v24;
	v11 =	vadd.s32 v3, v37;
	v23 =	vcvt.f32.s32 v23  }
0x113: {  	v27 =	vor.u32 v0, v25;
	v26 =	vtrunc.f32 v26;
	v28 =	vcvt.s32.f32 v14  }
0x114: {  	v25 =	vadd.s32 v3, v25;
	v26 =	vcvt.f32.s32 v26;
	v30 =	vcvt.s32.f32 v23  }
0x115: {  	v16 =	vsel vm1, $0x3F800000, v1;
	vm1 =	vgt.f32 v5, $0.0e+00;
	v28 =	vmul.f32 $6.666667010e-02, v28  }
0x116: {  	[tilespmem:v15+s28+$0x0] =	vst.idx.add.f32.msk vm5, v17;
	v31 =	vor.u32 v0, v22;
	v15 =	vcvt.s32.f32 v26;
	v17 =	vmul.f32 $6.666667010e-02, v30  }
0x117: {  	[tilespmem:v11+s28+$0x0] =	vst.idx.add.f32.msk vm5, v16;
	v11 =	vadd.s32 v3, v22;
	vm5 =	vgt.f32 v8, $0.0e+00;
	vm6 =	vle.f32 v12, v28  }
0x118: {  	[tilespmem:v27+s28+$0x0] =	vst.idx.add.f32.msk vm0, v7;
	v15 =	vmul.f32 $6.666667010e-02, v15;
	v22 =	vsel vm6, $0xFFFFFFFF, v2;
	vm6 =	vle.f32 v10, v17  }
0x119: {  	[tilespmem:v25+s28+$0x0] =	vst.idx.add.f32.msk vm0, v6;
	v17 =	vsel vm6, $0xFFFFFFFF, v2;
	vm6 =	vgt.f32 v12, $0.0e+00;
	v7 =	vadd.s32 v14, v22  }
0x11a: {  	v16 =	vld [tilespmem:s7+$0x0];
	vm0 =	vle.f32 v13, v15;
	vm6 =	vmmov vm6;
	v6 =	vshll.u32 v7, $0x4  }
0x11b: {  	[tilespmem:v29+s28+$0x0] =	vst.idx.add.f32.msk vm1, v5;
	v14 =	vsel vm0, $0xFFFFFFFF, v2;
	v15 =	vadd.s32 v23, v17;
	v17 =	vor.u32 v0, v6  }
0x11c: {  	[tilespmem:v24+s28+$0x0] =	vst.idx.add.f32.msk vm1, v9;
	vm0 =	vgt.f32 v10, $0.0e+00;
	v5 =	vshll.u32 v15, $0x4;
	v6 =	vadd.s32 v3, v6  }
0x11d: {  	s1 =	sadd.s32 $0x40, s3;
	[tilespmem:v31+s28+$0x0] =	vst.idx.add.f32.msk vm5, v8;
	vm1 =	vgt.f32 v13, $0.0e+00;
	v9 =	vadd.s32 v26, v14;
	v14 =	vor.u32 v0, v5  }
0x11e: {  	v7 =	vld [tilespmem:s1+$0x0];
	v15 =	vsel vm4, $0x4, v18;
	v8 =	vshll.u32 v9, $0x4;
	v5 =	vadd.s32 v3, v5  }
0x11f: {  	[tilespmem:v11+s28+$0x0] =	vst.idx.add.f32.msk vm5, v4;
	vm4 =	veq.s32 v15, v21;
	v4 =	vor.u32 v0, v8  }
0x120: {  	v9 =	vsel vm2, $0x4, v19;
	v11 =	vsel vm4, $0x3F800000, v1;
	v8 =	vadd.s32 v3, v8;
	[tilespmem:v17+s28+$0x0] =	vst.idx.add.f32.msk vm6, v12  }
0x121: {  	vm2 =	veq.s32 v9, v16;
	[tilespmem:v6+s28+$0x0] =	vst.idx.add.f32.msk vm6, v11  }
0x122: {  	v9 =	vsel vm2, $0x3F800000, v1;
	v6 =	vsel vm3, $0x4, v20;
	[tilespmem:v14+s28+$0x0] =	vst.idx.add.f32.msk vm0, v10  }
0x123: {  	vm2 =	veq.s32 v6, v7;
	[tilespmem:v5+s28+$0x0] =	vst.idx.add.f32.msk vm0, v9  }
0x124: {  	[tilespmem:v4+s28+$0x0] =	vst.idx.add.f32.msk vm1, v13;
	v5 =	vsel vm2, $0x3F800000, v1  }
0x125: {  	[tilespmem:v8+s28+$0x0] =	vst.idx.add.f32.msk vm1, v5  }
0x126: {  	_ =	swait.ge [sflag:s29], $0x7C00  }
0x127: {  	[sflag:s29] =	ssyncset.done $0x0  }
0x128: {  	s7 =	simm.s32 $0x0;
	[sflag:s29] =	ssyncadd.s32 $0xFFFF8400  }
0x129: {  	s11 =	sand.u32 $0x7C00, s7;
	_ =	swait.ge [sflag:s30], $0xF80  }
0x12a: {  	s10 =	sand.u32 $0x40, s7;
	s4 =	sadd.s32 $0x7C00, s11;
	[sflag:s30] =	ssyncset.done $0x0  }
0x12b: {  	s5 =	sor.u32 $0x30, s10;
	s8 =	rddreg [dreg:$0x8];
	[sflag:s30] =	ssyncadd.s32 $0xFFFFF080  }
0x12c: {  	[tilespmem:s7], [sflag:$0x1] =	stream.linear.gather [hbm4b:s8+s7], $0x7C00, $0x38;
	[tilespmem:$0x11D80] =	vst v63  }
0x12d: {  	s1 =	sor.u32 s5, s4;
	s9 =	rddreg [dreg:$0x9]  }
0x12e: {  	[tilespmem:s31], [sflag:$0x3] =	stream.linear.gather [hbm4b:s9+s7], $0xF80, $0x38;
	[tilespmem:$0x11D80] =	vst v63  }
0x12f: {  	v8 =	vld [tilespmem:s1+$0x0]  }
0x130: {  	v9 =	vld [tilespmem:s1+$0x100]  }
0x131: {  	v5 =	vld [tilespmem:s1+$0x180]  }
0x132: {  	v4 =	vld [tilespmem:s1+$0x200]  }
0x133: {  	v10 =	vld [tilespmem:s1+$0x80];
	_ =	sdelay $0x1  }
0x134: {  	v7 =	vmax.f32 v8, v9  }
0x135: {  	v6 =	vmax.f32 v7, v5  }
0x136: {  	v11 =	vmax.f32 v6, v4  }
0x137: {  	v11 =	vmax.f32 v11, v10  }
0x138: {  	s8 =	sor.u32 s10, s4;
	v13 =	vsub.f32 v8, v11  }
0x139: {  	s12 =	sor.u32 $0x10, s10;
	v12 =	vld [tilespmem:s8+$0x0];
	v10 =	vsub.f32 v10, v11  }
0x13a: {  	s9 =	sor.u32 s12, s4;
	v14 =	vld [tilespmem:s8+$0x100];
	v16 =	vsub.f32 v9, v11;
	v13 =	vmul.f32 $1.442695020e+00, v13  }
0x13b: {  	s6 =	sor.u32 $0x20, s10;
	v15 =	vld [tilespmem:s9+$0x0];
	v18 =	vsub.f32 v5, v11;
	v10 =	vmul.f32 $1.442695020e+00, v10  }
0x13c: {  	s3 =	sor.u32 s6, s4;
	v17 =	vld [tilespmem:s9+$0x100];
	v16 =	vmul.f32 $1.442695020e+00, v16;
	(erf) = vpow2.f32 v13  }
0x13d: {  	v19 =	vld [tilespmem:s3+$0x0];
	v18 =	vmul.f32 $1.442695020e+00, v18;
	(erf) = vpow2.f32 v10  }
0x13e: {  	v20 =	vld [tilespmem:s8+$0x200];
	(erf) = vpow2.f32 v16  }
0x13f: {  	v21 =	vld [tilespmem:s8+$0x80];
	v11 =	vsub.f32 v4, v11;
	(erf) = vpow2.f32 v18  }
0x140: {  	v10 =	vld [tilespmem:s8+$0x180]  }
0x141: {  	v11 =	vmul.f32 $1.442695020e+00, v11;
	v13 =	vld [tilespmem:s3+$0x100]  }
0x142: {  	v16 =	vld [tilespmem:s9+$0x180]  }
0x143: {  	v18 =	vld [tilespmem:s3+$0x180];
	(erf) = vpow2.f32 v11  }
0x144: {  	v22 =	vld [tilespmem:s9+$0x200];
	v27 =	vmax.f32 v15, v17;
	v11 =	vmax.f32 v12, v14  }
0x145: {  	v23 =	vld [tilespmem:s3+$0x200];
	vm0 =	vgt.f32 v14, v12;
	vm1 =	vgt.f32 v17, v15;
	v24 =	vmax.f32 v11, v10;
	v26 =	vpop (erf)  }
0x146: {  	v25 =	vld [tilespmem:s9+$0x80];
	vm4 =	vgt.f32 v9, v8;
	v31 =	vmax.f32 v19, v13;
	v28 =	vmax.f32 v24, v20;
	v30 =	vpop (erf)  }
0x147: {  	v29 =	vld [tilespmem:s3+$0x80];
	vm2 =	vgt.f32 v13, v19;
	v50 =	vmax.f32 v27, v16;
	v28 =	vmax.f32 v28, v21;
	v51 =	vpop (erf)  }
0x148: {  	v52 =	vmax.f32 v31, v18;
	v54 =	vsub.f32 v12, v28;
	v21 =	vsub.f32 v21, v28;
	v55 =	vpop (erf)  }
0x149: {  	v53 =	vmax.f32 v50, v22;
	v30 =	vadd.f32 v30, v26;
	v39 =	vadd.f32 v55, v51  }
0x14a: {  	v38 =	vmax.f32 v52, v23;
	v40 =	vsub.f32 v14, v28;
	v41 =	vsub.f32 v10, v28  }
0x14b: {  	v35 =	vmax.f32 v53, v25;
	v28 =	vsub.f32 v20, v28;
	v30 =	vadd.f32 v39, v30  }
0x14c: {  	v38 =	vmax.f32 v38, v29;
	v56 =	vsub.f32 v15, v35;
	v25 =	vsub.f32 v25, v35;
	v42 =	vpop (erf)  }
0x14d: {  	v36 =	vmul.f32 $1.442695020e+00, v54;
	v21 =	vmul.f32 $1.442695020e+00, v21;
	v30 =	vadd.f32 v30, v42  }
0x14e: {  	v43 =	vsub.f32 v17, v35;
	v40 =	vmul.f32 $1.442695020e+00, v40;
	v41 =	vmul.f32 $1.442695020e+00, v41  }
0x14f: {  	v44 =	vsub.f32 v16, v35;
	v25 =	vmul.f32 $1.442695020e+00, v25;
	(erf) = vrcp.f32 v30  }
0x150: {  	v14 =	vsub.f32 v22, v35;
	v43 =	vmul.f32 $1.442695020e+00, v43;
	(erf) = vpow2.f32 v36  }
0x151: {  	v29 =	vsub.f32 v29, v38;
	v57 =	vmul.f32 $1.442695020e+00, v44;
	(erf) = vpow2.f32 v21  }
0x152: {  	v58 =	vsub.f32 v18, v38;
	v39 =	vmul.f32 $1.442695020e+00, v56;
	(erf) = vpow2.f32 v40  }
0x153: {  	v29 =	vmul.f32 $1.442695020e+00, v29;
	v30 =	vsub.f32 v19, v38;
	(erf) = vpow2.f32 v41  }
0x154: {  	v12 =	vmul.f32 $1.442695020e+00, v58;
	v21 =	vsub.f32 v13, v38;
	(erf) = vpow2.f32 v39  }
0x155: {  	v15 =	vmax.f32 v26, v51;
	v30 =	vmul.f32 $1.442695020e+00, v30;
	(erf) = vpow2.f32 v25  }
0x156: {  	v17 =	vmax.f32 v55, v42;
	v21 =	vmul.f32 $1.442695020e+00, v21;
	(erf) = vpow2.f32 v43  }
0x157: {  	v25 =	vmul.f32 $1.442695020e+00, v28;
	v28 =	vsub.f32 v23, v38;
	(erf) = vpow2.f32 v57  }
0x158: {  	(erf) = vpow2.f32 v30;
	v26 =	vpop (erf);
	v30 =	vmul.f32 $1.442695020e+00, v14;
	v14 =	vmax.f32 v15, v17  }
0x159: {  	vm3 =	vgt.f32 v20, v24;
	v15 =	vpop (erf);
	(erf) = vpow2.f32 v29;
	v14 =	vmul.f32 v26, v14  }
0x15a: {  	v19 =	vsel vm0, $0x2, v2;
	v17 =	vmul.f32 $1.442695020e+00, v28;
	v13 =	vpop (erf);
	(erf) = vpow2.f32 v21  }
0x15b: {  	vm0 =	vgt.f32 v10, v11;
	v21 =	vpop (erf);
	(erf) = vpow2.f32 v12;
	v10 =	vmul.f32 $1.500000000e+01, v14  }
0x15c: {  	v12 =	vsel vm1, $0x2, v2;
	vm1 =	vgt.f32 v16, v27;
	v16 =	vsel vm2, $0x2, v2  }
0x15d: {  	vm2 =	vgt.f32 v18, v31;
	v11 =	vpop (erf);
	(erf) = vpow2.f32 v25;
	v10 =	vtrunc.f32 v10  }
0x15e: {  	v13 =	vadd.f32 v13, v15;
	v28 =	vmax.f32 v15, v21;
	v25 =	vpop (erf);
	v10 =	vcvt.f32.s32 v10  }
0x15f: {  	v26 =	vadd.f32 v11, v21;
	v18 =	vpop (erf);
	(erf) = vpow2.f32 v30;
	v30 =	vsel vm4, $0x2, v2  }
0x160: {  	vm4 =	vgt.f32 v5, v7;
	v27 =	vpop (erf);
	v15 =	vadd.f32 v18, v25;
	v18 =	vcvt.s32.f32 v10  }
0x161: {  	s10 =	simm.s32 $0x200;
	s4 =	simm.s32 $0x40;
	s7 =	sand.u32 $0xF80, s7;
	(erf) = vpow2.f32 v17;
	v17 =	vsel vm0, $0x3, v19;
	v13 =	vadd.f32 v26, v13;
	v19 =	vpop (erf)  }
0x162: {  	s7 =	sadd.s32 $0x10780, s7;
	s8 =	sand.u32 $0x40, s4;
	s3 =	sand.u32 $0x7C00, s10;
	v26 =	vsel vm1, $0x3, v12;
	vm0 =	vgt.f32 v22, v50;
	v7 =	vsel vm4, $0x3, v30;
	v21 =	vpop (erf)  }
0x163: {  	s5 =	sor.u32 s5, s7;
	s9 =	sadd.s32 $0x7C00, s3;
	s3 =	sor.u32 $0x30, s8;
	v24 =	vmax.f32 v25, v27;
	v20 =	vadd.f32 v19, v27;
	v25 =	vpop (erf);
	v12 =	vmul.f32 $6.666667010e-02, v18  }
0x164: {  	v59 =	vld [tilespmem:s5+$0x0];
	s10 =	sor.u32 s3, s9;
	vm4 =	vgt.f32 v4, v6;
	v27 =	vsel vm2, $0x3, v16;
	vm2 =	vgt.f32 v23, v52;
	v18 =	vpop (erf)  }
0x165: {  	v16 =	vld [tilespmem:s10+$0x100];
	v20 =	vadd.f32 v20, v15;
	v23 =	vadd.f32 v25, v21;
	vm1 =	vle.f32 v14, v12;
	v22 =	vpop (erf)  }
0x166: {  	v15 =	vld [tilespmem:s10+$0x0];
	v12 =	vadd.f32 v22, v18;
	v25 =	vpop (erf);
	v18 =	vmax.f32 v21, v18;
	v21 =	vsel vm1, $0xFFFFFFFF, v2  }
0x167: {  	v29 =	vadd.f32 v13, v25;
	v25 =	vmax.f32 v11, v25;
	v10 =	vadd.s32 v10, v21;
	v11 =	vld [tilespmem:s10+$0x180]  }
0x168: {  	v7 =	vsel vm4, $0x4, v7;
	v13 =	vshll.u32 v10, $0x4;
	v10 =	vld [tilespmem:s10+$0x200]  }
0x169: {  	s1 =	sor.u32 s12, s7;
	s12 =	sor.u32 s8, s9;
	v31 =	vld [tilespmem:s10+$0x80];
	vm4 =	veq.s32 v7, v59;
	vm1 =	vgt.f32 v14, $0.0e+00;
	v12 =	vadd.f32 v12, v23;
	v23 =	vpop (erf)  }
0x16a: {  	v32 =	vld [tilespmem:s12+$0x200];
	v7 =	vmax.f32 v28, v25;
	v9 =	vadd.f32 v20, v23;
	v20 =	vor.u32 v0, v13  }
0x16b: {  	v61 =	vld [tilespmem:s12+$0x80];
	v8 =	vpop (erf);
	v21 =	vadd.s32 v3, v13;
	v13 =	vmax.f32 v15, v16;
	v4 =	vmax.f32 v19, v23  }
0x16c: {  	v25 =	vld [tilespmem:s12+$0x0];
	(erf) = vrcp.f32 v29;
	v5 =	vadd.f32 v12, v8;
	v12 =	vmax.f32 v13, v11  }
0x16d: {  	v4 =	vmax.f32 v24, v4;
	v24 =	vld [tilespmem:s12+$0x100];
	(erf) = vrcp.f32 v9;
	v9 =	vmax.f32 v12, v10  }
0x16e: {  	v6 =	vld [tilespmem:s1+$0x0];
	s1 =	simm.s32 $0x10780;
	v17 =	vsel vm3, $0x4, v17;
	(erf) = vrcp.f32 v5;
	v5 =	vmax.f32 v9, v31  }
0x16f: {  	s11 =	sor.u32 s6, s7;
	s5 =	sor.u32 $0x10, s8;
	v26 =	vsel vm0, $0x4, v26;
	v8 =	vmax.f32 v22, v8;
	v9 =	vld [tilespmem:s1+$0x0];
	v23 =	vsub.f32 v15, v5  }
0x170: {  	s6 =	sor.u32 s5, s9;
	v19 =	vld [tilespmem:s11+$0x0];
	v22 =	vsel vm4, $0x3F800000, v1;
	v28 =	vsub.f32 v31, v5;
	v29 =	vsub.f32 v16, v5  }
0x171: {  	v8 =	vmax.f32 v18, v8;
	v18 =	vld [tilespmem:s6+$0x0];
	v30 =	vsub.f32 v11, v5;
	v23 =	vmul.f32 $1.442695020e+00, v23  }
0x172: {  	[tilespmem:v20+s28+$0x0] =	vst.idx.add.f32.msk vm1, v14;
	v33 =	vmax.f32 v25, v24;
	v28 =	vmul.f32 $1.442695020e+00, v28;
	v29 =	vmul.f32 $1.442695020e+00, v29  }
0x173: {  	s11 =	sor.u32 $0x20, s8;
	[tilespmem:v21+s28+$0x0] =	vst.idx.add.f32.msk vm1, v22;
	vm1 =	vgt.f32 v16, v15;
	v30 =	vmul.f32 $1.442695020e+00, v30;
	(erf) = vpow2.f32 v23  }
0x174: {  	s8 =	sor.u32 s11, s9;
	v31 =	vld [tilespmem:s6+$0x100];
	v23 =	vsel vm2, $0x4, v27;
	vm0 =	veq.s32 v17, v9;
	vm2 =	veq.s32 v26, v6  }
0x175: {  	v27 =	vld [tilespmem:s8+$0x0];
	v9 =	vpop (erf);
	v26 =	vsub.f32 v10, v5;
	(erf) = vpow2.f32 v28;
	vm3 =	veq.s32 v23, v19  }
0x176: {  	v17 =	vld [tilespmem:s8+$0x100];
	v19 =	vpop (erf);
	v6 =	vsel vm0, $0x3F800000, v1;
	v7 =	vmul.f32 v9, v7;
	(erf) = vpow2.f32 v29  }
0x177: {  	v23 =	vld [tilespmem:s12+$0x180];
	v9 =	vsel vm2, $0x3F800000, v1;
	v5 =	vmul.f32 v19, v4;
	v4 =	vpop (erf);
	v26 =	vmul.f32 $1.442695020e+00, v26  }
0x178: {  	v28 =	vld [tilespmem:s8+$0x180];
	vm2 =	vgt.f32 v24, v25;
	(erf) = vpow2.f32 v30;
	v8 =	vmul.f32 v4, v8  }
0x179: {  	v19 =	vld [tilespmem:s6+$0x180];
	v4 =	vsel vm3, $0x3F800000, v1;
	v29 =	vmul.f32 $1.500000000e+01, v7;
	vm3 =	vgt.f32 v31, v18  }
0x17a: {  	v36 =	vld [tilespmem:s8+$0x200];
	vm0 =	vgt.f32 v7, $0.0e+00;
	v30 =	vmul.f32 $1.500000000e+01, v5;
	(erf) = vpow2.f32 v26  }
0x17b: {  	v35 =	vld [tilespmem:s6+$0x200];
	v60 =	vmul.f32 $1.500000000e+01, v8;
	v26 =	vtrunc.f32 v29;
	v29 =	vmax.f32 v18, v31  }
0x17c: {  	v47 =	vld [tilespmem:s8+$0x80];
	v37 =	vmax.f32 v27, v17;
	vm4 =	vgt.f32 v17, v27;
	v38 =	vmax.f32 v33, v23  }
0x17d: {  	v30 =	vtrunc.f32 v30;
	v42 =	vmax.f32 v37, v28;
	v26 =	vcvt.f32.s32 v26  }
0x17e: {  	v63 =	vld [tilespmem:s6+$0x80];
	v41 =	vmax.f32 v29, v19;
	v34 =	vtrunc.f32 v60;
	v45 =	vmax.f32 v38, v32  }
0x17f: {  	v30 =	vcvt.f32.s32 v30;
	v51 =	vmax.f32 v42, v36;
	vm7 =	vgt.f32 v19, v29  }
0x180: {  	v48 =	vmax.f32 v41, v35;
	v49 =	vcvt.s32.f32 v26;
	v45 =	vmax.f32 v45, v61  }
0x181: {  	v34 =	vcvt.f32.s32 v34;
	v51 =	vmax.f32 v51, v47;
	v40 =	vpop (erf);
	v25 =	vsub.f32 v25, v45  }
0x182: {  	v53 =	vcvt.s32.f32 v30;
	v39 =	vsub.f32 v61, v45;
	v24 =	vsub.f32 v24, v45;
	v62 =	vpop (erf)  }
0x183: {  	v48 =	vmax.f32 v48, v63;
	v55 =	vsub.f32 v23, v45;
	v47 =	vsub.f32 v47, v51;
	v46 =	vpop (erf)  }
0x184: {  	v45 =	vsub.f32 v32, v45;
	v49 =	vmul.f32 $6.666667010e-02, v49;
	v56 =	vsub.f32 v18, v48;
	v50 =	vpop (erf)  }
0x185: {  	v54 =	vcvt.s32.f32 v34;
	v43 =	vadd.f32 v62, v40;
	v52 =	vadd.f32 v50, v46  }
0x186: {  	v44 =	vsub.f32 v63, v48;
	v57 =	vsub.f32 v31, v48;
	v25 =	vmul.f32 $1.442695020e+00, v25  }
0x187: {  	v39 =	vmul.f32 $1.442695020e+00, v39;
	v24 =	vmul.f32 $1.442695020e+00, v24;
	v43 =	vadd.f32 v52, v43  }
0x188: {  	v18 =	vsub.f32 v17, v51;
	v55 =	vmul.f32 $1.442695020e+00, v55;
	v47 =	vmul.f32 $1.442695020e+00, v47;
	v60 =	vpop (erf)  }
0x189: {  	v45 =	vmul.f32 $1.442695020e+00, v45;
	v17 =	vmul.f32 $6.666667010e-02, v53;
	v43 =	vadd.f32 v43, v60  }
0x18a: {  	v61 =	vsub.f32 v19, v48;
	v56 =	vmul.f32 $1.442695020e+00, v56;
	v44 =	vmul.f32 $1.442695020e+00, v44  }
0x18b: {  	v48 =	vsub.f32 v35, v48;
	v31 =	vmul.f32 $1.442695020e+00, v57;
	(erf) = vrcp.f32 v43  }
0x18c: {  	v62 =	vsub.f32 v28, v51;
	v18 =	vmul.f32 $1.442695020e+00, v18;
	(erf) = vpow2.f32 v25  }
0x18d: {  	v48 =	vmul.f32 $1.442695020e+00, v48;
	vm5 =	vle.f32 v7, v49;
	(erf) = vpow2.f32 v39  }
0x18e: {  	v63 =	vmul.f32 $6.666667010e-02, v54;
	vm6 =	vle.f32 v5, v17;
	(erf) = vpow2.f32 v24  }
0x18f: {  	v17 =	vmax.f32 v40, v46;
	v43 =	vmul.f32 $1.442695020e+00, v61;
	(erf) = vpow2.f32 v55  }
0x190: {  	v25 =	vsub.f32 v27, v51;
	v24 =	vsel vm2, $0x2, v2;
	(erf) = vpow2.f32 v56  }
0x191: {  	vm2 =	vgt.f32 v23, v33;
	v23 =	vmax.f32 v50, v60;
	(erf) = vpow2.f32 v44  }
0x192: {  	v51 =	vsub.f32 v36, v51;
	v39 =	vmul.f32 $1.442695020e+00, v62;
	(erf) = vpow2.f32 v31  }
0x193: {  	v54 =	vsel vm6, $0xFFFFFFFF, v2;
	v25 =	vmul.f32 $1.442695020e+00, v25;
	(erf) = vpow2.f32 v43  }
0x194: {  	v27 =	vmul.f32 $1.442695020e+00, v51;
	v51 =	vsel vm3, $0x2, v2;
	v17 =	vmax.f32 v17, v23;
	v23 =	vpop (erf)  }
0x195: {  	vm3 =	vle.f32 v8, v63;
	(erf) = vpow2.f32 v25;
	v17 =	vmul.f32 v23, v17;
	v19 =	vpop (erf)  }
0x196: {  	v57 =	vsel vm3, $0xFFFFFFFF, v2;
	v31 =	vsel vm5, $0xFFFFFFFF, v2;
	(erf) = vpow2.f32 v47;
	v23 =	vpop (erf)  }
0x197: {  	vm5 =	vgt.f32 v28, v37;
	(erf) = vpow2.f32 v18;
	v18 =	vmul.f32 $1.500000000e+01, v17;
	v29 =	vpop (erf)  }
0x198: {  	v28 =	vadd.f32 v23, v19;
	(erf) = vpow2.f32 v39;
	v23 =	vmax.f32 v19, v29;
	v53 =	vpop (erf)  }
0x199: {  	(erf) = vpow2.f32 v45;
	v19 =	vadd.f32 v53, v29;
	v18 =	vtrunc.f32 v18;
	v29 =	vpop (erf)  }
0x19a: {  	v25 =	vsel vm4, $0x2, v2;
	(erf) = vpow2.f32 v48;
	v55 =	vcvt.f32.s32 v18;
	v56 =	vpop (erf)  }
0x19b: {  	(erf) = vpow2.f32 v27;
	v18 =	vsel vm2, $0x3, v24;
	v58 =	vadd.f32 v19, v28;
	v27 =	vpop (erf)  }
0x19c: {  	v24 =	vadd.f32 v56, v29;
	v28 =	vmax.f32 v29, v27;
	v59 =	vcvt.s32.f32 v55;
	v29 =	vpop (erf)  }
0x19d: {  	vm3 =	vgt.f32 v36, v42;
	v22 =	vadd.s32 v34, v57;
	v27 =	vadd.f32 v29, v27  }
0x19e: {  	vm4 =	vgt.f32 v32, v38;
	v20 =	vsel vm5, $0x3, v25;
	v60 =	vpop (erf);
	v14 =	vmul.f32 $6.666667010e-02, v59  }
0x19f: {  	vm2 =	vgt.f32 v35, v41;
	v19 =	vsel vm7, $0x3, v51;
	v25 =	vpop (erf);
	v61 =	vadd.f32 v27, v24  }
0x1a0: {  	s4 =	sand.u32 $0xF80, s4;
	v62 =	vadd.f32 v25, v60;
	v63 =	vpop (erf);
	v24 =	vadd.s32 v26, v31;
	vm5 =	vle.f32 v17, v14  }
0x1a1: {  	s4 =	sadd.s32 $0x10780, s4;
	v25 =	vadd.s32 v30, v54;
	v26 =	vmax.f32 v60, v63;
	v27 =	vpop (erf);
	v21 =	vsel vm5, $0xFFFFFFFF, v2  }
0x1a2: {  	s12 =	sor.u32 s3, s4;
	vm5 =	vgt.f32 v17, $0.0e+00;
	v14 =	vadd.f32 v27, v63;
	v30 =	vpop (erf);
	v21 =	vadd.s32 v55, v21  }
0x1a3: {  	s5 =	sor.u32 s5, s4;
	s7 =	sor.u32 s11, s4;
	v31 =	vld [tilespmem:s12+$0x0];
	v32 =	vadd.f32 v58, v30;
	v30 =	vmax.f32 v53, v30;
	v33 =	vpop (erf);
	v37 =	vshll.u32 v21, $0x4  }
0x1a4: {  	s3 =	simm.s32 $0x4;
	s4 =	simm.s32 $0x400;
	v21 =	vld [tilespmem:s5+$0x0];
	s5 =	simm.s32 $0x80;
	v36 =	vadd.f32 v14, v62;
	v34 =	vpop (erf);
	v35 =	vadd.f32 v61, v33;
	v15 =	vor.u32 v0, v37  }
.LBB2_4:
0x1a5: {  	v14 =	vsel vm1, $0x2, v2  }
0x1a6: {  	s8 =	sand.u32 $0x40, s5;
	s6 =	sand.u32 $0x7C00, s4;
	v16 =	vld [tilespmem:s7+$0x0];
	vm6 =	vgt.f32 v11, v13;
	v11 =	vadd.s32 v3, v37;
	s1 =	sadd.s32 $0x40, s1;
	vm1 =	vmmov vm0  }
0x1a7: {  	v13 =	vadd.f32 v36, v34;
	vm0 =	vgt.f32 v10, v12;
	s9 =	sadd.s32 $0x7C00, s6;
	s7 =	sor.u32 $0x10, s8;
	s6 =	sor.u32 $0x30, s8;
	v14 =	vsel vm6, $0x3, v14  }
0x1a8: {  	v12 =	vmax.f32 v29, v33;
	s10 =	sor.u32 s8, s9;
	s8 =	sor.u32 $0x20, s8;
	s12 =	sor.u32 s6, s9;
	v10 =	vld [tilespmem:s1+$0x0];
	v29 =	vsel vm0, $0x4, v14;
	(erf) = vrcp.f32 v32  }
0x1a9: {  	v27 =	vmax.f32 v27, v34;
	s11 =	sor.u32 s7, s9;
	s9 =	sor.u32 s8, s9;
	v14 =	vld [tilespmem:s12+$0x0];
	vm0 =	veq.s32 v29, v31;
	(erf) = vrcp.f32 v35  }
0x1aa: {  	v29 =	vmax.f32 v23, v30;
	v23 =	vsel vm0, $0x3F800000, v1;
	[tilespmem:v15+s28+$0x0] =	vst.idx.add.f32.msk vm5, v17;
	(erf) = vrcp.f32 v13  }
0x1ab: {  	v13 =	vsel vm4, $0x4, v18;
	v17 =	vmax.f32 v28, v12;
	v18 =	vmax.f32 v26, v27;
	[tilespmem:v11+s28+$0x0] =	vst.idx.add.f32.msk vm5, v23  }
0x1ac: {  	v12 =	vsel vm2, $0x4, v19;
	v19 =	vsel vm3, $0x4, v20;
	v20 =	vshll.u32 v24, $0x4;
	v15 =	vld [tilespmem:s12+$0x100]  }
0x1ad: {  	s3 =	sadd.s32 $0x4, s3;
	v22 =	vshll.u32 v22, $0x4;
	v11 =	vld [tilespmem:s12+$0x180];
	vm0 =	veq.s32 v13, v10;
	v13 =	vshll.u32 v25, $0x4  }
0x1ae: {  	p2 =	slt.u32 s3, $0xF4;
	vm2 =	veq.s32 v12, v21;
	vm5 =	veq.s32 v19, v16;
	v35 =	vor.u32 v0, v20;
	v10 =	vld [tilespmem:s12+$0x200]  }
0x1af: {  	v36 =	vadd.s32 v3, v20;
	v37 =	vor.u32 v0, v13;
	v38 =	vadd.s32 v3, v13;
	v16 =	vld [tilespmem:s12+$0x80]  }
0x1b0: {  	v40 =	vor.u32 v0, v22;
	v41 =	vadd.s32 v3, v22;
	vm4 =	vgt.f32 v5, $0.0e+00;
	v39 =	vld [tilespmem:s10+$0x0]  }
0x1b1: {  	vm3 =	vgt.f32 v8, $0.0e+00;
	v43 =	vsel vm0, $0x3F800000, v1;
	v42 =	vld [tilespmem:s10+$0x100];
	v13 =	vmax.f32 v14, v15;
	v19 =	vpop (erf)  }
0x1b2: {  	v45 =	vsel vm2, $0x3F800000, v1;
	v23 =	vld [tilespmem:s11+$0x0];
	v12 =	vmax.f32 v13, v11;
	v44 =	vmul.f32 v19, v29;
	v19 =	vpop (erf)  }
0x1b3: {  	v47 =	vsel vm5, $0x3F800000, v1;
	v31 =	vld [tilespmem:s11+$0x100];
	v20 =	vmax.f32 v12, v10;
	v46 =	vmul.f32 v19, v17;
	v17 =	vpop (erf)  }
0x1b4: {  	v33 =	vld [tilespmem:s9+$0x0];
	v22 =	vmax.f32 v20, v16;
	v19 =	vmul.f32 $1.500000000e+01, v44;
	v48 =	vmul.f32 v17, v18  }
0x1b5: {  	vm0 =	vgt.f32 v44, $0.0e+00;
	v34 =	vld [tilespmem:s9+$0x100];
	v18 =	vsub.f32 v14, v22;
	v24 =	vmul.f32 $1.500000000e+01, v46  }
0x1b6: {  	v16 =	vsub.f32 v16, v22;
	v30 =	vld [tilespmem:s10+$0x180];
	v32 =	vmax.f32 v39, v42;
	v25 =	vmul.f32 $1.500000000e+01, v48  }
0x1b7: {  	v21 =	vsub.f32 v15, v22;
	v49 =	vtrunc.f32 v19;
	v17 =	vld [tilespmem:s11+$0x180];
	v20 =	vmul.f32 $1.442695020e+00, v18  }
0x1b8: {  	v27 =	vsub.f32 v11, v22;
	v26 =	vmul.f32 $1.442695020e+00, v16;
	v28 =	vmax.f32 v23, v31;
	v18 =	vld [tilespmem:s9+$0x180]  }
0x1b9: {  	vm2 =	vgt.f32 v42, v39;
	v50 =	vmul.f32 $1.442695020e+00, v21;
	v19 =	vld [tilespmem:s10+$0x200];
	(erf) = vpow2.f32 v20  }
0x1ba: {  	v27 =	vmul.f32 $1.442695020e+00, v27;
	v16 =	vld [tilespmem:s11+$0x200];
	v29 =	vmax.f32 v33, v34;
	(erf) = vpow2.f32 v26  }
0x1bb: {  	v20 =	vmax.f32 v32, v30;
	v21 =	vld [tilespmem:s9+$0x200];
	(erf) = vpow2.f32 v50;
	v50 =	vtrunc.f32 v24  }
0x1bc: {  	v22 =	vsub.f32 v10, v22;
	v51 =	vld [tilespmem:s10+$0x80];
	v26 =	vmax.f32 v28, v17;
	(erf) = vpow2.f32 v27  }
0x1bd: {  	v24 =	vcvt.f32.s32 v49;
	v49 =	vtrunc.f32 v25;
	v52 =	vld [tilespmem:s11+$0x80];
	v27 =	vmax.f32 v29, v18  }
0x1be: {  	v55 =	vmul.f32 $1.442695020e+00, v22;
	v25 =	vcvt.f32.s32 v50;
	v53 =	vmax.f32 v20, v19;
	v54 =	vld [tilespmem:s9+$0x80]  }
0x1bf: {  	v22 =	vcvt.f32.s32 v49;
	v56 =	vcvt.s32.f32 v24;
	v50 =	vmax.f32 v26, v16;
	[tilespmem:v35+s28+$0x0] =	vst.idx.add.f32.msk vm1, v7;
	v7 =	vmovc v44  }
0x1c0: {  	v44 =	vcvt.s32.f32 v25;
	v35 =	vmax.f32 v27, v21;
	(erf) = vpow2.f32 v55;
	[tilespmem:v36+s28+$0x0] =	vst.idx.add.f32.msk vm1, v6;
	v6 =	vmovc v43  }
0x1c1: {  	v49 =	vcvt.s32.f32 v22;
	v43 =	vmul.f32 $6.666667010e-02, v56;
	v36 =	vmax.f32 v53, v51;
	[tilespmem:v37+s28+$0x0] =	vst.idx.add.f32.msk vm4, v5;
	v5 =	vmovc v46  }
0x1c2: {  	v37 =	vsub.f32 v39, v36;
	v39 =	vsub.f32 v51, v36;
	v46 =	vmax.f32 v50, v52;
	v50 =	vpop (erf)  }
0x1c3: {  	v42 =	vsub.f32 v42, v36;
	v51 =	vsub.f32 v30, v36;
	v35 =	vmax.f32 v35, v54;
	v53 =	vpop (erf)  }
0x1c4: {  	v55 =	vsub.f32 v23, v46;
	v52 =	vsub.f32 v52, v46;
	v37 =	vmul.f32 $1.442695020e+00, v37;
	v56 =	vpop (erf);
	[tilespmem:v38+s28+$0x0] =	vst.idx.add.f32.msk vm4, v9  }
0x1c5: {  	v57 =	vsub.f32 v17, v46;
	v38 =	vmul.f32 $1.442695020e+00, v39;
	v39 =	vsub.f32 v31, v46;
	v58 =	vpop (erf);
	[tilespmem:v40+s28+$0x0] =	vst.idx.add.f32.msk vm3, v8  }
0x1c6: {  	v59 =	vadd.f32 v53, v50;
	v40 =	vmul.f32 $1.442695020e+00, v42;
	v42 =	vadd.f32 v58, v56;
	[tilespmem:v41+s28+$0x0] =	vst.idx.add.f32.msk vm3, v4  }
0x1c7: {  	v53 =	vsub.f32 v54, v35;
	v9 =	vmovc v45;
	v41 =	vmul.f32 $1.442695020e+00, v51;
	v51 =	vsub.f32 v33, v35;
	v4 =	vmovc v47  }
0x1c8: {  	v45 =	vmul.f32 $1.442695020e+00, v55;
	v8 =	vmovc v48;
	v47 =	vsub.f32 v34, v35;
	v42 =	vadd.f32 v42, v59  }
0x1c9: {  	v48 =	vmul.f32 $1.442695020e+00, v52;
	v52 =	vsub.f32 v18, v35;
	v39 =	vmul.f32 $1.442695020e+00, v39;
	v54 =	vpop (erf)  }
0x1ca: {  	v55 =	vmul.f32 $1.442695020e+00, v57;
	v51 =	vmul.f32 $1.442695020e+00, v51;
	v42 =	vadd.f32 v42, v54  }
0x1cb: {  	v36 =	vsub.f32 v19, v36;
	v53 =	vmul.f32 $1.442695020e+00, v53;
	v47 =	vmul.f32 $1.442695020e+00, v47  }
0x1cc: {  	v46 =	vsub.f32 v16, v46;
	v52 =	vmul.f32 $1.442695020e+00, v52;
	(erf) = vrcp.f32 v42  }
0x1cd: {  	v36 =	vmul.f32 $1.442695020e+00, v36;
	v35 =	vsub.f32 v21, v35;
	(erf) = vpow2.f32 v37  }
0x1ce: {  	vm3 =	vgt.f32 v31, v23;
	v31 =	vmul.f32 $1.442695020e+00, v46;
	(erf) = vpow2.f32 v38  }
0x1cf: {  	vm6 =	vgt.f32 v34, v33;
	v33 =	vmul.f32 $1.442695020e+00, v35;
	(erf) = vpow2.f32 v40  }
0x1d0: {  	vm7 =	vle.f32 v7, v43;
	v23 =	vmul.f32 $6.666667010e-02, v44;
	(erf) = vpow2.f32 v41  }
0x1d1: {  	v34 =	vsel vm2, $0x2, v2;
	v35 =	vmul.f32 $6.666667010e-02, v49;
	(erf) = vpow2.f32 v45  }
0x1d2: {  	vm1 =	vgt.f32 v30, v32;
	vm5 =	vle.f32 v5, v23;
	(erf) = vpow2.f32 v48  }
0x1d3: {  	v30 =	vsel vm3, $0x2, v2;
	vm4 =	vle.f32 v8, v35;
	(erf) = vpow2.f32 v39  }
0x1d4: {  	v35 =	vmax.f32 v50, v56;
	v32 =	vmax.f32 v58, v54;
	(erf) = vpow2.f32 v55  }
0x1d5: {  	vm2 =	vgt.f32 v17, v28;
	v17 =	vmax.f32 v35, v32;
	(erf) = vpow2.f32 v51;
	v23 =	vpop (erf)  }
0x1d6: {  	v32 =	vsel vm6, $0x2, v2;
	v17 =	vmul.f32 v23, v17;
	v23 =	vpop (erf);
	(erf) = vpow2.f32 v53  }
0x1d7: {  	vm3 =	vgt.f32 v18, v29;
	v35 =	vsel vm7, $0xFFFFFFFF, v2;
	v18 =	vpop (erf);
	(erf) = vpow2.f32 v47  }
0x1d8: {  	v28 =	vadd.f32 v18, v23;
	v18 =	vmul.f32 $1.500000000e+01, v17;
	v29 =	vpop (erf);
	(erf) = vpow2.f32 v52  }
0x1d9: {  	v23 =	vmax.f32 v23, v29;
	v37 =	vpop (erf);
	(erf) = vpow2.f32 v36;
	v36 =	vsel vm5, $0xFFFFFFFF, v2  }
0x1da: {  	v41 =	vadd.f32 v37, v29;
	v18 =	vtrunc.f32 v18;
	v38 =	vpop (erf);
	(erf) = vpow2.f32 v31  }
0x1db: {  	v31 =	vcvt.f32.s32 v18;
	v39 =	vpop (erf);
	(erf) = vpow2.f32 v33;
	v33 =	vsel vm4, $0xFFFFFFFF, v2  }
0x1dc: {  	v18 =	vsel vm1, $0x3, v34;
	v34 =	vadd.f32 v41, v28;
	v39 =	vadd.f32 v39, v38;
	v40 =	vpop (erf)  }
0x1dd: {  	vm4 =	vgt.f32 v19, v20;
	v28 =	vmax.f32 v38, v40;
	v38 =	vcvt.s32.f32 v31;
	v29 =	vpop (erf)  }
0x1de: {  	v19 =	vsel vm2, $0x3, v30;
	vm2 =	vgt.f32 v16, v26;
	v16 =	vadd.f32 v29, v40;
	v26 =	vpop (erf)  }
0x1df: {  	v20 =	vsel vm3, $0x3, v32;
	vm3 =	vgt.f32 v21, v27;
	v21 =	vmul.f32 $6.666667010e-02, v38;
	v27 =	vpop (erf)  }
0x1e0: {  	v24 =	vadd.s32 v24, v35;
	v16 =	vadd.f32 v16, v39;
	v38 =	vadd.f32 v27, v26;
	v30 =	vpop (erf)  }
.Ltmp3:
0x1e1: {  	s9 =	sand.u32 $0xF80, s5;
	v25 =	vadd.s32 v25, v36;
	v26 =	vmax.f32 v26, v30;
	vm1 =	vle.f32 v17, v21;
	v27 =	vpop (erf);
	(pc) =	sbr.rel @p2 .LBB2_4-.Ltmp3, $4  }
0x1e2: {  	s9 =	sadd.s32 $0x10780, s9;
	v22 =	vadd.s32 v22, v33;
	v21 =	vadd.f32 v27, v30;
	v35 =	vsel vm1, $0xFFFFFFFF, v2;
	v30 =	vpop (erf)  }
0x1e3: {  	s10 =	sor.u32 s7, s9;
	s7 =	sor.u32 s8, s9;
	s6 =	sor.u32 s6, s9;
	v32 =	vadd.f32 v34, v30;
	v30 =	vmax.f32 v37, v30;
	v35 =	vadd.s32 v31, v35;
	v33 =	vpop (erf)  }
0x1e4: {  	vm5 =	vgt.f32 v17, $0.0e+00;
	v36 =	vadd.f32 v21, v38;
	v31 =	vld [tilespmem:s6+$0x0];
	v37 =	vshll.u32 v35, $0x4;
	v34 =	vpop (erf)  }
0x1e5: {  	s4 =	sadd.s32 $0x200, s4;
	s5 =	sadd.s32 $0x40, s5;
	vm1 =	vgt.f32 v15, v14;
	v35 =	vadd.f32 v16, v33;
	v21 =	vld [tilespmem:s10+$0x0];
	v15 =	vor.u32 v0, v37  }
0x1e6: {  	v14 =	vadd.f32 v36, v34;
	(erf) = vrcp.f32 v32  }
0x1e7: {  	(erf) = vrcp.f32 v35  }
0x1e8: {  	(erf) = vrcp.f32 v14;
	_ =	sdelay $0x3  }
0x1e9: {  	v14 =	vsel vm1, $0x2, v2  }
0x1ea: {  	vm1 =	vgt.f32 v11, v13  }
0x1eb: {  	v16 =	vmax.f32 v27, v34;
	v13 =	vsel vm1, $0x3, v14  }
0x1ec: {  	vm1 =	vgt.f32 v10, v12;
	v10 =	vmax.f32 v29, v33;
	v12 =	vmax.f32 v23, v30;
	v14 =	vpop (erf)  }
0x1ed: {  	vm0 =	vmmov vm0;
	v10 =	vmax.f32 v28, v10;
	v12 =	vmul.f32 v14, v12;
	v14 =	vpop (erf)  }
0x1ee: {  	v16 =	vmax.f32 v26, v16;
	v13 =	vsel vm1, $0x4, v13;
	v10 =	vmul.f32 v14, v10;
	v14 =	vpop (erf)  }
0x1ef: {  	vm1 =	veq.s32 v13, v31;
	v13 =	vmul.f32 $1.500000000e+01, v12;
	v14 =	vmul.f32 v14, v16  }
0x1f0: {  	v24 =	vshll.u32 v24, $0x4;
	v25 =	vshll.u32 v25, $0x4;
	v23 =	vmul.f32 $1.500000000e+01, v10  }
0x1f1: {  	v22 =	vshll.u32 v22, $0x4;
	v26 =	vmul.f32 $1.500000000e+01, v14;
	v13 =	vtrunc.f32 v13  }
0x1f2: {  	v27 =	vor.u32 v0, v24;
	v23 =	vtrunc.f32 v23;
	v13 =	vcvt.f32.s32 v13  }
0x1f3: {  	v24 =	vadd.s32 v3, v24;
	v11 =	vadd.s32 v3, v37;
	v23 =	vcvt.f32.s32 v23  }
0x1f4: {  	[tilespmem:v15+s28+$0x0] =	vst.idx.add.f32.msk vm5, v17;
	v15 =	vor.u32 v0, v22;
	v26 =	vtrunc.f32 v26;
	v28 =	vcvt.s32.f32 v13  }
0x1f5: {  	v29 =	vor.u32 v0, v25;
	v26 =	vcvt.f32.s32 v26;
	v30 =	vcvt.s32.f32 v23  }
0x1f6: {  	v16 =	vsel vm1, $0x3F800000, v1;
	vm1 =	vgt.f32 v5, $0.0e+00;
	v28 =	vmul.f32 $6.666667010e-02, v28  }
0x1f7: {  	v25 =	vadd.s32 v3, v25;
	v17 =	vcvt.s32.f32 v26;
	v30 =	vmul.f32 $6.666667010e-02, v30  }
0x1f8: {  	[tilespmem:v11+s28+$0x0] =	vst.idx.add.f32.msk vm5, v16;
	v11 =	vadd.s32 v3, v22;
	vm5 =	vgt.f32 v8, $0.0e+00;
	vm6 =	vle.f32 v12, v28  }
0x1f9: {  	[tilespmem:v27+s28+$0x0] =	vst.idx.add.f32.msk vm0, v7;
	v17 =	vmul.f32 $6.666667010e-02, v17;
	v22 =	vsel vm6, $0xFFFFFFFF, v2;
	vm6 =	vle.f32 v10, v30  }
0x1fa: {  	s1 =	sadd.s32 $0x40, s1;
	[tilespmem:v24+s28+$0x0] =	vst.idx.add.f32.msk vm0, v6;
	v28 =	vsel vm6, $0xFFFFFFFF, v2;
	vm6 =	vgt.f32 v12, $0.0e+00;
	v7 =	vadd.s32 v13, v22  }
0x1fb: {  	v16 =	vld [tilespmem:s1+$0x0];
	vm0 =	vle.f32 v14, v17;
	vm6 =	vmmov vm6;
	v6 =	vshll.u32 v7, $0x4  }
0x1fc: {  	[tilespmem:v29+s28+$0x0] =	vst.idx.add.f32.msk vm1, v5;
	v13 =	vsel vm0, $0xFFFFFFFF, v2;
	v17 =	vadd.s32 v23, v28;
	v22 =	vor.u32 v0, v6  }
0x1fd: {  	[tilespmem:v25+s28+$0x0] =	vst.idx.add.f32.msk vm1, v9;
	vm0 =	vgt.f32 v10, $0.0e+00;
	v5 =	vshll.u32 v17, $0x4;
	v6 =	vadd.s32 v3, v6  }
0x1fe: {  	[tilespmem:v15+s28+$0x0] =	vst.idx.add.f32.msk vm5, v8;
	vm1 =	vgt.f32 v14, $0.0e+00;
	v9 =	vadd.s32 v26, v13;
	v13 =	vor.u32 v0, v5  }
0x1ff: {  	v7 =	vld [tilespmem:s7+$0x0];
	v17 =	vsel vm4, $0x4, v18;
	v8 =	vshll.u32 v9, $0x4;
	v5 =	vadd.s32 v3, v5  }
0x200: {  	[tilespmem:v11+s28+$0x0] =	vst.idx.add.f32.msk vm5, v4;
	vm4 =	veq.s32 v17, v16;
	v4 =	vor.u32 v0, v8  }
0x201: {  	v9 =	vsel vm2, $0x4, v19;
	v11 =	vsel vm4, $0x3F800000, v1;
	v8 =	vadd.s32 v3, v8;
	[tilespmem:v22+s28+$0x0] =	vst.idx.add.f32.msk vm6, v12  }
0x202: {  	vm2 =	veq.s32 v9, v21;
	[tilespmem:v6+s28+$0x0] =	vst.idx.add.f32.msk vm6, v11  }
0x203: {  	v9 =	vsel vm2, $0x3F800000, v1;
	v6 =	vsel vm3, $0x4, v20;
	[tilespmem:v13+s28+$0x0] =	vst.idx.add.f32.msk vm0, v10  }
0x204: {  	vm2 =	veq.s32 v6, v7;
	[tilespmem:v5+s28+$0x0] =	vst.idx.add.f32.msk vm0, v9  }
0x205: {  	[tilespmem:v4+s28+$0x0] =	vst.idx.add.f32.msk vm1, v14;
	v5 =	vsel vm2, $0x3F800000, v1  }
0x206: {  	[tilespmem:v8+s28+$0x0] =	vst.idx.add.f32.msk vm1, v5  }
0x207: {  	_ =	swait.ge [sflag:s23], $0x7C00  }
0x208: {  	[sflag:s23] =	ssyncset.done $0x0  }
0x209: {  	[sflag:s23] =	ssyncadd.s32 $0xFFFF8400  }
0x20a: {  	s8 =	simm.s32 $0x0;
	_ =	swait.ge [sflag:s24], $0xF80  }
0x20b: {  	s3 =	sand.u32 $0x40, s8;
	s4 =	sand.u32 $0x7C00, s8;
	[sflag:s24] =	ssyncset.done $0x0  }
0x20c: {  	s7 =	sor.u32 $0x30, s3;
	s9 =	rddreg [dreg:$0xa];
	[sflag:s24] =	ssyncadd.s32 $0xFFFFF080  }
0x20d: {  	[tilespmem:s25], [sflag:$0x2] =	stream.linear.gather [hbm4b:s9+s8], $0x7C00, $0x38;
	[tilespmem:$0x11D80] =	vst v63  }
0x20e: {  	s11 =	sor.u32 s7, s4;
	s10 =	rddreg [dreg:$0xb]  }
0x20f: {  	[tilespmem:s26], [sflag:$0x4] =	stream.linear.gather [hbm4b:s10+s8], $0xF80, $0x38;
	[tilespmem:$0x11D80] =	vst v63  }
0x210: {  	v8 =	vld [tilespmem:s11+$0x0]  }
0x211: {  	v9 =	vld [tilespmem:s11+$0x100]  }
0x212: {  	v5 =	vld [tilespmem:s11+$0x180]  }
0x213: {  	v4 =	vld [tilespmem:s11+$0x200]  }
0x214: {  	v10 =	vld [tilespmem:s11+$0x80];
	_ =	sdelay $0x1  }
0x215: {  	v7 =	vmax.f32 v8, v9  }
0x216: {  	v6 =	vmax.f32 v7, v5  }
0x217: {  	v11 =	vmax.f32 v6, v4  }
0x218: {  	v11 =	vmax.f32 v11, v10  }
0x219: {  	s12 =	sor.u32 $0x10, s3;
	v13 =	vsub.f32 v8, v11  }
0x21a: {  	s5 =	sor.u32 s12, s4;
	v10 =	vsub.f32 v10, v11  }
0x21b: {  	s6 =	sor.u32 $0x20, s3;
	v12 =	vld [tilespmem:s5+$0x0];
	v16 =	vsub.f32 v9, v11;
	v13 =	vmul.f32 $1.442695020e+00, v13  }
0x21c: {  	s9 =	sor.u32 s6, s4;
	v14 =	vld [tilespmem:s5+$0x100];
	v18 =	vsub.f32 v5, v11;
	v10 =	vmul.f32 $1.442695020e+00, v10  }
0x21d: {  	v15 =	vld [tilespmem:s9+$0x0];
	v16 =	vmul.f32 $1.442695020e+00, v16;
	(erf) = vpow2.f32 v13  }
0x21e: {  	s3 =	sor.u32 s3, s4;
	v17 =	vld [tilespmem:s9+$0x100];
	v18 =	vmul.f32 $1.442695020e+00, v18;
	(erf) = vpow2.f32 v10  }
0x21f: {  	v19 =	vld [tilespmem:s3+$0x0];
	(erf) = vpow2.f32 v16  }
0x220: {  	v20 =	vld [tilespmem:s5+$0x200];
	v11 =	vsub.f32 v4, v11;
	(erf) = vpow2.f32 v18  }
0x221: {  	v21 =	vld [tilespmem:s5+$0x80]  }
0x222: {  	v11 =	vmul.f32 $1.442695020e+00, v11;
	v10 =	vld [tilespmem:s5+$0x180]  }
0x223: {  	v13 =	vld [tilespmem:s3+$0x100]  }
0x224: {  	v16 =	vld [tilespmem:s9+$0x180];
	(erf) = vpow2.f32 v11  }
0x225: {  	v18 =	vld [tilespmem:s3+$0x180]  }
0x226: {  	v22 =	vld [tilespmem:s9+$0x200];
	v27 =	vmax.f32 v15, v17;
	v11 =	vmax.f32 v12, v14;
	v26 =	vpop (erf)  }
0x227: {  	v23 =	vld [tilespmem:s3+$0x200];
	vm0 =	vgt.f32 v14, v12;
	vm1 =	vgt.f32 v17, v15;
	v24 =	vmax.f32 v11, v10;
	v30 =	vpop (erf)  }
0x228: {  	v25 =	vld [tilespmem:s9+$0x80];
	vm4 =	vgt.f32 v9, v8;
	v31 =	vmax.f32 v19, v13;
	v29 =	vmax.f32 v24, v20;
	v51 =	vpop (erf)  }
0x229: {  	v28 =	vld [tilespmem:s3+$0x80];
	vm2 =	vgt.f32 v13, v19;
	v50 =	vmax.f32 v27, v16;
	v29 =	vmax.f32 v29, v21;
	v55 =	vpop (erf)  }
0x22a: {  	v52 =	vmax.f32 v31, v18;
	v30 =	vadd.f32 v30, v26;
	v39 =	vadd.f32 v55, v51  }
0x22b: {  	v53 =	vmax.f32 v50, v22;
	v54 =	vsub.f32 v12, v29;
	v21 =	vsub.f32 v21, v29  }
0x22c: {  	v38 =	vmax.f32 v52, v23;
	v40 =	vsub.f32 v14, v29;
	v30 =	vadd.f32 v39, v30  }
0x22d: {  	v35 =	vmax.f32 v53, v25;
	v41 =	vsub.f32 v10, v29;
	v14 =	vsub.f32 v20, v29;
	v42 =	vpop (erf)  }
0x22e: {  	v38 =	vmax.f32 v38, v28;
	v36 =	vmul.f32 $1.442695020e+00, v54;
	v30 =	vadd.f32 v30, v42  }
0x22f: {  	v56 =	vsub.f32 v15, v35;
	v21 =	vmul.f32 $1.442695020e+00, v21;
	v40 =	vmul.f32 $1.442695020e+00, v40  }
0x230: {  	v25 =	vsub.f32 v25, v35;
	v41 =	vmul.f32 $1.442695020e+00, v41;
	(erf) = vrcp.f32 v30  }
0x231: {  	v43 =	vsub.f32 v17, v35;
	v59 =	vmul.f32 $1.442695020e+00, v14;
	(erf) = vpow2.f32 v36  }
0x232: {  	v44 =	vsub.f32 v19, v38;
	v25 =	vmul.f32 $1.442695020e+00, v25;
	(erf) = vpow2.f32 v21  }
0x233: {  	v28 =	vsub.f32 v28, v38;
	v39 =	vmul.f32 $1.442695020e+00, v56;
	(erf) = vpow2.f32 v40  }
0x234: {  	v43 =	vmul.f32 $1.442695020e+00, v43;
	v30 =	vsub.f32 v16, v35;
	(erf) = vpow2.f32 v41  }
0x235: {  	v57 =	vmul.f32 $1.442695020e+00, v44;
	v21 =	vsub.f32 v13, v38;
	(erf) = vpow2.f32 v39  }
0x236: {  	v58 =	vsub.f32 v18, v38;
	v30 =	vmul.f32 $1.442695020e+00, v30;
	(erf) = vpow2.f32 v25  }
0x237: {  	v15 =	vmax.f32 v55, v42;
	v12 =	vmul.f32 $1.442695020e+00, v21;
	(erf) = vpow2.f32 v43  }
0x238: {  	v14 =	vmax.f32 v26, v51;
	v28 =	vmul.f32 $1.442695020e+00, v28;
	(erf) = vpow2.f32 v30  }
0x239: {  	v29 =	vsub.f32 v23, v38;
	v14 =	vmax.f32 v14, v15;
	(erf) = vpow2.f32 v57;
	v17 =	vpop (erf)  }
0x23a: {  	v21 =	vmul.f32 $1.442695020e+00, v58;
	v25 =	vsub.f32 v22, v35;
	(erf) = vpow2.f32 v28;
	v15 =	vpop (erf)  }
0x23b: {  	vm3 =	vgt.f32 v18, v31;
	v14 =	vmul.f32 v17, v14;
	(erf) = vpow2.f32 v12;
	v12 =	vpop (erf)  }
0x23c: {  	v13 =	vmul.f32 $1.442695020e+00, v29;
	v25 =	vmul.f32 $1.442695020e+00, v25;
	v17 =	vsel vm0, $0x2, v2;
	v19 =	vpop (erf)  }
0x23d: {  	vm0 =	vgt.f32 v10, v11;
	(erf) = vpow2.f32 v21;
	v10 =	vmul.f32 $1.500000000e+01, v14;
	v11 =	vpop (erf)  }
0x23e: {  	v17 =	vsel vm0, $0x3, v17;
	vm0 =	vgt.f32 v22, v50;
	(erf) = vpow2.f32 v59;
	v26 =	vpop (erf)  }
0x23f: {  	v21 =	vsel vm1, $0x2, v2;
	v10 =	vtrunc.f32 v10;
	v18 =	vpop (erf);
	(erf) = vpow2.f32 v25  }
0x240: {  	vm1 =	vgt.f32 v16, v27;
	v16 =	vsel vm2, $0x2, v2;
	v10 =	vcvt.f32.s32 v10  }
0x241: {  	v12 =	vadd.f32 v12, v15;
	v27 =	vadd.f32 v11, v19;
	v25 =	vpop (erf);
	(erf) = vpow2.f32 v13  }
0x242: {  	s4 =	simm.s32 $0x40;
	vm2 =	vgt.f32 v20, v24;
	v19 =	vmax.f32 v15, v19;
	v28 =	vpop (erf);
	v15 =	vcvt.s32.f32 v10  }
0x243: {  	s9 =	sand.u32 $0x40, s4;
	s3 =	simm.s32 $0x200;
	v12 =	vadd.f32 v27, v12;
	v13 =	vadd.f32 v18, v26;
	v24 =	vmax.f32 v26, v25;
	v18 =	vpop (erf)  }
0x244: {  	s5 =	sor.u32 $0x30, s9;
	s10 =	sand.u32 $0x7C00, s3;
	v26 =	vsel vm1, $0x3, v21;
	v21 =	vadd.f32 v28, v25;
	v20 =	vpop (erf);
	v15 =	vmul.f32 $6.666667010e-02, v15  }
0x245: {  	s8 =	sand.u32 $0xF80, s8;
	s11 =	sor.u32 s5, s10;
	v25 =	vsel vm3, $0x3, v16;
	vm3 =	vgt.f32 v23, v52;
	v22 =	vpop (erf);
	v20 =	vadd.f32 v20, v18  }
0x246: {  	s8 =	sadd.s32 $0xF800, s8;
	v16 =	vld [tilespmem:s11+$0x100];
	v13 =	vadd.f32 v21, v13;
	v23 =	vpop (erf);
	vm1 =	vle.f32 v14, v15;
	v18 =	vmax.f32 v18, v22  }
0x247: {  	s7 =	sor.u32 s7, s8;
	v15 =	vld [tilespmem:s11+$0x0];
	v21 =	vadd.f32 v23, v22;
	v27 =	vpop (erf);
	v22 =	vsel vm1, $0xFFFFFFFF, v2;
	vm1 =	vgt.f32 v14, $0.0e+00  }
0x248: {  	v31 =	vld [tilespmem:s7+$0x0];
	v12 =	vadd.f32 v12, v27;
	v27 =	vmax.f32 v11, v27;
	v10 =	vadd.s32 v10, v22;
	v29 =	vpop (erf)  }
0x249: {  	v11 =	vld [tilespmem:s11+$0x180];
	v22 =	vadd.f32 v21, v20;
	v20 =	vshll.u32 v10, $0x4;
	v9 =	vadd.f32 v13, v29  }
0x24a: {  	v10 =	vld [tilespmem:s11+$0x200];
	v8 =	vpop (erf);
	v21 =	vor.u32 v0, v20;
	v13 =	vsel vm4, $0x2, v2;
	vm4 =	vgt.f32 v5, v7  }
0x24b: {  	s1 =	sor.u32 s12, s8;
	v30 =	vld [tilespmem:s11+$0x80];
	v20 =	vadd.s32 v3, v20;
	(erf) = vrcp.f32 v12;
	v5 =	vadd.f32 v22, v8  }
0x24c: {  	s6 =	sor.u32 s6, s8;
	s7 =	sor.u32 $0x20, s9;
	v7 =	vsel vm4, $0x3, v13;
	vm4 =	vgt.f32 v4, v6;
	v13 =	vmax.f32 v15, v16;
	v6 =	vld [tilespmem:s1+$0x0]  }
0x24d: {  	s12 =	sor.u32 s7, s10;
	v4 =	vmax.f32 v28, v29;
	v28 =	vld [tilespmem:s6+$0x0];
	s6 =	sor.u32 $0x10, s9;
	v8 =	vmax.f32 v23, v8;
	v7 =	vsel vm4, $0x4, v7  }
0x24e: {  	(erf) = vrcp.f32 v9;
	s11 =	sor.u32 s6, s10;
	v4 =	vmax.f32 v24, v4;
	v24 =	vld [tilespmem:s12+$0x0];
	v12 =	vmax.f32 v13, v11  }
0x24f: {  	v8 =	vmax.f32 v18, v8;
	(erf) = vrcp.f32 v5;
	v18 =	vld [tilespmem:s11+$0x0];
	v9 =	vmax.f32 v12, v10  }
0x250: {  	s1 =	simm.s32 $0xF800;
	vm4 =	veq.s32 v7, v31;
	v7 =	vmax.f32 v19, v27;
	v27 =	vld [tilespmem:s11+$0x100];
	v5 =	vmax.f32 v9, v30  }
0x251: {  	v17 =	vsel vm2, $0x4, v17;
	s9 =	sor.u32 s9, s10;
	v9 =	vld [tilespmem:s1+$0x0];
	v19 =	vsub.f32 v15, v5  }
0x252: {  	v25 =	vsel vm3, $0x4, v25;
	v36 =	vld [tilespmem:s9+$0x200];
	v23 =	vsub.f32 v30, v5;
	v29 =	vsub.f32 v16, v5  }
0x253: {  	v22 =	vsel vm4, $0x3F800000, v1;
	[tilespmem:v21+s28+$0x0] =	vst.idx.add.f32.msk vm1, v14;
	v30 =	vsub.f32 v11, v5;
	v19 =	vmul.f32 $1.442695020e+00, v19  }
0x254: {  	[tilespmem:v20+s28+$0x0] =	vst.idx.add.f32.msk vm1, v22;
	vm1 =	vgt.f32 v16, v15;
	v23 =	vmul.f32 $1.442695020e+00, v23;
	v29 =	vmul.f32 $1.442695020e+00, v29  }
0x255: {  	v31 =	vld [tilespmem:s12+$0x100];
	v30 =	vmul.f32 $1.442695020e+00, v30;
	v33 =	vmax.f32 v18, v27;
	(erf) = vpow2.f32 v19  }
0x256: {  	v19 =	vsel vm0, $0x4, v26;
	v26 =	vld [tilespmem:s9+$0x0];
	vm0 =	veq.s32 v17, v6;
	vm2 =	veq.s32 v25, v9  }
0x257: {  	v9 =	vpop (erf);
	v17 =	vld [tilespmem:s9+$0x100];
	v25 =	vsub.f32 v10, v5;
	(erf) = vpow2.f32 v23;
	vm3 =	veq.s32 v19, v28  }
0x258: {  	v23 =	vld [tilespmem:s11+$0x180];
	v6 =	vsel vm0, $0x3F800000, v1;
	v7 =	vmul.f32 v9, v7;
	(erf) = vpow2.f32 v29  }
0x259: {  	v28 =	vld [tilespmem:s9+$0x180];
	v9 =	vsel vm3, $0x3F800000, v1;
	v25 =	vmul.f32 $1.442695020e+00, v25;
	v19 =	vpop (erf);
	(erf) = vpow2.f32 v30  }
0x25a: {  	v32 =	vld [tilespmem:s11+$0x200];
	vm3 =	vgt.f32 v31, v24;
	v29 =	vmul.f32 $1.500000000e+01, v7;
	v5 =	vmul.f32 v19, v4;
	v4 =	vpop (erf)  }
0x25b: {  	v61 =	vld [tilespmem:s11+$0x80];
	(erf) = vpow2.f32 v25;
	v8 =	vmul.f32 v4, v8;
	v4 =	vsel vm2, $0x3F800000, v1  }
0x25c: {  	v47 =	vld [tilespmem:s9+$0x80];
	v25 =	vtrunc.f32 v29;
	v29 =	vmax.f32 v24, v31;
	vm2 =	vgt.f32 v27, v18  }
0x25d: {  	v19 =	vld [tilespmem:s12+$0x180];
	v37 =	vmax.f32 v26, v17;
	vm4 =	vgt.f32 v17, v26;
	v30 =	vmul.f32 $1.500000000e+01, v5  }
0x25e: {  	v38 =	vmax.f32 v33, v23;
	v42 =	vmax.f32 v37, v28;
	v25 =	vcvt.f32.s32 v25  }
0x25f: {  	v60 =	vmul.f32 $1.500000000e+01, v8;
	v45 =	vmax.f32 v38, v32;
	v51 =	vmax.f32 v42, v36  }
0x260: {  	v30 =	vtrunc.f32 v30;
	v49 =	vcvt.s32.f32 v25;
	v45 =	vmax.f32 v45, v61;
	v40 =	vpop (erf)  }
0x261: {  	v51 =	vmax.f32 v51, v47;
	v18 =	vsub.f32 v18, v45;
	v39 =	vsub.f32 v61, v45;
	v62 =	vpop (erf)  }
0x262: {  	v35 =	vld [tilespmem:s12+$0x200];
	v41 =	vmax.f32 v29, v19;
	v27 =	vsub.f32 v27, v45;
	v55 =	vsub.f32 v23, v45;
	v46 =	vpop (erf)  }
0x263: {  	v34 =	vtrunc.f32 v60;
	v47 =	vsub.f32 v47, v51;
	v45 =	vsub.f32 v32, v45;
	v50 =	vpop (erf)  }
0x264: {  	v63 =	vld [tilespmem:s12+$0x80];
	v30 =	vcvt.f32.s32 v30;
	v43 =	vadd.f32 v62, v40;
	v52 =	vadd.f32 v50, v46  }
0x265: {  	vm7 =	vgt.f32 v19, v29;
	v34 =	vcvt.f32.s32 v34;
	v49 =	vmul.f32 $6.666667010e-02, v49  }
0x266: {  	v53 =	vcvt.s32.f32 v30;
	v18 =	vmul.f32 $1.442695020e+00, v18;
	v43 =	vadd.f32 v52, v43  }
0x267: {  	v48 =	vmax.f32 v41, v35;
	v39 =	vmul.f32 $1.442695020e+00, v39;
	v27 =	vmul.f32 $1.442695020e+00, v27;
	v60 =	vpop (erf)  }
0x268: {  	v55 =	vmul.f32 $1.442695020e+00, v55;
	v47 =	vmul.f32 $1.442695020e+00, v47;
	v43 =	vadd.f32 v43, v60  }
0x269: {  	v48 =	vmax.f32 v48, v63;
	v45 =	vmul.f32 $1.442695020e+00, v45;
	v54 =	vcvt.s32.f32 v34  }
0x26a: {  	v56 =	vsub.f32 v24, v48;
	v44 =	vsub.f32 v63, v48;
	(erf) = vrcp.f32 v43  }
0x26b: {  	v24 =	vsub.f32 v17, v51;
	v17 =	vmul.f32 $6.666667010e-02, v53;
	(erf) = vpow2.f32 v18  }
0x26c: {  	v57 =	vsub.f32 v31, v48;
	v56 =	vmul.f32 $1.442695020e+00, v56;
	(erf) = vpow2.f32 v39  }
0x26d: {  	v44 =	vmul.f32 $1.442695020e+00, v44;
	v18 =	vsub.f32 v26, v51;
	(erf) = vpow2.f32 v27  }
0x26e: {  	v61 =	vsub.f32 v19, v48;
	v31 =	vmul.f32 $1.442695020e+00, v57;
	(erf) = vpow2.f32 v55  }
0x26f: {  	v62 =	vsub.f32 v28, v51;
	v18 =	vmul.f32 $1.442695020e+00, v18;
	(erf) = vpow2.f32 v56  }
0x270: {  	vm6 =	vle.f32 v5, v17;
	v43 =	vmul.f32 $1.442695020e+00, v61;
	(erf) = vpow2.f32 v44  }
0x271: {  	v17 =	vmax.f32 v40, v46;
	v27 =	vsel vm2, $0x2, v2;
	(erf) = vpow2.f32 v31  }
0x272: {  	vm2 =	vgt.f32 v23, v33;
	v23 =	vmax.f32 v50, v60;
	(erf) = vpow2.f32 v43  }
0x273: {  	v48 =	vsub.f32 v35, v48;
	v17 =	vmax.f32 v17, v23;
	(erf) = vpow2.f32 v18;
	v18 =	vpop (erf)  }
0x274: {  	vm5 =	vle.f32 v7, v49;
	v24 =	vmul.f32 $1.442695020e+00, v24;
	v17 =	vmul.f32 v18, v17  }
0x275: {  	v51 =	vsub.f32 v36, v51;
	v39 =	vmul.f32 $1.442695020e+00, v62;
	(erf) = vpow2.f32 v47  }
0x276: {  	v53 =	vsel vm3, $0x2, v2;
	v18 =	vpop (erf);
	(erf) = vpow2.f32 v24;
	v24 =	vmul.f32 $1.500000000e+01, v17  }
0x277: {  	v29 =	vsel vm5, $0xFFFFFFFF, v2;
	v63 =	vmul.f32 $6.666667010e-02, v54;
	v26 =	vmul.f32 $1.442695020e+00, v51;
	v19 =	vpop (erf)  }
0x278: {  	vm5 =	vgt.f32 v28, v37;
	v48 =	vmul.f32 $1.442695020e+00, v48;
	(erf) = vpow2.f32 v39;
	v28 =	vpop (erf)  }
0x279: {  	vm3 =	vle.f32 v8, v63;
	v19 =	vadd.f32 v19, v18;
	v54 =	vpop (erf);
	(erf) = vpow2.f32 v45  }
0x27a: {  	v23 =	vmax.f32 v18, v28;
	v18 =	vtrunc.f32 v24;
	(erf) = vpow2.f32 v48;
	v24 =	vpop (erf)  }
0x27b: {  	v28 =	vadd.f32 v54, v28;
	v56 =	vcvt.f32.s32 v18;
	(erf) = vpow2.f32 v26;
	v26 =	vpop (erf)  }
0x27c: {  	vm0 =	vgt.f32 v7, $0.0e+00;
	v57 =	vsel vm3, $0xFFFFFFFF, v2;
	v18 =	vsel vm2, $0x3, v27;
	v59 =	vpop (erf)  }
0x27d: {  	v26 =	vadd.f32 v26, v24;
	v27 =	vmax.f32 v24, v59;
	v24 =	vcvt.s32.f32 v56  }
0x27e: {  	v25 =	vadd.s32 v25, v29;
	vm3 =	vgt.f32 v36, v42;
	v22 =	vadd.s32 v34, v57  }
0x27f: {  	v55 =	vsel vm6, $0xFFFFFFFF, v2;
	v31 =	vsel vm4, $0x2, v2;
	v58 =	vadd.f32 v28, v19;
	v28 =	vpop (erf)  }
0x280: {  	vm4 =	vgt.f32 v32, v38;
	v60 =	vadd.f32 v28, v59;
	v61 =	vpop (erf);
	v14 =	vmul.f32 $6.666667010e-02, v24  }
0x281: {  	v21 =	vsel vm5, $0x3, v31;
	vm2 =	vgt.f32 v35, v41;
	v19 =	vsel vm7, $0x3, v53;
	v24 =	vpop (erf)  }
0x282: {  	s4 =	sand.u32 $0xF80, s4;
	v62 =	vadd.f32 v60, v26;
	vm5 =	vle.f32 v17, v14;
	v31 =	vadd.f32 v24, v61;
	v63 =	vpop (erf)  }
0x283: {  	s11 =	sadd.s32 $0xF800, s4;
	v24 =	vadd.s32 v30, v55;
	v20 =	vsel vm5, $0xFFFFFFFF, v2;
	vm5 =	vgt.f32 v17, $0.0e+00;
	v29 =	vpop (erf)  }
0x284: {  	s12 =	sor.u32 s6, s11;
	v26 =	vmax.f32 v61, v63;
	v20 =	vadd.s32 v56, v20;
	v14 =	vadd.f32 v29, v63;
	v30 =	vpop (erf)  }
0x285: {  	s4 =	sor.u32 s5, s11;
	v37 =	vshll.u32 v20, $0x4;
	v20 =	vld [tilespmem:s12+$0x0];
	v32 =	vadd.f32 v58, v30;
	v30 =	vmax.f32 v54, v30;
	v33 =	vpop (erf)  }
0x286: {  	s7 =	sor.u32 s7, s11;
	s5 =	simm.s32 $0x80;
	v15 =	vor.u32 v0, v37;
	v36 =	vadd.f32 v14, v31;
	v31 =	vld [tilespmem:s4+$0x0];
	s4 =	simm.s32 $0x4;
	v34 =	vpop (erf);
	v35 =	vadd.f32 v62, v33  }
.LBB2_6:
0x287: {  	v14 =	vsel vm1, $0x2, v2  }
0x288: {  	s9 =	sand.u32 $0x40, s5;
	v16 =	vld [tilespmem:s7+$0x0];
	vm6 =	vgt.f32 v11, v13;
	v11 =	vadd.s32 v3, v37;
	s3 =	sadd.s32 $0x200, s3;
	s1 =	sadd.s32 $0x40, s1;
	vm1 =	vmmov vm0  }
0x289: {  	v13 =	vadd.f32 v36, v34;
	vm0 =	vgt.f32 v10, v12;
	s11 =	sand.u32 $0x7C00, s3;
	s7 =	sor.u32 $0x10, s9;
	s6 =	sor.u32 $0x30, s9;
	v14 =	vsel vm6, $0x3, v14  }
0x28a: {  	v10 =	vmax.f32 v28, v33;
	s8 =	sor.u32 $0x20, s9;
	s10 =	sor.u32 s7, s11;
	s12 =	sor.u32 s6, s11;
	v12 =	vld [tilespmem:s1+$0x0];
	v28 =	vsel vm0, $0x4, v14;
	(erf) = vrcp.f32 v32  }
0x28b: {  	v29 =	vmax.f32 v29, v34;
	s9 =	sor.u32 s9, s11;
	s11 =	sor.u32 s8, s11;
	v14 =	vld [tilespmem:s12+$0x0];
	vm0 =	veq.s32 v28, v31;
	(erf) = vrcp.f32 v35  }
0x28c: {  	v28 =	vmax.f32 v23, v30;
	v23 =	vsel vm0, $0x3F800000, v1;
	[tilespmem:v15+s28+$0x0] =	vst.idx.add.f32.msk vm5, v17;
	(erf) = vrcp.f32 v13  }
0x28d: {  	v17 =	vmax.f32 v26, v29;
	v13 =	vsel vm4, $0x4, v18;
	v18 =	vmax.f32 v27, v10;
	[tilespmem:v11+s28+$0x0] =	vst.idx.add.f32.msk vm5, v23  }
0x28e: {  	v21 =	vsel vm3, $0x4, v21;
	v19 =	vsel vm2, $0x4, v19;
	v23 =	vshll.u32 v25, $0x4;
	v15 =	vld [tilespmem:s12+$0x100]  }
0x28f: {  	s4 =	sadd.s32 $0x4, s4;
	vm0 =	veq.s32 v13, v20;
	v13 =	vshll.u32 v22, $0x4;
	v20 =	vshll.u32 v24, $0x4;
	v11 =	vld [tilespmem:s12+$0x180]  }
0x290: {  	p2 =	slt.u32 s4, $0xF4;
	vm5 =	veq.s32 v19, v16;
	v35 =	vor.u32 v0, v23;
	vm2 =	veq.s32 v21, v12;
	v10 =	vld [tilespmem:s12+$0x200]  }
0x291: {  	v36 =	vadd.s32 v3, v23;
	v37 =	vor.u32 v0, v20;
	v38 =	vadd.s32 v3, v20;
	v16 =	vld [tilespmem:s12+$0x80]  }
0x292: {  	vm4 =	vgt.f32 v5, $0.0e+00;
	v40 =	vor.u32 v0, v13;
	v41 =	vadd.s32 v3, v13;
	v39 =	vld [tilespmem:s10+$0x0]  }
0x293: {  	vm3 =	vgt.f32 v8, $0.0e+00;
	v43 =	vsel vm0, $0x3F800000, v1;
	v42 =	vld [tilespmem:s10+$0x100];
	v13 =	vmax.f32 v14, v15;
	v19 =	vpop (erf)  }
0x294: {  	v45 =	vsel vm5, $0x3F800000, v1;
	v23 =	vld [tilespmem:s11+$0x0];
	v12 =	vmax.f32 v13, v11;
	v44 =	vmul.f32 v19, v28;
	v19 =	vpop (erf)  }
0x295: {  	v46 =	vsel vm2, $0x3F800000, v1;
	v31 =	vld [tilespmem:s11+$0x100];
	v20 =	vmax.f32 v12, v10;
	v47 =	vmul.f32 v19, v18;
	v18 =	vpop (erf)  }
0x296: {  	v33 =	vld [tilespmem:s9+$0x0];
	v22 =	vmax.f32 v20, v16;
	v48 =	vmul.f32 v18, v17;
	v18 =	vmul.f32 $1.500000000e+01, v44  }
0x297: {  	vm0 =	vgt.f32 v44, $0.0e+00;
	v34 =	vld [tilespmem:s9+$0x100];
	v19 =	vsub.f32 v14, v22;
	v21 =	vmul.f32 $1.500000000e+01, v47  }
0x298: {  	v16 =	vsub.f32 v16, v22;
	v30 =	vld [tilespmem:s10+$0x180];
	v32 =	vmax.f32 v39, v42;
	v24 =	vmul.f32 $1.500000000e+01, v48  }
0x299: {  	v25 =	vsub.f32 v15, v22;
	v49 =	vtrunc.f32 v18;
	v17 =	vld [tilespmem:s11+$0x180];
	v20 =	vmul.f32 $1.442695020e+00, v19  }
0x29a: {  	v26 =	vsub.f32 v11, v22;
	v16 =	vmul.f32 $1.442695020e+00, v16;
	v18 =	vld [tilespmem:s9+$0x180];
	v29 =	vmax.f32 v23, v31  }
0x29b: {  	vm2 =	vgt.f32 v42, v39;
	v25 =	vmul.f32 $1.442695020e+00, v25;
	v19 =	vld [tilespmem:s10+$0x200];
	(erf) = vpow2.f32 v20  }
0x29c: {  	v26 =	vmul.f32 $1.442695020e+00, v26;
	v28 =	vmax.f32 v33, v34;
	v20 =	vld [tilespmem:s11+$0x200];
	(erf) = vpow2.f32 v16  }
0x29d: {  	v50 =	vtrunc.f32 v21;
	v16 =	vld [tilespmem:s9+$0x200];
	v27 =	vmax.f32 v32, v30;
	(erf) = vpow2.f32 v25  }
0x29e: {  	v22 =	vsub.f32 v10, v22;
	v51 =	vld [tilespmem:s10+$0x80];
	v21 =	vmax.f32 v29, v17;
	(erf) = vpow2.f32 v26  }
0x29f: {  	v53 =	vtrunc.f32 v24;
	v25 =	vcvt.f32.s32 v49;
	v26 =	vmax.f32 v28, v18;
	v52 =	vld [tilespmem:s11+$0x80]  }
0x2a0: {  	v55 =	vmul.f32 $1.442695020e+00, v22;
	v24 =	vcvt.f32.s32 v50;
	v49 =	vld [tilespmem:s9+$0x80];
	v54 =	vmax.f32 v27, v19  }
0x2a1: {  	v22 =	vcvt.f32.s32 v53;
	v53 =	vcvt.s32.f32 v25;
	v50 =	vmax.f32 v21, v20;
	[tilespmem:v35+s28+$0x0] =	vst.idx.add.f32.msk vm1, v7;
	v7 =	vmovc v44  }
0x2a2: {  	v44 =	vcvt.s32.f32 v24;
	v35 =	vmax.f32 v26, v16;
	(erf) = vpow2.f32 v55;
	[tilespmem:v36+s28+$0x0] =	vst.idx.add.f32.msk vm1, v6;
	v6 =	vmovc v43  }
0x2a3: {  	v53 =	vmul.f32 $6.666667010e-02, v53;
	v43 =	vcvt.s32.f32 v22;
	v36 =	vmax.f32 v54, v51;
	[tilespmem:v37+s28+$0x0] =	vst.idx.add.f32.msk vm4, v5;
	v5 =	vmovc v47  }
0x2a4: {  	v37 =	vsub.f32 v39, v36;
	v39 =	vsub.f32 v51, v36;
	v47 =	vmax.f32 v50, v52;
	v50 =	vpop (erf)  }
0x2a5: {  	v42 =	vsub.f32 v42, v36;
	v51 =	vsub.f32 v30, v36;
	v35 =	vmax.f32 v35, v49;
	v54 =	vpop (erf)  }
0x2a6: {  	v55 =	vsub.f32 v23, v47;
	v52 =	vsub.f32 v52, v47;
	v37 =	vmul.f32 $1.442695020e+00, v37;
	v56 =	vpop (erf);
	[tilespmem:v38+s28+$0x0] =	vst.idx.add.f32.msk vm4, v9  }
0x2a7: {  	v57 =	vsub.f32 v17, v47;
	v38 =	vmul.f32 $1.442695020e+00, v39;
	v39 =	vsub.f32 v31, v47;
	v58 =	vpop (erf);
	[tilespmem:v40+s28+$0x0] =	vst.idx.add.f32.msk vm3, v8  }
0x2a8: {  	v59 =	vadd.f32 v54, v50;
	v40 =	vmul.f32 $1.442695020e+00, v42;
	v42 =	vadd.f32 v58, v56;
	[tilespmem:v41+s28+$0x0] =	vst.idx.add.f32.msk vm3, v4  }
0x2a9: {  	v49 =	vsub.f32 v49, v35;
	v51 =	vmul.f32 $1.442695020e+00, v51;
	v9 =	vmovc v45;
	v41 =	vsub.f32 v33, v35;
	v4 =	vmovc v46  }
0x2aa: {  	v45 =	vsub.f32 v34, v35;
	v8 =	vmovc v48;
	v46 =	vmul.f32 $1.442695020e+00, v55;
	v42 =	vadd.f32 v42, v59  }
0x2ab: {  	v48 =	vsub.f32 v18, v35;
	v52 =	vmul.f32 $1.442695020e+00, v52;
	v39 =	vmul.f32 $1.442695020e+00, v39;
	v54 =	vpop (erf)  }
0x2ac: {  	v55 =	vmul.f32 $1.442695020e+00, v57;
	v41 =	vmul.f32 $1.442695020e+00, v41;
	v42 =	vadd.f32 v42, v54  }
0x2ad: {  	v36 =	vsub.f32 v19, v36;
	v49 =	vmul.f32 $1.442695020e+00, v49;
	v45 =	vmul.f32 $1.442695020e+00, v45  }
0x2ae: {  	v47 =	vsub.f32 v20, v47;
	v48 =	vmul.f32 $1.442695020e+00, v48;
	(erf) = vrcp.f32 v42  }
0x2af: {  	v36 =	vmul.f32 $1.442695020e+00, v36;
	v35 =	vsub.f32 v16, v35;
	(erf) = vpow2.f32 v37  }
0x2b0: {  	vm3 =	vgt.f32 v31, v23;
	v31 =	vmul.f32 $1.442695020e+00, v47;
	(erf) = vpow2.f32 v38  }
0x2b1: {  	vm6 =	vgt.f32 v34, v33;
	v33 =	vmul.f32 $1.442695020e+00, v35;
	(erf) = vpow2.f32 v40  }
0x2b2: {  	vm7 =	vle.f32 v7, v53;
	v23 =	vmul.f32 $6.666667010e-02, v44;
	(erf) = vpow2.f32 v51  }
0x2b3: {  	v34 =	vsel vm2, $0x2, v2;
	v35 =	vmul.f32 $6.666667010e-02, v43;
	(erf) = vpow2.f32 v46  }
0x2b4: {  	vm1 =	vgt.f32 v30, v32;
	vm5 =	vle.f32 v5, v23;
	(erf) = vpow2.f32 v52  }
0x2b5: {  	v30 =	vsel vm3, $0x2, v2;
	vm4 =	vle.f32 v8, v35;
	(erf) = vpow2.f32 v39  }
0x2b6: {  	v35 =	vmax.f32 v50, v56;
	v32 =	vmax.f32 v58, v54;
	(erf) = vpow2.f32 v55  }
0x2b7: {  	vm2 =	vgt.f32 v17, v29;
	v17 =	vmax.f32 v35, v32;
	(erf) = vpow2.f32 v41;
	v23 =	vpop (erf)  }
0x2b8: {  	v29 =	vsel vm6, $0x2, v2;
	v17 =	vmul.f32 v23, v17;
	(erf) = vpow2.f32 v49;
	v23 =	vpop (erf)  }
0x2b9: {  	vm3 =	vgt.f32 v18, v28;
	v32 =	vsel vm7, $0xFFFFFFFF, v2;
	(erf) = vpow2.f32 v45;
	v18 =	vpop (erf)  }
0x2ba: {  	v28 =	vadd.f32 v18, v23;
	v18 =	vmul.f32 $1.500000000e+01, v17;
	(erf) = vpow2.f32 v48;
	v35 =	vpop (erf)  }
0x2bb: {  	v23 =	vmax.f32 v23, v35;
	v37 =	vpop (erf);
	(erf) = vpow2.f32 v36;
	v36 =	vsel vm5, $0xFFFFFFFF, v2  }
0x2bc: {  	v40 =	vadd.f32 v37, v35;
	v18 =	vtrunc.f32 v18;
	v38 =	vpop (erf);
	(erf) = vpow2.f32 v31  }
0x2bd: {  	v39 =	vsel vm4, $0xFFFFFFFF, v2;
	v31 =	vcvt.f32.s32 v18;
	(erf) = vpow2.f32 v33;
	v33 =	vpop (erf)  }
0x2be: {  	v18 =	vsel vm1, $0x3, v34;
	v34 =	vadd.f32 v40, v28;
	v33 =	vadd.f32 v33, v38;
	v35 =	vpop (erf)  }
0x2bf: {  	vm4 =	vgt.f32 v19, v27;
	v27 =	vmax.f32 v38, v35;
	v38 =	vcvt.s32.f32 v31;
	v28 =	vpop (erf)  }
0x2c0: {  	v19 =	vsel vm2, $0x3, v30;
	vm2 =	vgt.f32 v20, v21;
	v40 =	vadd.f32 v28, v35;
	v30 =	vpop (erf)  }
0x2c1: {  	v21 =	vsel vm3, $0x3, v29;
	vm3 =	vgt.f32 v16, v26;
	v16 =	vmul.f32 $6.666667010e-02, v38;
	v26 =	vpop (erf)  }
0x2c2: {  	v25 =	vadd.s32 v25, v32;
	v35 =	vadd.f32 v26, v30;
	v38 =	vadd.f32 v40, v33;
	v20 =	vpop (erf)  }
.Ltmp4:
0x2c3: {  	s9 =	sand.u32 $0xF80, s5;
	v24 =	vadd.s32 v24, v36;
	v26 =	vmax.f32 v30, v20;
	vm1 =	vle.f32 v17, v16;
	v29 =	vpop (erf);
	(pc) =	sbr.rel @p2 .LBB2_6-.Ltmp4, $4  }
0x2c4: {  	s9 =	sadd.s32 $0xF800, s9;
	v22 =	vadd.s32 v22, v39;
	v16 =	vadd.f32 v29, v20;
	v20 =	vsel vm1, $0xFFFFFFFF, v2;
	v30 =	vpop (erf)  }
0x2c5: {  	s10 =	sor.u32 s7, s9;
	s7 =	sor.u32 s8, s9;
	s6 =	sor.u32 s6, s9;
	v32 =	vadd.f32 v34, v30;
	v30 =	vmax.f32 v37, v30;
	v20 =	vadd.s32 v31, v20;
	v33 =	vpop (erf)  }
0x2c6: {  	vm5 =	vgt.f32 v17, $0.0e+00;
	v36 =	vadd.f32 v16, v35;
	v31 =	vld [tilespmem:s6+$0x0];
	v37 =	vshll.u32 v20, $0x4;
	v34 =	vpop (erf)  }
0x2c7: {  	s5 =	sadd.s32 $0x40, s5;
	vm1 =	vgt.f32 v15, v14;
	v35 =	vadd.f32 v38, v33;
	v20 =	vld [tilespmem:s10+$0x0];
	v15 =	vor.u32 v0, v37  }
0x2c8: {  	v14 =	vadd.f32 v36, v34;
	(erf) = vrcp.f32 v32  }
0x2c9: {  	(erf) = vrcp.f32 v35  }
0x2ca: {  	(erf) = vrcp.f32 v14;
	_ =	sdelay $0x3  }
0x2cb: {  	v14 =	vsel vm1, $0x2, v2  }
0x2cc: {  	vm1 =	vgt.f32 v11, v13  }
0x2cd: {  	v16 =	vmax.f32 v29, v34;
	v13 =	vsel vm1, $0x3, v14  }
0x2ce: {  	vm1 =	vgt.f32 v10, v12;
	v10 =	vmax.f32 v28, v33;
	v12 =	vmax.f32 v23, v30;
	v14 =	vpop (erf)  }
0x2cf: {  	vm0 =	vmmov vm0;
	v10 =	vmax.f32 v27, v10;
	v12 =	vmul.f32 v14, v12;
	v14 =	vpop (erf)  }
0x2d0: {  	v16 =	vmax.f32 v26, v16;
	v13 =	vsel vm1, $0x4, v13;
	v10 =	vmul.f32 v14, v10;
	v14 =	vpop (erf)  }
0x2d1: {  	vm1 =	veq.s32 v13, v31;
	v13 =	vmul.f32 v14, v16;
	v14 =	vmul.f32 $1.500000000e+01, v12  }
0x2d2: {  	v25 =	vshll.u32 v25, $0x4;
	v22 =	vshll.u32 v22, $0x4;
	v23 =	vmul.f32 $1.500000000e+01, v10  }
0x2d3: {  	v24 =	vshll.u32 v24, $0x4;
	v26 =	vmul.f32 $1.500000000e+01, v13;
	v14 =	vtrunc.f32 v14  }
0x2d4: {  	v29 =	vor.u32 v0, v24;
	v23 =	vtrunc.f32 v23;
	v14 =	vcvt.f32.s32 v14  }
0x2d5: {  	v24 =	vadd.s32 v3, v24;
	v11 =	vadd.s32 v3, v37;
	v23 =	vcvt.f32.s32 v23  }
0x2d6: {  	v27 =	vor.u32 v0, v25;
	v26 =	vtrunc.f32 v26;
	v28 =	vcvt.s32.f32 v14  }
0x2d7: {  	v25 =	vadd.s32 v3, v25;
	v26 =	vcvt.f32.s32 v26;
	v30 =	vcvt.s32.f32 v23  }
0x2d8: {  	v16 =	vsel vm1, $0x3F800000, v1;
	vm1 =	vgt.f32 v5, $0.0e+00;
	v28 =	vmul.f32 $6.666667010e-02, v28  }
0x2d9: {  	[tilespmem:v15+s28+$0x0] =	vst.idx.add.f32.msk vm5, v17;
	v31 =	vor.u32 v0, v22;
	v15 =	vcvt.s32.f32 v26;
	v17 =	vmul.f32 $6.666667010e-02, v30  }
0x2da: {  	[tilespmem:v11+s28+$0x0] =	vst.idx.add.f32.msk vm5, v16;
	v11 =	vadd.s32 v3, v22;
	vm5 =	vgt.f32 v8, $0.0e+00;
	vm6 =	vle.f32 v12, v28  }
0x2db: {  	[tilespmem:v27+s28+$0x0] =	vst.idx.add.f32.msk vm0, v7;
	v15 =	vmul.f32 $6.666667010e-02, v15;
	v22 =	vsel vm6, $0xFFFFFFFF, v2;
	vm6 =	vle.f32 v10, v17  }
0x2dc: {  	[tilespmem:v25+s28+$0x0] =	vst.idx.add.f32.msk vm0, v6;
	v17 =	vsel vm6, $0xFFFFFFFF, v2;
	vm6 =	vgt.f32 v12, $0.0e+00;
	v7 =	vadd.s32 v14, v22  }
0x2dd: {  	v16 =	vld [tilespmem:s7+$0x0];
	vm0 =	vle.f32 v13, v15;
	vm6 =	vmmov vm6;
	v6 =	vshll.u32 v7, $0x4  }
0x2de: {  	[tilespmem:v29+s28+$0x0] =	vst.idx.add.f32.msk vm1, v5;
	v14 =	vsel vm0, $0xFFFFFFFF, v2;
	v15 =	vadd.s32 v23, v17;
	v17 =	vor.u32 v0, v6  }
0x2df: {  	[tilespmem:v24+s28+$0x0] =	vst.idx.add.f32.msk vm1, v9;
	vm0 =	vgt.f32 v10, $0.0e+00;
	v5 =	vshll.u32 v15, $0x4;
	v6 =	vadd.s32 v3, v6  }
0x2e0: {  	s1 =	sadd.s32 $0x40, s1;
	[tilespmem:v31+s28+$0x0] =	vst.idx.add.f32.msk vm5, v8;
	vm1 =	vgt.f32 v13, $0.0e+00;
	v9 =	vadd.s32 v26, v14;
	v14 =	vor.u32 v0, v5  }
0x2e1: {  	v7 =	vld [tilespmem:s1+$0x0];
	v15 =	vsel vm4, $0x4, v18;
	v8 =	vshll.u32 v9, $0x4;
	v5 =	vadd.s32 v3, v5  }
0x2e2: {  	[tilespmem:v11+s28+$0x0] =	vst.idx.add.f32.msk vm5, v4;
	vm4 =	veq.s32 v15, v20;
	v4 =	vor.u32 v0, v8  }
0x2e3: {  	v9 =	vsel vm2, $0x4, v19;
	v11 =	vsel vm4, $0x3F800000, v1;
	v8 =	vadd.s32 v3, v8;
	[tilespmem:v17+s28+$0x0] =	vst.idx.add.f32.msk vm6, v12  }
0x2e4: {  	vm2 =	veq.s32 v9, v16;
	[tilespmem:v6+s28+$0x0] =	vst.idx.add.f32.msk vm6, v11  }
0x2e5: {  	v9 =	vsel vm2, $0x3F800000, v1;
	v6 =	vsel vm3, $0x4, v21;
	[tilespmem:v14+s28+$0x0] =	vst.idx.add.f32.msk vm0, v10  }
0x2e6: {  	vm2 =	veq.s32 v6, v7;
	[tilespmem:v5+s28+$0x0] =	vst.idx.add.f32.msk vm0, v9  }
0x2e7: {  	[tilespmem:v4+s28+$0x0] =	vst.idx.add.f32.msk vm1, v13;
	v5 =	vsel vm2, $0x3F800000, v1  }
0x2e8: {  	[tilespmem:v8+s28+$0x0] =	vst.idx.add.f32.msk vm1, v5  }
0x2e9: {  	_ =	swait.ge [sflag:s29], $0x7C00  }
0x2ea: {  	[sflag:s29] =	ssyncset.done $0x0  }
0x2eb: {  	s7 =	simm.s32 $0x0;
	[sflag:s29] =	ssyncadd.s32 $0xFFFF8400  }
0x2ec: {  	s11 =	sand.u32 $0x7C00, s7;
	_ =	swait.ge [sflag:s30], $0xF80  }
0x2ed: {  	s3 =	sand.u32 $0x40, s7;
	s4 =	sadd.s32 $0x7C00, s11;
	[sflag:s30] =	ssyncset.done $0x0  }
0x2ee: {  	s5 =	sor.u32 $0x30, s3;
	s9 =	rddreg [dreg:$0xc];
	[sflag:s30] =	ssyncadd.s32 $0xFFFFF080  }
0x2ef: {  	[tilespmem:s7], [sflag:$0x1] =	stream.linear.gather [hbm4b:s9+s7], $0x7C00, $0x38;
	[tilespmem:$0x11D80] =	vst v63  }
0x2f0: {  	s1 =	sor.u32 s5, s4;
	s10 =	rddreg [dreg:$0xd]  }
0x2f1: {  	[tilespmem:s31], [sflag:$0x3] =	stream.linear.gather [hbm4b:s10+s7], $0xF80, $0x38;
	[tilespmem:$0x11D80] =	vst v63  }
0x2f2: {  	v8 =	vld [tilespmem:s1+$0x0]  }
0x2f3: {  	v9 =	vld [tilespmem:s1+$0x100]  }
0x2f4: {  	v5 =	vld [tilespmem:s1+$0x180]  }
0x2f5: {  	v4 =	vld [tilespmem:s1+$0x200]  }
0x2f6: {  	v10 =	vld [tilespmem:s1+$0x80];
	_ =	sdelay $0x1  }
0x2f7: {  	v7 =	vmax.f32 v8, v9  }
0x2f8: {  	v6 =	vmax.f32 v7, v5  }
0x2f9: {  	v11 =	vmax.f32 v6, v4  }
0x2fa: {  	v11 =	vmax.f32 v11, v10  }
0x2fb: {  	s8 =	sor.u32 s3, s4;
	v13 =	vsub.f32 v8, v11  }
0x2fc: {  	s12 =	sor.u32 $0x10, s3;
	v12 =	vld [tilespmem:s8+$0x0];
	v10 =	vsub.f32 v10, v11  }
0x2fd: {  	s9 =	sor.u32 s12, s4;
	v14 =	vld [tilespmem:s8+$0x100];
	v16 =	vsub.f32 v9, v11;
	v13 =	vmul.f32 $1.442695020e+00, v13  }
0x2fe: {  	s6 =	sor.u32 $0x20, s3;
	v15 =	vld [tilespmem:s9+$0x0];
	v18 =	vsub.f32 v5, v11;
	v10 =	vmul.f32 $1.442695020e+00, v10  }
0x2ff: {  	s3 =	sor.u32 s6, s4;
	v17 =	vld [tilespmem:s9+$0x100];
	v16 =	vmul.f32 $1.442695020e+00, v16;
	(erf) = vpow2.f32 v13  }
0x300: {  	v19 =	vld [tilespmem:s3+$0x0];
	v18 =	vmul.f32 $1.442695020e+00, v18;
	(erf) = vpow2.f32 v10  }
0x301: {  	v20 =	vld [tilespmem:s8+$0x200];
	(erf) = vpow2.f32 v16  }
0x302: {  	v21 =	vld [tilespmem:s8+$0x80];
	v11 =	vsub.f32 v4, v11;
	(erf) = vpow2.f32 v18  }
0x303: {  	v10 =	vld [tilespmem:s8+$0x180]  }
0x304: {  	v11 =	vmul.f32 $1.442695020e+00, v11;
	v13 =	vld [tilespmem:s3+$0x100]  }
0x305: {  	v16 =	vld [tilespmem:s9+$0x180]  }
0x306: {  	v18 =	vld [tilespmem:s3+$0x180];
	(erf) = vpow2.f32 v11  }
0x307: {  	v22 =	vld [tilespmem:s9+$0x200];
	v27 =	vmax.f32 v15, v17;
	v11 =	vmax.f32 v12, v14  }
0x308: {  	v23 =	vld [tilespmem:s3+$0x200];
	vm0 =	vgt.f32 v14, v12;
	vm1 =	vgt.f32 v17, v15;
	v24 =	vmax.f32 v11, v10;
	v26 =	vpop (erf)  }
0x309: {  	v25 =	vld [tilespmem:s9+$0x80];
	vm4 =	vgt.f32 v9, v8;
	v31 =	vmax.f32 v19, v13;
	v28 =	vmax.f32 v24, v20;
	v30 =	vpop (erf)  }
0x30a: {  	v29 =	vld [tilespmem:s3+$0x80];
	vm2 =	vgt.f32 v13, v19;
	v50 =	vmax.f32 v27, v16;
	v28 =	vmax.f32 v28, v21;
	v51 =	vpop (erf)  }
0x30b: {  	v52 =	vmax.f32 v31, v18;
	v54 =	vsub.f32 v12, v28;
	v21 =	vsub.f32 v21, v28;
	v55 =	vpop (erf)  }
0x30c: {  	v53 =	vmax.f32 v50, v22;
	v30 =	vadd.f32 v30, v26;
	v39 =	vadd.f32 v55, v51  }
0x30d: {  	v38 =	vmax.f32 v52, v23;
	v40 =	vsub.f32 v14, v28;
	v41 =	vsub.f32 v10, v28  }
0x30e: {  	v35 =	vmax.f32 v53, v25;
	v28 =	vsub.f32 v20, v28;
	v30 =	vadd.f32 v39, v30  }
0x30f: {  	v38 =	vmax.f32 v38, v29;
	v56 =	vsub.f32 v15, v35;
	v25 =	vsub.f32 v25, v35;
	v42 =	vpop (erf)  }
0x310: {  	v36 =	vmul.f32 $1.442695020e+00, v54;
	v21 =	vmul.f32 $1.442695020e+00, v21;
	v30 =	vadd.f32 v30, v42  }
0x311: {  	v43 =	vsub.f32 v17, v35;
	v40 =	vmul.f32 $1.442695020e+00, v40;
	v41 =	vmul.f32 $1.442695020e+00, v41  }
0x312: {  	v44 =	vsub.f32 v16, v35;
	v25 =	vmul.f32 $1.442695020e+00, v25;
	(erf) = vrcp.f32 v30  }
0x313: {  	v14 =	vsub.f32 v22, v35;
	v43 =	vmul.f32 $1.442695020e+00, v43;
	(erf) = vpow2.f32 v36  }
0x314: {  	v29 =	vsub.f32 v29, v38;
	v57 =	vmul.f32 $1.442695020e+00, v44;
	(erf) = vpow2.f32 v21  }
0x315: {  	v58 =	vsub.f32 v18, v38;
	v39 =	vmul.f32 $1.442695020e+00, v56;
	(erf) = vpow2.f32 v40  }
0x316: {  	v29 =	vmul.f32 $1.442695020e+00, v29;
	v30 =	vsub.f32 v19, v38;
	(erf) = vpow2.f32 v41  }
0x317: {  	v12 =	vmul.f32 $1.442695020e+00, v58;
	v21 =	vsub.f32 v13, v38;
	(erf) = vpow2.f32 v39  }
0x318: {  	v15 =	vmax.f32 v26, v51;
	v30 =	vmul.f32 $1.442695020e+00, v30;
	(erf) = vpow2.f32 v25  }
0x319: {  	v17 =	vmax.f32 v55, v42;
	v21 =	vmul.f32 $1.442695020e+00, v21;
	(erf) = vpow2.f32 v43  }
0x31a: {  	v25 =	vmul.f32 $1.442695020e+00, v28;
	v28 =	vsub.f32 v23, v38;
	(erf) = vpow2.f32 v57  }
0x31b: {  	(erf) = vpow2.f32 v30;
	v26 =	vpop (erf);
	v30 =	vmul.f32 $1.442695020e+00, v14;
	v14 =	vmax.f32 v15, v17  }
0x31c: {  	vm3 =	vgt.f32 v20, v24;
	v15 =	vpop (erf);
	(erf) = vpow2.f32 v29;
	v14 =	vmul.f32 v26, v14  }
0x31d: {  	v19 =	vsel vm0, $0x2, v2;
	v17 =	vmul.f32 $1.442695020e+00, v28;
	v13 =	vpop (erf);
	(erf) = vpow2.f32 v21  }
0x31e: {  	vm0 =	vgt.f32 v10, v11;
	v21 =	vpop (erf);
	(erf) = vpow2.f32 v12;
	v10 =	vmul.f32 $1.500000000e+01, v14  }
0x31f: {  	v12 =	vsel vm1, $0x2, v2;
	vm1 =	vgt.f32 v16, v27;
	v16 =	vsel vm2, $0x2, v2  }
0x320: {  	vm2 =	vgt.f32 v18, v31;
	v11 =	vpop (erf);
	(erf) = vpow2.f32 v25;
	v10 =	vtrunc.f32 v10  }
0x321: {  	v13 =	vadd.f32 v13, v15;
	v28 =	vmax.f32 v15, v21;
	v25 =	vpop (erf);
	v10 =	vcvt.f32.s32 v10  }
0x322: {  	v26 =	vadd.f32 v11, v21;
	v18 =	vpop (erf);
	(erf) = vpow2.f32 v30;
	v30 =	vsel vm4, $0x2, v2  }
0x323: {  	vm4 =	vgt.f32 v5, v7;
	v27 =	vpop (erf);
	v15 =	vadd.f32 v18, v25;
	v18 =	vcvt.s32.f32 v10  }
0x324: {  	s4 =	simm.s32 $0x40;
	s10 =	simm.s32 $0x200;
	s7 =	sand.u32 $0xF80, s7;
	(erf) = vpow2.f32 v17;
	v17 =	vsel vm0, $0x3, v19;
	v13 =	vadd.f32 v26, v13;
	v19 =	vpop (erf)  }
0x325: {  	s7 =	sadd.s32 $0x10780, s7;
	s8 =	sand.u32 $0x40, s4;
	s3 =	sand.u32 $0x7C00, s10;
	v26 =	vsel vm1, $0x3, v12;
	vm0 =	vgt.f32 v22, v50;
	v7 =	vsel vm4, $0x3, v30;
	v21 =	vpop (erf)  }
0x326: {  	s5 =	sor.u32 s5, s7;
	s9 =	sadd.s32 $0x7C00, s3;
	s3 =	sor.u32 $0x30, s8;
	v24 =	vmax.f32 v25, v27;
	v20 =	vadd.f32 v19, v27;
	v25 =	vpop (erf);
	v12 =	vmul.f32 $6.666667010e-02, v18  }
0x327: {  	v59 =	vld [tilespmem:s5+$0x0];
	s10 =	sor.u32 s3, s9;
	vm4 =	vgt.f32 v4, v6;
	v27 =	vsel vm2, $0x3, v16;
	vm2 =	vgt.f32 v23, v52;
	v18 =	vpop (erf)  }
0x328: {  	v16 =	vld [tilespmem:s10+$0x100];
	v20 =	vadd.f32 v20, v15;
	v23 =	vadd.f32 v25, v21;
	vm1 =	vle.f32 v14, v12;
	v22 =	vpop (erf)  }
0x329: {  	v15 =	vld [tilespmem:s10+$0x0];
	v12 =	vadd.f32 v22, v18;
	v25 =	vpop (erf);
	v18 =	vmax.f32 v21, v18;
	v21 =	vsel vm1, $0xFFFFFFFF, v2  }
0x32a: {  	v29 =	vadd.f32 v13, v25;
	v25 =	vmax.f32 v11, v25;
	v10 =	vadd.s32 v10, v21;
	v11 =	vld [tilespmem:s10+$0x180]  }
0x32b: {  	v7 =	vsel vm4, $0x4, v7;
	v13 =	vshll.u32 v10, $0x4;
	v10 =	vld [tilespmem:s10+$0x200]  }
0x32c: {  	s1 =	sor.u32 s12, s7;
	s12 =	sor.u32 s8, s9;
	v31 =	vld [tilespmem:s10+$0x80];
	vm4 =	veq.s32 v7, v59;
	vm1 =	vgt.f32 v14, $0.0e+00;
	v12 =	vadd.f32 v12, v23;
	v23 =	vpop (erf)  }
0x32d: {  	v32 =	vld [tilespmem:s12+$0x200];
	v7 =	vmax.f32 v28, v25;
	v9 =	vadd.f32 v20, v23;
	v20 =	vor.u32 v0, v13  }
0x32e: {  	v61 =	vld [tilespmem:s12+$0x80];
	v8 =	vpop (erf);
	v21 =	vadd.s32 v3, v13;
	v13 =	vmax.f32 v15, v16;
	v4 =	vmax.f32 v19, v23  }
0x32f: {  	v25 =	vld [tilespmem:s12+$0x0];
	(erf) = vrcp.f32 v29;
	v5 =	vadd.f32 v12, v8;
	v12 =	vmax.f32 v13, v11  }
0x330: {  	v4 =	vmax.f32 v24, v4;
	v24 =	vld [tilespmem:s12+$0x100];
	(erf) = vrcp.f32 v9;
	v9 =	vmax.f32 v12, v10  }
0x331: {  	v6 =	vld [tilespmem:s1+$0x0];
	s1 =	simm.s32 $0x10780;
	v17 =	vsel vm3, $0x4, v17;
	(erf) = vrcp.f32 v5;
	v5 =	vmax.f32 v9, v31  }
0x332: {  	s11 =	sor.u32 s6, s7;
	s5 =	sor.u32 $0x10, s8;
	v26 =	vsel vm0, $0x4, v26;
	v8 =	vmax.f32 v22, v8;
	v9 =	vld [tilespmem:s1+$0x0];
	v23 =	vsub.f32 v15, v5  }
0x333: {  	s6 =	sor.u32 s5, s9;
	v19 =	vld [tilespmem:s11+$0x0];
	v22 =	vsel vm4, $0x3F800000, v1;
	v28 =	vsub.f32 v31, v5;
	v29 =	vsub.f32 v16, v5  }
0x334: {  	v8 =	vmax.f32 v18, v8;
	v18 =	vld [tilespmem:s6+$0x0];
	v30 =	vsub.f32 v11, v5;
	v23 =	vmul.f32 $1.442695020e+00, v23  }
0x335: {  	[tilespmem:v20+s28+$0x0] =	vst.idx.add.f32.msk vm1, v14;
	v33 =	vmax.f32 v25, v24;
	v28 =	vmul.f32 $1.442695020e+00, v28;
	v29 =	vmul.f32 $1.442695020e+00, v29  }
0x336: {  	s11 =	sor.u32 $0x20, s8;
	[tilespmem:v21+s28+$0x0] =	vst.idx.add.f32.msk vm1, v22;
	vm1 =	vgt.f32 v16, v15;
	v30 =	vmul.f32 $1.442695020e+00, v30;
	(erf) = vpow2.f32 v23  }
0x337: {  	s8 =	sor.u32 s11, s9;
	v31 =	vld [tilespmem:s6+$0x100];
	v23 =	vsel vm2, $0x4, v27;
	vm0 =	veq.s32 v17, v9;
	vm2 =	veq.s32 v26, v6  }
0x338: {  	v27 =	vld [tilespmem:s8+$0x0];
	v9 =	vpop (erf);
	v26 =	vsub.f32 v10, v5;
	(erf) = vpow2.f32 v28;
	vm3 =	veq.s32 v23, v19  }
0x339: {  	v17 =	vld [tilespmem:s8+$0x100];
	v19 =	vpop (erf);
	v6 =	vsel vm0, $0x3F800000, v1;
	v7 =	vmul.f32 v9, v7;
	(erf) = vpow2.f32 v29  }
0x33a: {  	v23 =	vld [tilespmem:s12+$0x180];
	v9 =	vsel vm2, $0x3F800000, v1;
	v5 =	vmul.f32 v19, v4;
	v4 =	vpop (erf);
	v26 =	vmul.f32 $1.442695020e+00, v26  }
0x33b: {  	v28 =	vld [tilespmem:s8+$0x180];
	vm2 =	vgt.f32 v24, v25;
	(erf) = vpow2.f32 v30;
	v8 =	vmul.f32 v4, v8  }
0x33c: {  	v19 =	vld [tilespmem:s6+$0x180];
	v4 =	vsel vm3, $0x3F800000, v1;
	v29 =	vmul.f32 $1.500000000e+01, v7;
	vm3 =	vgt.f32 v31, v18  }
0x33d: {  	v36 =	vld [tilespmem:s8+$0x200];
	vm0 =	vgt.f32 v7, $0.0e+00;
	v30 =	vmul.f32 $1.500000000e+01, v5;
	(erf) = vpow2.f32 v26  }
0x33e: {  	v35 =	vld [tilespmem:s6+$0x200];
	v60 =	vmul.f32 $1.500000000e+01, v8;
	v26 =	vtrunc.f32 v29;
	v29 =	vmax.f32 v18, v31  }
0x33f: {  	v47 =	vld [tilespmem:s8+$0x80];
	v37 =	vmax.f32 v27, v17;
	vm4 =	vgt.f32 v17, v27;
	v38 =	vmax.f32 v33, v23  }
0x340: {  	v30 =	vtrunc.f32 v30;
	v42 =	vmax.f32 v37, v28;
	v26 =	vcvt.f32.s32 v26  }
0x341: {  	v63 =	vld [tilespmem:s6+$0x80];
	v41 =	vmax.f32 v29, v19;
	v34 =	vtrunc.f32 v60;
	v45 =	vmax.f32 v38, v32  }
0x342: {  	v30 =	vcvt.f32.s32 v30;
	v51 =	vmax.f32 v42, v36;
	vm7 =	vgt.f32 v19, v29  }
0x343: {  	v48 =	vmax.f32 v41, v35;
	v49 =	vcvt.s32.f32 v26;
	v45 =	vmax.f32 v45, v61  }
0x344: {  	v34 =	vcvt.f32.s32 v34;
	v51 =	vmax.f32 v51, v47;
	v40 =	vpop (erf);
	v25 =	vsub.f32 v25, v45  }
0x345: {  	v53 =	vcvt.s32.f32 v30;
	v39 =	vsub.f32 v61, v45;
	v24 =	vsub.f32 v24, v45;
	v62 =	vpop (erf)  }
0x346: {  	v48 =	vmax.f32 v48, v63;
	v55 =	vsub.f32 v23, v45;
	v47 =	vsub.f32 v47, v51;
	v46 =	vpop (erf)  }
0x347: {  	v45 =	vsub.f32 v32, v45;
	v49 =	vmul.f32 $6.666667010e-02, v49;
	v56 =	vsub.f32 v18, v48;
	v50 =	vpop (erf)  }
0x348: {  	v54 =	vcvt.s32.f32 v34;
	v43 =	vadd.f32 v62, v40;
	v52 =	vadd.f32 v50, v46  }
0x349: {  	v44 =	vsub.f32 v63, v48;
	v57 =	vsub.f32 v31, v48;
	v25 =	vmul.f32 $1.442695020e+00, v25  }
0x34a: {  	v39 =	vmul.f32 $1.442695020e+00, v39;
	v24 =	vmul.f32 $1.442695020e+00, v24;
	v43 =	vadd.f32 v52, v43  }
0x34b: {  	v18 =	vsub.f32 v17, v51;
	v55 =	vmul.f32 $1.442695020e+00, v55;
	v47 =	vmul.f32 $1.442695020e+00, v47;
	v60 =	vpop (erf)  }
0x34c: {  	v45 =	vmul.f32 $1.442695020e+00, v45;
	v17 =	vmul.f32 $6.666667010e-02, v53;
	v43 =	vadd.f32 v43, v60  }
0x34d: {  	v61 =	vsub.f32 v19, v48;
	v56 =	vmul.f32 $1.442695020e+00, v56;
	v44 =	vmul.f32 $1.442695020e+00, v44  }
0x34e: {  	v48 =	vsub.f32 v35, v48;
	v31 =	vmul.f32 $1.442695020e+00, v57;
	(erf) = vrcp.f32 v43  }
0x34f: {  	v62 =	vsub.f32 v28, v51;
	v18 =	vmul.f32 $1.442695020e+00, v18;
	(erf) = vpow2.f32 v25  }
0x350: {  	v48 =	vmul.f32 $1.442695020e+00, v48;
	vm5 =	vle.f32 v7, v49;
	(erf) = vpow2.f32 v39  }
0x351: {  	v63 =	vmul.f32 $6.666667010e-02, v54;
	vm6 =	vle.f32 v5, v17;
	(erf) = vpow2.f32 v24  }
0x352: {  	v17 =	vmax.f32 v40, v46;
	v43 =	vmul.f32 $1.442695020e+00, v61;
	(erf) = vpow2.f32 v55  }
0x353: {  	v25 =	vsub.f32 v27, v51;
	v24 =	vsel vm2, $0x2, v2;
	(erf) = vpow2.f32 v56  }
0x354: {  	vm2 =	vgt.f32 v23, v33;
	v23 =	vmax.f32 v50, v60;
	(erf) = vpow2.f32 v44  }
0x355: {  	v51 =	vsub.f32 v36, v51;
	v39 =	vmul.f32 $1.442695020e+00, v62;
	(erf) = vpow2.f32 v31  }
0x356: {  	v54 =	vsel vm6, $0xFFFFFFFF, v2;
	v25 =	vmul.f32 $1.442695020e+00, v25;
	(erf) = vpow2.f32 v43  }
0x357: {  	v27 =	vmul.f32 $1.442695020e+00, v51;
	v51 =	vsel vm3, $0x2, v2;
	v17 =	vmax.f32 v17, v23;
	v23 =	vpop (erf)  }
0x358: {  	vm3 =	vle.f32 v8, v63;
	(erf) = vpow2.f32 v25;
	v17 =	vmul.f32 v23, v17;
	v19 =	vpop (erf)  }
0x359: {  	v57 =	vsel vm3, $0xFFFFFFFF, v2;
	v31 =	vsel vm5, $0xFFFFFFFF, v2;
	(erf) = vpow2.f32 v47;
	v23 =	vpop (erf)  }
0x35a: {  	vm5 =	vgt.f32 v28, v37;
	(erf) = vpow2.f32 v18;
	v18 =	vmul.f32 $1.500000000e+01, v17;
	v29 =	vpop (erf)  }
0x35b: {  	v28 =	vadd.f32 v23, v19;
	(erf) = vpow2.f32 v39;
	v23 =	vmax.f32 v19, v29;
	v53 =	vpop (erf)  }
0x35c: {  	(erf) = vpow2.f32 v45;
	v19 =	vadd.f32 v53, v29;
	v18 =	vtrunc.f32 v18;
	v29 =	vpop (erf)  }
0x35d: {  	v25 =	vsel vm4, $0x2, v2;
	(erf) = vpow2.f32 v48;
	v55 =	vcvt.f32.s32 v18;
	v56 =	vpop (erf)  }
0x35e: {  	(erf) = vpow2.f32 v27;
	v18 =	vsel vm2, $0x3, v24;
	v58 =	vadd.f32 v19, v28;
	v27 =	vpop (erf)  }
0x35f: {  	v24 =	vadd.f32 v56, v29;
	v28 =	vmax.f32 v29, v27;
	v59 =	vcvt.s32.f32 v55;
	v29 =	vpop (erf)  }
0x360: {  	vm3 =	vgt.f32 v36, v42;
	v22 =	vadd.s32 v34, v57;
	v27 =	vadd.f32 v29, v27  }
0x361: {  	vm4 =	vgt.f32 v32, v38;
	v20 =	vsel vm5, $0x3, v25;
	v60 =	vpop (erf);
	v14 =	vmul.f32 $6.666667010e-02, v59  }
0x362: {  	vm2 =	vgt.f32 v35, v41;
	v19 =	vsel vm7, $0x3, v51;
	v25 =	vpop (erf);
	v61 =	vadd.f32 v27, v24  }
0x363: {  	s4 =	sand.u32 $0xF80, s4;
	v62 =	vadd.f32 v25, v60;
	v63 =	vpop (erf);
	v24 =	vadd.s32 v26, v31;
	vm5 =	vle.f32 v17, v14  }
0x364: {  	s4 =	sadd.s32 $0x10780, s4;
	v25 =	vadd.s32 v30, v54;
	v26 =	vmax.f32 v60, v63;
	v27 =	vpop (erf);
	v21 =	vsel vm5, $0xFFFFFFFF, v2  }
0x365: {  	s12 =	sor.u32 s3, s4;
	vm5 =	vgt.f32 v17, $0.0e+00;
	v14 =	vadd.f32 v27, v63;
	v30 =	vpop (erf);
	v21 =	vadd.s32 v55, v21  }
0x366: {  	s5 =	sor.u32 s5, s4;
	s7 =	sor.u32 s11, s4;
	v31 =	vld [tilespmem:s12+$0x0];
	v32 =	vadd.f32 v58, v30;
	v30 =	vmax.f32 v53, v30;
	v33 =	vpop (erf);
	v37 =	vshll.u32 v21, $0x4  }
0x367: {  	s3 =	simm.s32 $0x4;
	s4 =	simm.s32 $0x400;
	v21 =	vld [tilespmem:s5+$0x0];
	s5 =	simm.s32 $0x80;
	v36 =	vadd.f32 v14, v62;
	v34 =	vpop (erf);
	v35 =	vadd.f32 v61, v33;
	v15 =	vor.u32 v0, v37  }
.LBB2_8:
0x368: {  	v14 =	vsel vm1, $0x2, v2  }
0x369: {  	s8 =	sand.u32 $0x40, s5;
	s6 =	sand.u32 $0x7C00, s4;
	v16 =	vld [tilespmem:s7+$0x0];
	vm6 =	vgt.f32 v11, v13;
	v11 =	vadd.s32 v3, v37;
	s1 =	sadd.s32 $0x40, s1;
	vm1 =	vmmov vm0  }
0x36a: {  	v13 =	vadd.f32 v36, v34;
	vm0 =	vgt.f32 v10, v12;
	s9 =	sadd.s32 $0x7C00, s6;
	s7 =	sor.u32 $0x10, s8;
	s6 =	sor.u32 $0x30, s8;
	v14 =	vsel vm6, $0x3, v14  }
0x36b: {  	v12 =	vmax.f32 v29, v33;
	s10 =	sor.u32 s8, s9;
	s8 =	sor.u32 $0x20, s8;
	s12 =	sor.u32 s6, s9;
	v10 =	vld [tilespmem:s1+$0x0];
	v29 =	vsel vm0, $0x4, v14;
	(erf) = vrcp.f32 v32  }
0x36c: {  	v27 =	vmax.f32 v27, v34;
	s11 =	sor.u32 s7, s9;
	s9 =	sor.u32 s8, s9;
	v14 =	vld [tilespmem:s12+$0x0];
	vm0 =	veq.s32 v29, v31;
	(erf) = vrcp.f32 v35  }
0x36d: {  	v29 =	vmax.f32 v23, v30;
	v23 =	vsel vm0, $0x3F800000, v1;
	[tilespmem:v15+s28+$0x0] =	vst.idx.add.f32.msk vm5, v17;
	(erf) = vrcp.f32 v13  }
0x36e: {  	v13 =	vsel vm4, $0x4, v18;
	v17 =	vmax.f32 v28, v12;
	v18 =	vmax.f32 v26, v27;
	[tilespmem:v11+s28+$0x0] =	vst.idx.add.f32.msk vm5, v23  }
0x36f: {  	v12 =	vsel vm2, $0x4, v19;
	v19 =	vsel vm3, $0x4, v20;
	v20 =	vshll.u32 v24, $0x4;
	v15 =	vld [tilespmem:s12+$0x100]  }
0x370: {  	s3 =	sadd.s32 $0x4, s3;
	v22 =	vshll.u32 v22, $0x4;
	v11 =	vld [tilespmem:s12+$0x180];
	vm0 =	veq.s32 v13, v10;
	v13 =	vshll.u32 v25, $0x4  }
0x371: {  	p2 =	slt.u32 s3, $0xF4;
	vm2 =	veq.s32 v12, v21;
	vm5 =	veq.s32 v19, v16;
	v35 =	vor.u32 v0, v20;
	v10 =	vld [tilespmem:s12+$0x200]  }
0x372: {  	v36 =	vadd.s32 v3, v20;
	v37 =	vor.u32 v0, v13;
	v38 =	vadd.s32 v3, v13;
	v16 =	vld [tilespmem:s12+$0x80]  }
0x373: {  	v40 =	vor.u32 v0, v22;
	v41 =	vadd.s32 v3, v22;
	vm4 =	vgt.f32 v5, $0.0e+00;
	v39 =	vld [tilespmem:s10+$0x0]  }
0x374: {  	vm3 =	vgt.f32 v8, $0.0e+00;
	v43 =	vsel vm0, $0x3F800000, v1;
	v42 =	vld [tilespmem:s10+$0x100];
	v13 =	vmax.f32 v14, v15;
	v19 =	vpop (erf)  }
0x375: {  	v45 =	vsel vm2, $0x3F800000, v1;
	v23 =	vld [tilespmem:s11+$0x0];
	v12 =	vmax.f32 v13, v11;
	v44 =	vmul.f32 v19, v29;
	v19 =	vpop (erf)  }
0x376: {  	v47 =	vsel vm5, $0x3F800000, v1;
	v31 =	vld [tilespmem:s11+$0x100];
	v20 =	vmax.f32 v12, v10;
	v46 =	vmul.f32 v19, v17;
	v17 =	vpop (erf)  }
0x377: {  	v33 =	vld [tilespmem:s9+$0x0];
	v22 =	vmax.f32 v20, v16;
	v19 =	vmul.f32 $1.500000000e+01, v44;
	v48 =	vmul.f32 v17, v18  }
0x378: {  	vm0 =	vgt.f32 v44, $0.0e+00;
	v34 =	vld [tilespmem:s9+$0x100];
	v18 =	vsub.f32 v14, v22;
	v24 =	vmul.f32 $1.500000000e+01, v46  }
0x379: {  	v16 =	vsub.f32 v16, v22;
	v30 =	vld [tilespmem:s10+$0x180];
	v32 =	vmax.f32 v39, v42;
	v25 =	vmul.f32 $1.500000000e+01, v48  }
0x37a: {  	v21 =	vsub.f32 v15, v22;
	v49 =	vtrunc.f32 v19;
	v17 =	vld [tilespmem:s11+$0x180];
	v20 =	vmul.f32 $1.442695020e+00, v18  }
0x37b: {  	v27 =	vsub.f32 v11, v22;
	v26 =	vmul.f32 $1.442695020e+00, v16;
	v28 =	vmax.f32 v23, v31;
	v18 =	vld [tilespmem:s9+$0x180]  }
0x37c: {  	vm2 =	vgt.f32 v42, v39;
	v50 =	vmul.f32 $1.442695020e+00, v21;
	v19 =	vld [tilespmem:s10+$0x200];
	(erf) = vpow2.f32 v20  }
0x37d: {  	v27 =	vmul.f32 $1.442695020e+00, v27;
	v16 =	vld [tilespmem:s11+$0x200];
	v29 =	vmax.f32 v33, v34;
	(erf) = vpow2.f32 v26  }
0x37e: {  	v20 =	vmax.f32 v32, v30;
	v21 =	vld [tilespmem:s9+$0x200];
	(erf) = vpow2.f32 v50;
	v50 =	vtrunc.f32 v24  }
0x37f: {  	v22 =	vsub.f32 v10, v22;
	v51 =	vld [tilespmem:s10+$0x80];
	v26 =	vmax.f32 v28, v17;
	(erf) = vpow2.f32 v27  }
0x380: {  	v24 =	vcvt.f32.s32 v49;
	v49 =	vtrunc.f32 v25;
	v52 =	vld [tilespmem:s11+$0x80];
	v27 =	vmax.f32 v29, v18  }
0x381: {  	v55 =	vmul.f32 $1.442695020e+00, v22;
	v25 =	vcvt.f32.s32 v50;
	v53 =	vmax.f32 v20, v19;
	v54 =	vld [tilespmem:s9+$0x80]  }
0x382: {  	v22 =	vcvt.f32.s32 v49;
	v56 =	vcvt.s32.f32 v24;
	v50 =	vmax.f32 v26, v16;
	[tilespmem:v35+s28+$0x0] =	vst.idx.add.f32.msk vm1, v7;
	v7 =	vmovc v44  }
0x383: {  	v44 =	vcvt.s32.f32 v25;
	v35 =	vmax.f32 v27, v21;
	(erf) = vpow2.f32 v55;
	[tilespmem:v36+s28+$0x0] =	vst.idx.add.f32.msk vm1, v6;
	v6 =	vmovc v43  }
0x384: {  	v49 =	vcvt.s32.f32 v22;
	v43 =	vmul.f32 $6.666667010e-02, v56;
	v36 =	vmax.f32 v53, v51;
	[tilespmem:v37+s28+$0x0] =	vst.idx.add.f32.msk vm4, v5;
	v5 =	vmovc v46  }
0x385: {  	v37 =	vsub.f32 v39, v36;
	v39 =	vsub.f32 v51, v36;
	v46 =	vmax.f32 v50, v52;
	v50 =	vpop (erf)  }
0x386: {  	v42 =	vsub.f32 v42, v36;
	v51 =	vsub.f32 v30, v36;
	v35 =	vmax.f32 v35, v54;
	v53 =	vpop (erf)  }
0x387: {  	v55 =	vsub.f32 v23, v46;
	v52 =	vsub.f32 v52, v46;
	v37 =	vmul.f32 $1.442695020e+00, v37;
	v56 =	vpop (erf);
	[tilespmem:v38+s28+$0x0] =	vst.idx.add.f32.msk vm4, v9  }
0x388: {  	v57 =	vsub.f32 v17, v46;
	v38 =	vmul.f32 $1.442695020e+00, v39;
	v39 =	vsub.f32 v31, v46;
	v58 =	vpop (erf);
	[tilespmem:v40+s28+$0x0] =	vst.idx.add.f32.msk vm3, v8  }
0x389: {  	v59 =	vadd.f32 v53, v50;
	v40 =	vmul.f32 $1.442695020e+00, v42;
	v42 =	vadd.f32 v58, v56;
	[tilespmem:v41+s28+$0x0] =	vst.idx.add.f32.msk vm3, v4  }
0x38a: {  	v53 =	vsub.f32 v54, v35;
	v9 =	vmovc v45;
	v41 =	vmul.f32 $1.442695020e+00, v51;
	v51 =	vsub.f32 v33, v35;
	v4 =	vmovc v47  }
0x38b: {  	v45 =	vmul.f32 $1.442695020e+00, v55;
	v8 =	vmovc v48;
	v47 =	vsub.f32 v34, v35;
	v42 =	vadd.f32 v42, v59  }
0x38c: {  	v48 =	vmul.f32 $1.442695020e+00, v52;
	v52 =	vsub.f32 v18, v35;
	v39 =	vmul.f32 $1.442695020e+00, v39;
	v54 =	vpop (erf)  }
0x38d: {  	v55 =	vmul.f32 $1.442695020e+00, v57;
	v51 =	vmul.f32 $1.442695020e+00, v51;
	v42 =	vadd.f32 v42, v54  }
0x38e: {  	v36 =	vsub.f32 v19, v36;
	v53 =	vmul.f32 $1.442695020e+00, v53;
	v47 =	vmul.f32 $1.442695020e+00, v47  }
0x38f: {  	v46 =	vsub.f32 v16, v46;
	v52 =	vmul.f32 $1.442695020e+00, v52;
	(erf) = vrcp.f32 v42  }
0x390: {  	v36 =	vmul.f32 $1.442695020e+00, v36;
	v35 =	vsub.f32 v21, v35;
	(erf) = vpow2.f32 v37  }
0x391: {  	vm3 =	vgt.f32 v31, v23;
	v31 =	vmul.f32 $1.442695020e+00, v46;
	(erf) = vpow2.f32 v38  }
0x392: {  	vm6 =	vgt.f32 v34, v33;
	v33 =	vmul.f32 $1.442695020e+00, v35;
	(erf) = vpow2.f32 v40  }
0x393: {  	vm7 =	vle.f32 v7, v43;
	v23 =	vmul.f32 $6.666667010e-02, v44;
	(erf) = vpow2.f32 v41  }
0x394: {  	v34 =	vsel vm2, $0x2, v2;
	v35 =	vmul.f32 $6.666667010e-02, v49;
	(erf) = vpow2.f32 v45  }
0x395: {  	vm1 =	vgt.f32 v30, v32;
	vm5 =	vle.f32 v5, v23;
	(erf) = vpow2.f32 v48  }
0x396: {  	v30 =	vsel vm3, $0x2, v2;
	vm4 =	vle.f32 v8, v35;
	(erf) = vpow2.f32 v39  }
0x397: {  	v35 =	vmax.f32 v50, v56;
	v32 =	vmax.f32 v58, v54;
	(erf) = vpow2.f32 v55  }
0x398: {  	vm2 =	vgt.f32 v17, v28;
	v17 =	vmax.f32 v35, v32;
	(erf) = vpow2.f32 v51;
	v23 =	vpop (erf)  }
0x399: {  	v32 =	vsel vm6, $0x2, v2;
	v17 =	vmul.f32 v23, v17;
	v23 =	vpop (erf);
	(erf) = vpow2.f32 v53  }
0x39a: {  	vm3 =	vgt.f32 v18, v29;
	v35 =	vsel vm7, $0xFFFFFFFF, v2;
	v18 =	vpop (erf);
	(erf) = vpow2.f32 v47  }
0x39b: {  	v28 =	vadd.f32 v18, v23;
	v18 =	vmul.f32 $1.500000000e+01, v17;
	v29 =	vpop (erf);
	(erf) = vpow2.f32 v52  }
0x39c: {  	v23 =	vmax.f32 v23, v29;
	v37 =	vpop (erf);
	(erf) = vpow2.f32 v36;
	v36 =	vsel vm5, $0xFFFFFFFF, v2  }
0x39d: {  	v41 =	vadd.f32 v37, v29;
	v18 =	vtrunc.f32 v18;
	v38 =	vpop (erf);
	(erf) = vpow2.f32 v31  }
0x39e: {  	v31 =	vcvt.f32.s32 v18;
	v39 =	vpop (erf);
	(erf) = vpow2.f32 v33;
	v33 =	vsel vm4, $0xFFFFFFFF, v2  }
0x39f: {  	v18 =	vsel vm1, $0x3, v34;
	v34 =	vadd.f32 v41, v28;
	v39 =	vadd.f32 v39, v38;
	v40 =	vpop (erf)  }
0x3a0: {  	vm4 =	vgt.f32 v19, v20;
	v28 =	vmax.f32 v38, v40;
	v38 =	vcvt.s32.f32 v31;
	v29 =	vpop (erf)  }
0x3a1: {  	v19 =	vsel vm2, $0x3, v30;
	vm2 =	vgt.f32 v16, v26;
	v16 =	vadd.f32 v29, v40;
	v26 =	vpop (erf)  }
0x3a2: {  	v20 =	vsel vm3, $0x3, v32;
	vm3 =	vgt.f32 v21, v27;
	v21 =	vmul.f32 $6.666667010e-02, v38;
	v27 =	vpop (erf)  }
0x3a3: {  	v24 =	vadd.s32 v24, v35;
	v16 =	vadd.f32 v16, v39;
	v38 =	vadd.f32 v27, v26;
	v30 =	vpop (erf)  }
.Ltmp5:
0x3a4: {  	s9 =	sand.u32 $0xF80, s5;
	v25 =	vadd.s32 v25, v36;
	v26 =	vmax.f32 v26, v30;
	vm1 =	vle.f32 v17, v21;
	v27 =	vpop (erf);
	(pc) =	sbr.rel @p2 .LBB2_8-.Ltmp5, $4  }
0x3a5: {  	s9 =	sadd.s32 $0x10780, s9;
	v22 =	vadd.s32 v22, v33;
	v21 =	vadd.f32 v27, v30;
	v35 =	vsel vm1, $0xFFFFFFFF, v2;
	v30 =	vpop (erf)  }
0x3a6: {  	s10 =	sor.u32 s7, s9;
	s7 =	sor.u32 s8, s9;
	s6 =	sor.u32 s6, s9;
	v32 =	vadd.f32 v34, v30;
	v30 =	vmax.f32 v37, v30;
	v35 =	vadd.s32 v31, v35;
	v33 =	vpop (erf)  }
0x3a7: {  	vm5 =	vgt.f32 v17, $0.0e+00;
	v36 =	vadd.f32 v21, v38;
	v31 =	vld [tilespmem:s6+$0x0];
	v37 =	vshll.u32 v35, $0x4;
	v34 =	vpop (erf)  }
0x3a8: {  	s4 =	sadd.s32 $0x200, s4;
	s5 =	sadd.s32 $0x40, s5;
	vm1 =	vgt.f32 v15, v14;
	v35 =	vadd.f32 v16, v33;
	v21 =	vld [tilespmem:s10+$0x0];
	v15 =	vor.u32 v0, v37  }
0x3a9: {  	v14 =	vadd.f32 v36, v34;
	(erf) = vrcp.f32 v32  }
0x3aa: {  	(erf) = vrcp.f32 v35  }
0x3ab: {  	(erf) = vrcp.f32 v14;
	_ =	sdelay $0x3  }
0x3ac: {  	v14 =	vsel vm1, $0x2, v2  }
0x3ad: {  	vm1 =	vgt.f32 v11, v13  }
0x3ae: {  	v16 =	vmax.f32 v27, v34;
	v13 =	vsel vm1, $0x3, v14  }
0x3af: {  	vm1 =	vgt.f32 v10, v12;
	v10 =	vmax.f32 v29, v33;
	v12 =	vmax.f32 v23, v30;
	v14 =	vpop (erf)  }
0x3b0: {  	vm0 =	vmmov vm0;
	v10 =	vmax.f32 v28, v10;
	v12 =	vmul.f32 v14, v12;
	v14 =	vpop (erf)  }
0x3b1: {  	v16 =	vmax.f32 v26, v16;
	v13 =	vsel vm1, $0x4, v13;
	v10 =	vmul.f32 v14, v10;
	v14 =	vpop (erf)  }
0x3b2: {  	vm1 =	veq.s32 v13, v31;
	v13 =	vmul.f32 $1.500000000e+01, v12;
	v14 =	vmul.f32 v14, v16  }
0x3b3: {  	v24 =	vshll.u32 v24, $0x4;
	v25 =	vshll.u32 v25, $0x4;
	v23 =	vmul.f32 $1.500000000e+01, v10  }
0x3b4: {  	v22 =	vshll.u32 v22, $0x4;
	v26 =	vmul.f32 $1.500000000e+01, v14;
	v13 =	vtrunc.f32 v13  }
0x3b5: {  	v27 =	vor.u32 v0, v24;
	v23 =	vtrunc.f32 v23;
	v13 =	vcvt.f32.s32 v13  }
0x3b6: {  	v24 =	vadd.s32 v3, v24;
	v11 =	vadd.s32 v3, v37;
	v23 =	vcvt.f32.s32 v23  }
0x3b7: {  	[tilespmem:v15+s28+$0x0] =	vst.idx.add.f32.msk vm5, v17;
	v15 =	vor.u32 v0, v22;
	v26 =	vtrunc.f32 v26;
	v28 =	vcvt.s32.f32 v13  }
0x3b8: {  	v29 =	vor.u32 v0, v25;
	v26 =	vcvt.f32.s32 v26;
	v30 =	vcvt.s32.f32 v23  }
0x3b9: {  	v16 =	vsel vm1, $0x3F800000, v1;
	vm1 =	vgt.f32 v5, $0.0e+00;
	v28 =	vmul.f32 $6.666667010e-02, v28  }
0x3ba: {  	v25 =	vadd.s32 v3, v25;
	v17 =	vcvt.s32.f32 v26;
	v30 =	vmul.f32 $6.666667010e-02, v30  }
0x3bb: {  	[tilespmem:v11+s28+$0x0] =	vst.idx.add.f32.msk vm5, v16;
	v11 =	vadd.s32 v3, v22;
	vm5 =	vgt.f32 v8, $0.0e+00;
	vm6 =	vle.f32 v12, v28  }
0x3bc: {  	[tilespmem:v27+s28+$0x0] =	vst.idx.add.f32.msk vm0, v7;
	v17 =	vmul.f32 $6.666667010e-02, v17;
	v22 =	vsel vm6, $0xFFFFFFFF, v2;
	vm6 =	vle.f32 v10, v30  }
0x3bd: {  	s1 =	sadd.s32 $0x40, s1;
	[tilespmem:v24+s28+$0x0] =	vst.idx.add.f32.msk vm0, v6;
	v28 =	vsel vm6, $0xFFFFFFFF, v2;
	vm6 =	vgt.f32 v12, $0.0e+00;
	v7 =	vadd.s32 v13, v22  }
0x3be: {  	v16 =	vld [tilespmem:s1+$0x0];
	vm0 =	vle.f32 v14, v17;
	vm6 =	vmmov vm6;
	v6 =	vshll.u32 v7, $0x4  }
0x3bf: {  	[tilespmem:v29+s28+$0x0] =	vst.idx.add.f32.msk vm1, v5;
	v13 =	vsel vm0, $0xFFFFFFFF, v2;
	v17 =	vadd.s32 v23, v28;
	v22 =	vor.u32 v0, v6  }
0x3c0: {  	[tilespmem:v25+s28+$0x0] =	vst.idx.add.f32.msk vm1, v9;
	vm0 =	vgt.f32 v10, $0.0e+00;
	v5 =	vshll.u32 v17, $0x4;
	v6 =	vadd.s32 v3, v6  }
0x3c1: {  	[tilespmem:v15+s28+$0x0] =	vst.idx.add.f32.msk vm5, v8;
	vm1 =	vgt.f32 v14, $0.0e+00;
	v9 =	vadd.s32 v26, v13;
	v13 =	vor.u32 v0, v5  }
0x3c2: {  	v7 =	vld [tilespmem:s7+$0x0];
	v17 =	vsel vm4, $0x4, v18;
	v8 =	vshll.u32 v9, $0x4;
	v5 =	vadd.s32 v3, v5  }
0x3c3: {  	[tilespmem:v11+s28+$0x0] =	vst.idx.add.f32.msk vm5, v4;
	vm4 =	veq.s32 v17, v16;
	v4 =	vor.u32 v0, v8  }
0x3c4: {  	v9 =	vsel vm2, $0x4, v19;
	v11 =	vsel vm4, $0x3F800000, v1;
	v8 =	vadd.s32 v3, v8;
	[tilespmem:v22+s28+$0x0] =	vst.idx.add.f32.msk vm6, v12  }
0x3c5: {  	vm2 =	veq.s32 v9, v21;
	[tilespmem:v6+s28+$0x0] =	vst.idx.add.f32.msk vm6, v11  }
0x3c6: {  	v9 =	vsel vm2, $0x3F800000, v1;
	v6 =	vsel vm3, $0x4, v20;
	[tilespmem:v13+s28+$0x0] =	vst.idx.add.f32.msk vm0, v10  }
0x3c7: {  	vm2 =	veq.s32 v6, v7;
	[tilespmem:v5+s28+$0x0] =	vst.idx.add.f32.msk vm0, v9  }
0x3c8: {  	[tilespmem:v4+s28+$0x0] =	vst.idx.add.f32.msk vm1, v14;
	v5 =	vsel vm2, $0x3F800000, v1  }
0x3c9: {  	[tilespmem:v8+s28+$0x0] =	vst.idx.add.f32.msk vm1, v5  }
0x3ca: {  	_ =	swait.ge [sflag:s23], $0x7C00  }
0x3cb: {  	[sflag:s23] =	ssyncset.done $0x0  }
0x3cc: {  	[sflag:s23] =	ssyncadd.s32 $0xFFFF8400  }
0x3cd: {  	s8 =	simm.s32 $0x0;
	_ =	swait.ge [sflag:s24], $0xF80  }
0x3ce: {  	s3 =	sand.u32 $0x40, s8;
	[sflag:s24] =	ssyncset.done $0x0  }
0x3cf: {  	s4 =	sand.u32 $0x7C00, s8;
	s7 =	sor.u32 $0x30, s3;
	[sflag:s24] =	ssyncadd.s32 $0xFFFFF080  }
0x3d0: {  	[tilespmem:s25], [sflag:$0x2] =	stream.linear.gather [hbm4b:s13+s8], $0x7C00, $0x38;
	[tilespmem:$0x11D80] =	vst v63  }
0x3d1: {  	s11 =	sor.u32 s7, s4  }
0x3d2: {  	[tilespmem:s26], [sflag:$0x4] =	stream.linear.gather [hbm4b:s14+s8], $0xF80, $0x38;
	[tilespmem:$0x11D80] =	vst v63  }
0x3d3: {  	v8 =	vld [tilespmem:s11+$0x0]  }
0x3d4: {  	v9 =	vld [tilespmem:s11+$0x100]  }
0x3d5: {  	v5 =	vld [tilespmem:s11+$0x180]  }
0x3d6: {  	v4 =	vld [tilespmem:s11+$0x200]  }
0x3d7: {  	v10 =	vld [tilespmem:s11+$0x80];
	_ =	sdelay $0x1  }
0x3d8: {  	v7 =	vmax.f32 v8, v9  }
0x3d9: {  	v6 =	vmax.f32 v7, v5  }
0x3da: {  	v11 =	vmax.f32 v6, v4  }
0x3db: {  	v11 =	vmax.f32 v11, v10  }
0x3dc: {  	s12 =	sor.u32 $0x10, s3;
	v13 =	vsub.f32 v8, v11  }
0x3dd: {  	s5 =	sor.u32 s12, s4;
	v10 =	vsub.f32 v10, v11  }
0x3de: {  	s6 =	sor.u32 $0x20, s3;
	v12 =	vld [tilespmem:s5+$0x0];
	v16 =	vsub.f32 v9, v11;
	v13 =	vmul.f32 $1.442695020e+00, v13  }
0x3df: {  	s9 =	sor.u32 s6, s4;
	v14 =	vld [tilespmem:s5+$0x100];
	v18 =	vsub.f32 v5, v11;
	v10 =	vmul.f32 $1.442695020e+00, v10  }
0x3e0: {  	v15 =	vld [tilespmem:s9+$0x0];
	v16 =	vmul.f32 $1.442695020e+00, v16;
	(erf) = vpow2.f32 v13  }
0x3e1: {  	s3 =	sor.u32 s3, s4;
	v17 =	vld [tilespmem:s9+$0x100];
	v18 =	vmul.f32 $1.442695020e+00, v18;
	(erf) = vpow2.f32 v10  }
0x3e2: {  	v19 =	vld [tilespmem:s3+$0x0];
	(erf) = vpow2.f32 v16  }
0x3e3: {  	v20 =	vld [tilespmem:s5+$0x200];
	v11 =	vsub.f32 v4, v11;
	(erf) = vpow2.f32 v18  }
0x3e4: {  	v21 =	vld [tilespmem:s5+$0x80]  }
0x3e5: {  	v11 =	vmul.f32 $1.442695020e+00, v11;
	v10 =	vld [tilespmem:s5+$0x180]  }
0x3e6: {  	v13 =	vld [tilespmem:s3+$0x100]  }
0x3e7: {  	v16 =	vld [tilespmem:s9+$0x180];
	(erf) = vpow2.f32 v11  }
0x3e8: {  	v18 =	vld [tilespmem:s3+$0x180]  }
0x3e9: {  	v22 =	vld [tilespmem:s9+$0x200];
	v27 =	vmax.f32 v15, v17;
	v11 =	vmax.f32 v12, v14;
	v26 =	vpop (erf)  }
0x3ea: {  	v23 =	vld [tilespmem:s3+$0x200];
	vm0 =	vgt.f32 v14, v12;
	vm1 =	vgt.f32 v17, v15;
	v24 =	vmax.f32 v11, v10;
	v30 =	vpop (erf)  }
0x3eb: {  	v25 =	vld [tilespmem:s9+$0x80];
	vm4 =	vgt.f32 v9, v8;
	v31 =	vmax.f32 v19, v13;
	v29 =	vmax.f32 v24, v20;
	v51 =	vpop (erf)  }
0x3ec: {  	v28 =	vld [tilespmem:s3+$0x80];
	vm2 =	vgt.f32 v13, v19;
	v50 =	vmax.f32 v27, v16;
	v29 =	vmax.f32 v29, v21;
	v55 =	vpop (erf)  }
0x3ed: {  	v52 =	vmax.f32 v31, v18;
	v30 =	vadd.f32 v30, v26;
	v39 =	vadd.f32 v55, v51  }
0x3ee: {  	v53 =	vmax.f32 v50, v22;
	v54 =	vsub.f32 v12, v29;
	v21 =	vsub.f32 v21, v29  }
0x3ef: {  	v38 =	vmax.f32 v52, v23;
	v40 =	vsub.f32 v14, v29;
	v30 =	vadd.f32 v39, v30  }
0x3f0: {  	v35 =	vmax.f32 v53, v25;
	v41 =	vsub.f32 v10, v29;
	v14 =	vsub.f32 v20, v29;
	v42 =	vpop (erf)  }
0x3f1: {  	v38 =	vmax.f32 v38, v28;
	v36 =	vmul.f32 $1.442695020e+00, v54;
	v30 =	vadd.f32 v30, v42  }
0x3f2: {  	v56 =	vsub.f32 v15, v35;
	v21 =	vmul.f32 $1.442695020e+00, v21;
	v40 =	vmul.f32 $1.442695020e+00, v40  }
0x3f3: {  	v25 =	vsub.f32 v25, v35;
	v41 =	vmul.f32 $1.442695020e+00, v41;
	(erf) = vrcp.f32 v30  }
0x3f4: {  	v43 =	vsub.f32 v17, v35;
	v59 =	vmul.f32 $1.442695020e+00, v14;
	(erf) = vpow2.f32 v36  }
0x3f5: {  	v44 =	vsub.f32 v19, v38;
	v25 =	vmul.f32 $1.442695020e+00, v25;
	(erf) = vpow2.f32 v21  }
0x3f6: {  	v28 =	vsub.f32 v28, v38;
	v39 =	vmul.f32 $1.442695020e+00, v56;
	(erf) = vpow2.f32 v40  }
0x3f7: {  	v43 =	vmul.f32 $1.442695020e+00, v43;
	v30 =	vsub.f32 v16, v35;
	(erf) = vpow2.f32 v41  }
0x3f8: {  	v57 =	vmul.f32 $1.442695020e+00, v44;
	v21 =	vsub.f32 v13, v38;
	(erf) = vpow2.f32 v39  }
0x3f9: {  	v58 =	vsub.f32 v18, v38;
	v30 =	vmul.f32 $1.442695020e+00, v30;
	(erf) = vpow2.f32 v25  }
0x3fa: {  	v15 =	vmax.f32 v55, v42;
	v12 =	vmul.f32 $1.442695020e+00, v21;
	(erf) = vpow2.f32 v43  }
0x3fb: {  	v14 =	vmax.f32 v26, v51;
	v28 =	vmul.f32 $1.442695020e+00, v28;
	(erf) = vpow2.f32 v30  }
0x3fc: {  	v29 =	vsub.f32 v23, v38;
	v14 =	vmax.f32 v14, v15;
	(erf) = vpow2.f32 v57;
	v17 =	vpop (erf)  }
0x3fd: {  	v21 =	vmul.f32 $1.442695020e+00, v58;
	v25 =	vsub.f32 v22, v35;
	(erf) = vpow2.f32 v28;
	v15 =	vpop (erf)  }
0x3fe: {  	vm3 =	vgt.f32 v18, v31;
	v14 =	vmul.f32 v17, v14;
	(erf) = vpow2.f32 v12;
	v12 =	vpop (erf)  }
0x3ff: {  	v13 =	vmul.f32 $1.442695020e+00, v29;
	v25 =	vmul.f32 $1.442695020e+00, v25;
	v17 =	vsel vm0, $0x2, v2;
	v19 =	vpop (erf)  }
0x400: {  	vm0 =	vgt.f32 v10, v11;
	(erf) = vpow2.f32 v21;
	v10 =	vmul.f32 $1.500000000e+01, v14;
	v11 =	vpop (erf)  }
0x401: {  	v17 =	vsel vm0, $0x3, v17;
	vm0 =	vgt.f32 v22, v50;
	(erf) = vpow2.f32 v59;
	v26 =	vpop (erf)  }
0x402: {  	v21 =	vsel vm1, $0x2, v2;
	v10 =	vtrunc.f32 v10;
	v18 =	vpop (erf);
	(erf) = vpow2.f32 v25  }
0x403: {  	vm1 =	vgt.f32 v16, v27;
	v16 =	vsel vm2, $0x2, v2;
	v10 =	vcvt.f32.s32 v10  }
0x404: {  	v12 =	vadd.f32 v12, v15;
	v27 =	vadd.f32 v11, v19;
	v25 =	vpop (erf);
	(erf) = vpow2.f32 v13  }
0x405: {  	s4 =	simm.s32 $0x40;
	vm2 =	vgt.f32 v20, v24;
	v19 =	vmax.f32 v15, v19;
	v28 =	vpop (erf);
	v15 =	vcvt.s32.f32 v10  }
0x406: {  	s9 =	sand.u32 $0x40, s4;
	s3 =	simm.s32 $0x200;
	v12 =	vadd.f32 v27, v12;
	v13 =	vadd.f32 v18, v26;
	v24 =	vmax.f32 v26, v25;
	v18 =	vpop (erf)  }
0x407: {  	s5 =	sor.u32 $0x30, s9;
	s10 =	sand.u32 $0x7C00, s3;
	v26 =	vsel vm1, $0x3, v21;
	v21 =	vadd.f32 v28, v25;
	v20 =	vpop (erf);
	v15 =	vmul.f32 $6.666667010e-02, v15  }
0x408: {  	s8 =	sand.u32 $0xF80, s8;
	s11 =	sor.u32 s5, s10;
	v25 =	vsel vm3, $0x3, v16;
	vm3 =	vgt.f32 v23, v52;
	v22 =	vpop (erf);
	v20 =	vadd.f32 v20, v18  }
0x409: {  	s8 =	sadd.s32 $0xF800, s8;
	v16 =	vld [tilespmem:s11+$0x100];
	v13 =	vadd.f32 v21, v13;
	v23 =	vpop (erf);
	vm1 =	vle.f32 v14, v15;
	v18 =	vmax.f32 v18, v22  }
0x40a: {  	s7 =	sor.u32 s7, s8;
	v15 =	vld [tilespmem:s11+$0x0];
	v21 =	vadd.f32 v23, v22;
	v27 =	vpop (erf);
	v22 =	vsel vm1, $0xFFFFFFFF, v2;
	vm1 =	vgt.f32 v14, $0.0e+00  }
0x40b: {  	v31 =	vld [tilespmem:s7+$0x0];
	v12 =	vadd.f32 v12, v27;
	v27 =	vmax.f32 v11, v27;
	v10 =	vadd.s32 v10, v22;
	v29 =	vpop (erf)  }
0x40c: {  	v11 =	vld [tilespmem:s11+$0x180];
	v22 =	vadd.f32 v21, v20;
	v20 =	vshll.u32 v10, $0x4;
	v9 =	vadd.f32 v13, v29  }
0x40d: {  	v10 =	vld [tilespmem:s11+$0x200];
	v8 =	vpop (erf);
	v21 =	vor.u32 v0, v20;
	v13 =	vsel vm4, $0x2, v2;
	vm4 =	vgt.f32 v5, v7  }
0x40e: {  	s1 =	sor.u32 s12, s8;
	v30 =	vld [tilespmem:s11+$0x80];
	v20 =	vadd.s32 v3, v20;
	(erf) = vrcp.f32 v12;
	v5 =	vadd.f32 v22, v8  }
0x40f: {  	s6 =	sor.u32 s6, s8;
	s7 =	sor.u32 $0x20, s9;
	v7 =	vsel vm4, $0x3, v13;
	vm4 =	vgt.f32 v4, v6;
	v13 =	vmax.f32 v15, v16;
	v6 =	vld [tilespmem:s1+$0x0]  }
0x410: {  	s12 =	sor.u32 s7, s10;
	v4 =	vmax.f32 v28, v29;
	v28 =	vld [tilespmem:s6+$0x0];
	s6 =	sor.u32 $0x10, s9;
	v8 =	vmax.f32 v23, v8;
	v7 =	vsel vm4, $0x4, v7  }
0x411: {  	(erf) = vrcp.f32 v9;
	s11 =	sor.u32 s6, s10;
	v4 =	vmax.f32 v24, v4;
	v24 =	vld [tilespmem:s12+$0x0];
	v12 =	vmax.f32 v13, v11  }
0x412: {  	v8 =	vmax.f32 v18, v8;
	(erf) = vrcp.f32 v5;
	v18 =	vld [tilespmem:s11+$0x0];
	v9 =	vmax.f32 v12, v10  }
0x413: {  	s1 =	simm.s32 $0xF800;
	vm4 =	veq.s32 v7, v31;
	v7 =	vmax.f32 v19, v27;
	v27 =	vld [tilespmem:s11+$0x100];
	v5 =	vmax.f32 v9, v30  }
0x414: {  	v17 =	vsel vm2, $0x4, v17;
	s9 =	sor.u32 s9, s10;
	v9 =	vld [tilespmem:s1+$0x0];
	v19 =	vsub.f32 v15, v5  }
0x415: {  	v25 =	vsel vm3, $0x4, v25;
	v36 =	vld [tilespmem:s9+$0x200];
	v23 =	vsub.f32 v30, v5;
	v29 =	vsub.f32 v16, v5  }
0x416: {  	v22 =	vsel vm4, $0x3F800000, v1;
	[tilespmem:v21+s28+$0x0] =	vst.idx.add.f32.msk vm1, v14;
	v30 =	vsub.f32 v11, v5;
	v19 =	vmul.f32 $1.442695020e+00, v19  }
0x417: {  	[tilespmem:v20+s28+$0x0] =	vst.idx.add.f32.msk vm1, v22;
	vm1 =	vgt.f32 v16, v15;
	v23 =	vmul.f32 $1.442695020e+00, v23;
	v29 =	vmul.f32 $1.442695020e+00, v29  }
0x418: {  	v31 =	vld [tilespmem:s12+$0x100];
	v30 =	vmul.f32 $1.442695020e+00, v30;
	v33 =	vmax.f32 v18, v27;
	(erf) = vpow2.f32 v19  }
0x419: {  	v19 =	vsel vm0, $0x4, v26;
	v26 =	vld [tilespmem:s9+$0x0];
	vm0 =	veq.s32 v17, v6;
	vm2 =	veq.s32 v25, v9  }
0x41a: {  	v9 =	vpop (erf);
	v17 =	vld [tilespmem:s9+$0x100];
	v25 =	vsub.f32 v10, v5;
	(erf) = vpow2.f32 v23;
	vm3 =	veq.s32 v19, v28  }
0x41b: {  	v23 =	vld [tilespmem:s11+$0x180];
	v6 =	vsel vm0, $0x3F800000, v1;
	v7 =	vmul.f32 v9, v7;
	(erf) = vpow2.f32 v29  }
0x41c: {  	v28 =	vld [tilespmem:s9+$0x180];
	v9 =	vsel vm3, $0x3F800000, v1;
	v25 =	vmul.f32 $1.442695020e+00, v25;
	v19 =	vpop (erf);
	(erf) = vpow2.f32 v30  }
0x41d: {  	v32 =	vld [tilespmem:s11+$0x200];
	vm3 =	vgt.f32 v31, v24;
	v29 =	vmul.f32 $1.500000000e+01, v7;
	v5 =	vmul.f32 v19, v4;
	v4 =	vpop (erf)  }
0x41e: {  	v61 =	vld [tilespmem:s11+$0x80];
	(erf) = vpow2.f32 v25;
	v8 =	vmul.f32 v4, v8;
	v4 =	vsel vm2, $0x3F800000, v1  }
0x41f: {  	v47 =	vld [tilespmem:s9+$0x80];
	v25 =	vtrunc.f32 v29;
	v29 =	vmax.f32 v24, v31;
	vm2 =	vgt.f32 v27, v18  }
0x420: {  	v19 =	vld [tilespmem:s12+$0x180];
	v37 =	vmax.f32 v26, v17;
	vm4 =	vgt.f32 v17, v26;
	v30 =	vmul.f32 $1.500000000e+01, v5  }
0x421: {  	v38 =	vmax.f32 v33, v23;
	v42 =	vmax.f32 v37, v28;
	v25 =	vcvt.f32.s32 v25  }
0x422: {  	v60 =	vmul.f32 $1.500000000e+01, v8;
	v45 =	vmax.f32 v38, v32;
	v51 =	vmax.f32 v42, v36  }
0x423: {  	v30 =	vtrunc.f32 v30;
	v49 =	vcvt.s32.f32 v25;
	v45 =	vmax.f32 v45, v61;
	v40 =	vpop (erf)  }
0x424: {  	v51 =	vmax.f32 v51, v47;
	v18 =	vsub.f32 v18, v45;
	v39 =	vsub.f32 v61, v45;
	v62 =	vpop (erf)  }
0x425: {  	v35 =	vld [tilespmem:s12+$0x200];
	v41 =	vmax.f32 v29, v19;
	v27 =	vsub.f32 v27, v45;
	v55 =	vsub.f32 v23, v45;
	v46 =	vpop (erf)  }
0x426: {  	v34 =	vtrunc.f32 v60;
	v47 =	vsub.f32 v47, v51;
	v45 =	vsub.f32 v32, v45;
	v50 =	vpop (erf)  }
0x427: {  	v63 =	vld [tilespmem:s12+$0x80];
	v30 =	vcvt.f32.s32 v30;
	v43 =	vadd.f32 v62, v40;
	v52 =	vadd.f32 v50, v46  }
0x428: {  	vm7 =	vgt.f32 v19, v29;
	v34 =	vcvt.f32.s32 v34;
	v49 =	vmul.f32 $6.666667010e-02, v49  }
0x429: {  	v53 =	vcvt.s32.f32 v30;
	v18 =	vmul.f32 $1.442695020e+00, v18;
	v43 =	vadd.f32 v52, v43  }
0x42a: {  	v48 =	vmax.f32 v41, v35;
	v39 =	vmul.f32 $1.442695020e+00, v39;
	v27 =	vmul.f32 $1.442695020e+00, v27;
	v60 =	vpop (erf)  }
0x42b: {  	v55 =	vmul.f32 $1.442695020e+00, v55;
	v47 =	vmul.f32 $1.442695020e+00, v47;
	v43 =	vadd.f32 v43, v60  }
0x42c: {  	v48 =	vmax.f32 v48, v63;
	v45 =	vmul.f32 $1.442695020e+00, v45;
	v54 =	vcvt.s32.f32 v34  }
0x42d: {  	v56 =	vsub.f32 v24, v48;
	v44 =	vsub.f32 v63, v48;
	(erf) = vrcp.f32 v43  }
0x42e: {  	v24 =	vsub.f32 v17, v51;
	v17 =	vmul.f32 $6.666667010e-02, v53;
	(erf) = vpow2.f32 v18  }
0x42f: {  	v57 =	vsub.f32 v31, v48;
	v56 =	vmul.f32 $1.442695020e+00, v56;
	(erf) = vpow2.f32 v39  }
0x430: {  	v44 =	vmul.f32 $1.442695020e+00, v44;
	v18 =	vsub.f32 v26, v51;
	(erf) = vpow2.f32 v27  }
0x431: {  	v61 =	vsub.f32 v19, v48;
	v31 =	vmul.f32 $1.442695020e+00, v57;
	(erf) = vpow2.f32 v55  }
0x432: {  	v62 =	vsub.f32 v28, v51;
	v18 =	vmul.f32 $1.442695020e+00, v18;
	(erf) = vpow2.f32 v56  }
0x433: {  	vm6 =	vle.f32 v5, v17;
	v43 =	vmul.f32 $1.442695020e+00, v61;
	(erf) = vpow2.f32 v44  }
0x434: {  	v17 =	vmax.f32 v40, v46;
	v27 =	vsel vm2, $0x2, v2;
	(erf) = vpow2.f32 v31  }
0x435: {  	vm2 =	vgt.f32 v23, v33;
	v23 =	vmax.f32 v50, v60;
	(erf) = vpow2.f32 v43  }
0x436: {  	v48 =	vsub.f32 v35, v48;
	v17 =	vmax.f32 v17, v23;
	(erf) = vpow2.f32 v18;
	v18 =	vpop (erf)  }
0x437: {  	vm5 =	vle.f32 v7, v49;
	v24 =	vmul.f32 $1.442695020e+00, v24;
	v17 =	vmul.f32 v18, v17  }
0x438: {  	v51 =	vsub.f32 v36, v51;
	v39 =	vmul.f32 $1.442695020e+00, v62;
	(erf) = vpow2.f32 v47  }
0x439: {  	v53 =	vsel vm3, $0x2, v2;
	v18 =	vpop (erf);
	(erf) = vpow2.f32 v24;
	v24 =	vmul.f32 $1.500000000e+01, v17  }
0x43a: {  	v29 =	vsel vm5, $0xFFFFFFFF, v2;
	v63 =	vmul.f32 $6.666667010e-02, v54;
	v26 =	vmul.f32 $1.442695020e+00, v51;
	v19 =	vpop (erf)  }
0x43b: {  	vm5 =	vgt.f32 v28, v37;
	v48 =	vmul.f32 $1.442695020e+00, v48;
	(erf) = vpow2.f32 v39;
	v28 =	vpop (erf)  }
0x43c: {  	vm3 =	vle.f32 v8, v63;
	v19 =	vadd.f32 v19, v18;
	v54 =	vpop (erf);
	(erf) = vpow2.f32 v45  }
0x43d: {  	v23 =	vmax.f32 v18, v28;
	v18 =	vtrunc.f32 v24;
	(erf) = vpow2.f32 v48;
	v24 =	vpop (erf)  }
0x43e: {  	v28 =	vadd.f32 v54, v28;
	v56 =	vcvt.f32.s32 v18;
	(erf) = vpow2.f32 v26;
	v26 =	vpop (erf)  }
0x43f: {  	vm0 =	vgt.f32 v7, $0.0e+00;
	v57 =	vsel vm3, $0xFFFFFFFF, v2;
	v18 =	vsel vm2, $0x3, v27;
	v59 =	vpop (erf)  }
0x440: {  	v26 =	vadd.f32 v26, v24;
	v27 =	vmax.f32 v24, v59;
	v24 =	vcvt.s32.f32 v56  }
0x441: {  	v25 =	vadd.s32 v25, v29;
	vm3 =	vgt.f32 v36, v42;
	v22 =	vadd.s32 v34, v57  }
0x442: {  	v55 =	vsel vm6, $0xFFFFFFFF, v2;
	v31 =	vsel vm4, $0x2, v2;
	v58 =	vadd.f32 v28, v19;
	v28 =	vpop (erf)  }
0x443: {  	vm4 =	vgt.f32 v32, v38;
	v60 =	vadd.f32 v28, v59;
	v61 =	vpop (erf);
	v14 =	vmul.f32 $6.666667010e-02, v24  }
0x444: {  	v21 =	vsel vm5, $0x3, v31;
	vm2 =	vgt.f32 v35, v41;
	v19 =	vsel vm7, $0x3, v53;
	v24 =	vpop (erf)  }
0x445: {  	s4 =	sand.u32 $0xF80, s4;
	v62 =	vadd.f32 v60, v26;
	vm5 =	vle.f32 v17, v14;
	v31 =	vadd.f32 v24, v61;
	v63 =	vpop (erf)  }
0x446: {  	s11 =	sadd.s32 $0xF800, s4;
	v24 =	vadd.s32 v30, v55;
	v20 =	vsel vm5, $0xFFFFFFFF, v2;
	vm5 =	vgt.f32 v17, $0.0e+00;
	v29 =	vpop (erf)  }
0x447: {  	s12 =	sor.u32 s6, s11;
	v26 =	vmax.f32 v61, v63;
	v20 =	vadd.s32 v56, v20;
	v14 =	vadd.f32 v29, v63;
	v30 =	vpop (erf)  }
0x448: {  	s4 =	sor.u32 s5, s11;
	v37 =	vshll.u32 v20, $0x4;
	v20 =	vld [tilespmem:s12+$0x0];
	v32 =	vadd.f32 v58, v30;
	v30 =	vmax.f32 v54, v30;
	v33 =	vpop (erf)  }
0x449: {  	s7 =	sor.u32 s7, s11;
	s5 =	simm.s32 $0x80;
	v15 =	vor.u32 v0, v37;
	v36 =	vadd.f32 v14, v31;
	v31 =	vld [tilespmem:s4+$0x0];
	s4 =	simm.s32 $0x4;
	v34 =	vpop (erf);
	v35 =	vadd.f32 v62, v33  }
.LBB2_10:
0x44a: {  	v14 =	vsel vm1, $0x2, v2  }
0x44b: {  	s9 =	sand.u32 $0x40, s5;
	v16 =	vld [tilespmem:s7+$0x0];
	vm6 =	vgt.f32 v11, v13;
	v11 =	vadd.s32 v3, v37;
	s3 =	sadd.s32 $0x200, s3;
	s1 =	sadd.s32 $0x40, s1;
	vm1 =	vmmov vm0  }
0x44c: {  	v13 =	vadd.f32 v36, v34;
	vm0 =	vgt.f32 v10, v12;
	s11 =	sand.u32 $0x7C00, s3;
	s7 =	sor.u32 $0x10, s9;
	s6 =	sor.u32 $0x30, s9;
	v14 =	vsel vm6, $0x3, v14  }
0x44d: {  	v10 =	vmax.f32 v28, v33;
	s8 =	sor.u32 $0x20, s9;
	s10 =	sor.u32 s7, s11;
	s12 =	sor.u32 s6, s11;
	v12 =	vld [tilespmem:s1+$0x0];
	v28 =	vsel vm0, $0x4, v14;
	(erf) = vrcp.f32 v32  }
0x44e: {  	v29 =	vmax.f32 v29, v34;
	s9 =	sor.u32 s9, s11;
	s11 =	sor.u32 s8, s11;
	v14 =	vld [tilespmem:s12+$0x0];
	vm0 =	veq.s32 v28, v31;
	(erf) = vrcp.f32 v35  }
0x44f: {  	v28 =	vmax.f32 v23, v30;
	v23 =	vsel vm0, $0x3F800000, v1;
	[tilespmem:v15+s28+$0x0] =	vst.idx.add.f32.msk vm5, v17;
	(erf) = vrcp.f32 v13  }
0x450: {  	v17 =	vmax.f32 v26, v29;
	v13 =	vsel vm4, $0x4, v18;
	v18 =	vmax.f32 v27, v10;
	[tilespmem:v11+s28+$0x0] =	vst.idx.add.f32.msk vm5, v23  }
0x451: {  	v21 =	vsel vm3, $0x4, v21;
	v19 =	vsel vm2, $0x4, v19;
	v23 =	vshll.u32 v25, $0x4;
	v15 =	vld [tilespmem:s12+$0x100]  }
0x452: {  	s4 =	sadd.s32 $0x4, s4;
	vm0 =	veq.s32 v13, v20;
	v13 =	vshll.u32 v22, $0x4;
	v20 =	vshll.u32 v24, $0x4;
	v11 =	vld [tilespmem:s12+$0x180]  }
0x453: {  	p2 =	slt.u32 s4, $0xF4;
	vm5 =	veq.s32 v19, v16;
	v35 =	vor.u32 v0, v23;
	vm2 =	veq.s32 v21, v12;
	v10 =	vld [tilespmem:s12+$0x200]  }
0x454: {  	v36 =	vadd.s32 v3, v23;
	v37 =	vor.u32 v0, v20;
	v38 =	vadd.s32 v3, v20;
	v16 =	vld [tilespmem:s12+$0x80]  }
0x455: {  	vm4 =	vgt.f32 v5, $0.0e+00;
	v40 =	vor.u32 v0, v13;
	v41 =	vadd.s32 v3, v13;
	v39 =	vld [tilespmem:s10+$0x0]  }
0x456: {  	vm3 =	vgt.f32 v8, $0.0e+00;
	v43 =	vsel vm0, $0x3F800000, v1;
	v42 =	vld [tilespmem:s10+$0x100];
	v13 =	vmax.f32 v14, v15;
	v19 =	vpop (erf)  }
0x457: {  	v45 =	vsel vm5, $0x3F800000, v1;
	v23 =	vld [tilespmem:s11+$0x0];
	v12 =	vmax.f32 v13, v11;
	v44 =	vmul.f32 v19, v28;
	v19 =	vpop (erf)  }
0x458: {  	v46 =	vsel vm2, $0x3F800000, v1;
	v31 =	vld [tilespmem:s11+$0x100];
	v20 =	vmax.f32 v12, v10;
	v47 =	vmul.f32 v19, v18;
	v18 =	vpop (erf)  }
0x459: {  	v33 =	vld [tilespmem:s9+$0x0];
	v22 =	vmax.f32 v20, v16;
	v48 =	vmul.f32 v18, v17;
	v18 =	vmul.f32 $1.500000000e+01, v44  }
0x45a: {  	vm0 =	vgt.f32 v44, $0.0e+00;
	v34 =	vld [tilespmem:s9+$0x100];
	v19 =	vsub.f32 v14, v22;
	v21 =	vmul.f32 $1.500000000e+01, v47  }
0x45b: {  	v16 =	vsub.f32 v16, v22;
	v30 =	vld [tilespmem:s10+$0x180];
	v32 =	vmax.f32 v39, v42;
	v24 =	vmul.f32 $1.500000000e+01, v48  }
0x45c: {  	v25 =	vsub.f32 v15, v22;
	v49 =	vtrunc.f32 v18;
	v17 =	vld [tilespmem:s11+$0x180];
	v20 =	vmul.f32 $1.442695020e+00, v19  }
0x45d: {  	v26 =	vsub.f32 v11, v22;
	v16 =	vmul.f32 $1.442695020e+00, v16;
	v18 =	vld [tilespmem:s9+$0x180];
	v29 =	vmax.f32 v23, v31  }
0x45e: {  	vm2 =	vgt.f32 v42, v39;
	v25 =	vmul.f32 $1.442695020e+00, v25;
	v19 =	vld [tilespmem:s10+$0x200];
	(erf) = vpow2.f32 v20  }
0x45f: {  	v26 =	vmul.f32 $1.442695020e+00, v26;
	v28 =	vmax.f32 v33, v34;
	v20 =	vld [tilespmem:s11+$0x200];
	(erf) = vpow2.f32 v16  }
0x460: {  	v50 =	vtrunc.f32 v21;
	v16 =	vld [tilespmem:s9+$0x200];
	v27 =	vmax.f32 v32, v30;
	(erf) = vpow2.f32 v25  }
0x461: {  	v22 =	vsub.f32 v10, v22;
	v51 =	vld [tilespmem:s10+$0x80];
	v21 =	vmax.f32 v29, v17;
	(erf) = vpow2.f32 v26  }
0x462: {  	v53 =	vtrunc.f32 v24;
	v25 =	vcvt.f32.s32 v49;
	v26 =	vmax.f32 v28, v18;
	v52 =	vld [tilespmem:s11+$0x80]  }
0x463: {  	v55 =	vmul.f32 $1.442695020e+00, v22;
	v24 =	vcvt.f32.s32 v50;
	v49 =	vld [tilespmem:s9+$0x80];
	v54 =	vmax.f32 v27, v19  }
0x464: {  	v22 =	vcvt.f32.s32 v53;
	v53 =	vcvt.s32.f32 v25;
	v50 =	vmax.f32 v21, v20;
	[tilespmem:v35+s28+$0x0] =	vst.idx.add.f32.msk vm1, v7;
	v7 =	vmovc v44  }
0x465: {  	v44 =	vcvt.s32.f32 v24;
	v35 =	vmax.f32 v26, v16;
	(erf) = vpow2.f32 v55;
	[tilespmem:v36+s28+$0x0] =	vst.idx.add.f32.msk vm1, v6;
	v6 =	vmovc v43  }
0x466: {  	v53 =	vmul.f32 $6.666667010e-02, v53;
	v43 =	vcvt.s32.f32 v22;
	v36 =	vmax.f32 v54, v51;
	[tilespmem:v37+s28+$0x0] =	vst.idx.add.f32.msk vm4, v5;
	v5 =	vmovc v47  }
0x467: {  	v37 =	vsub.f32 v39, v36;
	v39 =	vsub.f32 v51, v36;
	v47 =	vmax.f32 v50, v52;
	v50 =	vpop (erf)  }
0x468: {  	v42 =	vsub.f32 v42, v36;
	v51 =	vsub.f32 v30, v36;
	v35 =	vmax.f32 v35, v49;
	v54 =	vpop (erf)  }
0x469: {  	v55 =	vsub.f32 v23, v47;
	v52 =	vsub.f32 v52, v47;
	v37 =	vmul.f32 $1.442695020e+00, v37;
	v56 =	vpop (erf);
	[tilespmem:v38+s28+$0x0] =	vst.idx.add.f32.msk vm4, v9  }
0x46a: {  	v57 =	vsub.f32 v17, v47;
	v38 =	vmul.f32 $1.442695020e+00, v39;
	v39 =	vsub.f32 v31, v47;
	v58 =	vpop (erf);
	[tilespmem:v40+s28+$0x0] =	vst.idx.add.f32.msk vm3, v8  }
0x46b: {  	v59 =	vadd.f32 v54, v50;
	v40 =	vmul.f32 $1.442695020e+00, v42;
	v42 =	vadd.f32 v58, v56;
	[tilespmem:v41+s28+$0x0] =	vst.idx.add.f32.msk vm3, v4  }
0x46c: {  	v49 =	vsub.f32 v49, v35;
	v51 =	vmul.f32 $1.442695020e+00, v51;
	v9 =	vmovc v45;
	v41 =	vsub.f32 v33, v35;
	v4 =	vmovc v46  }
0x46d: {  	v45 =	vsub.f32 v34, v35;
	v8 =	vmovc v48;
	v46 =	vmul.f32 $1.442695020e+00, v55;
	v42 =	vadd.f32 v42, v59  }
0x46e: {  	v48 =	vsub.f32 v18, v35;
	v52 =	vmul.f32 $1.442695020e+00, v52;
	v39 =	vmul.f32 $1.442695020e+00, v39;
	v54 =	vpop (erf)  }
0x46f: {  	v55 =	vmul.f32 $1.442695020e+00, v57;
	v41 =	vmul.f32 $1.442695020e+00, v41;
	v42 =	vadd.f32 v42, v54  }
0x470: {  	v36 =	vsub.f32 v19, v36;
	v49 =	vmul.f32 $1.442695020e+00, v49;
	v45 =	vmul.f32 $1.442695020e+00, v45  }
0x471: {  	v47 =	vsub.f32 v20, v47;
	v48 =	vmul.f32 $1.442695020e+00, v48;
	(erf) = vrcp.f32 v42  }
0x472: {  	v36 =	vmul.f32 $1.442695020e+00, v36;
	v35 =	vsub.f32 v16, v35;
	(erf) = vpow2.f32 v37  }
0x473: {  	vm3 =	vgt.f32 v31, v23;
	v31 =	vmul.f32 $1.442695020e+00, v47;
	(erf) = vpow2.f32 v38  }
0x474: {  	vm6 =	vgt.f32 v34, v33;
	v33 =	vmul.f32 $1.442695020e+00, v35;
	(erf) = vpow2.f32 v40  }
0x475: {  	vm7 =	vle.f32 v7, v53;
	v23 =	vmul.f32 $6.666667010e-02, v44;
	(erf) = vpow2.f32 v51  }
0x476: {  	v34 =	vsel vm2, $0x2, v2;
	v35 =	vmul.f32 $6.666667010e-02, v43;
	(erf) = vpow2.f32 v46  }
0x477: {  	vm1 =	vgt.f32 v30, v32;
	vm5 =	vle.f32 v5, v23;
	(erf) = vpow2.f32 v52  }
0x478: {  	v30 =	vsel vm3, $0x2, v2;
	vm4 =	vle.f32 v8, v35;
	(erf) = vpow2.f32 v39  }
0x479: {  	v35 =	vmax.f32 v50, v56;
	v32 =	vmax.f32 v58, v54;
	(erf) = vpow2.f32 v55  }
0x47a: {  	vm2 =	vgt.f32 v17, v29;
	v17 =	vmax.f32 v35, v32;
	(erf) = vpow2.f32 v41;
	v23 =	vpop (erf)  }
0x47b: {  	v29 =	vsel vm6, $0x2, v2;
	v17 =	vmul.f32 v23, v17;
	(erf) = vpow2.f32 v49;
	v23 =	vpop (erf)  }
0x47c: {  	vm3 =	vgt.f32 v18, v28;
	v32 =	vsel vm7, $0xFFFFFFFF, v2;
	(erf) = vpow2.f32 v45;
	v18 =	vpop (erf)  }
0x47d: {  	v28 =	vadd.f32 v18, v23;
	v18 =	vmul.f32 $1.500000000e+01, v17;
	(erf) = vpow2.f32 v48;
	v35 =	vpop (erf)  }
0x47e: {  	v23 =	vmax.f32 v23, v35;
	v37 =	vpop (erf);
	(erf) = vpow2.f32 v36;
	v36 =	vsel vm5, $0xFFFFFFFF, v2  }
0x47f: {  	v40 =	vadd.f32 v37, v35;
	v18 =	vtrunc.f32 v18;
	v38 =	vpop (erf);
	(erf) = vpow2.f32 v31  }
0x480: {  	v39 =	vsel vm4, $0xFFFFFFFF, v2;
	v31 =	vcvt.f32.s32 v18;
	(erf) = vpow2.f32 v33;
	v33 =	vpop (erf)  }
0x481: {  	v18 =	vsel vm1, $0x3, v34;
	v34 =	vadd.f32 v40, v28;
	v33 =	vadd.f32 v33, v38;
	v35 =	vpop (erf)  }
0x482: {  	vm4 =	vgt.f32 v19, v27;
	v27 =	vmax.f32 v38, v35;
	v38 =	vcvt.s32.f32 v31;
	v28 =	vpop (erf)  }
0x483: {  	v19 =	vsel vm2, $0x3, v30;
	vm2 =	vgt.f32 v20, v21;
	v40 =	vadd.f32 v28, v35;
	v30 =	vpop (erf)  }
0x484: {  	v21 =	vsel vm3, $0x3, v29;
	vm3 =	vgt.f32 v16, v26;
	v16 =	vmul.f32 $6.666667010e-02, v38;
	v26 =	vpop (erf)  }
0x485: {  	v25 =	vadd.s32 v25, v32;
	v35 =	vadd.f32 v26, v30;
	v38 =	vadd.f32 v40, v33;
	v20 =	vpop (erf)  }
.Ltmp6:
0x486: {  	s9 =	sand.u32 $0xF80, s5;
	v24 =	vadd.s32 v24, v36;
	v26 =	vmax.f32 v30, v20;
	vm1 =	vle.f32 v17, v16;
	v29 =	vpop (erf);
	(pc) =	sbr.rel @p2 .LBB2_10-.Ltmp6, $4  }
0x487: {  	s9 =	sadd.s32 $0xF800, s9;
	v22 =	vadd.s32 v22, v39;
	v16 =	vadd.f32 v29, v20;
	v20 =	vsel vm1, $0xFFFFFFFF, v2;
	v30 =	vpop (erf)  }
0x488: {  	s10 =	sor.u32 s7, s9;
	s7 =	sor.u32 s8, s9;
	s6 =	sor.u32 s6, s9;
	v32 =	vadd.f32 v34, v30;
	v30 =	vmax.f32 v37, v30;
	v20 =	vadd.s32 v31, v20;
	v33 =	vpop (erf)  }
0x489: {  	vm5 =	vgt.f32 v17, $0.0e+00;
	v36 =	vadd.f32 v16, v35;
	v31 =	vld [tilespmem:s6+$0x0];
	v37 =	vshll.u32 v20, $0x4;
	v34 =	vpop (erf)  }
0x48a: {  	s5 =	sadd.s32 $0x40, s5;
	vm1 =	vgt.f32 v15, v14;
	v35 =	vadd.f32 v38, v33;
	v20 =	vld [tilespmem:s10+$0x0];
	v15 =	vor.u32 v0, v37  }
0x48b: {  	v14 =	vadd.f32 v36, v34;
	(erf) = vrcp.f32 v32  }
0x48c: {  	(erf) = vrcp.f32 v35  }
0x48d: {  	(erf) = vrcp.f32 v14;
	_ =	sdelay $0x3  }
0x48e: {  	v14 =	vsel vm1, $0x2, v2  }
0x48f: {  	vm1 =	vgt.f32 v11, v13  }
0x490: {  	v16 =	vmax.f32 v29, v34;
	v13 =	vsel vm1, $0x3, v14  }
0x491: {  	vm1 =	vgt.f32 v10, v12;
	v10 =	vmax.f32 v28, v33;
	v12 =	vmax.f32 v23, v30;
	v14 =	vpop (erf)  }
0x492: {  	vm0 =	vmmov vm0;
	v10 =	vmax.f32 v27, v10;
	v12 =	vmul.f32 v14, v12;
	v14 =	vpop (erf)  }
0x493: {  	v16 =	vmax.f32 v26, v16;
	v13 =	vsel vm1, $0x4, v13;
	v10 =	vmul.f32 v14, v10;
	v14 =	vpop (erf)  }
0x494: {  	vm1 =	veq.s32 v13, v31;
	v13 =	vmul.f32 v14, v16;
	v14 =	vmul.f32 $1.500000000e+01, v12  }
0x495: {  	v25 =	vshll.u32 v25, $0x4;
	v22 =	vshll.u32 v22, $0x4;
	v23 =	vmul.f32 $1.500000000e+01, v10  }
0x496: {  	v24 =	vshll.u32 v24, $0x4;
	v26 =	vmul.f32 $1.500000000e+01, v13;
	v14 =	vtrunc.f32 v14  }
0x497: {  	v29 =	vor.u32 v0, v24;
	v23 =	vtrunc.f32 v23;
	v14 =	vcvt.f32.s32 v14  }
0x498: {  	v24 =	vadd.s32 v3, v24;
	v11 =	vadd.s32 v3, v37;
	v23 =	vcvt.f32.s32 v23  }
0x499: {  	v27 =	vor.u32 v0, v25;
	v26 =	vtrunc.f32 v26;
	v28 =	vcvt.s32.f32 v14  }
0x49a: {  	v25 =	vadd.s32 v3, v25;
	v26 =	vcvt.f32.s32 v26;
	v30 =	vcvt.s32.f32 v23  }
0x49b: {  	v16 =	vsel vm1, $0x3F800000, v1;
	vm1 =	vgt.f32 v5, $0.0e+00;
	v28 =	vmul.f32 $6.666667010e-02, v28  }
0x49c: {  	[tilespmem:v15+s28+$0x0] =	vst.idx.add.f32.msk vm5, v17;
	v31 =	vor.u32 v0, v22;
	v15 =	vcvt.s32.f32 v26;
	v17 =	vmul.f32 $6.666667010e-02, v30  }
0x49d: {  	[tilespmem:v11+s28+$0x0] =	vst.idx.add.f32.msk vm5, v16;
	v11 =	vadd.s32 v3, v22;
	vm5 =	vgt.f32 v8, $0.0e+00;
	vm6 =	vle.f32 v12, v28  }
0x49e: {  	[tilespmem:v27+s28+$0x0] =	vst.idx.add.f32.msk vm0, v7;
	v15 =	vmul.f32 $6.666667010e-02, v15;
	v22 =	vsel vm6, $0xFFFFFFFF, v2;
	vm6 =	vle.f32 v10, v17  }
0x49f: {  	[tilespmem:v25+s28+$0x0] =	vst.idx.add.f32.msk vm0, v6;
	v17 =	vsel vm6, $0xFFFFFFFF, v2;
	vm6 =	vgt.f32 v12, $0.0e+00;
	v7 =	vadd.s32 v14, v22  }
0x4a0: {  	v16 =	vld [tilespmem:s7+$0x0];
	vm0 =	vle.f32 v13, v15;
	vm6 =	vmmov vm6;
	v6 =	vshll.u32 v7, $0x4  }
0x4a1: {  	[tilespmem:v29+s28+$0x0] =	vst.idx.add.f32.msk vm1, v5;
	v14 =	vsel vm0, $0xFFFFFFFF, v2;
	v15 =	vadd.s32 v23, v17;
	v17 =	vor.u32 v0, v6  }
0x4a2: {  	[tilespmem:v24+s28+$0x0] =	vst.idx.add.f32.msk vm1, v9;
	vm0 =	vgt.f32 v10, $0.0e+00;
	v5 =	vshll.u32 v15, $0x4;
	v6 =	vadd.s32 v3, v6  }
0x4a3: {  	s1 =	sadd.s32 $0x40, s1;
	[tilespmem:v31+s28+$0x0] =	vst.idx.add.f32.msk vm5, v8;
	vm1 =	vgt.f32 v13, $0.0e+00;
	v9 =	vadd.s32 v26, v14;
	v14 =	vor.u32 v0, v5  }
0x4a4: {  	v7 =	vld [tilespmem:s1+$0x0];
	v15 =	vsel vm4, $0x4, v18;
	v8 =	vshll.u32 v9, $0x4;
	v5 =	vadd.s32 v3, v5  }
0x4a5: {  	[tilespmem:v11+s28+$0x0] =	vst.idx.add.f32.msk vm5, v4;
	vm4 =	veq.s32 v15, v20;
	v4 =	vor.u32 v0, v8  }
0x4a6: {  	v9 =	vsel vm2, $0x4, v19;
	v11 =	vsel vm4, $0x3F800000, v1;
	v8 =	vadd.s32 v3, v8;
	[tilespmem:v17+s28+$0x0] =	vst.idx.add.f32.msk vm6, v12  }
0x4a7: {  	vm2 =	veq.s32 v9, v16;
	[tilespmem:v6+s28+$0x0] =	vst.idx.add.f32.msk vm6, v11  }
0x4a8: {  	v9 =	vsel vm2, $0x3F800000, v1;
	v6 =	vsel vm3, $0x4, v21;
	[tilespmem:v14+s28+$0x0] =	vst.idx.add.f32.msk vm0, v10  }
0x4a9: {  	vm2 =	veq.s32 v6, v7;
	[tilespmem:v5+s28+$0x0] =	vst.idx.add.f32.msk vm0, v9  }
0x4aa: {  	[tilespmem:v4+s28+$0x0] =	vst.idx.add.f32.msk vm1, v13;
	v5 =	vsel vm2, $0x3F800000, v1  }
0x4ab: {  	[tilespmem:v8+s28+$0x0] =	vst.idx.add.f32.msk vm1, v5  }
0x4ac: {  	_ =	swait.ge [sflag:s29], $0x7C00  }
0x4ad: {  	[sflag:s29] =	ssyncset.done $0x0  }
0x4ae: {  	[sflag:s29] =	ssyncadd.s32 $0xFFFF8400  }
0x4af: {  	s7 =	simm.s32 $0x0;
	_ =	swait.ge [sflag:s30], $0xF80  }
0x4b0: {  	s3 =	sand.u32 $0x40, s7;
	s11 =	sand.u32 $0x7C00, s7;
	[sflag:s30] =	ssyncset.done $0x0  }
0x4b1: {  	s4 =	sadd.s32 $0x7C00, s11;
	s5 =	sor.u32 $0x30, s3;
	[sflag:s30] =	ssyncadd.s32 $0xFFFFF080  }
0x4b2: {  	[tilespmem:s7], [sflag:$0x1] =	stream.linear.gather [hbm4b:s15+s7], $0x7C00, $0x38;
	[tilespmem:$0x11D80] =	vst v63  }
0x4b3: {  	s1 =	sor.u32 s5, s4  }
0x4b4: {  	[tilespmem:s31], [sflag:$0x3] =	stream.linear.gather [hbm4b:s16+s7], $0xF80, $0x38;
	[tilespmem:$0x11D80] =	vst v63  }
0x4b5: {  	v8 =	vld [tilespmem:s1+$0x0]  }
0x4b6: {  	v9 =	vld [tilespmem:s1+$0x100]  }
0x4b7: {  	v5 =	vld [tilespmem:s1+$0x180]  }
0x4b8: {  	v4 =	vld [tilespmem:s1+$0x200]  }
0x4b9: {  	v10 =	vld [tilespmem:s1+$0x80];
	_ =	sdelay $0x1  }
0x4ba: {  	v7 =	vmax.f32 v8, v9  }
0x4bb: {  	v6 =	vmax.f32 v7, v5  }
0x4bc: {  	v11 =	vmax.f32 v6, v4  }
0x4bd: {  	v11 =	vmax.f32 v11, v10  }
0x4be: {  	s8 =	sor.u32 s3, s4;
	v13 =	vsub.f32 v8, v11  }
0x4bf: {  	s12 =	sor.u32 $0x10, s3;
	v12 =	vld [tilespmem:s8+$0x0];
	v10 =	vsub.f32 v10, v11  }
0x4c0: {  	s9 =	sor.u32 s12, s4;
	v14 =	vld [tilespmem:s8+$0x100];
	v16 =	vsub.f32 v9, v11;
	v13 =	vmul.f32 $1.442695020e+00, v13  }
0x4c1: {  	s6 =	sor.u32 $0x20, s3;
	v15 =	vld [tilespmem:s9+$0x0];
	v18 =	vsub.f32 v5, v11;
	v10 =	vmul.f32 $1.442695020e+00, v10  }
0x4c2: {  	s3 =	sor.u32 s6, s4;
	v17 =	vld [tilespmem:s9+$0x100];
	v16 =	vmul.f32 $1.442695020e+00, v16;
	(erf) = vpow2.f32 v13  }
0x4c3: {  	v19 =	vld [tilespmem:s3+$0x0];
	v18 =	vmul.f32 $1.442695020e+00, v18;
	(erf) = vpow2.f32 v10  }
0x4c4: {  	v20 =	vld [tilespmem:s8+$0x200];
	(erf) = vpow2.f32 v16  }
0x4c5: {  	v21 =	vld [tilespmem:s8+$0x80];
	v11 =	vsub.f32 v4, v11;
	(erf) = vpow2.f32 v18  }
0x4c6: {  	v10 =	vld [tilespmem:s8+$0x180]  }
0x4c7: {  	v11 =	vmul.f32 $1.442695020e+00, v11;
	v13 =	vld [tilespmem:s3+$0x100]  }
0x4c8: {  	v16 =	vld [tilespmem:s9+$0x180]  }
0x4c9: {  	v18 =	vld [tilespmem:s3+$0x180];
	(erf) = vpow2.f32 v11  }
0x4ca: {  	v22 =	vld [tilespmem:s9+$0x200];
	v27 =	vmax.f32 v15, v17;
	v11 =	vmax.f32 v12, v14  }
0x4cb: {  	v23 =	vld [tilespmem:s3+$0x200];
	vm0 =	vgt.f32 v14, v12;
	vm1 =	vgt.f32 v17, v15;
	v24 =	vmax.f32 v11, v10;
	v26 =	vpop (erf)  }
0x4cc: {  	v25 =	vld [tilespmem:s9+$0x80];
	vm4 =	vgt.f32 v9, v8;
	v31 =	vmax.f32 v19, v13;
	v28 =	vmax.f32 v24, v20;
	v30 =	vpop (erf)  }
0x4cd: {  	v29 =	vld [tilespmem:s3+$0x80];
	vm2 =	vgt.f32 v13, v19;
	v50 =	vmax.f32 v27, v16;
	v28 =	vmax.f32 v28, v21;
	v51 =	vpop (erf)  }
0x4ce: {  	v52 =	vmax.f32 v31, v18;
	v54 =	vsub.f32 v12, v28;
	v21 =	vsub.f32 v21, v28;
	v55 =	vpop (erf)  }
0x4cf: {  	v53 =	vmax.f32 v50, v22;
	v30 =	vadd.f32 v30, v26;
	v39 =	vadd.f32 v55, v51  }
0x4d0: {  	v38 =	vmax.f32 v52, v23;
	v40 =	vsub.f32 v14, v28;
	v41 =	vsub.f32 v10, v28  }
0x4d1: {  	v35 =	vmax.f32 v53, v25;
	v28 =	vsub.f32 v20, v28;
	v30 =	vadd.f32 v39, v30  }
0x4d2: {  	v38 =	vmax.f32 v38, v29;
	v56 =	vsub.f32 v15, v35;
	v25 =	vsub.f32 v25, v35;
	v42 =	vpop (erf)  }
0x4d3: {  	v36 =	vmul.f32 $1.442695020e+00, v54;
	v21 =	vmul.f32 $1.442695020e+00, v21;
	v30 =	vadd.f32 v30, v42  }
0x4d4: {  	v43 =	vsub.f32 v17, v35;
	v40 =	vmul.f32 $1.442695020e+00, v40;
	v41 =	vmul.f32 $1.442695020e+00, v41  }
0x4d5: {  	v44 =	vsub.f32 v16, v35;
	v25 =	vmul.f32 $1.442695020e+00, v25;
	(erf) = vrcp.f32 v30  }
0x4d6: {  	v14 =	vsub.f32 v22, v35;
	v43 =	vmul.f32 $1.442695020e+00, v43;
	(erf) = vpow2.f32 v36  }
0x4d7: {  	v29 =	vsub.f32 v29, v38;
	v57 =	vmul.f32 $1.442695020e+00, v44;
	(erf) = vpow2.f32 v21  }
0x4d8: {  	v58 =	vsub.f32 v18, v38;
	v39 =	vmul.f32 $1.442695020e+00, v56;
	(erf) = vpow2.f32 v40  }
0x4d9: {  	v29 =	vmul.f32 $1.442695020e+00, v29;
	v30 =	vsub.f32 v19, v38;
	(erf) = vpow2.f32 v41  }
0x4da: {  	v12 =	vmul.f32 $1.442695020e+00, v58;
	v21 =	vsub.f32 v13, v38;
	(erf) = vpow2.f32 v39  }
0x4db: {  	v15 =	vmax.f32 v26, v51;
	v30 =	vmul.f32 $1.442695020e+00, v30;
	(erf) = vpow2.f32 v25  }
0x4dc: {  	v17 =	vmax.f32 v55, v42;
	v21 =	vmul.f32 $1.442695020e+00, v21;
	(erf) = vpow2.f32 v43  }
0x4dd: {  	v25 =	vmul.f32 $1.442695020e+00, v28;
	v28 =	vsub.f32 v23, v38;
	(erf) = vpow2.f32 v57  }
0x4de: {  	(erf) = vpow2.f32 v30;
	v26 =	vpop (erf);
	v30 =	vmul.f32 $1.442695020e+00, v14;
	v14 =	vmax.f32 v15, v17  }
0x4df: {  	vm3 =	vgt.f32 v20, v24;
	v15 =	vpop (erf);
	(erf) = vpow2.f32 v29;
	v14 =	vmul.f32 v26, v14  }
0x4e0: {  	v19 =	vsel vm0, $0x2, v2;
	v17 =	vmul.f32 $1.442695020e+00, v28;
	v13 =	vpop (erf);
	(erf) = vpow2.f32 v21  }
0x4e1: {  	vm0 =	vgt.f32 v10, v11;
	v21 =	vpop (erf);
	(erf) = vpow2.f32 v12;
	v10 =	vmul.f32 $1.500000000e+01, v14  }
0x4e2: {  	v12 =	vsel vm1, $0x2, v2;
	vm1 =	vgt.f32 v16, v27;
	v16 =	vsel vm2, $0x2, v2  }
0x4e3: {  	vm2 =	vgt.f32 v18, v31;
	v11 =	vpop (erf);
	(erf) = vpow2.f32 v25;
	v10 =	vtrunc.f32 v10  }
0x4e4: {  	v13 =	vadd.f32 v13, v15;
	v28 =	vmax.f32 v15, v21;
	v25 =	vpop (erf);
	v10 =	vcvt.f32.s32 v10  }
0x4e5: {  	v26 =	vadd.f32 v11, v21;
	v18 =	vpop (erf);
	(erf) = vpow2.f32 v30;
	v30 =	vsel vm4, $0x2, v2  }
0x4e6: {  	vm4 =	vgt.f32 v5, v7;
	v27 =	vpop (erf);
	v15 =	vadd.f32 v18, v25;
	v18 =	vcvt.s32.f32 v10  }
0x4e7: {  	s10 =	simm.s32 $0x200;
	s4 =	simm.s32 $0x40;
	s7 =	sand.u32 $0xF80, s7;
	(erf) = vpow2.f32 v17;
	v17 =	vsel vm0, $0x3, v19;
	v13 =	vadd.f32 v26, v13;
	v19 =	vpop (erf)  }
0x4e8: {  	s7 =	sadd.s32 $0x10780, s7;
	s8 =	sand.u32 $0x40, s4;
	s3 =	sand.u32 $0x7C00, s10;
	v26 =	vsel vm1, $0x3, v12;
	vm0 =	vgt.f32 v22, v50;
	v7 =	vsel vm4, $0x3, v30;
	v21 =	vpop (erf)  }
0x4e9: {  	s5 =	sor.u32 s5, s7;
	s9 =	sadd.s32 $0x7C00, s3;
	s3 =	sor.u32 $0x30, s8;
	v24 =	vmax.f32 v25, v27;
	v20 =	vadd.f32 v19, v27;
	v25 =	vpop (erf);
	v12 =	vmul.f32 $6.666667010e-02, v18  }
0x4ea: {  	v59 =	vld [tilespmem:s5+$0x0];
	s10 =	sor.u32 s3, s9;
	vm4 =	vgt.f32 v4, v6;
	v27 =	vsel vm2, $0x3, v16;
	vm2 =	vgt.f32 v23, v52;
	v18 =	vpop (erf)  }
0x4eb: {  	v16 =	vld [tilespmem:s10+$0x100];
	v20 =	vadd.f32 v20, v15;
	v23 =	vadd.f32 v25, v21;
	vm1 =	vle.f32 v14, v12;
	v22 =	vpop (erf)  }
0x4ec: {  	v15 =	vld [tilespmem:s10+$0x0];
	v12 =	vadd.f32 v22, v18;
	v25 =	vpop (erf);
	v18 =	vmax.f32 v21, v18;
	v21 =	vsel vm1, $0xFFFFFFFF, v2  }
0x4ed: {  	v29 =	vadd.f32 v13, v25;
	v25 =	vmax.f32 v11, v25;
	v10 =	vadd.s32 v10, v21;
	v11 =	vld [tilespmem:s10+$0x180]  }
0x4ee: {  	v7 =	vsel vm4, $0x4, v7;
	v13 =	vshll.u32 v10, $0x4;
	v10 =	vld [tilespmem:s10+$0x200]  }
0x4ef: {  	s1 =	sor.u32 s12, s7;
	s12 =	sor.u32 s8, s9;
	v31 =	vld [tilespmem:s10+$0x80];
	vm4 =	veq.s32 v7, v59;
	vm1 =	vgt.f32 v14, $0.0e+00;
	v12 =	vadd.f32 v12, v23;
	v23 =	vpop (erf)  }
0x4f0: {  	v32 =	vld [tilespmem:s12+$0x200];
	v7 =	vmax.f32 v28, v25;
	v9 =	vadd.f32 v20, v23;
	v20 =	vor.u32 v0, v13  }
0x4f1: {  	v61 =	vld [tilespmem:s12+$0x80];
	v8 =	vpop (erf);
	v21 =	vadd.s32 v3, v13;
	v13 =	vmax.f32 v15, v16;
	v4 =	vmax.f32 v19, v23  }
0x4f2: {  	v25 =	vld [tilespmem:s12+$0x0];
	(erf) = vrcp.f32 v29;
	v5 =	vadd.f32 v12, v8;
	v12 =	vmax.f32 v13, v11  }
0x4f3: {  	v4 =	vmax.f32 v24, v4;
	v24 =	vld [tilespmem:s12+$0x100];
	(erf) = vrcp.f32 v9;
	v9 =	vmax.f32 v12, v10  }
0x4f4: {  	v6 =	vld [tilespmem:s1+$0x0];
	s1 =	simm.s32 $0x10780;
	v17 =	vsel vm3, $0x4, v17;
	(erf) = vrcp.f32 v5;
	v5 =	vmax.f32 v9, v31  }
0x4f5: {  	s11 =	sor.u32 s6, s7;
	s5 =	sor.u32 $0x10, s8;
	v26 =	vsel vm0, $0x4, v26;
	v8 =	vmax.f32 v22, v8;
	v9 =	vld [tilespmem:s1+$0x0];
	v23 =	vsub.f32 v15, v5  }
0x4f6: {  	s6 =	sor.u32 s5, s9;
	v19 =	vld [tilespmem:s11+$0x0];
	v22 =	vsel vm4, $0x3F800000, v1;
	v28 =	vsub.f32 v31, v5;
	v29 =	vsub.f32 v16, v5  }
0x4f7: {  	v8 =	vmax.f32 v18, v8;
	v18 =	vld [tilespmem:s6+$0x0];
	v30 =	vsub.f32 v11, v5;
	v23 =	vmul.f32 $1.442695020e+00, v23  }
0x4f8: {  	[tilespmem:v20+s28+$0x0] =	vst.idx.add.f32.msk vm1, v14;
	v33 =	vmax.f32 v25, v24;
	v28 =	vmul.f32 $1.442695020e+00, v28;
	v29 =	vmul.f32 $1.442695020e+00, v29  }
0x4f9: {  	s11 =	sor.u32 $0x20, s8;
	[tilespmem:v21+s28+$0x0] =	vst.idx.add.f32.msk vm1, v22;
	vm1 =	vgt.f32 v16, v15;
	v30 =	vmul.f32 $1.442695020e+00, v30;
	(erf) = vpow2.f32 v23  }
0x4fa: {  	s8 =	sor.u32 s11, s9;
	v31 =	vld [tilespmem:s6+$0x100];
	v23 =	vsel vm2, $0x4, v27;
	vm0 =	veq.s32 v17, v9;
	vm2 =	veq.s32 v26, v6  }
0x4fb: {  	v27 =	vld [tilespmem:s8+$0x0];
	v9 =	vpop (erf);
	v26 =	vsub.f32 v10, v5;
	(erf) = vpow2.f32 v28;
	vm3 =	veq.s32 v23, v19  }
0x4fc: {  	v17 =	vld [tilespmem:s8+$0x100];
	v19 =	vpop (erf);
	v6 =	vsel vm0, $0x3F800000, v1;
	v7 =	vmul.f32 v9, v7;
	(erf) = vpow2.f32 v29  }
0x4fd: {  	v23 =	vld [tilespmem:s12+$0x180];
	v9 =	vsel vm2, $0x3F800000, v1;
	v5 =	vmul.f32 v19, v4;
	v4 =	vpop (erf);
	v26 =	vmul.f32 $1.442695020e+00, v26  }
0x4fe: {  	v28 =	vld [tilespmem:s8+$0x180];
	vm2 =	vgt.f32 v24, v25;
	(erf) = vpow2.f32 v30;
	v8 =	vmul.f32 v4, v8  }
0x4ff: {  	v19 =	vld [tilespmem:s6+$0x180];
	v4 =	vsel vm3, $0x3F800000, v1;
	v29 =	vmul.f32 $1.500000000e+01, v7;
	vm3 =	vgt.f32 v31, v18  }
0x500: {  	v36 =	vld [tilespmem:s8+$0x200];
	vm0 =	vgt.f32 v7, $0.0e+00;
	v30 =	vmul.f32 $1.500000000e+01, v5;
	(erf) = vpow2.f32 v26  }
0x501: {  	v35 =	vld [tilespmem:s6+$0x200];
	v60 =	vmul.f32 $1.500000000e+01, v8;
	v26 =	vtrunc.f32 v29;
	v29 =	vmax.f32 v18, v31  }
0x502: {  	v47 =	vld [tilespmem:s8+$0x80];
	v37 =	vmax.f32 v27, v17;
	vm4 =	vgt.f32 v17, v27;
	v38 =	vmax.f32 v33, v23  }
0x503: {  	v30 =	vtrunc.f32 v30;
	v42 =	vmax.f32 v37, v28;
	v26 =	vcvt.f32.s32 v26  }
0x504: {  	v63 =	vld [tilespmem:s6+$0x80];
	v41 =	vmax.f32 v29, v19;
	v34 =	vtrunc.f32 v60;
	v45 =	vmax.f32 v38, v32  }
0x505: {  	v30 =	vcvt.f32.s32 v30;
	v51 =	vmax.f32 v42, v36;
	vm7 =	vgt.f32 v19, v29  }
0x506: {  	v48 =	vmax.f32 v41, v35;
	v49 =	vcvt.s32.f32 v26;
	v45 =	vmax.f32 v45, v61  }
0x507: {  	v34 =	vcvt.f32.s32 v34;
	v51 =	vmax.f32 v51, v47;
	v40 =	vpop (erf);
	v25 =	vsub.f32 v25, v45  }
0x508: {  	v53 =	vcvt.s32.f32 v30;
	v39 =	vsub.f32 v61, v45;
	v24 =	vsub.f32 v24, v45;
	v62 =	vpop (erf)  }
0x509: {  	v48 =	vmax.f32 v48, v63;
	v55 =	vsub.f32 v23, v45;
	v47 =	vsub.f32 v47, v51;
	v46 =	vpop (erf)  }
0x50a: {  	v45 =	vsub.f32 v32, v45;
	v49 =	vmul.f32 $6.666667010e-02, v49;
	v56 =	vsub.f32 v18, v48;
	v50 =	vpop (erf)  }
0x50b: {  	v54 =	vcvt.s32.f32 v34;
	v43 =	vadd.f32 v62, v40;
	v52 =	vadd.f32 v50, v46  }
0x50c: {  	v44 =	vsub.f32 v63, v48;
	v57 =	vsub.f32 v31, v48;
	v25 =	vmul.f32 $1.442695020e+00, v25  }
0x50d: {  	v39 =	vmul.f32 $1.442695020e+00, v39;
	v24 =	vmul.f32 $1.442695020e+00, v24;
	v43 =	vadd.f32 v52, v43  }
0x50e: {  	v18 =	vsub.f32 v17, v51;
	v55 =	vmul.f32 $1.442695020e+00, v55;
	v47 =	vmul.f32 $1.442695020e+00, v47;
	v60 =	vpop (erf)  }
0x50f: {  	v45 =	vmul.f32 $1.442695020e+00, v45;
	v17 =	vmul.f32 $6.666667010e-02, v53;
	v43 =	vadd.f32 v43, v60  }
0x510: {  	v61 =	vsub.f32 v19, v48;
	v56 =	vmul.f32 $1.442695020e+00, v56;
	v44 =	vmul.f32 $1.442695020e+00, v44  }
0x511: {  	v48 =	vsub.f32 v35, v48;
	v31 =	vmul.f32 $1.442695020e+00, v57;
	(erf) = vrcp.f32 v43  }
0x512: {  	v62 =	vsub.f32 v28, v51;
	v18 =	vmul.f32 $1.442695020e+00, v18;
	(erf) = vpow2.f32 v25  }
0x513: {  	v48 =	vmul.f32 $1.442695020e+00, v48;
	vm5 =	vle.f32 v7, v49;
	(erf) = vpow2.f32 v39  }
0x514: {  	v63 =	vmul.f32 $6.666667010e-02, v54;
	vm6 =	vle.f32 v5, v17;
	(erf) = vpow2.f32 v24  }
0x515: {  	v17 =	vmax.f32 v40, v46;
	v43 =	vmul.f32 $1.442695020e+00, v61;
	(erf) = vpow2.f32 v55  }
0x516: {  	v25 =	vsub.f32 v27, v51;
	v24 =	vsel vm2, $0x2, v2;
	(erf) = vpow2.f32 v56  }
0x517: {  	vm2 =	vgt.f32 v23, v33;
	v23 =	vmax.f32 v50, v60;
	(erf) = vpow2.f32 v44  }
0x518: {  	v51 =	vsub.f32 v36, v51;
	v39 =	vmul.f32 $1.442695020e+00, v62;
	(erf) = vpow2.f32 v31  }
0x519: {  	v54 =	vsel vm6, $0xFFFFFFFF, v2;
	v25 =	vmul.f32 $1.442695020e+00, v25;
	(erf) = vpow2.f32 v43  }
0x51a: {  	v27 =	vmul.f32 $1.442695020e+00, v51;
	v51 =	vsel vm3, $0x2, v2;
	v17 =	vmax.f32 v17, v23;
	v23 =	vpop (erf)  }
0x51b: {  	vm3 =	vle.f32 v8, v63;
	(erf) = vpow2.f32 v25;
	v17 =	vmul.f32 v23, v17;
	v19 =	vpop (erf)  }
0x51c: {  	v57 =	vsel vm3, $0xFFFFFFFF, v2;
	v31 =	vsel vm5, $0xFFFFFFFF, v2;
	(erf) = vpow2.f32 v47;
	v23 =	vpop (erf)  }
0x51d: {  	vm5 =	vgt.f32 v28, v37;
	(erf) = vpow2.f32 v18;
	v18 =	vmul.f32 $1.500000000e+01, v17;
	v29 =	vpop (erf)  }
0x51e: {  	v28 =	vadd.f32 v23, v19;
	(erf) = vpow2.f32 v39;
	v23 =	vmax.f32 v19, v29;
	v53 =	vpop (erf)  }
0x51f: {  	(erf) = vpow2.f32 v45;
	v19 =	vadd.f32 v53, v29;
	v18 =	vtrunc.f32 v18;
	v29 =	vpop (erf)  }
0x520: {  	v25 =	vsel vm4, $0x2, v2;
	(erf) = vpow2.f32 v48;
	v55 =	vcvt.f32.s32 v18;
	v56 =	vpop (erf)  }
0x521: {  	(erf) = vpow2.f32 v27;
	v18 =	vsel vm2, $0x3, v24;
	v58 =	vadd.f32 v19, v28;
	v27 =	vpop (erf)  }
0x522: {  	v24 =	vadd.f32 v56, v29;
	v28 =	vmax.f32 v29, v27;
	v59 =	vcvt.s32.f32 v55;
	v29 =	vpop (erf)  }
0x523: {  	vm3 =	vgt.f32 v36, v42;
	v22 =	vadd.s32 v34, v57;
	v27 =	vadd.f32 v29, v27  }
0x524: {  	vm4 =	vgt.f32 v32, v38;
	v20 =	vsel vm5, $0x3, v25;
	v60 =	vpop (erf);
	v14 =	vmul.f32 $6.666667010e-02, v59  }
0x525: {  	vm2 =	vgt.f32 v35, v41;
	v19 =	vsel vm7, $0x3, v51;
	v25 =	vpop (erf);
	v61 =	vadd.f32 v27, v24  }
0x526: {  	s4 =	sand.u32 $0xF80, s4;
	v62 =	vadd.f32 v25, v60;
	v63 =	vpop (erf);
	v24 =	vadd.s32 v26, v31;
	vm5 =	vle.f32 v17, v14  }
0x527: {  	s4 =	sadd.s32 $0x10780, s4;
	v25 =	vadd.s32 v30, v54;
	v26 =	vmax.f32 v60, v63;
	v27 =	vpop (erf);
	v21 =	vsel vm5, $0xFFFFFFFF, v2  }
0x528: {  	s12 =	sor.u32 s3, s4;
	vm5 =	vgt.f32 v17, $0.0e+00;
	v14 =	vadd.f32 v27, v63;
	v30 =	vpop (erf);
	v21 =	vadd.s32 v55, v21  }
0x529: {  	s5 =	sor.u32 s5, s4;
	s7 =	sor.u32 s11, s4;
	v31 =	vld [tilespmem:s12+$0x0];
	v32 =	vadd.f32 v58, v30;
	v30 =	vmax.f32 v53, v30;
	v33 =	vpop (erf);
	v37 =	vshll.u32 v21, $0x4  }
0x52a: {  	s3 =	simm.s32 $0x4;
	s4 =	simm.s32 $0x400;
	v21 =	vld [tilespmem:s5+$0x0];
	s5 =	simm.s32 $0x80;
	v36 =	vadd.f32 v14, v62;
	v34 =	vpop (erf);
	v35 =	vadd.f32 v61, v33;
	v15 =	vor.u32 v0, v37  }
.LBB2_12:
0x52b: {  	v14 =	vsel vm1, $0x2, v2  }
0x52c: {  	s8 =	sand.u32 $0x40, s5;
	s6 =	sand.u32 $0x7C00, s4;
	v16 =	vld [tilespmem:s7+$0x0];
	vm6 =	vgt.f32 v11, v13;
	v11 =	vadd.s32 v3, v37;
	s1 =	sadd.s32 $0x40, s1;
	vm1 =	vmmov vm0  }
0x52d: {  	v13 =	vadd.f32 v36, v34;
	vm0 =	vgt.f32 v10, v12;
	s9 =	sadd.s32 $0x7C00, s6;
	s7 =	sor.u32 $0x10, s8;
	s6 =	sor.u32 $0x30, s8;
	v14 =	vsel vm6, $0x3, v14  }
0x52e: {  	v12 =	vmax.f32 v29, v33;
	s10 =	sor.u32 s8, s9;
	s8 =	sor.u32 $0x20, s8;
	s12 =	sor.u32 s6, s9;
	v10 =	vld [tilespmem:s1+$0x0];
	v29 =	vsel vm0, $0x4, v14;
	(erf) = vrcp.f32 v32  }
0x52f: {  	v27 =	vmax.f32 v27, v34;
	s11 =	sor.u32 s7, s9;
	s9 =	sor.u32 s8, s9;
	v14 =	vld [tilespmem:s12+$0x0];
	vm0 =	veq.s32 v29, v31;
	(erf) = vrcp.f32 v35  }
0x530: {  	v29 =	vmax.f32 v23, v30;
	v23 =	vsel vm0, $0x3F800000, v1;
	[tilespmem:v15+s28+$0x0] =	vst.idx.add.f32.msk vm5, v17;
	(erf) = vrcp.f32 v13  }
0x531: {  	v13 =	vsel vm4, $0x4, v18;
	v17 =	vmax.f32 v28, v12;
	v18 =	vmax.f32 v26, v27;
	[tilespmem:v11+s28+$0x0] =	vst.idx.add.f32.msk vm5, v23  }
0x532: {  	v12 =	vsel vm2, $0x4, v19;
	v19 =	vsel vm3, $0x4, v20;
	v20 =	vshll.u32 v24, $0x4;
	v15 =	vld [tilespmem:s12+$0x100]  }
0x533: {  	s3 =	sadd.s32 $0x4, s3;
	v22 =	vshll.u32 v22, $0x4;
	v11 =	vld [tilespmem:s12+$0x180];
	vm0 =	veq.s32 v13, v10;
	v13 =	vshll.u32 v25, $0x4  }
0x534: {  	p2 =	slt.u32 s3, $0xF4;
	vm2 =	veq.s32 v12, v21;
	vm5 =	veq.s32 v19, v16;
	v35 =	vor.u32 v0, v20;
	v10 =	vld [tilespmem:s12+$0x200]  }
0x535: {  	v36 =	vadd.s32 v3, v20;
	v37 =	vor.u32 v0, v13;
	v38 =	vadd.s32 v3, v13;
	v16 =	vld [tilespmem:s12+$0x80]  }
0x536: {  	v40 =	vor.u32 v0, v22;
	v41 =	vadd.s32 v3, v22;
	vm4 =	vgt.f32 v5, $0.0e+00;
	v39 =	vld [tilespmem:s10+$0x0]  }
0x537: {  	vm3 =	vgt.f32 v8, $0.0e+00;
	v43 =	vsel vm0, $0x3F800000, v1;
	v42 =	vld [tilespmem:s10+$0x100];
	v13 =	vmax.f32 v14, v15;
	v19 =	vpop (erf)  }
0x538: {  	v45 =	vsel vm2, $0x3F800000, v1;
	v23 =	vld [tilespmem:s11+$0x0];
	v12 =	vmax.f32 v13, v11;
	v44 =	vmul.f32 v19, v29;
	v19 =	vpop (erf)  }
0x539: {  	v47 =	vsel vm5, $0x3F800000, v1;
	v31 =	vld [tilespmem:s11+$0x100];
	v20 =	vmax.f32 v12, v10;
	v46 =	vmul.f32 v19, v17;
	v17 =	vpop (erf)  }
0x53a: {  	v33 =	vld [tilespmem:s9+$0x0];
	v22 =	vmax.f32 v20, v16;
	v19 =	vmul.f32 $1.500000000e+01, v44;
	v48 =	vmul.f32 v17, v18  }
0x53b: {  	vm0 =	vgt.f32 v44, $0.0e+00;
	v34 =	vld [tilespmem:s9+$0x100];
	v18 =	vsub.f32 v14, v22;
	v24 =	vmul.f32 $1.500000000e+01, v46  }
0x53c: {  	v16 =	vsub.f32 v16, v22;
	v30 =	vld [tilespmem:s10+$0x180];
	v32 =	vmax.f32 v39, v42;
	v25 =	vmul.f32 $1.500000000e+01, v48  }
0x53d: {  	v21 =	vsub.f32 v15, v22;
	v49 =	vtrunc.f32 v19;
	v17 =	vld [tilespmem:s11+$0x180];
	v20 =	vmul.f32 $1.442695020e+00, v18  }
0x53e: {  	v27 =	vsub.f32 v11, v22;
	v26 =	vmul.f32 $1.442695020e+00, v16;
	v28 =	vmax.f32 v23, v31;
	v18 =	vld [tilespmem:s9+$0x180]  }
0x53f: {  	vm2 =	vgt.f32 v42, v39;
	v50 =	vmul.f32 $1.442695020e+00, v21;
	v19 =	vld [tilespmem:s10+$0x200];
	(erf) = vpow2.f32 v20  }
0x540: {  	v27 =	vmul.f32 $1.442695020e+00, v27;
	v16 =	vld [tilespmem:s11+$0x200];
	v29 =	vmax.f32 v33, v34;
	(erf) = vpow2.f32 v26  }
0x541: {  	v20 =	vmax.f32 v32, v30;
	v21 =	vld [tilespmem:s9+$0x200];
	(erf) = vpow2.f32 v50;
	v50 =	vtrunc.f32 v24  }
0x542: {  	v22 =	vsub.f32 v10, v22;
	v51 =	vld [tilespmem:s10+$0x80];
	v26 =	vmax.f32 v28, v17;
	(erf) = vpow2.f32 v27  }
0x543: {  	v24 =	vcvt.f32.s32 v49;
	v49 =	vtrunc.f32 v25;
	v52 =	vld [tilespmem:s11+$0x80];
	v27 =	vmax.f32 v29, v18  }
0x544: {  	v55 =	vmul.f32 $1.442695020e+00, v22;
	v25 =	vcvt.f32.s32 v50;
	v53 =	vmax.f32 v20, v19;
	v54 =	vld [tilespmem:s9+$0x80]  }
0x545: {  	v22 =	vcvt.f32.s32 v49;
	v56 =	vcvt.s32.f32 v24;
	v50 =	vmax.f32 v26, v16;
	[tilespmem:v35+s28+$0x0] =	vst.idx.add.f32.msk vm1, v7;
	v7 =	vmovc v44  }
0x546: {  	v44 =	vcvt.s32.f32 v25;
	v35 =	vmax.f32 v27, v21;
	(erf) = vpow2.f32 v55;
	[tilespmem:v36+s28+$0x0] =	vst.idx.add.f32.msk vm1, v6;
	v6 =	vmovc v43  }
0x547: {  	v49 =	vcvt.s32.f32 v22;
	v43 =	vmul.f32 $6.666667010e-02, v56;
	v36 =	vmax.f32 v53, v51;
	[tilespmem:v37+s28+$0x0] =	vst.idx.add.f32.msk vm4, v5;
	v5 =	vmovc v46  }
0x548: {  	v37 =	vsub.f32 v39, v36;
	v39 =	vsub.f32 v51, v36;
	v46 =	vmax.f32 v50, v52;
	v50 =	vpop (erf)  }
0x549: {  	v42 =	vsub.f32 v42, v36;
	v51 =	vsub.f32 v30, v36;
	v35 =	vmax.f32 v35, v54;
	v53 =	vpop (erf)  }
0x54a: {  	v55 =	vsub.f32 v23, v46;
	v52 =	vsub.f32 v52, v46;
	v37 =	vmul.f32 $1.442695020e+00, v37;
	v56 =	vpop (erf);
	[tilespmem:v38+s28+$0x0] =	vst.idx.add.f32.msk vm4, v9  }
0x54b: {  	v57 =	vsub.f32 v17, v46;
	v38 =	vmul.f32 $1.442695020e+00, v39;
	v39 =	vsub.f32 v31, v46;
	v58 =	vpop (erf);
	[tilespmem:v40+s28+$0x0] =	vst.idx.add.f32.msk vm3, v8  }
0x54c: {  	v59 =	vadd.f32 v53, v50;
	v40 =	vmul.f32 $1.442695020e+00, v42;
	v42 =	vadd.f32 v58, v56;
	[tilespmem:v41+s28+$0x0] =	vst.idx.add.f32.msk vm3, v4  }
0x54d: {  	v53 =	vsub.f32 v54, v35;
	v9 =	vmovc v45;
	v41 =	vmul.f32 $1.442695020e+00, v51;
	v51 =	vsub.f32 v33, v35;
	v4 =	vmovc v47  }
0x54e: {  	v45 =	vmul.f32 $1.442695020e+00, v55;
	v8 =	vmovc v48;
	v47 =	vsub.f32 v34, v35;
	v42 =	vadd.f32 v42, v59  }
0x54f: {  	v48 =	vmul.f32 $1.442695020e+00, v52;
	v52 =	vsub.f32 v18, v35;
	v39 =	vmul.f32 $1.442695020e+00, v39;
	v54 =	vpop (erf)  }
0x550: {  	v55 =	vmul.f32 $1.442695020e+00, v57;
	v51 =	vmul.f32 $1.442695020e+00, v51;
	v42 =	vadd.f32 v42, v54  }
0x551: {  	v36 =	vsub.f32 v19, v36;
	v53 =	vmul.f32 $1.442695020e+00, v53;
	v47 =	vmul.f32 $1.442695020e+00, v47  }
0x552: {  	v46 =	vsub.f32 v16, v46;
	v52 =	vmul.f32 $1.442695020e+00, v52;
	(erf) = vrcp.f32 v42  }
0x553: {  	v36 =	vmul.f32 $1.442695020e+00, v36;
	v35 =	vsub.f32 v21, v35;
	(erf) = vpow2.f32 v37  }
0x554: {  	vm3 =	vgt.f32 v31, v23;
	v31 =	vmul.f32 $1.442695020e+00, v46;
	(erf) = vpow2.f32 v38  }
0x555: {  	vm6 =	vgt.f32 v34, v33;
	v33 =	vmul.f32 $1.442695020e+00, v35;
	(erf) = vpow2.f32 v40  }
0x556: {  	vm7 =	vle.f32 v7, v43;
	v23 =	vmul.f32 $6.666667010e-02, v44;
	(erf) = vpow2.f32 v41  }
0x557: {  	v34 =	vsel vm2, $0x2, v2;
	v35 =	vmul.f32 $6.666667010e-02, v49;
	(erf) = vpow2.f32 v45  }
0x558: {  	vm1 =	vgt.f32 v30, v32;
	vm5 =	vle.f32 v5, v23;
	(erf) = vpow2.f32 v48  }
0x559: {  	v30 =	vsel vm3, $0x2, v2;
	vm4 =	vle.f32 v8, v35;
	(erf) = vpow2.f32 v39  }
0x55a: {  	v35 =	vmax.f32 v50, v56;
	v32 =	vmax.f32 v58, v54;
	(erf) = vpow2.f32 v55  }
0x55b: {  	vm2 =	vgt.f32 v17, v28;
	v17 =	vmax.f32 v35, v32;
	(erf) = vpow2.f32 v51;
	v23 =	vpop (erf)  }
0x55c: {  	v32 =	vsel vm6, $0x2, v2;
	v17 =	vmul.f32 v23, v17;
	v23 =	vpop (erf);
	(erf) = vpow2.f32 v53  }
0x55d: {  	vm3 =	vgt.f32 v18, v29;
	v35 =	vsel vm7, $0xFFFFFFFF, v2;
	v18 =	vpop (erf);
	(erf) = vpow2.f32 v47  }
0x55e: {  	v28 =	vadd.f32 v18, v23;
	v18 =	vmul.f32 $1.500000000e+01, v17;
	v29 =	vpop (erf);
	(erf) = vpow2.f32 v52  }
0x55f: {  	v23 =	vmax.f32 v23, v29;
	v37 =	vpop (erf);
	(erf) = vpow2.f32 v36;
	v36 =	vsel vm5, $0xFFFFFFFF, v2  }
0x560: {  	v41 =	vadd.f32 v37, v29;
	v18 =	vtrunc.f32 v18;
	v38 =	vpop (erf);
	(erf) = vpow2.f32 v31  }
0x561: {  	v31 =	vcvt.f32.s32 v18;
	v39 =	vpop (erf);
	(erf) = vpow2.f32 v33;
	v33 =	vsel vm4, $0xFFFFFFFF, v2  }
0x562: {  	v18 =	vsel vm1, $0x3, v34;
	v34 =	vadd.f32 v41, v28;
	v39 =	vadd.f32 v39, v38;
	v40 =	vpop (erf)  }
0x563: {  	vm4 =	vgt.f32 v19, v20;
	v28 =	vmax.f32 v38, v40;
	v38 =	vcvt.s32.f32 v31;
	v29 =	vpop (erf)  }
0x564: {  	v19 =	vsel vm2, $0x3, v30;
	vm2 =	vgt.f32 v16, v26;
	v16 =	vadd.f32 v29, v40;
	v26 =	vpop (erf)  }
0x565: {  	v20 =	vsel vm3, $0x3, v32;
	vm3 =	vgt.f32 v21, v27;
	v21 =	vmul.f32 $6.666667010e-02, v38;
	v27 =	vpop (erf)  }
0x566: {  	v24 =	vadd.s32 v24, v35;
	v16 =	vadd.f32 v16, v39;
	v38 =	vadd.f32 v27, v26;
	v30 =	vpop (erf)  }
.Ltmp7:
0x567: {  	s9 =	sand.u32 $0xF80, s5;
	v25 =	vadd.s32 v25, v36;
	v26 =	vmax.f32 v26, v30;
	vm1 =	vle.f32 v17, v21;
	v27 =	vpop (erf);
	(pc) =	sbr.rel @p2 .LBB2_12-.Ltmp7, $4  }
0x568: {  	s9 =	sadd.s32 $0x10780, s9;
	v22 =	vadd.s32 v22, v33;
	v21 =	vadd.f32 v27, v30;
	v35 =	vsel vm1, $0xFFFFFFFF, v2;
	v30 =	vpop (erf)  }
0x569: {  	s10 =	sor.u32 s7, s9;
	s7 =	sor.u32 s8, s9;
	s6 =	sor.u32 s6, s9;
	v32 =	vadd.f32 v34, v30;
	v30 =	vmax.f32 v37, v30;
	v35 =	vadd.s32 v31, v35;
	v33 =	vpop (erf)  }
0x56a: {  	vm5 =	vgt.f32 v17, $0.0e+00;
	v36 =	vadd.f32 v21, v38;
	v31 =	vld [tilespmem:s6+$0x0];
	v37 =	vshll.u32 v35, $0x4;
	v34 =	vpop (erf)  }
0x56b: {  	s4 =	sadd.s32 $0x200, s4;
	s5 =	sadd.s32 $0x40, s5;
	vm1 =	vgt.f32 v15, v14;
	v35 =	vadd.f32 v16, v33;
	v21 =	vld [tilespmem:s10+$0x0];
	v15 =	vor.u32 v0, v37  }
0x56c: {  	v14 =	vadd.f32 v36, v34;
	(erf) = vrcp.f32 v32  }
0x56d: {  	(erf) = vrcp.f32 v35  }
0x56e: {  	(erf) = vrcp.f32 v14;
	_ =	sdelay $0x3  }
0x56f: {  	v14 =	vsel vm1, $0x2, v2  }
0x570: {  	vm1 =	vgt.f32 v11, v13  }
0x571: {  	v16 =	vmax.f32 v27, v34;
	v13 =	vsel vm1, $0x3, v14  }
0x572: {  	vm1 =	vgt.f32 v10, v12;
	v10 =	vmax.f32 v29, v33;
	v12 =	vmax.f32 v23, v30;
	v14 =	vpop (erf)  }
0x573: {  	vm0 =	vmmov vm0;
	v10 =	vmax.f32 v28, v10;
	v12 =	vmul.f32 v14, v12;
	v14 =	vpop (erf)  }
0x574: {  	v16 =	vmax.f32 v26, v16;
	v13 =	vsel vm1, $0x4, v13;
	v10 =	vmul.f32 v14, v10;
	v14 =	vpop (erf)  }
0x575: {  	vm1 =	veq.s32 v13, v31;
	v13 =	vmul.f32 $1.500000000e+01, v12;
	v14 =	vmul.f32 v14, v16  }
0x576: {  	v24 =	vshll.u32 v24, $0x4;
	v25 =	vshll.u32 v25, $0x4;
	v23 =	vmul.f32 $1.500000000e+01, v10  }
0x577: {  	v22 =	vshll.u32 v22, $0x4;
	v26 =	vmul.f32 $1.500000000e+01, v14;
	v13 =	vtrunc.f32 v13  }
0x578: {  	v27 =	vor.u32 v0, v24;
	v23 =	vtrunc.f32 v23;
	v13 =	vcvt.f32.s32 v13  }
0x579: {  	v24 =	vadd.s32 v3, v24;
	v11 =	vadd.s32 v3, v37;
	v23 =	vcvt.f32.s32 v23  }
0x57a: {  	[tilespmem:v15+s28+$0x0] =	vst.idx.add.f32.msk vm5, v17;
	v15 =	vor.u32 v0, v22;
	v26 =	vtrunc.f32 v26;
	v28 =	vcvt.s32.f32 v13  }
0x57b: {  	v29 =	vor.u32 v0, v25;
	v26 =	vcvt.f32.s32 v26;
	v30 =	vcvt.s32.f32 v23  }
0x57c: {  	v16 =	vsel vm1, $0x3F800000, v1;
	vm1 =	vgt.f32 v5, $0.0e+00;
	v28 =	vmul.f32 $6.666667010e-02, v28  }
0x57d: {  	v25 =	vadd.s32 v3, v25;
	v17 =	vcvt.s32.f32 v26;
	v30 =	vmul.f32 $6.666667010e-02, v30  }
0x57e: {  	[tilespmem:v11+s28+$0x0] =	vst.idx.add.f32.msk vm5, v16;
	v11 =	vadd.s32 v3, v22;
	vm5 =	vgt.f32 v8, $0.0e+00;
	vm6 =	vle.f32 v12, v28  }
0x57f: {  	[tilespmem:v27+s28+$0x0] =	vst.idx.add.f32.msk vm0, v7;
	v17 =	vmul.f32 $6.666667010e-02, v17;
	v22 =	vsel vm6, $0xFFFFFFFF, v2;
	vm6 =	vle.f32 v10, v30  }
0x580: {  	s1 =	sadd.s32 $0x40, s1;
	[tilespmem:v24+s28+$0x0] =	vst.idx.add.f32.msk vm0, v6;
	v28 =	vsel vm6, $0xFFFFFFFF, v2;
	vm6 =	vgt.f32 v12, $0.0e+00;
	v7 =	vadd.s32 v13, v22  }
0x581: {  	v16 =	vld [tilespmem:s1+$0x0];
	vm0 =	vle.f32 v14, v17;
	vm6 =	vmmov vm6;
	v6 =	vshll.u32 v7, $0x4  }
0x582: {  	[tilespmem:v29+s28+$0x0] =	vst.idx.add.f32.msk vm1, v5;
	v13 =	vsel vm0, $0xFFFFFFFF, v2;
	v17 =	vadd.s32 v23, v28;
	v22 =	vor.u32 v0, v6  }
0x583: {  	[tilespmem:v25+s28+$0x0] =	vst.idx.add.f32.msk vm1, v9;
	vm0 =	vgt.f32 v10, $0.0e+00;
	v5 =	vshll.u32 v17, $0x4;
	v6 =	vadd.s32 v3, v6  }
0x584: {  	[tilespmem:v15+s28+$0x0] =	vst.idx.add.f32.msk vm5, v8;
	vm1 =	vgt.f32 v14, $0.0e+00;
	v9 =	vadd.s32 v26, v13;
	v13 =	vor.u32 v0, v5  }
0x585: {  	v7 =	vld [tilespmem:s7+$0x0];
	v17 =	vsel vm4, $0x4, v18;
	v8 =	vshll.u32 v9, $0x4;
	v5 =	vadd.s32 v3, v5  }
0x586: {  	[tilespmem:v11+s28+$0x0] =	vst.idx.add.f32.msk vm5, v4;
	vm4 =	veq.s32 v17, v16;
	v4 =	vor.u32 v0, v8  }
0x587: {  	v9 =	vsel vm2, $0x4, v19;
	v11 =	vsel vm4, $0x3F800000, v1;
	v8 =	vadd.s32 v3, v8;
	[tilespmem:v22+s28+$0x0] =	vst.idx.add.f32.msk vm6, v12  }
0x588: {  	vm2 =	veq.s32 v9, v21;
	[tilespmem:v6+s28+$0x0] =	vst.idx.add.f32.msk vm6, v11  }
0x589: {  	v9 =	vsel vm2, $0x3F800000, v1;
	v6 =	vsel vm3, $0x4, v20;
	[tilespmem:v13+s28+$0x0] =	vst.idx.add.f32.msk vm0, v10  }
0x58a: {  	vm2 =	veq.s32 v6, v7;
	[tilespmem:v5+s28+$0x0] =	vst.idx.add.f32.msk vm0, v9  }
0x58b: {  	[tilespmem:v4+s28+$0x0] =	vst.idx.add.f32.msk vm1, v14;
	v5 =	vsel vm2, $0x3F800000, v1  }
0x58c: {  	[tilespmem:v8+s28+$0x0] =	vst.idx.add.f32.msk vm1, v5  }
0x58d: {  	_ =	swait.ge [sflag:s23], $0x7C00  }
0x58e: {  	[sflag:s23] =	ssyncset.done $0x0  }
0x58f: {  	[sflag:s23] =	ssyncadd.s32 $0xFFFF8400  }
0x590: {  	s3 =	simm.s32 @!p1 $0x7C00;
	s8 =	simm.s32 $0x0;
	_ =	swait.ge [sflag:s24], $0xF80  }
0x591: {  	s10 =	sand.u32 $0x40, s8;
	s4 =	sand.u32 $0x7C00, s8;
	[sflag:s24] =	ssyncset.done $0x0  }
0x592: {  	s1 =	simm.s32 @!p1 $0x0;
	s7 =	sor.u32 $0x30, s10;
	[sflag:s24] =	ssyncadd.s32 $0xFFFFF080  }
0x593: {  	[tilespmem:s3], [sflag:$0x2] =	stream.linear.gather @!p1 [hbm4b:s17+s1], $0x7C00, $0x38;
	[tilespmem:$0x11D80] =	vst v63  }
0x594: {  	s11 =	sor.u32 s7, s4;
	s3 =	simm.s32 @!p1 $0x10780  }
0x595: {  	[tilespmem:s3], [sflag:$0x4] =	stream.linear.gather @!p1 [hbm4b:s18+s1], $0xF80, $0x38;
	[tilespmem:$0x11D80] =	vst v63  }
0x596: {  	v8 =	vld [tilespmem:s11+$0x0]  }
0x597: {  	v9 =	vld [tilespmem:s11+$0x100]  }
0x598: {  	v5 =	vld [tilespmem:s11+$0x180]  }
0x599: {  	v4 =	vld [tilespmem:s11+$0x200]  }
0x59a: {  	v10 =	vld [tilespmem:s11+$0x80];
	_ =	sdelay $0x1  }
0x59b: {  	v7 =	vmax.f32 v8, v9  }
0x59c: {  	v6 =	vmax.f32 v7, v5  }
0x59d: {  	s12 =	sor.u32 $0x10, s10;
	v11 =	vmax.f32 v6, v4  }
0x59e: {  	s5 =	sor.u32 s12, s4;
	v11 =	vmax.f32 v11, v10  }
0x59f: {  	s6 =	sor.u32 $0x20, s10;
	v12 =	vld [tilespmem:s5+$0x0];
	v13 =	vsub.f32 v8, v11  }
0x5a0: {  	s9 =	sor.u32 s6, s4;
	v14 =	vld [tilespmem:s5+$0x100];
	v10 =	vsub.f32 v10, v11  }
0x5a1: {  	v15 =	vld [tilespmem:s9+$0x0];
	v16 =	vsub.f32 v9, v11;
	v13 =	vmul.f32 $1.442695020e+00, v13  }
0x5a2: {  	s3 =	sor.u32 s10, s4;
	v17 =	vld [tilespmem:s9+$0x100];
	v18 =	vsub.f32 v5, v11;
	v10 =	vmul.f32 $1.442695020e+00, v10  }
0x5a3: {  	v19 =	vld [tilespmem:s3+$0x0];
	v16 =	vmul.f32 $1.442695020e+00, v16;
	(erf) = vpow2.f32 v13  }
0x5a4: {  	v20 =	vld [tilespmem:s5+$0x200];
	v18 =	vmul.f32 $1.442695020e+00, v18;
	(erf) = vpow2.f32 v10  }
0x5a5: {  	v21 =	vld [tilespmem:s5+$0x80];
	(erf) = vpow2.f32 v16  }
0x5a6: {  	v22 =	vld [tilespmem:s9+$0x200];
	v11 =	vsub.f32 v4, v11;
	(erf) = vpow2.f32 v18  }
0x5a7: {  	v13 =	vld [tilespmem:s3+$0x100]  }
0x5a8: {  	v11 =	vmul.f32 $1.442695020e+00, v11;
	v10 =	vld [tilespmem:s5+$0x180]  }
0x5a9: {  	v16 =	vld [tilespmem:s9+$0x180]  }
0x5aa: {  	v18 =	vld [tilespmem:s3+$0x180];
	(erf) = vpow2.f32 v11  }
0x5ab: {  	v27 =	vmax.f32 v15, v17  }
0x5ac: {  	v23 =	vld [tilespmem:s3+$0x200];
	vm0 =	vgt.f32 v14, v12;
	vm1 =	vgt.f32 v17, v15;
	v11 =	vmax.f32 v12, v14;
	v26 =	vpop (erf)  }
0x5ad: {  	v25 =	vld [tilespmem:s9+$0x80];
	vm4 =	vgt.f32 v9, v8;
	v31 =	vmax.f32 v19, v13;
	v24 =	vmax.f32 v11, v10;
	v30 =	vpop (erf)  }
0x5ae: {  	v28 =	vld [tilespmem:s3+$0x80];
	vm2 =	vgt.f32 v13, v19;
	v29 =	vmax.f32 v24, v20;
	v48 =	vmax.f32 v27, v16;
	v49 =	vpop (erf)  }
0x5af: {  	v29 =	vmax.f32 v29, v21;
	v50 =	vmax.f32 v31, v18;
	v51 =	vmax.f32 v48, v22;
	v53 =	vpop (erf)  }
0x5b0: {  	vm3 =	vgt.f32 v18, v31;
	v30 =	vadd.f32 v30, v26;
	v39 =	vadd.f32 v53, v49  }
0x5b1: {  	v52 =	vsub.f32 v12, v29;
	v38 =	vmax.f32 v50, v23;
	v21 =	vsub.f32 v21, v29  }
0x5b2: {  	v35 =	vmax.f32 v51, v25;
	v40 =	vsub.f32 v14, v29;
	v30 =	vadd.f32 v39, v30  }
0x5b3: {  	v41 =	vsub.f32 v10, v29;
	v14 =	vsub.f32 v20, v29;
	v38 =	vmax.f32 v38, v28;
	v42 =	vpop (erf)  }
0x5b4: {  	v54 =	vsub.f32 v15, v35;
	v36 =	vmul.f32 $1.442695020e+00, v52;
	v30 =	vadd.f32 v30, v42  }
0x5b5: {  	v25 =	vsub.f32 v25, v35;
	v21 =	vmul.f32 $1.442695020e+00, v21;
	v40 =	vmul.f32 $1.442695020e+00, v40  }
0x5b6: {  	v43 =	vsub.f32 v17, v35;
	v41 =	vmul.f32 $1.442695020e+00, v41;
	(erf) = vrcp.f32 v30  }
0x5b7: {  	v44 =	vsub.f32 v19, v38;
	v57 =	vmul.f32 $1.442695020e+00, v14;
	(erf) = vpow2.f32 v36  }
0x5b8: {  	v28 =	vsub.f32 v28, v38;
	v25 =	vmul.f32 $1.442695020e+00, v25;
	(erf) = vpow2.f32 v21  }
0x5b9: {  	v56 =	vsub.f32 v18, v38;
	v39 =	vmul.f32 $1.442695020e+00, v54;
	(erf) = vpow2.f32 v40  }
0x5ba: {  	v43 =	vmul.f32 $1.442695020e+00, v43;
	v30 =	vsub.f32 v16, v35;
	(erf) = vpow2.f32 v41  }
0x5bb: {  	v55 =	vmul.f32 $1.442695020e+00, v44;
	v21 =	vsub.f32 v13, v38;
	(erf) = vpow2.f32 v39  }
0x5bc: {  	v14 =	vmax.f32 v26, v49;
	v30 =	vmul.f32 $1.442695020e+00, v30;
	(erf) = vpow2.f32 v25  }
0x5bd: {  	v15 =	vmax.f32 v53, v42;
	v12 =	vmul.f32 $1.442695020e+00, v21;
	(erf) = vpow2.f32 v43  }
0x5be: {  	v28 =	vmul.f32 $1.442695020e+00, v28;
	v14 =	vmax.f32 v14, v15;
	(erf) = vpow2.f32 v30  }
0x5bf: {  	v21 =	vmul.f32 $1.442695020e+00, v56;
	v25 =	vsub.f32 v22, v35;
	(erf) = vpow2.f32 v55;
	v17 =	vpop (erf)  }
0x5c0: {  	v29 =	vsub.f32 v23, v38;
	(erf) = vpow2.f32 v28;
	v15 =	vpop (erf);
	v14 =	vmul.f32 v17, v14  }
0x5c1: {  	v25 =	vmul.f32 $1.442695020e+00, v25;
	v17 =	vsel vm0, $0x2, v2;
	(erf) = vpow2.f32 v12;
	v12 =	vpop (erf)  }
0x5c2: {  	vm0 =	vgt.f32 v10, v11;
	(erf) = vpow2.f32 v21;
	v19 =	vpop (erf);
	v10 =	vmul.f32 $1.500000000e+01, v14  }
0x5c3: {  	v13 =	vmul.f32 $1.442695020e+00, v29;
	v17 =	vsel vm0, $0x3, v17;
	v11 =	vpop (erf);
	(erf) = vpow2.f32 v57  }
0x5c4: {  	vm0 =	vgt.f32 v22, v48;
	v21 =	vsel vm1, $0x2, v2;
	v26 =	vpop (erf);
	v10 =	vtrunc.f32 v10  }
0x5c5: {  	vm1 =	vgt.f32 v16, v27;
	v18 =	vpop (erf);
	(erf) = vpow2.f32 v25;
	v10 =	vcvt.f32.s32 v10  }
0x5c6: {  	v16 =	vsel vm2, $0x2, v2;
	v12 =	vadd.f32 v12, v15;
	v27 =	vadd.f32 v11, v19;
	v25 =	vpop (erf)  }
0x5c7: {  	v19 =	vmax.f32 v15, v19;
	(erf) = vpow2.f32 v13;
	v28 =	vpop (erf);
	v15 =	vcvt.s32.f32 v10  }
0x5c8: {  	s8 =	sand.u32 $0xF80, s8;
	s4 =	simm.s32 $0x40;
	vm2 =	vgt.f32 v20, v24;
	v13 =	vadd.f32 v18, v26;
	v24 =	vmax.f32 v26, v25;
	v18 =	vpop (erf)  }
0x5c9: {  	s8 =	sadd.s32 $0xF800, s8;
	s9 =	sand.u32 $0x40, s4;
	s3 =	simm.s32 $0x200;
	v26 =	vsel vm1, $0x3, v21;
	v21 =	vadd.f32 v28, v25;
	v20 =	vpop (erf);
	v15 =	vmul.f32 $6.666667010e-02, v15  }
0x5ca: {  	s7 =	sor.u32 s7, s8;
	s5 =	sor.u32 $0x30, s9;
	s10 =	sand.u32 $0x7C00, s3;
	v12 =	vadd.f32 v27, v12;
	v25 =	vsel vm3, $0x3, v16;
	vm3 =	vgt.f32 v23, v50;
	v22 =	vpop (erf)  }
0x5cb: {  	s11 =	sor.u32 s5, s10;
	v31 =	vld [tilespmem:s7+$0x0];
	v20 =	vadd.f32 v20, v18;
	v13 =	vadd.f32 v21, v13;
	v23 =	vpop (erf);
	vm1 =	vle.f32 v14, v15  }
0x5cc: {  	v16 =	vld [tilespmem:s11+$0x100];
	v18 =	vmax.f32 v18, v22;
	v21 =	vadd.f32 v23, v22;
	v27 =	vpop (erf);
	v22 =	vsel vm1, $0xFFFFFFFF, v2  }
0x5cd: {  	v15 =	vld [tilespmem:s11+$0x0];
	vm1 =	vgt.f32 v14, $0.0e+00;
	v12 =	vadd.f32 v12, v27;
	v10 =	vadd.s32 v10, v22  }
0x5ce: {  	v27 =	vmax.f32 v11, v27;
	v11 =	vld [tilespmem:s11+$0x180];
	v22 =	vadd.f32 v21, v20;
	v29 =	vpop (erf);
	v20 =	vshll.u32 v10, $0x4  }
0x5cf: {  	s7 =	sor.u32 $0x20, s9;
	v10 =	vld [tilespmem:s11+$0x200];
	v9 =	vadd.f32 v13, v29;
	v21 =	vor.u32 v0, v20;
	v13 =	vsel vm4, $0x2, v2  }
0x5d0: {  	s1 =	sor.u32 s12, s8;
	s12 =	sor.u32 s7, s10;
	v30 =	vld [tilespmem:s11+$0x80];
	v8 =	vpop (erf);
	vm4 =	vgt.f32 v5, v7;
	v20 =	vadd.s32 v3, v20;
	(erf) = vrcp.f32 v12  }
0x5d1: {  	s6 =	sor.u32 s6, s8;
	v35 =	vld [tilespmem:s12+$0x200];
	v5 =	vadd.f32 v22, v8;
	v7 =	vsel vm4, $0x3, v13;
	vm4 =	vgt.f32 v4, v6  }
0x5d2: {  	v13 =	vmax.f32 v15, v16;
	v4 =	vmax.f32 v28, v29;
	v28 =	vld [tilespmem:s6+$0x0];
	s6 =	sor.u32 $0x10, s9;
	v8 =	vmax.f32 v23, v8  }
0x5d3: {  	v6 =	vld [tilespmem:s1+$0x0];
	v7 =	vsel vm4, $0x4, v7;
	(erf) = vrcp.f32 v9;
	s11 =	sor.u32 s6, s10;
	v12 =	vmax.f32 v13, v11  }
0x5d4: {  	v8 =	vmax.f32 v18, v8;
	(erf) = vrcp.f32 v5;
	v18 =	vld [tilespmem:s11+$0x0];
	v9 =	vmax.f32 v12, v10  }
0x5d5: {  	vm4 =	veq.s32 v7, v31;
	v7 =	vmax.f32 v19, v27;
	v27 =	vld [tilespmem:s11+$0x100];
	v5 =	vmax.f32 v9, v30  }
0x5d6: {  	v17 =	vsel vm2, $0x4, v17;
	s1 =	simm.s32 $0xF800;
	v4 =	vmax.f32 v24, v4;
	v24 =	vld [tilespmem:s12+$0x0];
	v19 =	vsub.f32 v15, v5  }
0x5d7: {  	v25 =	vsel vm3, $0x4, v25;
	v9 =	vld [tilespmem:s1+$0x0];
	v23 =	vsub.f32 v30, v5;
	v29 =	vsub.f32 v16, v5  }
0x5d8: {  	v22 =	vsel vm4, $0x3F800000, v1;
	[tilespmem:v21+s28+$0x0] =	vst.idx.add.f32.msk vm1, v14;
	v30 =	vsub.f32 v11, v5;
	v5 =	vsub.f32 v10, v5  }
0x5d9: {  	[tilespmem:v20+s28+$0x0] =	vst.idx.add.f32.msk vm1, v22;
	vm1 =	vgt.f32 v16, v15;
	v19 =	vmul.f32 $1.442695020e+00, v19;
	v23 =	vmul.f32 $1.442695020e+00, v23  }
0x5da: {  	s9 =	sor.u32 s9, s10;
	v31 =	vld [tilespmem:s12+$0x100];
	v29 =	vmul.f32 $1.442695020e+00, v29;
	v30 =	vmul.f32 $1.442695020e+00, v30;
	v33 =	vmax.f32 v18, v27  }
0x5db: {  	(erf) = vpow2.f32 v19;
	v19 =	vsel vm0, $0x4, v26;
	v26 =	vld [tilespmem:s9+$0x0];
	vm0 =	veq.s32 v17, v6  }
0x5dc: {  	vm2 =	veq.s32 v25, v9;
	v9 =	vpop (erf);
	v17 =	vld [tilespmem:s9+$0x100];
	(erf) = vpow2.f32 v23;
	vm3 =	veq.s32 v19, v28  }
0x5dd: {  	v25 =	vld [tilespmem:s12+$0x180];
	v6 =	vsel vm0, $0x3F800000, v1;
	v7 =	vmul.f32 v9, v7;
	v28 =	vmul.f32 $1.442695020e+00, v5  }
0x5de: {  	v23 =	vld [tilespmem:s11+$0x180];
	v5 =	vsel vm2, $0x3F800000, v1;
	vm2 =	vgt.f32 v27, v18;
	(erf) = vpow2.f32 v29  }
0x5df: {  	v32 =	vld [tilespmem:s11+$0x200];
	v9 =	vsel vm3, $0x3F800000, v1;
	v19 =	vpop (erf);
	(erf) = vpow2.f32 v30;
	v29 =	vmul.f32 $1.500000000e+01, v7  }
0x5e0: {  	v59 =	vld [tilespmem:s11+$0x80];
	vm3 =	vgt.f32 v31, v24;
	v4 =	vmul.f32 v19, v4;
	v19 =	vpop (erf);
	(erf) = vpow2.f32 v28  }
0x5e1: {  	v8 =	vmul.f32 v19, v8;
	v28 =	vtrunc.f32 v29;
	v29 =	vmax.f32 v24, v31  }
0x5e2: {  	v61 =	vld [tilespmem:s12+$0x80];
	v37 =	vmax.f32 v26, v17;
	vm4 =	vgt.f32 v17, v26;
	v30 =	vmul.f32 $1.500000000e+01, v4  }
0x5e3: {  	v38 =	vmax.f32 v33, v23;
	v41 =	vmax.f32 v29, v25;
	v43 =	vcvt.f32.s32 v28  }
0x5e4: {  	vm7 =	vgt.f32 v25, v29;
	v58 =	vmul.f32 $1.500000000e+01, v8;
	v45 =	vmax.f32 v38, v32  }
0x5e5: {  	v48 =	vmax.f32 v41, v35;
	v30 =	vtrunc.f32 v30;
	v45 =	vmax.f32 v45, v59;
	v60 =	vpop (erf)  }
0x5e6: {  	v49 =	vcvt.s32.f32 v43;
	v18 =	vsub.f32 v18, v45;
	v39 =	vsub.f32 v59, v45;
	v28 =	vpop (erf)  }
0x5e7: {  	v48 =	vmax.f32 v48, v61;
	v27 =	vsub.f32 v27, v45;
	v55 =	vsub.f32 v23, v45;
	v46 =	vpop (erf)  }
0x5e8: {  	v34 =	vtrunc.f32 v58;
	v56 =	vsub.f32 v24, v48;
	v44 =	vsub.f32 v61, v48;
	v50 =	vpop (erf)  }
0x5e9: {  	v19 =	vld [tilespmem:s9+$0x180];
	v30 =	vcvt.f32.s32 v30;
	v28 =	vadd.f32 v28, v60;
	v52 =	vadd.f32 v50, v46  }
0x5ea: {  	v36 =	vld [tilespmem:s9+$0x200];
	v57 =	vsub.f32 v31, v48;
	v34 =	vcvt.f32.s32 v34;
	v49 =	vmul.f32 $6.666667010e-02, v49  }
0x5eb: {  	v47 =	vld [tilespmem:s9+$0x80];
	v53 =	vcvt.s32.f32 v30;
	v18 =	vmul.f32 $1.442695020e+00, v18;
	v28 =	vadd.f32 v52, v28  }
0x5ec: {  	v45 =	vsub.f32 v32, v45;
	v39 =	vmul.f32 $1.442695020e+00, v39;
	v27 =	vmul.f32 $1.442695020e+00, v27;
	v62 =	vpop (erf)  }
0x5ed: {  	v55 =	vmul.f32 $1.442695020e+00, v55;
	v56 =	vmul.f32 $1.442695020e+00, v56;
	v28 =	vadd.f32 v28, v62  }
0x5ee: {  	v42 =	vmax.f32 v37, v19;
	v44 =	vmul.f32 $1.442695020e+00, v44;
	v31 =	vmul.f32 $1.442695020e+00, v57  }
0x5ef: {  	v51 =	vmax.f32 v42, v36;
	v45 =	vmul.f32 $1.442695020e+00, v45;
	(erf) = vrcp.f32 v28  }
0x5f0: {  	v54 =	vcvt.s32.f32 v34;
	v51 =	vmax.f32 v51, v47;
	(erf) = vpow2.f32 v18  }
0x5f1: {  	v47 =	vsub.f32 v47, v51;
	v24 =	vsub.f32 v17, v51;
	(erf) = vpow2.f32 v39  }
0x5f2: {  	v17 =	vmul.f32 $6.666667010e-02, v53;
	v18 =	vsub.f32 v26, v51;
	(erf) = vpow2.f32 v27  }
0x5f3: {  	v54 =	vmul.f32 $6.666667010e-02, v54;
	v28 =	vsub.f32 v25, v48;
	(erf) = vpow2.f32 v55  }
0x5f4: {  	v63 =	vsub.f32 v19, v51;
	v18 =	vmul.f32 $1.442695020e+00, v18;
	(erf) = vpow2.f32 v56  }
0x5f5: {  	vm6 =	vle.f32 v4, v17;
	v28 =	vmul.f32 $1.442695020e+00, v28;
	(erf) = vpow2.f32 v44  }
0x5f6: {  	v17 =	vmax.f32 v60, v46;
	v27 =	vsel vm2, $0x2, v2;
	(erf) = vpow2.f32 v31  }
0x5f7: {  	vm2 =	vgt.f32 v23, v33;
	v23 =	vmax.f32 v50, v62;
	(erf) = vpow2.f32 v28  }
0x5f8: {  	v47 =	vmul.f32 $1.442695020e+00, v47;
	v17 =	vmax.f32 v17, v23;
	(erf) = vpow2.f32 v18;
	v18 =	vpop (erf)  }
0x5f9: {  	vm5 =	vle.f32 v7, v49;
	v24 =	vmul.f32 $1.442695020e+00, v24;
	v17 =	vmul.f32 v18, v17  }
0x5fa: {  	v51 =	vsub.f32 v36, v51;
	v39 =	vmul.f32 $1.442695020e+00, v63;
	(erf) = vpow2.f32 v47  }
0x5fb: {  	v48 =	vsub.f32 v35, v48;
	v18 =	vpop (erf);
	(erf) = vpow2.f32 v24;
	v24 =	vmul.f32 $1.500000000e+01, v17  }
0x5fc: {  	v25 =	vsel vm5, $0xFFFFFFFF, v2;
	vm5 =	vgt.f32 v19, v37;
	v26 =	vmul.f32 $1.442695020e+00, v51;
	v19 =	vpop (erf)  }
0x5fd: {  	vm0 =	vgt.f32 v7, $0.0e+00;
	v48 =	vmul.f32 $1.442695020e+00, v48;
	(erf) = vpow2.f32 v39;
	v28 =	vpop (erf)  }
0x5fe: {  	v19 =	vadd.f32 v19, v18;
	v23 =	vmax.f32 v18, v28;
	v56 =	vpop (erf);
	(erf) = vpow2.f32 v45  }
0x5ff: {  	v28 =	vadd.f32 v56, v28;
	v18 =	vtrunc.f32 v24;
	(erf) = vpow2.f32 v48;
	v24 =	vpop (erf)  }
0x600: {  	v57 =	vsel vm6, $0xFFFFFFFF, v2;
	v58 =	vcvt.f32.s32 v18;
	(erf) = vpow2.f32 v26;
	v26 =	vpop (erf)  }
0x601: {  	v55 =	vsel vm3, $0x2, v2;
	vm3 =	vle.f32 v8, v54;
	v18 =	vsel vm2, $0x3, v27;
	v29 =	vpop (erf)  }
0x602: {  	v26 =	vadd.f32 v26, v24;
	v27 =	vmax.f32 v24, v29;
	v24 =	vcvt.s32.f32 v58  }
0x603: {  	v25 =	vadd.s32 v43, v25;
	v59 =	vsel vm3, $0xFFFFFFFF, v2;
	v60 =	vadd.f32 v28, v19;
	v28 =	vpop (erf)  }
0x604: {  	vm3 =	vgt.f32 v36, v42;
	v22 =	vadd.s32 v34, v59;
	v29 =	vadd.f32 v28, v29  }
0x605: {  	v31 =	vsel vm4, $0x2, v2;
	vm4 =	vgt.f32 v32, v38;
	v61 =	vpop (erf);
	v14 =	vmul.f32 $6.666667010e-02, v24  }
0x606: {  	v21 =	vsel vm5, $0x3, v31;
	vm2 =	vgt.f32 v35, v41;
	v19 =	vsel vm7, $0x3, v55;
	v24 =	vpop (erf)  }
0x607: {  	s4 =	sand.u32 $0xF80, s4;
	v62 =	vadd.f32 v29, v26;
	vm5 =	vle.f32 v17, v14;
	v31 =	vadd.f32 v24, v61;
	v63 =	vpop (erf)  }
0x608: {  	s11 =	sadd.s32 $0xF800, s4;
	v24 =	vadd.s32 v30, v57;
	v20 =	vsel vm5, $0xFFFFFFFF, v2;
	vm5 =	vgt.f32 v17, $0.0e+00;
	v29 =	vpop (erf)  }
0x609: {  	s12 =	sor.u32 s6, s11;
	v26 =	vmax.f32 v61, v63;
	v20 =	vadd.s32 v58, v20;
	v14 =	vadd.f32 v29, v63;
	v30 =	vpop (erf)  }
0x60a: {  	s4 =	sor.u32 s5, s11;
	v37 =	vshll.u32 v20, $0x4;
	v20 =	vld [tilespmem:s12+$0x0];
	v32 =	vadd.f32 v60, v30;
	v30 =	vmax.f32 v56, v30;
	v33 =	vpop (erf)  }
0x60b: {  	s7 =	sor.u32 s7, s11;
	s5 =	simm.s32 $0x80;
	v15 =	vor.u32 v0, v37;
	v36 =	vadd.f32 v14, v31;
	v31 =	vld [tilespmem:s4+$0x0];
	s4 =	simm.s32 $0x4;
	v34 =	vpop (erf);
	v35 =	vadd.f32 v62, v33  }
.LBB2_14:
0x60c: {  	v14 =	vsel vm1, $0x2, v2  }
0x60d: {  	s9 =	sand.u32 $0x40, s5;
	v16 =	vld [tilespmem:s7+$0x0];
	vm6 =	vgt.f32 v11, v13;
	v11 =	vadd.s32 v3, v37;
	s3 =	sadd.s32 $0x200, s3;
	s1 =	sadd.s32 $0x40, s1;
	vm1 =	vmmov vm0  }
0x60e: {  	v13 =	vadd.f32 v36, v34;
	vm0 =	vgt.f32 v10, v12;
	s11 =	sand.u32 $0x7C00, s3;
	s7 =	sor.u32 $0x10, s9;
	s6 =	sor.u32 $0x30, s9;
	v14 =	vsel vm6, $0x3, v14  }
0x60f: {  	v10 =	vmax.f32 v28, v33;
	s8 =	sor.u32 $0x20, s9;
	s10 =	sor.u32 s7, s11;
	s12 =	sor.u32 s6, s11;
	v12 =	vld [tilespmem:s1+$0x0];
	v28 =	vsel vm0, $0x4, v14;
	(erf) = vrcp.f32 v32  }
0x610: {  	v29 =	vmax.f32 v29, v34;
	s9 =	sor.u32 s9, s11;
	s11 =	sor.u32 s8, s11;
	v14 =	vld [tilespmem:s12+$0x0];
	vm0 =	veq.s32 v28, v31;
	(erf) = vrcp.f32 v35  }
0x611: {  	v28 =	vmax.f32 v23, v30;
	v23 =	vsel vm0, $0x3F800000, v1;
	[tilespmem:v15+s28+$0x0] =	vst.idx.add.f32.msk vm5, v17;
	(erf) = vrcp.f32 v13  }
0x612: {  	v17 =	vmax.f32 v26, v29;
	v13 =	vsel vm4, $0x4, v18;
	v18 =	vmax.f32 v27, v10;
	[tilespmem:v11+s28+$0x0] =	vst.idx.add.f32.msk vm5, v23  }
0x613: {  	v21 =	vsel vm3, $0x4, v21;
	v19 =	vsel vm2, $0x4, v19;
	v23 =	vshll.u32 v25, $0x4;
	v15 =	vld [tilespmem:s12+$0x100]  }
0x614: {  	s4 =	sadd.s32 $0x4, s4;
	vm0 =	veq.s32 v13, v20;
	v13 =	vshll.u32 v22, $0x4;
	v20 =	vshll.u32 v24, $0x4;
	v11 =	vld [tilespmem:s12+$0x180]  }
0x615: {  	p2 =	slt.u32 s4, $0xF4;
	vm5 =	veq.s32 v19, v16;
	v35 =	vor.u32 v0, v23;
	vm2 =	veq.s32 v21, v12;
	v10 =	vld [tilespmem:s12+$0x200]  }
0x616: {  	v36 =	vadd.s32 v3, v23;
	v37 =	vor.u32 v0, v20;
	v38 =	vadd.s32 v3, v20;
	v16 =	vld [tilespmem:s12+$0x80]  }
0x617: {  	vm4 =	vgt.f32 v4, $0.0e+00;
	v40 =	vor.u32 v0, v13;
	v41 =	vadd.s32 v3, v13;
	v39 =	vld [tilespmem:s10+$0x0]  }
0x618: {  	vm3 =	vgt.f32 v8, $0.0e+00;
	v43 =	vsel vm0, $0x3F800000, v1;
	v42 =	vld [tilespmem:s10+$0x100];
	v13 =	vmax.f32 v14, v15;
	v19 =	vpop (erf)  }
0x619: {  	v45 =	vsel vm5, $0x3F800000, v1;
	v23 =	vld [tilespmem:s11+$0x0];
	v12 =	vmax.f32 v13, v11;
	v44 =	vmul.f32 v19, v28;
	v19 =	vpop (erf)  }
0x61a: {  	v46 =	vsel vm2, $0x3F800000, v1;
	v31 =	vld [tilespmem:s11+$0x100];
	v20 =	vmax.f32 v12, v10;
	v47 =	vmul.f32 v19, v18;
	v18 =	vpop (erf)  }
0x61b: {  	v33 =	vld [tilespmem:s9+$0x0];
	v22 =	vmax.f32 v20, v16;
	v48 =	vmul.f32 v18, v17;
	v18 =	vmul.f32 $1.500000000e+01, v44  }
0x61c: {  	vm0 =	vgt.f32 v44, $0.0e+00;
	v34 =	vld [tilespmem:s9+$0x100];
	v19 =	vsub.f32 v14, v22;
	v21 =	vmul.f32 $1.500000000e+01, v47  }
0x61d: {  	v16 =	vsub.f32 v16, v22;
	v30 =	vld [tilespmem:s10+$0x180];
	v32 =	vmax.f32 v39, v42;
	v24 =	vmul.f32 $1.500000000e+01, v48  }
0x61e: {  	v25 =	vsub.f32 v15, v22;
	v49 =	vtrunc.f32 v18;
	v17 =	vld [tilespmem:s11+$0x180];
	v20 =	vmul.f32 $1.442695020e+00, v19  }
0x61f: {  	v26 =	vsub.f32 v11, v22;
	v16 =	vmul.f32 $1.442695020e+00, v16;
	v18 =	vld [tilespmem:s9+$0x180];
	v29 =	vmax.f32 v23, v31  }
0x620: {  	vm2 =	vgt.f32 v42, v39;
	v25 =	vmul.f32 $1.442695020e+00, v25;
	v19 =	vld [tilespmem:s10+$0x200];
	(erf) = vpow2.f32 v20  }
0x621: {  	v26 =	vmul.f32 $1.442695020e+00, v26;
	v28 =	vmax.f32 v33, v34;
	v20 =	vld [tilespmem:s11+$0x200];
	(erf) = vpow2.f32 v16  }
0x622: {  	v50 =	vtrunc.f32 v21;
	v16 =	vld [tilespmem:s9+$0x200];
	v27 =	vmax.f32 v32, v30;
	(erf) = vpow2.f32 v25  }
0x623: {  	v22 =	vsub.f32 v10, v22;
	v51 =	vld [tilespmem:s10+$0x80];
	v21 =	vmax.f32 v29, v17;
	(erf) = vpow2.f32 v26  }
0x624: {  	v53 =	vtrunc.f32 v24;
	v25 =	vcvt.f32.s32 v49;
	v26 =	vmax.f32 v28, v18;
	v52 =	vld [tilespmem:s11+$0x80]  }
0x625: {  	v55 =	vmul.f32 $1.442695020e+00, v22;
	v24 =	vcvt.f32.s32 v50;
	v49 =	vld [tilespmem:s9+$0x80];
	v54 =	vmax.f32 v27, v19  }
0x626: {  	v22 =	vcvt.f32.s32 v53;
	v53 =	vcvt.s32.f32 v25;
	v50 =	vmax.f32 v21, v20;
	[tilespmem:v35+s28+$0x0] =	vst.idx.add.f32.msk vm1, v7;
	v7 =	vmovc v44  }
0x627: {  	v44 =	vcvt.s32.f32 v24;
	v35 =	vmax.f32 v26, v16;
	(erf) = vpow2.f32 v55;
	[tilespmem:v36+s28+$0x0] =	vst.idx.add.f32.msk vm1, v6;
	v6 =	vmovc v43  }
0x628: {  	v53 =	vmul.f32 $6.666667010e-02, v53;
	v43 =	vcvt.s32.f32 v22;
	v36 =	vmax.f32 v54, v51;
	[tilespmem:v37+s28+$0x0] =	vst.idx.add.f32.msk vm4, v4;
	v4 =	vmovc v47  }
0x629: {  	v37 =	vsub.f32 v39, v36;
	v39 =	vsub.f32 v51, v36;
	v47 =	vmax.f32 v50, v52;
	v50 =	vpop (erf)  }
0x62a: {  	v42 =	vsub.f32 v42, v36;
	v51 =	vsub.f32 v30, v36;
	v35 =	vmax.f32 v35, v49;
	v54 =	vpop (erf)  }
0x62b: {  	v55 =	vsub.f32 v23, v47;
	v52 =	vsub.f32 v52, v47;
	v37 =	vmul.f32 $1.442695020e+00, v37;
	v56 =	vpop (erf);
	[tilespmem:v38+s28+$0x0] =	vst.idx.add.f32.msk vm4, v9  }
0x62c: {  	v57 =	vsub.f32 v17, v47;
	v38 =	vmul.f32 $1.442695020e+00, v39;
	v39 =	vsub.f32 v31, v47;
	v58 =	vpop (erf);
	[tilespmem:v40+s28+$0x0] =	vst.idx.add.f32.msk vm3, v8  }
0x62d: {  	v59 =	vadd.f32 v54, v50;
	v40 =	vmul.f32 $1.442695020e+00, v42;
	v42 =	vadd.f32 v58, v56;
	[tilespmem:v41+s28+$0x0] =	vst.idx.add.f32.msk vm3, v5  }
0x62e: {  	v49 =	vsub.f32 v49, v35;
	v51 =	vmul.f32 $1.442695020e+00, v51;
	v9 =	vmovc v45;
	v41 =	vsub.f32 v33, v35;
	v5 =	vmovc v46  }
0x62f: {  	v45 =	vsub.f32 v34, v35;
	v8 =	vmovc v48;
	v46 =	vmul.f32 $1.442695020e+00, v55;
	v42 =	vadd.f32 v42, v59  }
0x630: {  	v48 =	vsub.f32 v18, v35;
	v52 =	vmul.f32 $1.442695020e+00, v52;
	v39 =	vmul.f32 $1.442695020e+00, v39;
	v54 =	vpop (erf)  }
0x631: {  	v55 =	vmul.f32 $1.442695020e+00, v57;
	v41 =	vmul.f32 $1.442695020e+00, v41;
	v42 =	vadd.f32 v42, v54  }
0x632: {  	v36 =	vsub.f32 v19, v36;
	v49 =	vmul.f32 $1.442695020e+00, v49;
	v45 =	vmul.f32 $1.442695020e+00, v45  }
0x633: {  	v47 =	vsub.f32 v20, v47;
	v48 =	vmul.f32 $1.442695020e+00, v48;
	(erf) = vrcp.f32 v42  }
0x634: {  	v36 =	vmul.f32 $1.442695020e+00, v36;
	v35 =	vsub.f32 v16, v35;
	(erf) = vpow2.f32 v37  }
0x635: {  	vm3 =	vgt.f32 v31, v23;
	v31 =	vmul.f32 $1.442695020e+00, v47;
	(erf) = vpow2.f32 v38  }
0x636: {  	vm6 =	vgt.f32 v34, v33;
	v33 =	vmul.f32 $1.442695020e+00, v35;
	(erf) = vpow2.f32 v40  }
0x637: {  	vm7 =	vle.f32 v7, v53;
	v23 =	vmul.f32 $6.666667010e-02, v44;
	(erf) = vpow2.f32 v51  }
0x638: {  	v34 =	vsel vm2, $0x2, v2;
	v35 =	vmul.f32 $6.666667010e-02, v43;
	(erf) = vpow2.f32 v46  }
0x639: {  	vm1 =	vgt.f32 v30, v32;
	vm5 =	vle.f32 v4, v23;
	(erf) = vpow2.f32 v52  }
0x63a: {  	v30 =	vsel vm3, $0x2, v2;
	vm4 =	vle.f32 v8, v35;
	(erf) = vpow2.f32 v39  }
0x63b: {  	v35 =	vmax.f32 v50, v56;
	v32 =	vmax.f32 v58, v54;
	(erf) = vpow2.f32 v55  }
0x63c: {  	vm2 =	vgt.f32 v17, v29;
	v17 =	vmax.f32 v35, v32;
	(erf) = vpow2.f32 v41;
	v23 =	vpop (erf)  }
0x63d: {  	v29 =	vsel vm6, $0x2, v2;
	v17 =	vmul.f32 v23, v17;
	(erf) = vpow2.f32 v49;
	v23 =	vpop (erf)  }
0x63e: {  	vm3 =	vgt.f32 v18, v28;
	v32 =	vsel vm7, $0xFFFFFFFF, v2;
	(erf) = vpow2.f32 v45;
	v18 =	vpop (erf)  }
0x63f: {  	v28 =	vadd.f32 v18, v23;
	v18 =	vmul.f32 $1.500000000e+01, v17;
	(erf) = vpow2.f32 v48;
	v35 =	vpop (erf)  }
0x640: {  	v23 =	vmax.f32 v23, v35;
	v37 =	vpop (erf);
	(erf) = vpow2.f32 v36;
	v36 =	vsel vm5, $0xFFFFFFFF, v2  }
0x641: {  	v40 =	vadd.f32 v37, v35;
	v18 =	vtrunc.f32 v18;
	v38 =	vpop (erf);
	(erf) = vpow2.f32 v31  }
0x642: {  	v39 =	vsel vm4, $0xFFFFFFFF, v2;
	v31 =	vcvt.f32.s32 v18;
	(erf) = vpow2.f32 v33;
	v33 =	vpop (erf)  }
0x643: {  	v18 =	vsel vm1, $0x3, v34;
	v34 =	vadd.f32 v40, v28;
	v33 =	vadd.f32 v33, v38;
	v35 =	vpop (erf)  }
0x644: {  	vm4 =	vgt.f32 v19, v27;
	v27 =	vmax.f32 v38, v35;
	v38 =	vcvt.s32.f32 v31;
	v28 =	vpop (erf)  }
0x645: {  	v19 =	vsel vm2, $0x3, v30;
	vm2 =	vgt.f32 v20, v21;
	v40 =	vadd.f32 v28, v35;
	v30 =	vpop (erf)  }
0x646: {  	v21 =	vsel vm3, $0x3, v29;
	vm3 =	vgt.f32 v16, v26;
	v16 =	vmul.f32 $6.666667010e-02, v38;
	v26 =	vpop (erf)  }
0x647: {  	v25 =	vadd.s32 v25, v32;
	v35 =	vadd.f32 v26, v30;
	v38 =	vadd.f32 v40, v33;
	v20 =	vpop (erf)  }
.Ltmp8:
0x648: {  	s9 =	sand.u32 $0xF80, s5;
	v24 =	vadd.s32 v24, v36;
	v26 =	vmax.f32 v30, v20;
	vm1 =	vle.f32 v17, v16;
	v29 =	vpop (erf);
	(pc) =	sbr.rel @p2 .LBB2_14-.Ltmp8, $4  }
0x649: {  	s9 =	sadd.s32 $0xF800, s9;
	v22 =	vadd.s32 v22, v39;
	v16 =	vadd.f32 v29, v20;
	v20 =	vsel vm1, $0xFFFFFFFF, v2;
	v30 =	vpop (erf)  }
0x64a: {  	s10 =	sor.u32 s7, s9;
	s7 =	sor.u32 s8, s9;
	s6 =	sor.u32 s6, s9;
	v32 =	vadd.f32 v34, v30;
	v30 =	vmax.f32 v37, v30;
	v20 =	vadd.s32 v31, v20;
	v33 =	vpop (erf)  }
0x64b: {  	vm5 =	vgt.f32 v17, $0.0e+00;
	v36 =	vadd.f32 v16, v35;
	v31 =	vld [tilespmem:s6+$0x0];
	v37 =	vshll.u32 v20, $0x4;
	v34 =	vpop (erf)  }
0x64c: {  	s5 =	sadd.s32 $0x40, s5;
	vm1 =	vgt.f32 v15, v14;
	v35 =	vadd.f32 v38, v33;
	v20 =	vld [tilespmem:s10+$0x0];
	v15 =	vor.u32 v0, v37  }
0x64d: {  	v14 =	vadd.f32 v36, v34;
	(erf) = vrcp.f32 v32  }
0x64e: {  	(erf) = vrcp.f32 v35  }
0x64f: {  	(erf) = vrcp.f32 v14;
	_ =	sdelay $0x4  }
0x650: {  	v62 =	vsel vm1, $0x2, v2  }
0x651: {  	vm13 =	vgt.f32 v11, v13;
	v63 =	vadd.s32 v3, v37;
	vm14 =	vgt.f32 v10, v12  }
0x652: {  	v28 =	vmax.f32 v28, v33;
	v32 =	vmax.f32 v23, v30;
	v16 =	vmax.f32 v29, v34;
	v33 =	vpop (erf)  }
0x653: {  	vm0 =	vmmov vm0;
	v10 =	vmax.f32 v27, v28;
	v12 =	vmul.f32 v33, v32;
	v34 =	vpop (erf)  }
0x654: {  	v25 =	vshll.u32 v25, $0x4;
	v16 =	vmax.f32 v26, v16;
	v10 =	vmul.f32 v34, v10;
	v35 =	vpop (erf)  }
0x655: {  	v22 =	vshll.u32 v22, $0x4;
	v36 =	vmul.f32 v35, v16;
	v37 =	vmul.f32 $1.500000000e+01, v12  }
0x656: {  	v24 =	vshll.u32 v24, $0x4;
	vm15 =	vgt.f32 v4, $0.0e+00;
	v39 =	vmul.f32 $1.500000000e+01, v10  }
0x657: {  	vm9 =	vgt.f32 v8, $0.0e+00;
	v40 =	vmul.f32 $1.500000000e+01, v36;
	v14 =	vtrunc.f32 v37  }
0x658: {  	v13 =	vsel vm13, $0x3, v62;
	v23 =	vtrunc.f32 v39;
	v14 =	vcvt.f32.s32 v14  }
0x659: {  	v41 =	vor.u32 v0, v25;
	v25 =	vadd.s32 v3, v25;
	v23 =	vcvt.f32.s32 v23  }
0x65a: {  	v43 =	vor.u32 v0, v24;
	v26 =	vtrunc.f32 v40;
	v42 =	vcvt.s32.f32 v14  }
0x65b: {  	v24 =	vadd.s32 v3, v24;
	v13 =	vsel vm14, $0x4, v13;
	v26 =	vcvt.f32.s32 v26  }
0x65c: {  	vm1 =	veq.s32 v13, v31;
	v44 =	vcvt.s32.f32 v23;
	v28 =	vmul.f32 $6.666667010e-02, v42  }
0x65d: {  	[tilespmem:v15+s28+$0x0] =	vst.idx.add.f32.msk vm5, v17;
	v45 =	vor.u32 v0, v22;
	v48 =	vadd.s32 v3, v22;
	v38 =	vsel vm1, $0x3F800000, v1  }
0x65e: {  	v49 =	vld [tilespmem:s7+$0x0];
	v46 =	vcvt.s32.f32 v26;
	v47 =	vmul.f32 $6.666667010e-02, v44;
	vm6 =	vle.f32 v12, v28  }
0x65f: {  	[tilespmem:v63+s28+$0x0] =	vst.idx.add.f32.msk vm5, v38;
	vm11 =	vgt.f32 v12, $0.0e+00;
	vm13 =	vgt.f32 v10, $0.0e+00;
	v50 =	vsel vm6, $0xFFFFFFFF, v2  }
0x660: {  	[tilespmem:v41+s28+$0x0] =	vst.idx.add.f32.msk vm0, v7;
	v15 =	vmul.f32 $6.666667010e-02, v46;
	vm10 =	vle.f32 v10, v47;
	v51 =	vadd.s32 v14, v50  }
0x661: {  	s1 =	sadd.s32 $0x40, s1;
	[tilespmem:v43+s28+$0x0] =	vst.idx.add.f32.msk vm15, v4;
	vm6 =	vmmov vm11;
	v17 =	vsel vm10, $0xFFFFFFFF, v2;
	v52 =	vshll.u32 v51, $0x4  }
0x662: {  	v53 =	vld [tilespmem:s1+$0x0];
	vm12 =	vle.f32 v36, v15;
	v55 =	vadd.s32 v23, v17;
	v56 =	vor.u32 v0, v52  }
0x663: {  	[tilespmem:v25+s28+$0x0] =	vst.idx.add.f32.msk vm0, v6;
	v54 =	vsel vm12, $0xFFFFFFFF, v2;
	v4 =	vshll.u32 v55, $0x4;
	v6 =	vadd.s32 v3, v52  }
0x664: {  	v57 =	vsel vm4, $0x4, v18;
	[tilespmem:v45+s28+$0x0] =	vst.idx.add.f32.msk vm9, v8;
	v58 =	vadd.s32 v26, v54;
	v59 =	vor.u32 v0, v4  }
0x665: {  	[tilespmem:v24+s28+$0x0] =	vst.idx.add.f32.msk vm15, v9;
	vm14 =	vgt.f32 v36, $0.0e+00;
	v60 =	vshll.u32 v58, $0x4;
	v4 =	vadd.s32 v3, v4  }
0x666: {  	vm4 =	veq.s32 v57, v20;
	[tilespmem:v48+s28+$0x0] =	vst.idx.add.f32.msk vm9, v5;
	v5 =	vor.u32 v0, v60  }
0x667: {  	v61 =	vsel vm2, $0x4, v19;
	v62 =	vsel vm4, $0x3F800000, v1;
	v8 =	vadd.s32 v3, v60;
	[tilespmem:v56+s28+$0x0] =	vst.idx.add.f32.msk vm6, v12  }
.Ltmp9:
0x668: {  	vm2 =	veq.s32 v61, v49;
	[tilespmem:v6+s28+$0x0] =	vst.idx.add.f32.msk vm6, v62;
	(pc) =	sbr.rel @p1 .LBB2_19-.Ltmp9, $4  }
0x669: {  	v63 =	vsel vm3, $0x4, v21;
	v9 =	vsel vm2, $0x3F800000, v1;
	[tilespmem:v59+s28+$0x0] =	vst.idx.add.f32.msk vm13, v10  }
0x66a: {  	vm15 =	veq.s32 v63, v53;
	[tilespmem:v4+s28+$0x0] =	vst.idx.add.f32.msk vm13, v9  }
0x66b: {  	v4 =	vsel vm15, $0x3F800000, v1;
	[tilespmem:v5+s28+$0x0] =	vst.idx.add.f32.msk vm14, v36  }
0x66c: {  	[tilespmem:v8+s28+$0x0] =	vst.idx.add.f32.msk vm14, v4  }
0x66d: {  	_ =	swait.ge [sflag:s29], $0x7C00  }
0x66e: {  	[sflag:s29] =	ssyncset.done $0x0  }
0x66f: {  	s7 =	simm.s32 $0x0;
	[sflag:s29] =	ssyncadd.s32 $0xFFFF8400  }
0x670: {  	s3 =	sand.u32 $0x40, s7;
	s1 =	sand.u32 $0x7C00, s7;
	_ =	swait.ge [sflag:s30], $0xF80  }
0x671: {  	s4 =	sadd.s32 $0x7C00, s1;
	s5 =	sor.u32 $0x30, s3;
	[sflag:s30] =	ssyncset.done $0x0  }
0x672: {  	s1 =	sor.u32 s5, s4;
	[sflag:s30] =	ssyncadd.s32 $0xFFFFF080  }
0x673: {  	v8 =	vld [tilespmem:s1+$0x0]  }
0x674: {  	v9 =	vld [tilespmem:s1+$0x100]  }
0x675: {  	v5 =	vld [tilespmem:s1+$0x180]  }
0x676: {  	v4 =	vld [tilespmem:s1+$0x200]  }
0x677: {  	v10 =	vld [tilespmem:s1+$0x80];
	_ =	sdelay $0x1  }
0x678: {  	v7 =	vmax.f32 v8, v9  }
0x679: {  	v6 =	vmax.f32 v7, v5  }
0x67a: {  	v11 =	vmax.f32 v6, v4  }
0x67b: {  	v11 =	vmax.f32 v11, v10  }
0x67c: {  	s8 =	sor.u32 s3, s4;
	v13 =	vsub.f32 v8, v11  }
0x67d: {  	s12 =	sor.u32 $0x10, s3;
	v12 =	vld [tilespmem:s8+$0x0];
	v10 =	vsub.f32 v10, v11  }
0x67e: {  	s9 =	sor.u32 s12, s4;
	v14 =	vld [tilespmem:s8+$0x100];
	v16 =	vsub.f32 v9, v11;
	v13 =	vmul.f32 $1.442695020e+00, v13  }
0x67f: {  	s6 =	sor.u32 $0x20, s3;
	v15 =	vld [tilespmem:s9+$0x0];
	v18 =	vsub.f32 v5, v11;
	v10 =	vmul.f32 $1.442695020e+00, v10  }
0x680: {  	s3 =	sor.u32 s6, s4;
	v17 =	vld [tilespmem:s9+$0x100];
	v16 =	vmul.f32 $1.442695020e+00, v16;
	(erf) = vpow2.f32 v13  }
0x681: {  	v19 =	vld [tilespmem:s3+$0x0];
	v18 =	vmul.f32 $1.442695020e+00, v18;
	(erf) = vpow2.f32 v10  }
0x682: {  	v20 =	vld [tilespmem:s8+$0x200];
	(erf) = vpow2.f32 v16  }
0x683: {  	v21 =	vld [tilespmem:s8+$0x80];
	v11 =	vsub.f32 v4, v11;
	(erf) = vpow2.f32 v18  }
0x684: {  	v10 =	vld [tilespmem:s8+$0x180]  }
0x685: {  	v11 =	vmul.f32 $1.442695020e+00, v11;
	v13 =	vld [tilespmem:s3+$0x100]  }
0x686: {  	v16 =	vld [tilespmem:s9+$0x180]  }
0x687: {  	v18 =	vld [tilespmem:s3+$0x180];
	(erf) = vpow2.f32 v11  }
0x688: {  	v22 =	vld [tilespmem:s9+$0x200];
	v27 =	vmax.f32 v15, v17;
	v11 =	vmax.f32 v12, v14  }
0x689: {  	v23 =	vld [tilespmem:s3+$0x200];
	vm0 =	vgt.f32 v14, v12;
	vm1 =	vgt.f32 v17, v15;
	v24 =	vmax.f32 v11, v10;
	v26 =	vpop (erf)  }
0x68a: {  	v25 =	vld [tilespmem:s9+$0x80];
	vm4 =	vgt.f32 v9, v8;
	v31 =	vmax.f32 v19, v13;
	v28 =	vmax.f32 v24, v20;
	v30 =	vpop (erf)  }
0x68b: {  	v29 =	vld [tilespmem:s3+$0x80];
	vm2 =	vgt.f32 v13, v19;
	v32 =	vmax.f32 v27, v16;
	v28 =	vmax.f32 v28, v21;
	v33 =	vpop (erf)  }
0x68c: {  	v34 =	vmax.f32 v31, v18;
	v36 =	vsub.f32 v12, v28;
	v21 =	vsub.f32 v21, v28;
	v37 =	vpop (erf)  }
0x68d: {  	v35 =	vmax.f32 v32, v22;
	v30 =	vadd.f32 v30, v26;
	v39 =	vadd.f32 v37, v33  }
0x68e: {  	v38 =	vmax.f32 v34, v23;
	v40 =	vsub.f32 v14, v28;
	v41 =	vsub.f32 v10, v28  }
0x68f: {  	v35 =	vmax.f32 v35, v25;
	v28 =	vsub.f32 v20, v28;
	v30 =	vadd.f32 v39, v30  }
0x690: {  	v38 =	vmax.f32 v38, v29;
	v54 =	vsub.f32 v15, v35;
	v25 =	vsub.f32 v25, v35;
	v42 =	vpop (erf)  }
0x691: {  	v36 =	vmul.f32 $1.442695020e+00, v36;
	v21 =	vmul.f32 $1.442695020e+00, v21;
	v30 =	vadd.f32 v30, v42  }
0x692: {  	v43 =	vsub.f32 v17, v35;
	v40 =	vmul.f32 $1.442695020e+00, v40;
	v41 =	vmul.f32 $1.442695020e+00, v41  }
0x693: {  	v44 =	vsub.f32 v16, v35;
	v25 =	vmul.f32 $1.442695020e+00, v25;
	(erf) = vrcp.f32 v30  }
0x694: {  	v14 =	vsub.f32 v22, v35;
	v43 =	vmul.f32 $1.442695020e+00, v43;
	(erf) = vpow2.f32 v36  }
0x695: {  	v29 =	vsub.f32 v29, v38;
	v55 =	vmul.f32 $1.442695020e+00, v44;
	(erf) = vpow2.f32 v21  }
0x696: {  	v56 =	vsub.f32 v18, v38;
	v39 =	vmul.f32 $1.442695020e+00, v54;
	(erf) = vpow2.f32 v40  }
0x697: {  	v29 =	vmul.f32 $1.442695020e+00, v29;
	v30 =	vsub.f32 v19, v38;
	(erf) = vpow2.f32 v41  }
0x698: {  	v12 =	vmul.f32 $1.442695020e+00, v56;
	v21 =	vsub.f32 v13, v38;
	(erf) = vpow2.f32 v39  }
0x699: {  	v15 =	vmax.f32 v26, v33;
	v30 =	vmul.f32 $1.442695020e+00, v30;
	(erf) = vpow2.f32 v25  }
0x69a: {  	v17 =	vmax.f32 v37, v42;
	v21 =	vmul.f32 $1.442695020e+00, v21;
	(erf) = vpow2.f32 v43  }
0x69b: {  	v25 =	vmul.f32 $1.442695020e+00, v28;
	v28 =	vsub.f32 v23, v38;
	(erf) = vpow2.f32 v55  }
0x69c: {  	(erf) = vpow2.f32 v30;
	v26 =	vpop (erf);
	v30 =	vmul.f32 $1.442695020e+00, v14;
	v14 =	vmax.f32 v15, v17  }
0x69d: {  	vm3 =	vgt.f32 v20, v24;
	v15 =	vpop (erf);
	(erf) = vpow2.f32 v29;
	v14 =	vmul.f32 v26, v14  }
0x69e: {  	v19 =	vsel vm0, $0x2, v2;
	v17 =	vmul.f32 $1.442695020e+00, v28;
	v13 =	vpop (erf);
	(erf) = vpow2.f32 v21  }
0x69f: {  	vm0 =	vgt.f32 v10, v11;
	v21 =	vpop (erf);
	(erf) = vpow2.f32 v12;
	v10 =	vmul.f32 $1.500000000e+01, v14  }
0x6a0: {  	v12 =	vsel vm1, $0x2, v2;
	vm1 =	vgt.f32 v16, v27;
	v16 =	vsel vm2, $0x2, v2  }
0x6a1: {  	vm2 =	vgt.f32 v18, v31;
	v11 =	vpop (erf);
	(erf) = vpow2.f32 v25;
	v10 =	vtrunc.f32 v10  }
0x6a2: {  	v13 =	vadd.f32 v13, v15;
	v28 =	vmax.f32 v15, v21;
	v25 =	vpop (erf);
	v10 =	vcvt.f32.s32 v10  }
0x6a3: {  	v26 =	vadd.f32 v11, v21;
	v18 =	vpop (erf);
	(erf) = vpow2.f32 v30;
	v30 =	vsel vm4, $0x2, v2  }
0x6a4: {  	vm4 =	vgt.f32 v5, v7;
	v27 =	vpop (erf);
	v15 =	vadd.f32 v18, v25;
	v18 =	vcvt.s32.f32 v10  }
0x6a5: {  	s10 =	simm.s32 $0x200;
	s7 =	sand.u32 $0xF80, s7;
	s4 =	simm.s32 $0x40;
	(erf) = vpow2.f32 v17;
	v17 =	vsel vm0, $0x3, v19;
	v13 =	vadd.f32 v26, v13;
	v19 =	vpop (erf)  }
0x6a6: {  	s7 =	sadd.s32 $0x10780, s7;
	s8 =	sand.u32 $0x40, s4;
	s3 =	sand.u32 $0x7C00, s10;
	v26 =	vsel vm1, $0x3, v12;
	vm0 =	vgt.f32 v22, v32;
	v7 =	vsel vm4, $0x3, v30;
	v21 =	vpop (erf)  }
0x6a7: {  	s5 =	sor.u32 s5, s7;
	s9 =	sadd.s32 $0x7C00, s3;
	s3 =	sor.u32 $0x30, s8;
	v24 =	vmax.f32 v25, v27;
	v20 =	vadd.f32 v19, v27;
	v25 =	vpop (erf);
	v12 =	vmul.f32 $6.666667010e-02, v18  }
0x6a8: {  	v57 =	vld [tilespmem:s5+$0x0];
	s10 =	sor.u32 s3, s9;
	vm4 =	vgt.f32 v4, v6;
	v27 =	vsel vm2, $0x3, v16;
	vm2 =	vgt.f32 v23, v34;
	v18 =	vpop (erf)  }
0x6a9: {  	v16 =	vld [tilespmem:s10+$0x100];
	v20 =	vadd.f32 v20, v15;
	v23 =	vadd.f32 v25, v21;
	vm1 =	vle.f32 v14, v12;
	v22 =	vpop (erf)  }
0x6aa: {  	v15 =	vld [tilespmem:s10+$0x0];
	v12 =	vadd.f32 v22, v18;
	v25 =	vpop (erf);
	v18 =	vmax.f32 v21, v18;
	v21 =	vsel vm1, $0xFFFFFFFF, v2  }
0x6ab: {  	v29 =	vadd.f32 v13, v25;
	v25 =	vmax.f32 v11, v25;
	v10 =	vadd.s32 v10, v21;
	v11 =	vld [tilespmem:s10+$0x180]  }
0x6ac: {  	v7 =	vsel vm4, $0x4, v7;
	v13 =	vshll.u32 v10, $0x4;
	v10 =	vld [tilespmem:s10+$0x200]  }
0x6ad: {  	s5 =	sor.u32 $0x10, s8;
	v31 =	vld [tilespmem:s10+$0x80];
	vm4 =	veq.s32 v7, v57;
	vm1 =	vgt.f32 v14, $0.0e+00;
	v12 =	vadd.f32 v12, v23;
	v23 =	vpop (erf)  }
0x6ae: {  	s11 =	sor.u32 s6, s7;
	s6 =	sor.u32 s5, s9;
	v7 =	vmax.f32 v28, v25;
	v9 =	vadd.f32 v20, v23;
	v20 =	vor.u32 v0, v13  }
0x6af: {  	s1 =	sor.u32 s12, s7;
	s12 =	sor.u32 s8, s9;
	v35 =	vld [tilespmem:s6+$0x200];
	v8 =	vpop (erf);
	v21 =	vadd.s32 v3, v13;
	v13 =	vmax.f32 v15, v16;
	v4 =	vmax.f32 v19, v23  }
0x6b0: {  	v25 =	vld [tilespmem:s12+$0x0];
	(erf) = vrcp.f32 v29;
	v5 =	vadd.f32 v12, v8;
	v12 =	vmax.f32 v13, v11  }
0x6b1: {  	v4 =	vmax.f32 v24, v4;
	v24 =	vld [tilespmem:s12+$0x100];
	(erf) = vrcp.f32 v9;
	v9 =	vmax.f32 v12, v10  }
0x6b2: {  	v6 =	vld [tilespmem:s1+$0x0];
	s1 =	simm.s32 $0x10780;
	v17 =	vsel vm3, $0x4, v17;
	(erf) = vrcp.f32 v5;
	v5 =	vmax.f32 v9, v31  }
0x6b3: {  	v26 =	vsel vm0, $0x4, v26;
	v8 =	vmax.f32 v22, v8;
	v9 =	vld [tilespmem:s1+$0x0];
	v23 =	vsub.f32 v15, v5  }
0x6b4: {  	v19 =	vld [tilespmem:s11+$0x0];
	v22 =	vsel vm4, $0x3F800000, v1;
	v28 =	vsub.f32 v31, v5;
	v29 =	vsub.f32 v16, v5  }
0x6b5: {  	v8 =	vmax.f32 v18, v8;
	v18 =	vld [tilespmem:s6+$0x0];
	v30 =	vsub.f32 v11, v5;
	v5 =	vsub.f32 v10, v5  }
0x6b6: {  	[tilespmem:v20+s28+$0x0] =	vst.idx.add.f32.msk vm1, v14;
	v33 =	vmax.f32 v25, v24;
	v23 =	vmul.f32 $1.442695020e+00, v23;
	v28 =	vmul.f32 $1.442695020e+00, v28  }
0x6b7: {  	s11 =	sor.u32 $0x20, s8;
	[tilespmem:v21+s28+$0x0] =	vst.idx.add.f32.msk vm1, v22;
	vm1 =	vgt.f32 v16, v15;
	v29 =	vmul.f32 $1.442695020e+00, v29;
	v30 =	vmul.f32 $1.442695020e+00, v30  }
0x6b8: {  	s8 =	sor.u32 s11, s9;
	v31 =	vld [tilespmem:s6+$0x100];
	(erf) = vpow2.f32 v23;
	v23 =	vsel vm2, $0x4, v27;
	vm0 =	veq.s32 v17, v9  }
0x6b9: {  	v27 =	vld [tilespmem:s8+$0x0];
	vm2 =	veq.s32 v26, v6;
	v9 =	vpop (erf);
	(erf) = vpow2.f32 v28;
	vm3 =	veq.s32 v23, v19  }
0x6ba: {  	v17 =	vld [tilespmem:s8+$0x100];
	v6 =	vsel vm0, $0x3F800000, v1;
	v7 =	vmul.f32 v9, v7;
	v9 =	vsel vm2, $0x3F800000, v1  }
0x6bb: {  	v19 =	vpop (erf);
	v23 =	vld [tilespmem:s12+$0x180];
	v28 =	vmul.f32 $1.442695020e+00, v5;
	vm2 =	vgt.f32 v24, v25;
	(erf) = vpow2.f32 v29  }
0x6bc: {  	v26 =	vld [tilespmem:s6+$0x180];
	v4 =	vmul.f32 v19, v4;
	v19 =	vpop (erf);
	v5 =	vsel vm3, $0x3F800000, v1;
	(erf) = vpow2.f32 v30  }
0x6bd: {  	v32 =	vld [tilespmem:s12+$0x200];
	vm3 =	vgt.f32 v31, v18;
	v8 =	vmul.f32 v19, v8;
	v29 =	vmul.f32 $1.500000000e+01, v7  }
0x6be: {  	v19 =	vld [tilespmem:s8+$0x180];
	vm0 =	vgt.f32 v7, $0.0e+00;
	v30 =	vmul.f32 $1.500000000e+01, v4;
	(erf) = vpow2.f32 v28  }
0x6bf: {  	v59 =	vld [tilespmem:s12+$0x80];
	v58 =	vmul.f32 $1.500000000e+01, v8;
	v28 =	vtrunc.f32 v29;
	v29 =	vmax.f32 v18, v31  }
0x6c0: {  	v60 =	vld [tilespmem:s6+$0x80];
	v37 =	vmax.f32 v27, v17;
	vm4 =	vgt.f32 v17, v27;
	v38 =	vmax.f32 v33, v23  }
0x6c1: {  	v36 =	vld [tilespmem:s8+$0x200];
	v30 =	vtrunc.f32 v30;
	v41 =	vmax.f32 v29, v26;
	v43 =	vcvt.f32.s32 v28  }
0x6c2: {  	vm7 =	vgt.f32 v26, v29;
	v34 =	vtrunc.f32 v58;
	v45 =	vmax.f32 v38, v32  }
0x6c3: {  	v30 =	vcvt.f32.s32 v30;
	v48 =	vmax.f32 v41, v35;
	v42 =	vmax.f32 v37, v19  }
0x6c4: {  	v49 =	vcvt.s32.f32 v43;
	v34 =	vcvt.f32.s32 v34;
	v45 =	vmax.f32 v45, v59  }
0x6c5: {  	v47 =	vld [tilespmem:s8+$0x80];
	v48 =	vmax.f32 v48, v60;
	v40 =	vpop (erf);
	v25 =	vsub.f32 v25, v45;
	v39 =	vsub.f32 v59, v45  }
0x6c6: {  	v51 =	vmax.f32 v42, v36;
	v24 =	vsub.f32 v24, v45;
	v55 =	vsub.f32 v23, v45;
	v28 =	vpop (erf)  }
0x6c7: {  	v53 =	vcvt.s32.f32 v30;
	v56 =	vsub.f32 v18, v48;
	v44 =	vsub.f32 v60, v48;
	v46 =	vpop (erf)  }
0x6c8: {  	v57 =	vsub.f32 v31, v48;
	v45 =	vsub.f32 v32, v45;
	v49 =	vmul.f32 $6.666667010e-02, v49;
	v50 =	vpop (erf)  }
0x6c9: {  	v54 =	vcvt.s32.f32 v34;
	v28 =	vadd.f32 v28, v40;
	v52 =	vadd.f32 v50, v46  }
0x6ca: {  	v51 =	vmax.f32 v51, v47;
	v25 =	vmul.f32 $1.442695020e+00, v25;
	v39 =	vmul.f32 $1.442695020e+00, v39  }
0x6cb: {  	v24 =	vmul.f32 $1.442695020e+00, v24;
	v55 =	vmul.f32 $1.442695020e+00, v55;
	v28 =	vadd.f32 v52, v28  }
0x6cc: {  	v47 =	vsub.f32 v47, v51;
	v56 =	vmul.f32 $1.442695020e+00, v56;
	v44 =	vmul.f32 $1.442695020e+00, v44;
	v61 =	vpop (erf)  }
0x6cd: {  	v18 =	vsub.f32 v17, v51;
	v31 =	vmul.f32 $1.442695020e+00, v57;
	v28 =	vadd.f32 v28, v61  }
0x6ce: {  	v62 =	vsub.f32 v19, v51;
	v45 =	vmul.f32 $1.442695020e+00, v45;
	v17 =	vmul.f32 $6.666667010e-02, v53  }
0x6cf: {  	v53 =	vsel vm3, $0x2, v2;
	v63 =	vmul.f32 $6.666667010e-02, v54;
	(erf) = vrcp.f32 v28  }
0x6d0: {  	vm5 =	vle.f32 v7, v49;
	v47 =	vmul.f32 $1.442695020e+00, v47;
	(erf) = vpow2.f32 v25  }
0x6d1: {  	v18 =	vmul.f32 $1.442695020e+00, v18;
	vm6 =	vle.f32 v4, v17;
	(erf) = vpow2.f32 v39  }
0x6d2: {  	v17 =	vmax.f32 v40, v46;
	v28 =	vsub.f32 v26, v48;
	(erf) = vpow2.f32 v24  }
0x6d3: {  	vm3 =	vle.f32 v8, v63;
	v25 =	vsub.f32 v27, v51;
	(erf) = vpow2.f32 v55  }
0x6d4: {  	v28 =	vmul.f32 $1.442695020e+00, v28;
	v24 =	vsel vm2, $0x2, v2;
	(erf) = vpow2.f32 v56  }
0x6d5: {  	vm2 =	vgt.f32 v23, v33;
	v23 =	vmax.f32 v50, v61;
	(erf) = vpow2.f32 v44  }
0x6d6: {  	v54 =	vsel vm6, $0xFFFFFFFF, v2;
	v48 =	vsub.f32 v35, v48;
	(erf) = vpow2.f32 v31  }
0x6d7: {  	v51 =	vsub.f32 v36, v51;
	v25 =	vmul.f32 $1.442695020e+00, v25;
	(erf) = vpow2.f32 v28  }
0x6d8: {  	v39 =	vmul.f32 $1.442695020e+00, v62;
	v48 =	vmul.f32 $1.442695020e+00, v48;
	v17 =	vmax.f32 v17, v23;
	v23 =	vpop (erf)  }
0x6d9: {  	v26 =	vsel vm5, $0xFFFFFFFF, v2;
	(erf) = vpow2.f32 v25;
	v17 =	vmul.f32 v23, v17;
	v23 =	vpop (erf)  }
0x6da: {  	vm5 =	vgt.f32 v19, v37;
	v27 =	vmul.f32 $1.442695020e+00, v51;
	(erf) = vpow2.f32 v47;
	v19 =	vpop (erf)  }
0x6db: {  	v57 =	vsel vm3, $0xFFFFFFFF, v2;
	(erf) = vpow2.f32 v18;
	v18 =	vmul.f32 $1.500000000e+01, v17;
	v28 =	vpop (erf)  }
0x6dc: {  	v19 =	vadd.f32 v19, v23;
	(erf) = vpow2.f32 v39;
	v23 =	vmax.f32 v23, v28;
	v31 =	vpop (erf)  }
0x6dd: {  	(erf) = vpow2.f32 v45;
	v28 =	vadd.f32 v31, v28;
	v18 =	vtrunc.f32 v18;
	v29 =	vpop (erf)  }
0x6de: {  	v25 =	vsel vm4, $0x2, v2;
	(erf) = vpow2.f32 v48;
	v55 =	vcvt.f32.s32 v18;
	v56 =	vpop (erf)  }
0x6df: {  	(erf) = vpow2.f32 v27;
	v18 =	vsel vm2, $0x3, v24;
	v58 =	vadd.f32 v28, v19;
	v27 =	vpop (erf)  }
0x6e0: {  	v24 =	vadd.f32 v56, v29;
	v28 =	vmax.f32 v29, v27;
	v59 =	vcvt.s32.f32 v55;
	v29 =	vpop (erf)  }
0x6e1: {  	vm3 =	vgt.f32 v36, v42;
	v22 =	vadd.s32 v34, v57;
	v27 =	vadd.f32 v29, v27  }
0x6e2: {  	vm4 =	vgt.f32 v32, v38;
	v20 =	vsel vm5, $0x3, v25;
	v60 =	vpop (erf);
	v14 =	vmul.f32 $6.666667010e-02, v59  }
0x6e3: {  	vm2 =	vgt.f32 v35, v41;
	v19 =	vsel vm7, $0x3, v53;
	v25 =	vpop (erf);
	v61 =	vadd.f32 v27, v24  }
0x6e4: {  	s4 =	sand.u32 $0xF80, s4;
	v62 =	vadd.f32 v25, v60;
	v63 =	vpop (erf);
	v24 =	vadd.s32 v43, v26;
	vm5 =	vle.f32 v17, v14  }
0x6e5: {  	s4 =	sadd.s32 $0x10780, s4;
	v25 =	vadd.s32 v30, v54;
	v26 =	vmax.f32 v60, v63;
	v27 =	vpop (erf);
	v21 =	vsel vm5, $0xFFFFFFFF, v2  }
0x6e6: {  	s12 =	sor.u32 s3, s4;
	vm5 =	vgt.f32 v17, $0.0e+00;
	v14 =	vadd.f32 v27, v63;
	v30 =	vpop (erf);
	v21 =	vadd.s32 v55, v21  }
0x6e7: {  	s5 =	sor.u32 s5, s4;
	s7 =	sor.u32 s11, s4;
	v32 =	vadd.f32 v58, v30;
	v30 =	vmax.f32 v31, v30;
	v33 =	vpop (erf);
	v31 =	vld [tilespmem:s12+$0x0];
	v37 =	vshll.u32 v21, $0x4  }
0x6e8: {  	s3 =	simm.s32 $0x4;
	s4 =	simm.s32 $0x400;
	v21 =	vld [tilespmem:s5+$0x0];
	s5 =	simm.s32 $0x80;
	v36 =	vadd.f32 v14, v62;
	v34 =	vpop (erf);
	v35 =	vadd.f32 v61, v33;
	v15 =	vor.u32 v0, v37  }
.LBB2_17:
0x6e9: {  	v14 =	vsel vm1, $0x2, v2  }
0x6ea: {  	s8 =	sand.u32 $0x40, s5;
	s6 =	sand.u32 $0x7C00, s4;
	v16 =	vld [tilespmem:s7+$0x0];
	vm6 =	vgt.f32 v11, v13;
	v11 =	vadd.s32 v3, v37;
	s1 =	sadd.s32 $0x40, s1;
	vm1 =	vmmov vm0  }
0x6eb: {  	v13 =	vadd.f32 v36, v34;
	vm0 =	vgt.f32 v10, v12;
	s9 =	sadd.s32 $0x7C00, s6;
	s7 =	sor.u32 $0x10, s8;
	s6 =	sor.u32 $0x30, s8;
	v14 =	vsel vm6, $0x3, v14  }
0x6ec: {  	v12 =	vmax.f32 v29, v33;
	s10 =	sor.u32 s8, s9;
	s8 =	sor.u32 $0x20, s8;
	s12 =	sor.u32 s6, s9;
	v10 =	vld [tilespmem:s1+$0x0];
	v29 =	vsel vm0, $0x4, v14;
	(erf) = vrcp.f32 v32  }
0x6ed: {  	v27 =	vmax.f32 v27, v34;
	s11 =	sor.u32 s7, s9;
	s9 =	sor.u32 s8, s9;
	v14 =	vld [tilespmem:s12+$0x0];
	vm0 =	veq.s32 v29, v31;
	(erf) = vrcp.f32 v35  }
0x6ee: {  	v29 =	vmax.f32 v23, v30;
	v23 =	vsel vm0, $0x3F800000, v1;
	[tilespmem:v15+s28+$0x0] =	vst.idx.add.f32.msk vm5, v17;
	(erf) = vrcp.f32 v13  }
0x6ef: {  	v13 =	vsel vm4, $0x4, v18;
	v17 =	vmax.f32 v28, v12;
	v18 =	vmax.f32 v26, v27;
	[tilespmem:v11+s28+$0x0] =	vst.idx.add.f32.msk vm5, v23  }
0x6f0: {  	v12 =	vsel vm2, $0x4, v19;
	v19 =	vsel vm3, $0x4, v20;
	v20 =	vshll.u32 v24, $0x4;
	v15 =	vld [tilespmem:s12+$0x100]  }
0x6f1: {  	s3 =	sadd.s32 $0x4, s3;
	v22 =	vshll.u32 v22, $0x4;
	v11 =	vld [tilespmem:s12+$0x180];
	vm0 =	veq.s32 v13, v10;
	v13 =	vshll.u32 v25, $0x4  }
0x6f2: {  	p2 =	slt.u32 s3, $0xF4;
	vm2 =	veq.s32 v12, v21;
	vm5 =	veq.s32 v19, v16;
	v35 =	vor.u32 v0, v20;
	v10 =	vld [tilespmem:s12+$0x200]  }
0x6f3: {  	v36 =	vadd.s32 v3, v20;
	v37 =	vor.u32 v0, v13;
	v38 =	vadd.s32 v3, v13;
	v16 =	vld [tilespmem:s12+$0x80]  }
0x6f4: {  	v40 =	vor.u32 v0, v22;
	v41 =	vadd.s32 v3, v22;
	vm4 =	vgt.f32 v4, $0.0e+00;
	v39 =	vld [tilespmem:s10+$0x0]  }
0x6f5: {  	vm3 =	vgt.f32 v8, $0.0e+00;
	v43 =	vsel vm0, $0x3F800000, v1;
	v42 =	vld [tilespmem:s10+$0x100];
	v13 =	vmax.f32 v14, v15;
	v19 =	vpop (erf)  }
0x6f6: {  	v45 =	vsel vm2, $0x3F800000, v1;
	v23 =	vld [tilespmem:s11+$0x0];
	v12 =	vmax.f32 v13, v11;
	v44 =	vmul.f32 v19, v29;
	v19 =	vpop (erf)  }
0x6f7: {  	v47 =	vsel vm5, $0x3F800000, v1;
	v31 =	vld [tilespmem:s11+$0x100];
	v20 =	vmax.f32 v12, v10;
	v46 =	vmul.f32 v19, v17;
	v17 =	vpop (erf)  }
0x6f8: {  	v33 =	vld [tilespmem:s9+$0x0];
	v22 =	vmax.f32 v20, v16;
	v19 =	vmul.f32 $1.500000000e+01, v44;
	v48 =	vmul.f32 v17, v18  }
0x6f9: {  	vm0 =	vgt.f32 v44, $0.0e+00;
	v34 =	vld [tilespmem:s9+$0x100];
	v18 =	vsub.f32 v14, v22;
	v24 =	vmul.f32 $1.500000000e+01, v46  }
0x6fa: {  	v16 =	vsub.f32 v16, v22;
	v30 =	vld [tilespmem:s10+$0x180];
	v32 =	vmax.f32 v39, v42;
	v25 =	vmul.f32 $1.500000000e+01, v48  }
0x6fb: {  	v21 =	vsub.f32 v15, v22;
	v49 =	vtrunc.f32 v19;
	v17 =	vld [tilespmem:s11+$0x180];
	v20 =	vmul.f32 $1.442695020e+00, v18  }
0x6fc: {  	v27 =	vsub.f32 v11, v22;
	v26 =	vmul.f32 $1.442695020e+00, v16;
	v28 =	vmax.f32 v23, v31;
	v18 =	vld [tilespmem:s9+$0x180]  }
0x6fd: {  	vm2 =	vgt.f32 v42, v39;
	v50 =	vmul.f32 $1.442695020e+00, v21;
	v19 =	vld [tilespmem:s10+$0x200];
	(erf) = vpow2.f32 v20  }
0x6fe: {  	v27 =	vmul.f32 $1.442695020e+00, v27;
	v16 =	vld [tilespmem:s11+$0x200];
	v29 =	vmax.f32 v33, v34;
	(erf) = vpow2.f32 v26  }
0x6ff: {  	v20 =	vmax.f32 v32, v30;
	v21 =	vld [tilespmem:s9+$0x200];
	(erf) = vpow2.f32 v50;
	v50 =	vtrunc.f32 v24  }
0x700: {  	v22 =	vsub.f32 v10, v22;
	v51 =	vld [tilespmem:s10+$0x80];
	v26 =	vmax.f32 v28, v17;
	(erf) = vpow2.f32 v27  }
0x701: {  	v24 =	vcvt.f32.s32 v49;
	v49 =	vtrunc.f32 v25;
	v52 =	vld [tilespmem:s11+$0x80];
	v27 =	vmax.f32 v29, v18  }
0x702: {  	v55 =	vmul.f32 $1.442695020e+00, v22;
	v25 =	vcvt.f32.s32 v50;
	v53 =	vmax.f32 v20, v19;
	v54 =	vld [tilespmem:s9+$0x80]  }
0x703: {  	v22 =	vcvt.f32.s32 v49;
	v56 =	vcvt.s32.f32 v24;
	v50 =	vmax.f32 v26, v16;
	[tilespmem:v35+s28+$0x0] =	vst.idx.add.f32.msk vm1, v7;
	v7 =	vmovc v44  }
0x704: {  	v44 =	vcvt.s32.f32 v25;
	v35 =	vmax.f32 v27, v21;
	(erf) = vpow2.f32 v55;
	[tilespmem:v36+s28+$0x0] =	vst.idx.add.f32.msk vm1, v6;
	v6 =	vmovc v43  }
0x705: {  	v49 =	vcvt.s32.f32 v22;
	v43 =	vmul.f32 $6.666667010e-02, v56;
	v36 =	vmax.f32 v53, v51;
	[tilespmem:v37+s28+$0x0] =	vst.idx.add.f32.msk vm4, v4;
	v4 =	vmovc v46  }
0x706: {  	v37 =	vsub.f32 v39, v36;
	v39 =	vsub.f32 v51, v36;
	v46 =	vmax.f32 v50, v52;
	v50 =	vpop (erf)  }
0x707: {  	v42 =	vsub.f32 v42, v36;
	v51 =	vsub.f32 v30, v36;
	v35 =	vmax.f32 v35, v54;
	v53 =	vpop (erf)  }
0x708: {  	v55 =	vsub.f32 v23, v46;
	v52 =	vsub.f32 v52, v46;
	v37 =	vmul.f32 $1.442695020e+00, v37;
	v56 =	vpop (erf);
	[tilespmem:v38+s28+$0x0] =	vst.idx.add.f32.msk vm4, v9  }
0x709: {  	v57 =	vsub.f32 v17, v46;
	v38 =	vmul.f32 $1.442695020e+00, v39;
	v39 =	vsub.f32 v31, v46;
	v58 =	vpop (erf);
	[tilespmem:v40+s28+$0x0] =	vst.idx.add.f32.msk vm3, v8  }
0x70a: {  	v59 =	vadd.f32 v53, v50;
	v40 =	vmul.f32 $1.442695020e+00, v42;
	v42 =	vadd.f32 v58, v56;
	[tilespmem:v41+s28+$0x0] =	vst.idx.add.f32.msk vm3, v5  }
0x70b: {  	v53 =	vsub.f32 v54, v35;
	v9 =	vmovc v45;
	v41 =	vmul.f32 $1.442695020e+00, v51;
	v51 =	vsub.f32 v33, v35;
	v5 =	vmovc v47  }
0x70c: {  	v45 =	vmul.f32 $1.442695020e+00, v55;
	v8 =	vmovc v48;
	v47 =	vsub.f32 v34, v35;
	v42 =	vadd.f32 v42, v59  }
0x70d: {  	v48 =	vmul.f32 $1.442695020e+00, v52;
	v52 =	vsub.f32 v18, v35;
	v39 =	vmul.f32 $1.442695020e+00, v39;
	v54 =	vpop (erf)  }
0x70e: {  	v55 =	vmul.f32 $1.442695020e+00, v57;
	v51 =	vmul.f32 $1.442695020e+00, v51;
	v42 =	vadd.f32 v42, v54  }
0x70f: {  	v36 =	vsub.f32 v19, v36;
	v53 =	vmul.f32 $1.442695020e+00, v53;
	v47 =	vmul.f32 $1.442695020e+00, v47  }
0x710: {  	v46 =	vsub.f32 v16, v46;
	v52 =	vmul.f32 $1.442695020e+00, v52;
	(erf) = vrcp.f32 v42  }
0x711: {  	v36 =	vmul.f32 $1.442695020e+00, v36;
	v35 =	vsub.f32 v21, v35;
	(erf) = vpow2.f32 v37  }
0x712: {  	vm3 =	vgt.f32 v31, v23;
	v31 =	vmul.f32 $1.442695020e+00, v46;
	(erf) = vpow2.f32 v38  }
0x713: {  	vm6 =	vgt.f32 v34, v33;
	v33 =	vmul.f32 $1.442695020e+00, v35;
	(erf) = vpow2.f32 v40  }
0x714: {  	vm7 =	vle.f32 v7, v43;
	v23 =	vmul.f32 $6.666667010e-02, v44;
	(erf) = vpow2.f32 v41  }
0x715: {  	v34 =	vsel vm2, $0x2, v2;
	v35 =	vmul.f32 $6.666667010e-02, v49;
	(erf) = vpow2.f32 v45  }
0x716: {  	vm1 =	vgt.f32 v30, v32;
	vm5 =	vle.f32 v4, v23;
	(erf) = vpow2.f32 v48  }
0x717: {  	v30 =	vsel vm3, $0x2, v2;
	vm4 =	vle.f32 v8, v35;
	(erf) = vpow2.f32 v39  }
0x718: {  	v35 =	vmax.f32 v50, v56;
	v32 =	vmax.f32 v58, v54;
	(erf) = vpow2.f32 v55  }
0x719: {  	vm2 =	vgt.f32 v17, v28;
	v17 =	vmax.f32 v35, v32;
	(erf) = vpow2.f32 v51;
	v23 =	vpop (erf)  }
0x71a: {  	v32 =	vsel vm6, $0x2, v2;
	v17 =	vmul.f32 v23, v17;
	v23 =	vpop (erf);
	(erf) = vpow2.f32 v53  }
0x71b: {  	vm3 =	vgt.f32 v18, v29;
	v35 =	vsel vm7, $0xFFFFFFFF, v2;
	v18 =	vpop (erf);
	(erf) = vpow2.f32 v47  }
0x71c: {  	v28 =	vadd.f32 v18, v23;
	v18 =	vmul.f32 $1.500000000e+01, v17;
	v29 =	vpop (erf);
	(erf) = vpow2.f32 v52  }
0x71d: {  	v23 =	vmax.f32 v23, v29;
	v37 =	vpop (erf);
	(erf) = vpow2.f32 v36;
	v36 =	vsel vm5, $0xFFFFFFFF, v2  }
0x71e: {  	v41 =	vadd.f32 v37, v29;
	v18 =	vtrunc.f32 v18;
	v38 =	vpop (erf);
	(erf) = vpow2.f32 v31  }
0x71f: {  	v31 =	vcvt.f32.s32 v18;
	v39 =	vpop (erf);
	(erf) = vpow2.f32 v33;
	v33 =	vsel vm4, $0xFFFFFFFF, v2  }
0x720: {  	v18 =	vsel vm1, $0x3, v34;
	v34 =	vadd.f32 v41, v28;
	v39 =	vadd.f32 v39, v38;
	v40 =	vpop (erf)  }
0x721: {  	vm4 =	vgt.f32 v19, v20;
	v28 =	vmax.f32 v38, v40;
	v38 =	vcvt.s32.f32 v31;
	v29 =	vpop (erf)  }
0x722: {  	v19 =	vsel vm2, $0x3, v30;
	vm2 =	vgt.f32 v16, v26;
	v16 =	vadd.f32 v29, v40;
	v26 =	vpop (erf)  }
0x723: {  	v20 =	vsel vm3, $0x3, v32;
	vm3 =	vgt.f32 v21, v27;
	v21 =	vmul.f32 $6.666667010e-02, v38;
	v27 =	vpop (erf)  }
0x724: {  	v24 =	vadd.s32 v24, v35;
	v16 =	vadd.f32 v16, v39;
	v38 =	vadd.f32 v27, v26;
	v30 =	vpop (erf)  }
.Ltmp10:
0x725: {  	s9 =	sand.u32 $0xF80, s5;
	v25 =	vadd.s32 v25, v36;
	v26 =	vmax.f32 v26, v30;
	vm1 =	vle.f32 v17, v21;
	v27 =	vpop (erf);
	(pc) =	sbr.rel @p2 .LBB2_17-.Ltmp10, $4  }
0x726: {  	s9 =	sadd.s32 $0x10780, s9;
	v22 =	vadd.s32 v22, v33;
	v21 =	vadd.f32 v27, v30;
	v35 =	vsel vm1, $0xFFFFFFFF, v2;
	v30 =	vpop (erf)  }
0x727: {  	s10 =	sor.u32 s7, s9;
	s7 =	sor.u32 s8, s9;
	s6 =	sor.u32 s6, s9;
	v32 =	vadd.f32 v34, v30;
	v30 =	vmax.f32 v37, v30;
	v35 =	vadd.s32 v31, v35;
	v33 =	vpop (erf)  }
0x728: {  	vm5 =	vgt.f32 v17, $0.0e+00;
	v36 =	vadd.f32 v21, v38;
	v31 =	vld [tilespmem:s6+$0x0];
	v37 =	vshll.u32 v35, $0x4;
	v34 =	vpop (erf)  }
0x729: {  	s4 =	sadd.s32 $0x200, s4;
	s5 =	sadd.s32 $0x40, s5;
	vm1 =	vgt.f32 v15, v14;
	v35 =	vadd.f32 v16, v33;
	v21 =	vld [tilespmem:s10+$0x0];
	v15 =	vor.u32 v0, v37  }
0x72a: {  	v14 =	vadd.f32 v36, v34;
	(erf) = vrcp.f32 v32  }
0x72b: {  	(erf) = vrcp.f32 v35  }
0x72c: {  	(erf) = vrcp.f32 v14;
	_ =	sdelay $0x4  }
0x72d: {  	v62 =	vsel vm1, $0x2, v2  }
0x72e: {  	vm13 =	vgt.f32 v11, v13;
	v63 =	vadd.s32 v3, v37;
	vm14 =	vgt.f32 v10, v12  }
0x72f: {  	v29 =	vmax.f32 v29, v33;
	v32 =	vmax.f32 v23, v30;
	v16 =	vmax.f32 v27, v34;
	v33 =	vpop (erf)  }
0x730: {  	vm0 =	vmmov vm0;
	v10 =	vmax.f32 v28, v29;
	v12 =	vmul.f32 v33, v32;
	v35 =	vpop (erf)  }
0x731: {  	v24 =	vshll.u32 v24, $0x4;
	v16 =	vmax.f32 v26, v16;
	v10 =	vmul.f32 v35, v10;
	v36 =	vpop (erf)  }
0x732: {  	v13 =	vsel vm13, $0x3, v62;
	v37 =	vmul.f32 $1.500000000e+01, v12;
	v14 =	vmul.f32 v36, v16  }
0x733: {  	v25 =	vshll.u32 v25, $0x4;
	v13 =	vsel vm14, $0x4, v13;
	v39 =	vmul.f32 $1.500000000e+01, v10  }
0x734: {  	vm1 =	veq.s32 v13, v31;
	v40 =	vmul.f32 $1.500000000e+01, v14;
	v13 =	vtrunc.f32 v37  }
0x735: {  	v22 =	vshll.u32 v22, $0x4;
	v23 =	vtrunc.f32 v39;
	v13 =	vcvt.f32.s32 v13  }
0x736: {  	vm15 =	vgt.f32 v4, $0.0e+00;
	vm9 =	vgt.f32 v8, $0.0e+00;
	v23 =	vcvt.f32.s32 v23  }
0x737: {  	v41 =	vor.u32 v0, v24;
	v26 =	vtrunc.f32 v40;
	v42 =	vcvt.s32.f32 v13  }
0x738: {  	v24 =	vadd.s32 v3, v24;
	v43 =	vor.u32 v0, v25;
	v26 =	vcvt.f32.s32 v26  }
0x739: {  	v25 =	vadd.s32 v3, v25;
	v44 =	vcvt.s32.f32 v23;
	v28 =	vmul.f32 $6.666667010e-02, v42  }
0x73a: {  	[tilespmem:v15+s28+$0x0] =	vst.idx.add.f32.msk vm5, v17;
	s1 =	sadd.s32 $0x40, s1;
	v45 =	vor.u32 v0, v22;
	v47 =	vadd.s32 v3, v22;
	v38 =	vsel vm1, $0x3F800000, v1  }
0x73b: {  	v48 =	vld [tilespmem:s1+$0x0];
	v46 =	vcvt.s32.f32 v26;
	v30 =	vmul.f32 $6.666667010e-02, v44;
	vm6 =	vle.f32 v12, v28  }
0x73c: {  	[tilespmem:v63+s28+$0x0] =	vst.idx.add.f32.msk vm5, v38;
	vm11 =	vgt.f32 v12, $0.0e+00;
	vm13 =	vgt.f32 v10, $0.0e+00;
	v49 =	vsel vm6, $0xFFFFFFFF, v2  }
0x73d: {  	[tilespmem:v41+s28+$0x0] =	vst.idx.add.f32.msk vm0, v7;
	v17 =	vmul.f32 $6.666667010e-02, v46;
	vm10 =	vle.f32 v10, v30;
	v51 =	vadd.s32 v13, v49  }
0x73e: {  	[tilespmem:v43+s28+$0x0] =	vst.idx.add.f32.msk vm15, v4;
	vm6 =	vmmov vm11;
	v50 =	vsel vm10, $0xFFFFFFFF, v2;
	v52 =	vshll.u32 v51, $0x4  }
0x73f: {  	v53 =	vld [tilespmem:s7+$0x0];
	vm12 =	vle.f32 v14, v17;
	v55 =	vadd.s32 v23, v50;
	v56 =	vor.u32 v0, v52  }
0x740: {  	[tilespmem:v24+s28+$0x0] =	vst.idx.add.f32.msk vm0, v6;
	v54 =	vsel vm12, $0xFFFFFFFF, v2;
	v4 =	vshll.u32 v55, $0x4;
	v6 =	vadd.s32 v3, v52  }
0x741: {  	v57 =	vsel vm4, $0x4, v18;
	[tilespmem:v45+s28+$0x0] =	vst.idx.add.f32.msk vm9, v8;
	v58 =	vadd.s32 v26, v54;
	v59 =	vor.u32 v0, v4  }
0x742: {  	[tilespmem:v25+s28+$0x0] =	vst.idx.add.f32.msk vm15, v9;
	vm14 =	vgt.f32 v14, $0.0e+00;
	v60 =	vshll.u32 v58, $0x4;
	v4 =	vadd.s32 v3, v4  }
0x743: {  	vm4 =	veq.s32 v57, v48;
	[tilespmem:v47+s28+$0x0] =	vst.idx.add.f32.msk vm9, v5;
	v5 =	vor.u32 v0, v60  }
0x744: {  	v61 =	vsel vm2, $0x4, v19;
	v62 =	vsel vm4, $0x3F800000, v1;
	v8 =	vadd.s32 v3, v60;
	[tilespmem:v56+s28+$0x0] =	vst.idx.add.f32.msk vm6, v12  }
0x745: {  	vm2 =	veq.s32 v61, v21;
	[tilespmem:v6+s28+$0x0] =	vst.idx.add.f32.msk vm6, v62  }
0x746: {  	v63 =	vsel vm3, $0x4, v20;
	v9 =	vsel vm2, $0x3F800000, v1;
	[tilespmem:v59+s28+$0x0] =	vst.idx.add.f32.msk vm13, v10  }
0x747: {  	vm15 =	veq.s32 v63, v53;
	[tilespmem:v4+s28+$0x0] =	vst.idx.add.f32.msk vm13, v9  }
0x748: {  	v4 =	vsel vm15, $0x3F800000, v1;
	[tilespmem:v5+s28+$0x0] =	vst.idx.add.f32.msk vm14, v14  }
0x749: {  	[tilespmem:v8+s28+$0x0] =	vst.idx.add.f32.msk vm14, v4  }
.LBB2_19:
.Ltmp11:
0x74a: {  	(pc) =	sbr.rel @p0 .LBB2_21-.Ltmp11, $1  }
0x74b: {  	_ =	sdelay $0x3  }
0x74c: {  	s1 =	simm.s32 $0x400;
	s3 =	simm.s32 $0x7A1400;
	s4 =	simm.s32 $0x11700  }
0x74d: {  	[tilespmem:s4], [sflag:$0x5] =	stream.strided.gather [hbm4b:s19+s1], $0x0, s3, s1, $0x38;
	[tilespmem:$0x11D80] =	vst v63  }
0x74e: {  	_ = 	snop  }
0x74f: {  	[tilespmem:s4], [sflag:$0x5] =	stream.linear.gather [hbm4b:s19+s2], $0x280, $0x38;
	[tilespmem:$0x11D80] =	vst v63  }
0x750: {  	_ =	swait.ge [sflag:s0], $0x280  }
0x751: {  	[sflag:s0] =	ssyncset.done $0x0  }
0x752: {  	s12 =	simm.s32 $0x11B00;
	s11 =	rddreg [dreg:$0xe];
	[sflag:s0] =	ssyncadd.s32 $0xFFFFFD80  }
0x753: {  	[tilespmem:s12], [sflag:$0x5] =	stream.linear.gather [hbm4b:s11+s2], $0x40, $0x38;
	[tilespmem:$0x11D80] =	vst v63  }
0x754: {  	_ =	swait.ge [sflag:s0], $0x40  }
0x755: {  	[sflag:s0] =	ssyncset.done $0x0  }
0x756: {  	[sflag:s0] =	ssyncadd.s32 $0xFFFFFFC0  }
0x757: {  	v4 =	vld [tilespmem:$0x11700]  }
0x758: {  	v5 =	vld [tilespmem:$0x11800]  }
0x759: {  	v6 =	vld [tilespmem:$0x11880]  }
0x75a: {  	v7 =	vld [tilespmem:$0x11900]  }
0x75b: {  	v8 =	vld [tilespmem:$0x11780];
	_ =	sdelay $0x1  }
0x75c: {  	v9 =	vmax.f32 v4, v5  }
0x75d: {  	v10 =	vmax.f32 v9, v6  }
0x75e: {  	v11 =	vmax.f32 v10, v7  }
0x75f: {  	v11 =	vmax.f32 v11, v8  }
0x760: {  	v12 =	vsub.f32 v4, v11  }
0x761: {  	v8 =	vsub.f32 v8, v11  }
0x762: {  	v13 =	vsub.f32 v5, v11;
	v12 =	vmul.f32 $1.442695020e+00, v12  }
0x763: {  	v14 =	vsub.f32 v6, v11;
	v8 =	vmul.f32 $1.442695020e+00, v8  }
0x764: {  	v39 =	vmul.f32 $1.442695020e+00, v13;
	(erf) = vpow2.f32 v12  }
0x765: {  	v40 =	vmul.f32 $1.442695020e+00, v14;
	(erf) = vpow2.f32 v8  }
0x766: {  	(erf) = vpow2.f32 v39  }
0x767: {  	v41 =	vsub.f32 v7, v11;
	(erf) = vpow2.f32 v40;
	_ =	sdelay $0x1  }
0x768: {  	v8 =	vmul.f32 $1.442695020e+00, v41;
	_ =	sdelay $0x1  }
0x769: {  	(erf) = vpow2.f32 v8;
	_ =	sdelay $0x1  }
0x76a: {  	v42 =	vpop (erf)  }
0x76b: {  	v43 =	vpop (erf)  }
0x76c: {  	v12 =	vpop (erf)  }
0x76d: {  	v44 =	vpop (erf)  }
0x76e: {  	v11 =	vadd.f32 v43, v42;
	v45 =	vadd.f32 v44, v12;
	_ =	sdelay $0x1  }
0x76f: {  	v11 =	vadd.f32 v45, v11  }
0x770: {  	v46 =	vpop (erf)  }
0x771: {  	v11 =	vadd.f32 v11, v46;
	_ =	sdelay $0x1  }
0x772: {  	(erf) = vrcp.f32 v11;
	_ =	sdelay $0x7  }
0x773: {  	v8 =	vmax.f32 v42, v12;
	v47 =	vmax.f32 v44, v46  }
0x774: {  	v8 =	vmax.f32 v8, v47;
	v48 =	vpop (erf)  }
0x775: {  	v8 =	vmul.f32 v48, v8;
	_ =	sdelay $0x1  }
0x776: {  	v11 =	vmul.f32 $1.500000000e+01, v8;
	_ =	sdelay $0x1  }
0x777: {  	v11 =	vtrunc.f32 v11  }
0x778: {  	v11 =	vcvt.f32.s32 v11;
	_ =	sdelay $0x1  }
0x779: {  	v49 =	vcvt.s32.f32 v11;
	_ =	sdelay $0x1  }
0x77a: {  	v12 =	vmul.f32 $6.666667010e-02, v49;
	_ =	sdelay $0x1  }
0x77b: {  	vm0 =	vle.f32 v8, v12  }
0x77c: {  	v12 =	vsel vm0, $0xFFFFFFFF, v2  }
0x77d: {  	v11 =	vadd.s32 v11, v12  }
0x77e: {  	v50 =	vld [tilespmem:$0x11B00];
	vm10 =	vgt.f32 v8, $0.0e+00;
	v11 =	vshll.u32 v11, $0x4  }
0x77f: {  	vm1 =	vgt.f32 v5, v4;
	v4 =	vor.u32 v0, v11  }
0x780: {  	vm11 =	vgt.f32 v6, v9;
	v5 =	vsel vm1, $0x2, v2;
	v51 =	vadd.s32 v3, v11  }
0x781: {  	vm12 =	vgt.f32 v7, v10;
	v5 =	vsel vm11, $0x3, v5  }
0x782: {  	v5 =	vsel vm12, $0x4, v5  }
0x783: {  	vm1 =	veq.s32 v5, v50  }
0x784: {  	v5 =	vsel vm1, $0x3F800000, v1;
	[tilespmem:v4+s28+$0x0] =	vst.idx.add.f32.msk vm10, v8  }
0x785: {  	[tilespmem:v51+s28+$0x0] =	vst.idx.add.f32.msk vm10, v5  }
0x786: {  	v4 =	vld [tilespmem:$0x11710]  }
0x787: {  	v5 =	vld [tilespmem:$0x11810]  }
0x788: {  	v6 =	vld [tilespmem:$0x11890]  }
0x789: {  	v52 =	vld [tilespmem:$0x11910]  }
0x78a: {  	v8 =	vld [tilespmem:$0x11790];
	_ =	sdelay $0x1  }
0x78b: {  	v53 =	vmax.f32 v4, v5  }
0x78c: {  	v54 =	vmax.f32 v53, v6  }
0x78d: {  	v55 =	vmax.f32 v54, v52  }
0x78e: {  	v11 =	vmax.f32 v55, v8  }
0x78f: {  	v56 =	vsub.f32 v4, v11  }
0x790: {  	v8 =	vsub.f32 v8, v11  }
0x791: {  	v57 =	vsub.f32 v5, v11;
	v12 =	vmul.f32 $1.442695020e+00, v56  }
0x792: {  	v58 =	vsub.f32 v6, v11;
	v8 =	vmul.f32 $1.442695020e+00, v8  }
0x793: {  	v59 =	vmul.f32 $1.442695020e+00, v57;
	(erf) = vpow2.f32 v12  }
0x794: {  	v60 =	vmul.f32 $1.442695020e+00, v58;
	(erf) = vpow2.f32 v8  }
0x795: {  	(erf) = vpow2.f32 v59  }
0x796: {  	v61 =	vsub.f32 v52, v11;
	(erf) = vpow2.f32 v60;
	_ =	sdelay $0x1  }
0x797: {  	v8 =	vmul.f32 $1.442695020e+00, v61;
	_ =	sdelay $0x1  }
0x798: {  	(erf) = vpow2.f32 v8;
	_ =	sdelay $0x1  }
0x799: {  	v62 =	vpop (erf)  }
0x79a: {  	v63 =	vpop (erf)  }
0x79b: {  	v12 =	vpop (erf)  }
0x79c: {  	v16 =	vpop (erf)  }
0x79d: {  	v11 =	vadd.f32 v63, v62;
	v17 =	vadd.f32 v16, v12;
	_ =	sdelay $0x1  }
0x79e: {  	v11 =	vadd.f32 v17, v11  }
0x79f: {  	v18 =	vpop (erf)  }
0x7a0: {  	v11 =	vadd.f32 v11, v18;
	_ =	sdelay $0x1  }
0x7a1: {  	(erf) = vrcp.f32 v11;
	_ =	sdelay $0x7  }
0x7a2: {  	v8 =	vmax.f32 v62, v12;
	v19 =	vmax.f32 v16, v18  }
0x7a3: {  	v8 =	vmax.f32 v8, v19;
	v20 =	vpop (erf)  }
0x7a4: {  	v8 =	vmul.f32 v20, v8;
	_ =	sdelay $0x1  }
0x7a5: {  	v11 =	vmul.f32 $1.500000000e+01, v8;
	_ =	sdelay $0x1  }
0x7a6: {  	v11 =	vtrunc.f32 v11  }
0x7a7: {  	v11 =	vcvt.f32.s32 v11;
	_ =	sdelay $0x1  }
0x7a8: {  	v21 =	vcvt.s32.f32 v11;
	_ =	sdelay $0x1  }
0x7a9: {  	v12 =	vmul.f32 $6.666667010e-02, v21;
	_ =	sdelay $0x1  }
0x7aa: {  	vm13 =	vle.f32 v8, v12  }
0x7ab: {  	v12 =	vsel vm13, $0xFFFFFFFF, v2  }
0x7ac: {  	v11 =	vadd.s32 v11, v12  }
0x7ad: {  	v22 =	vld [tilespmem:$0x11B10];
	vm14 =	vgt.f32 v8, $0.0e+00;
	v11 =	vshll.u32 v11, $0x4  }
0x7ae: {  	vm15 =	vgt.f32 v5, v4;
	v4 =	vor.u32 v0, v11  }
0x7af: {  	vm4 =	vgt.f32 v6, v53;
	v5 =	vsel vm15, $0x2, v2;
	v23 =	vadd.s32 v3, v11  }
0x7b0: {  	vm5 =	vgt.f32 v52, v54;
	v5 =	vsel vm4, $0x3, v5  }
0x7b1: {  	v5 =	vsel vm5, $0x4, v5  }
0x7b2: {  	vm1 =	veq.s32 v5, v22  }
0x7b3: {  	v5 =	vsel vm1, $0x3F800000, v1;
	[tilespmem:v4+s28+$0x0] =	vst.idx.add.f32.msk vm14, v8  }
0x7b4: {  	[tilespmem:v23+s28+$0x0] =	vst.idx.add.f32.msk vm14, v5  }
0x7b5: {  	v4 =	vld [tilespmem:$0x11720]  }
0x7b6: {  	v5 =	vld [tilespmem:$0x11820]  }
0x7b7: {  	v6 =	vld [tilespmem:$0x118A0]  }
0x7b8: {  	v24 =	vld [tilespmem:$0x11920]  }
0x7b9: {  	v8 =	vld [tilespmem:$0x117A0];
	_ =	sdelay $0x1  }
0x7ba: {  	v25 =	vmax.f32 v4, v5  }
0x7bb: {  	v26 =	vmax.f32 v25, v6  }
0x7bc: {  	v27 =	vmax.f32 v26, v24  }
0x7bd: {  	v11 =	vmax.f32 v27, v8  }
0x7be: {  	v28 =	vsub.f32 v4, v11  }
0x7bf: {  	v8 =	vsub.f32 v8, v11  }
0x7c0: {  	v29 =	vsub.f32 v5, v11;
	v12 =	vmul.f32 $1.442695020e+00, v28  }
0x7c1: {  	v30 =	vsub.f32 v6, v11;
	v8 =	vmul.f32 $1.442695020e+00, v8  }
0x7c2: {  	v31 =	vmul.f32 $1.442695020e+00, v29;
	(erf) = vpow2.f32 v12  }
0x7c3: {  	v32 =	vmul.f32 $1.442695020e+00, v30;
	(erf) = vpow2.f32 v8  }
0x7c4: {  	(erf) = vpow2.f32 v31  }
0x7c5: {  	v33 =	vsub.f32 v24, v11;
	(erf) = vpow2.f32 v32;
	_ =	sdelay $0x1  }
0x7c6: {  	v8 =	vmul.f32 $1.442695020e+00, v33;
	_ =	sdelay $0x1  }
0x7c7: {  	(erf) = vpow2.f32 v8;
	_ =	sdelay $0x1  }
0x7c8: {  	v34 =	vpop (erf)  }
0x7c9: {  	v35 =	vpop (erf)  }
0x7ca: {  	v12 =	vpop (erf)  }
0x7cb: {  	v36 =	vpop (erf)  }
0x7cc: {  	v11 =	vadd.f32 v35, v34;
	v37 =	vadd.f32 v36, v12;
	_ =	sdelay $0x1  }
0x7cd: {  	v11 =	vadd.f32 v37, v11  }
0x7ce: {  	v38 =	vpop (erf)  }
0x7cf: {  	v11 =	vadd.f32 v11, v38;
	_ =	sdelay $0x1  }
0x7d0: {  	(erf) = vrcp.f32 v11;
	_ =	sdelay $0x7  }
0x7d1: {  	v8 =	vmax.f32 v34, v12;
	v39 =	vmax.f32 v36, v38  }
0x7d2: {  	v8 =	vmax.f32 v8, v39;
	v40 =	vpop (erf)  }
0x7d3: {  	v8 =	vmul.f32 v40, v8;
	_ =	sdelay $0x1  }
0x7d4: {  	v11 =	vmul.f32 $1.500000000e+01, v8;
	_ =	sdelay $0x1  }
0x7d5: {  	v11 =	vtrunc.f32 v11  }
0x7d6: {  	v11 =	vcvt.f32.s32 v11;
	_ =	sdelay $0x1  }
0x7d7: {  	v41 =	vcvt.s32.f32 v11;
	_ =	sdelay $0x1  }
0x7d8: {  	v12 =	vmul.f32 $6.666667010e-02, v41;
	_ =	sdelay $0x1  }
0x7d9: {  	vm6 =	vle.f32 v8, v12  }
0x7da: {  	v12 =	vsel vm6, $0xFFFFFFFF, v2  }
0x7db: {  	v11 =	vadd.s32 v11, v12  }
0x7dc: {  	v42 =	vld [tilespmem:$0x11B20];
	vm7 =	vgt.f32 v8, $0.0e+00;
	v11 =	vshll.u32 v11, $0x4  }
0x7dd: {  	vm8 =	vgt.f32 v5, v4;
	v4 =	vor.u32 v0, v11  }
0x7de: {  	vm9 =	vgt.f32 v6, v25;
	v5 =	vsel vm8, $0x2, v2;
	v43 =	vadd.s32 v3, v11  }
0x7df: {  	vm10 =	vgt.f32 v24, v26;
	v5 =	vsel vm9, $0x3, v5  }
0x7e0: {  	v5 =	vsel vm10, $0x4, v5  }
0x7e1: {  	vm1 =	veq.s32 v5, v42  }
0x7e2: {  	v5 =	vsel vm1, $0x3F800000, v1;
	[tilespmem:v4+s28+$0x0] =	vst.idx.add.f32.msk vm7, v8  }
0x7e3: {  	[tilespmem:v43+s28+$0x0] =	vst.idx.add.f32.msk vm7, v5  }
0x7e4: {  	v4 =	vld [tilespmem:$0x11730]  }
0x7e5: {  	v5 =	vld [tilespmem:$0x11830]  }
0x7e6: {  	v6 =	vld [tilespmem:$0x118B0]  }
0x7e7: {  	v44 =	vld [tilespmem:$0x11930]  }
0x7e8: {  	v8 =	vld [tilespmem:$0x117B0];
	_ =	sdelay $0x1  }
0x7e9: {  	v45 =	vmax.f32 v4, v5  }
0x7ea: {  	v46 =	vmax.f32 v45, v6  }
0x7eb: {  	v47 =	vmax.f32 v46, v44  }
0x7ec: {  	v11 =	vmax.f32 v47, v8  }
0x7ed: {  	v48 =	vsub.f32 v4, v11  }
0x7ee: {  	v8 =	vsub.f32 v8, v11  }
0x7ef: {  	v49 =	vsub.f32 v5, v11;
	v12 =	vmul.f32 $1.442695020e+00, v48  }
0x7f0: {  	v50 =	vsub.f32 v6, v11;
	v8 =	vmul.f32 $1.442695020e+00, v8  }
0x7f1: {  	v51 =	vmul.f32 $1.442695020e+00, v49;
	(erf) = vpow2.f32 v12  }
0x7f2: {  	v52 =	vmul.f32 $1.442695020e+00, v50;
	(erf) = vpow2.f32 v8  }
0x7f3: {  	(erf) = vpow2.f32 v51  }
0x7f4: {  	v53 =	vsub.f32 v44, v11;
	(erf) = vpow2.f32 v52;
	_ =	sdelay $0x1  }
0x7f5: {  	v8 =	vmul.f32 $1.442695020e+00, v53;
	_ =	sdelay $0x1  }
0x7f6: {  	(erf) = vpow2.f32 v8;
	_ =	sdelay $0x1  }
0x7f7: {  	v54 =	vpop (erf)  }
0x7f8: {  	v55 =	vpop (erf)  }
0x7f9: {  	v12 =	vpop (erf)  }
0x7fa: {  	v56 =	vpop (erf)  }
0x7fb: {  	v11 =	vadd.f32 v55, v54;
	v57 =	vadd.f32 v56, v12;
	_ =	sdelay $0x1  }
0x7fc: {  	v11 =	vadd.f32 v57, v11  }
0x7fd: {  	v58 =	vpop (erf)  }
0x7fe: {  	v11 =	vadd.f32 v11, v58;
	_ =	sdelay $0x1  }
0x7ff: {  	(erf) = vrcp.f32 v11;
	_ =	sdelay $0x7  }
0x800: {  	v8 =	vmax.f32 v54, v12;
	v59 =	vmax.f32 v56, v58  }
0x801: {  	v8 =	vmax.f32 v8, v59;
	v60 =	vpop (erf)  }
0x802: {  	v8 =	vmul.f32 v60, v8;
	_ =	sdelay $0x1  }
0x803: {  	v11 =	vmul.f32 $1.500000000e+01, v8;
	_ =	sdelay $0x1  }
0x804: {  	v11 =	vtrunc.f32 v11  }
0x805: {  	v11 =	vcvt.f32.s32 v11;
	_ =	sdelay $0x1  }
0x806: {  	v61 =	vcvt.s32.f32 v11;
	_ =	sdelay $0x1  }
0x807: {  	v12 =	vmul.f32 $6.666667010e-02, v61;
	_ =	sdelay $0x1  }
0x808: {  	vm11 =	vle.f32 v8, v12  }
0x809: {  	v12 =	vsel vm11, $0xFFFFFFFF, v2  }
0x80a: {  	v11 =	vadd.s32 v11, v12  }
0x80b: {  	v62 =	vld [tilespmem:$0x11B30];
	vm12 =	vgt.f32 v8, $0.0e+00;
	v11 =	vshll.u32 v11, $0x4  }
0x80c: {  	vm13 =	vgt.f32 v5, v4;
	v4 =	vor.u32 v0, v11  }
0x80d: {  	vm14 =	vgt.f32 v6, v45;
	v5 =	vsel vm13, $0x2, v2;
	v63 =	vadd.s32 v3, v11  }
.Ltmp12:
0x80e: {  	vm15 =	vgt.f32 v44, v46;
	v5 =	vsel vm14, $0x3, v5;
	(pc) =	sbr.rel .LBB2_21-.Ltmp12, $4  }
0x80f: {  	v5 =	vsel vm15, $0x4, v5  }
0x810: {  	vm1 =	veq.s32 v5, v62  }
0x811: {  	v5 =	vsel vm1, $0x3F800000, v1;
	[tilespmem:v4+s28+$0x0] =	vst.idx.add.f32.msk vm12, v8  }
0x812: {  	[tilespmem:v63+s28+$0x0] =	vst.idx.add.f32.msk vm12, v5  }
.LBB2_22:
0x813: {  	_ =	sfence.sel $0x180000  }
0x814: {  	[bflag:$0x0] =	sbarrier.arrive $0xFFFF  }
0x815: {  	_ =	strace $0x90000047  }
0x816: {  	s0 =	stileid.u32;
	[bflag:$0x2] =	sbarrier.arrive $0xFFFF  }
0x817: {  	p0 =	sne.s32 s0, $0x0;
	s0 =	rddreg [dreg:$0x3]  }
0x818: {  	s0 =	sadd.s32 @!p0 $0x100000, s0  }
0x819: {  	[sflag:s0] =	ssyncadd.tile.s32 @!p0 $0x1;
	_ =	shalt  }
.Lfunc_end2:
_tile_overlayer_lowered:
.L_overlay_start_2:
0x81a: {  	(tag) =	ssettag $0x2  }
0x81b: {  	s0 =	rddreg [dreg:$0x0];
	s2 =	stileid.u32  }
0x81c: {  	s1 =	rddreg [dreg:$0x1];
	p0 =	sne.s32 s2, $0x0  }
0x81d: {  	s3 =	rddreg [dreg:$0x2];
	[bflag:$0x3] =	sbarrier.arrive $0xFFFF;
	s2 =	simm.s32 @!p0 $0x1C05  }
0x81e: {  	[timem:s3], [sflag:s2] =	dma.local @!p0 [hbm:s0], s1  }
0x81f: {  	s0 =	simm.s32 @!p0 $0x5  }
0x820: {  	_ =	swait.ge @!p0 [sflag:s0], s1  }
0x821: {  	s1 =	ssub.s32 @!p0 $0x0, s1;
	[sflag:s0] =	ssyncset.done @!p0 $0x0  }
0x822: {  	[sflag:s0] =	ssyncadd.s32 @!p0 s1  }
0x823: {  	[bflag:$0x3] =	sbarrier.arrive $0xFFFF  }
0x824: {  	_ =	shalt  }

</sc_bundles>
